<compile_context>
chip_gen: v7x
topology: tpu7x:2x2x1
jax: 0.10.2.dev20260603
libtpu: 0.0.44.dev20260713+nightly
codegen_flags: <defaults>
</compile_context>

<pallas_src>
import functools

import jax
import jax.numpy as jnp
from jax import lax
from jax.experimental import pallas as pl
from jax.experimental.pallas import tpu as pltpu
from jax.experimental.pallas import tpu_sc as plsc

B = 64
N = 8192
K = 256
L = 16
NV = N // L
NC = 2
NW = 32
ROWS_PER_W = B // NW
HW = 256 * L


def _tec_body(x_hbm, out_hbm, row0_v, row1_v, key0_v, key1_v, hist_v,
              tr0_v, tr1_v, sem0, sem1):
    wid = lax.axis_index("s") * NC + lax.axis_index("c")
    base = wid * ROWS_PER_W

    in0 = pltpu.async_copy(x_hbm.at[pl.ds(base, 1)], row0_v, sem0)
    in1 = pltpu.async_copy(x_hbm.at[pl.ds(base + 1, 1)], row1_v, sem1)

    lane = lax.iota(jnp.int32, L)
    ones_i = jnp.full((L,), 1, jnp.int32)
    zeros_i = jnp.zeros((L,), jnp.int32)
    ones_f = jnp.full((L,), 1.0, jnp.float32)
    zeros_f = jnp.zeros((L,), jnp.float32)

    def level_select(tot16, kk):
        cs = plsc.cumsum(lax.rev(tot16, (0,)))
        m = cs >= kk
        npc = plsc.all_reduce_population_count(m)
        slot_v = npc - 1
        i0 = 16 - npc
        csm1 = cs.at[jnp.maximum(i0 - 1, 0)].get(mode="promise_in_bounds")
        cgt = jnp.where(i0 == 0, zeros_i, csm1)
        return slot_v, cgt

    def totals(tr_v, offset_fn, vecs_per_group):
        def tree_sum(vs):
            while len(vs) > 1:
                vs = [vs[i] + vs[i + 1] for i in range(0, len(vs) - 1, 2)] + (
                    [vs[-1]] if len(vs) % 2 else [])
            return vs[0]

        for g in range(16):
            acc = tree_sum([hist_v[pl.ds(offset_fn(g, j), L)]
                            for j in range(vecs_per_group)])
            plsc.store_scatter(tr_v, [lane * 16 + g], acc)
        return tree_sum([tr_v[pl.ds(l * L, L)] for l in range(16)])

    def select_digit(hbase, tr_v, kk):
        tot_chunk = totals(tr_v, lambda g, j: hbase + (g * 16 + j) * L, 16)
        cslot_v, cgt_c = level_select(tot_chunk, kk)
        cslot_s = jnp.max(cslot_v)
        ibase = hbase + cslot_s * 256
        tot_in = totals(tr_v, lambda g, j: ibase + g * L, 1)
        kk2 = kk - cgt_c
        islot_v, cgt_i = level_select(tot_in, kk2)
        return cslot_v * 16 + islot_v, cgt_c + cgt_i

    def zero_hists():
        @plsc.parallel_loop(0, 2 * 256, unroll=8)
        def _(i):
            hist_v[pl.ds(i * L, L)] = zeros_i

    def scan_pass0(row_v, key_v, hbase):
        @plsc.parallel_loop(0, NV, unroll=8)
        def _(i):
            x = row_v[0, pl.ds(i * L, L)]
            b = lax.bitcast_convert_type(x, jnp.int32)
            m = lax.shift_right_arithmetic(b, 31) & jnp.int32(0x7FFFFFFF)
            key = b ^ m
            key_v[pl.ds(i * L, L)] = key
            digit = lax.shift_right_arithmetic(key, 24) & jnp.int32(0xFF)
            digit = digit ^ jnp.int32(0x80)
            plsc.addupdate_scatter(hist_v, [hbase + digit * L + lane], ones_i)

    def scan_ref(key_v, hbase, sh8_v, shift_v, pref_hi):
        @plsc.parallel_loop(0, NV, unroll=8)
        def _(i):
            key = key_v[pl.ds(i * L, L)]
            msk = lax.shift_right_arithmetic(key, sh8_v) == pref_hi
            digit = lax.shift_right_arithmetic(key, shift_v) & jnp.int32(0xFF)
            plsc.addupdate_scatter(
                hist_v, [hbase + digit * L + lane], ones_i, mask=msk)

    kk0 = jnp.full((L,), K, jnp.int32)
    kk1 = kk0
    pref0 = zeros_i
    pref1 = zeros_i

    def pass_body(p, carry):
        pref0, kk0, pref1, kk1 = carry
        shift = 24 - 8 * p
        shift_v = jnp.full((L,), 1, jnp.int32) * shift
        sh8_v = shift_v + 8
        zero_hists()

        def first(_):
            in0.wait()
            scan_pass0(row0_v, key0_v, 0)
            in1.wait()
            scan_pass0(row1_v, key1_v, HW)
            return 0

        def later(_):
            scan_ref(key0_v, 0, sh8_v, shift_v,
                     lax.shift_right_arithmetic(pref0, sh8_v))
            scan_ref(key1_v, HW, sh8_v, shift_v,
                     lax.shift_right_arithmetic(pref1, sh8_v))
            return 0

        lax.cond(p == 0, first, later, 0)
        d0, cgt0 = select_digit(0, tr0_v, kk0)
        d1, cgt1 = select_digit(HW, tr1_v, kk1)
        flip = jnp.where(p == 0, jnp.int32(0x80), jnp.int32(0))
        pref0 = pref0 | jnp.left_shift(d0 ^ flip, shift_v)
        pref1 = pref1 | jnp.left_shift(d1 ^ flip, shift_v)
        return pref0, kk0 - cgt0, pref1, kk1 - cgt1

    pref0, kk0, pref1, kk1 = lax.fori_loop(
        0, 4, pass_body, (pref0, kk0, pref1, kk1))

    @plsc.parallel_loop(0, NV, unroll=8)
    def _(i):
        key = key0_v[pl.ds(i * L, L)]
        row0_v[0, pl.ds(i * L, L)] = jnp.where(key >= pref0, ones_f, zeros_f)

    out0 = pltpu.async_copy(row0_v, out_hbm.at[pl.ds(base, 1)], sem0)

    @plsc.parallel_loop(0, NV, unroll=8)
    def _(i):
        key = key1_v[pl.ds(i * L, L)]
        row1_v[0, pl.ds(i * L, L)] = jnp.where(key >= pref1, ones_f, zeros_f)

    out1 = pltpu.async_copy(row1_v, out_hbm.at[pl.ds(base + 1, 1)], sem1)
    out0.wait()
    out1.wait()


_mesh = plsc.VectorSubcoreMesh(core_axis_name="c", subcore_axis_name="s")


@functools.partial(
    pl.kernel,
    out_type=jax.ShapeDtypeStruct((B, N), jnp.float32),
    mesh=_mesh,
    scratch_types=[
        pltpu.VMEM((1, N), jnp.float32),
        pltpu.VMEM((1, N), jnp.float32),
        pltpu.VMEM((N,), jnp.int32),
        pltpu.VMEM((N,), jnp.int32),
        pltpu.VMEM((2 * HW,), jnp.int32),
        pltpu.VMEM((256,), jnp.int32),
        pltpu.VMEM((256,), jnp.int32),
        pltpu.SemaphoreType.DMA,
        pltpu.SemaphoreType.DMA,
    ],
    compiler_params=pltpu.CompilerParams(
        needs_layout_passes=False, skip_device_barrier=True),
)
def _topk_mask(x_hbm, out_hbm, row0_v, row1_v, key0_v, key1_v, hist_v,
               tr0_v, tr1_v, sem0, sem1):
    _tec_body(x_hbm, out_hbm, row0_v, row1_v, key0_v, key1_v, hist_v,
              tr0_v, tr1_v, sem0, sem1)


def kernel(inputs):
    return _topk_mask(inputs)

# --- scband reference (transcript-rebuilt; emitter-appended) ---
"""Pipeline reference for scband-top-s-layer-12592844112376 (READ-ONLY COPY).

The authoritative reference and input builder live on the scoring server;
editing this copy changes nothing except your own understanding.
"""

import jax, jax.numpy as jnp
import numpy as np

DIM_S = 256

def setup_inputs(seed: int = 0) -> dict:
    key = jax.random.key(seed)
    inputs = jax.random.normal(key, (64, 8192), dtype=jnp.float32)
    return {"inputs": inputs}

def reference(inputs):
    # tf.nn.top_k(inputs, k=S, sorted=False).indices -> [B, S]
    _, idx = jax.lax.top_k(inputs, DIM_S)
    # tf.one_hot(idx, N) -> [B, S, N]; reduce_sum over axis=1 -> [B, N] binary mask
    mask = jnp.sum(jax.nn.one_hot(idx, inputs.shape[-1], dtype=jnp.float32), axis=1)
    return mask

if __name__ == "__main__":
    import jax
    _d = setup_inputs()
    print(jax.jit(kernel)(*tuple(_d.values())))

</pallas_src>

<mosaic_0001>
#map = affine_map<(d0, d1) -> (0, 0)>
module attributes {stable_mosaic.version = 14 : i64} {
  func.func @_topk_mask(%arg0: i32, %arg1: i32, %arg2: memref<64x8192xf32, #tpu.memory_space<hbm>>, %arg3: memref<64x8192xf32, #tpu.memory_space<hbm>>, %arg4: memref<1x8192xf32, #tpu.memory_space<vmem>>, %arg5: memref<1x8192xf32, #tpu.memory_space<vmem>>, %arg6: memref<8192xi32, #tpu.memory_space<vmem>>, %arg7: memref<8192xi32, #tpu.memory_space<vmem>>, %arg8: memref<8192xi32, #tpu.memory_space<vmem>>, %arg9: memref<256xi32, #tpu.memory_space<vmem>>, %arg10: memref<256xi32, #tpu.memory_space<vmem>>, %arg11: memref<!tpu.dma_semaphore, #tpu.memory_space<semaphore_mem>>, %arg12: memref<!tpu.dma_semaphore, #tpu.memory_space<semaphore_mem>>) attributes {dimension_semantics = [#tpu.dimension_semantics<core_parallel>, #tpu.dimension_semantics<subcore_parallel>], iteration_bounds = array<i64: 2, 16>, scalar_prefetch = 0 : i64, scratch_operands = 9 : i64, tpu.core_type = #tpu.core_type<sc_vector_subcore>, window_params = [{transform_indices = #map}, {transform_indices = #map}]} {
    %mul3A = arith.constant 2 : i32
    %mul3A_0 = arith.muli %arg1, %mul3A : i32
    %add3A = arith.addi %mul3A_0, %arg0 : i32
    %mul3A_1 = arith.constant 2 : i32
    %mul3A_2 = arith.muli %add3A, %mul3A_1 : i32
    %dma_start3A = arith.constant 0 : i32
    %dma_start3A_3 = tpu.memref_slice %arg2[%mul3A_2, %dma_start3A] : memref<64x8192xf32, #tpu.memory_space<hbm>> -> memref<1x8192xf32, #tpu.memory_space<hbm>>
    %dma_start3A_4 = arith.constant 0 : i32
    %dma_start3A_5 = tpu.memref_slice %arg2[%mul3A_2, %dma_start3A_4] : memref<64x8192xf32, #tpu.memory_space<hbm>> -> memref<1x8192xf32, #tpu.memory_space<hbm>>
    tpu.enqueue_dma source(%dma_start3A_5 : memref<1x8192xf32, #tpu.memory_space<hbm>>) target(%arg4 : memref<1x8192xf32, #tpu.memory_space<vmem>>) target_semaphore(%arg11 : memref<!tpu.dma_semaphore, #tpu.memory_space<semaphore_mem>>)
    %add3A_6 = arith.constant 1 : i32
    %add3A_7 = arith.addi %mul3A_2, %add3A_6 : i32
    %dma_start3A_8 = arith.constant 0 : i32
    %dma_start3A_9 = tpu.memref_slice %arg2[%add3A_7, %dma_start3A_8] : memref<64x8192xf32, #tpu.memory_space<hbm>> -> memref<1x8192xf32, #tpu.memory_space<hbm>>
    %dma_start3A_10 = arith.constant 0 : i32
    %dma_start3A_11 = tpu.memref_slice %arg2[%add3A_7, %dma_start3A_10] : memref<64x8192xf32, #tpu.memory_space<hbm>> -> memref<1x8192xf32, #tpu.memory_space<hbm>>
    tpu.enqueue_dma source(%dma_start3A_11 : memref<1x8192xf32, #tpu.memory_space<hbm>>) target(%arg5 : memref<1x8192xf32, #tpu.memory_space<vmem>>) target_semaphore(%arg12 : memref<!tpu.dma_semaphore, #tpu.memory_space<semaphore_mem>>)
    %iota3A = tpu.iota {dimensions = array<i32: 0>} : vector<16xi32>
    %broadcast_in_dim3A = arith.constant 1 : i32
    %broadcast_in_dim3A_12 = vector.broadcast %broadcast_in_dim3A : i32 to vector<16xi32>
    %broadcast_in_dim3A_13 = arith.constant 0 : i32
    %broadcast_in_dim3A_14 = vector.broadcast %broadcast_in_dim3A_13 : i32 to vector<16xi32>
    %broadcast_in_dim3A_15 = arith.constant 1.000000e+00 : f32
    %broadcast_in_dim3A_16 = vector.broadcast %broadcast_in_dim3A_15 : f32 to vector<16xf32>
    %broadcast_in_dim3A_17 = arith.constant 0.000000e+00 : f32
    %broadcast_in_dim3A_18 = vector.broadcast %broadcast_in_dim3A_17 : f32 to vector<16xf32>
    %broadcast_in_dim3A_19 = arith.constant 256 : i32
    %broadcast_in_dim3A_20 = vector.broadcast %broadcast_in_dim3A_19 : i32 to vector<16xi32>
    %scan3A = arith.constant 0 : i32
    %scan3A_21 = arith.constant 4 : i32
    %scan3A_22 = arith.addi %scan3A, %scan3A_21 : i32
    %scan3A_23 = arith.constant 1 : i32
    %scan3A_24:4 = scf.for %scan3A_48 = %scan3A to %scan3A_22 step %scan3A_23 iter_args(%scan3A_49 = %broadcast_in_dim3A_14, %scan3A_50 = %broadcast_in_dim3A_20, %scan3A_51 = %broadcast_in_dim3A_14, %scan3A_52 = %broadcast_in_dim3A_20) -> (vector<16xi32>, vector<16xi32>, vector<16xi32>, vector<16xi32>)  : i32 {
      %mul3A_53 = arith.constant 8 : i32
      %mul3A_54 = arith.muli %mul3A_53, %scan3A_48 : i32
      %sub3A = arith.constant 24 : i32
      %sub3A_55 = arith.subi %sub3A, %mul3A_54 : i32
      %broadcast_in_dim3A_56 = arith.constant 1 : i32
      %broadcast_in_dim3A_57 = vector.broadcast %broadcast_in_dim3A_56 : i32 to vector<16xi32>
      %mul3A_58 = vector.broadcast %sub3A_55 : i32 to vector<16xi32>
      %mul3A_59 = arith.muli %broadcast_in_dim3A_57, %mul3A_58 : vector<16xi32>
      %add3A_60 = arith.constant 8 : i32
      %add3A_61 = vector.broadcast %add3A_60 : i32 to vector<16xi32>
      %add3A_62 = arith.addi %mul3A_59, %add3A_61 : vector<16xi32>
      %parallel_loop3A_63 = arith.constant 0 : i32
      %parallel_loop3A_64 = arith.constant 512 : i32
      %parallel_loop3A_65 = arith.constant 1 : i32
      scf.for %parallel_loop3A_2455 = %parallel_loop3A_63 to %parallel_loop3A_64 step %parallel_loop3A_65  : i32 {
        %parallel_loop3A_2456 = arith.constant 16 : i32
        %parallel_loop3A_2457 = arith.muli %parallel_loop3A_2455, %parallel_loop3A_2456 : i32
        %parallel_loop3A_2458 = arith.index_cast %parallel_loop3A_2457 : i32 to index
        %parallel_loop3A_2459 = tpu.vector_load %arg8[%parallel_loop3A_2458] {strides = array<i32>} : memref<8192xi32, #tpu.memory_space<vmem>>, vector<16xi32>,
        tpu.vector_store %arg8[%parallel_loop3A_2458], %broadcast_in_dim3A_14 {strides = array<i32>} : memref<8192xi32, #tpu.memory_space<vmem>>, vector<16xi32>,
      } {sc.loop_unroll_factor = 8 : i64, sc.parallel_access}
      %eq3A = arith.constant 0 : i32
      %eq3A_66 = arith.cmpi eq, %scan3A_48, %eq3A : i32
      %convert_element_type3A = arith.extui %eq3A_66 : i1 to i32
      %cond3A = arith.constant 0 : i32
      %cond3A_67 = arith.constant 0 : i32
      %cond3A_68 = arith.cmpi ne, %convert_element_type3A, %cond3A_67 : i32
      %cond3A_69 = scf.if %cond3A_68 -> (i32) {
        %dma_wait3A_2455 = arith.constant 0 : i32
        %dma_wait3A_2456 = tpu.memref_slice %arg2[%mul3A_2, %dma_wait3A_2455] : memref<64x8192xf32, #tpu.memory_space<hbm>> -> memref<1x8192xf32, #tpu.memory_space<hbm>>
        %dma_wait3A_2457 = arith.constant 0 : i32
        %dma_wait3A_2458 = tpu.memref_slice %arg2[%mul3A_2, %dma_wait3A_2457] : memref<64x8192xf32, #tpu.memory_space<hbm>> -> memref<1x8192xf32, #tpu.memory_space<hbm>>
        tpu.wait_dma2 semaphore(%arg11 : memref<!tpu.dma_semaphore, #tpu.memory_space<semaphore_mem>>) src(%dma_wait3A_2458 : memref<1x8192xf32, #tpu.memory_space<hbm>>) dst(%arg4 : memref<1x8192xf32, #tpu.memory_space<vmem>>)
        %parallel_loop3A_2459 = arith.constant 0 : i32
        %parallel_loop3A_2460 = arith.constant 512 : i32
        %parallel_loop3A_2461 = arith.constant 1 : i32
        scf.for %parallel_loop3A_2470 = %parallel_loop3A_2459 to %parallel_loop3A_2460 step %parallel_loop3A_2461  : i32 {
          %parallel_loop3A_2471 = arith.constant 16 : i32
          %parallel_loop3A_2472 = arith.muli %parallel_loop3A_2470, %parallel_loop3A_2471 : i32
          %parallel_loop3A_2473 = arith.constant 0 : i32
          %parallel_loop3A_2474 = arith.index_cast %parallel_loop3A_2473 : i32 to index
          %parallel_loop3A_2475 = arith.index_cast %parallel_loop3A_2472 : i32 to index
          %parallel_loop3A_2476 = tpu.vector_load %arg4[%parallel_loop3A_2474, %parallel_loop3A_2475] {strides = array<i32>} : memref<1x8192xf32, #tpu.memory_space<vmem>>, vector<16xf32>,
          %parallel_loop3A_2477 = tpu.bitcast %parallel_loop3A_2476 : vector<16xf32> -> vector<16xi32>
          %parallel_loop3A_2478 = arith.constant 31 : i32
          %parallel_loop3A_2479 = vector.broadcast %parallel_loop3A_2478 : i32 to vector<16xi32>
          %parallel_loop3A_2480 = arith.shrsi %parallel_loop3A_2477, %parallel_loop3A_2479 : vector<16xi32>
          %parallel_loop3A_2481 = arith.constant 2147483647 : i32
          %parallel_loop3A_2482 = vector.broadcast %parallel_loop3A_2481 : i32 to vector<16xi32>
          %parallel_loop3A_2483 = arith.andi %parallel_loop3A_2480, %parallel_loop3A_2482 : vector<16xi32>
          %parallel_loop3A_2484 = arith.xori %parallel_loop3A_2477, %parallel_loop3A_2483 : vector<16xi32>
          %parallel_loop3A_2485 = arith.constant 16 : i32
          %parallel_loop3A_2486 = arith.muli %parallel_loop3A_2470, %parallel_loop3A_2485 : i32
          %parallel_loop3A_2487 = arith.index_cast %parallel_loop3A_2486 : i32 to index
          %parallel_loop3A_2488 = tpu.vector_load %arg6[%parallel_loop3A_2487] {strides = array<i32>} : memref<8192xi32, #tpu.memory_space<vmem>>, vector<16xi32>,
          tpu.vector_store %arg6[%parallel_loop3A_2487], %parallel_loop3A_2484 {strides = array<i32>} : memref<8192xi32, #tpu.memory_space<vmem>>, vector<16xi32>,
          %parallel_loop3A_2489 = arith.constant 24 : i32
          %parallel_loop3A_2490 = vector.broadcast %parallel_loop3A_2489 : i32 to vector<16xi32>
          %parallel_loop3A_2491 = arith.shrsi %parallel_loop3A_2484, %parallel_loop3A_2490 : vector<16xi32>
          %parallel_loop3A_2492 = arith.constant 255 : i32
          %parallel_loop3A_2493 = vector.broadcast %parallel_loop3A_2492 : i32 to vector<16xi32>
          %parallel_loop3A_2494 = arith.andi %parallel_loop3A_2491, %parallel_loop3A_2493 : vector<16xi32>
          %parallel_loop3A_2495 = arith.constant 128 : i32
          %parallel_loop3A_2496 = vector.broadcast %parallel_loop3A_2495 : i32 to vector<16xi32>
          %parallel_loop3A_2497 = arith.xori %parallel_loop3A_2494, %parallel_loop3A_2496 : vector<16xi32>
          %parallel_loop3A_2498 = arith.constant 16 : i32
          %parallel_loop3A_2499 = vector.broadcast %parallel_loop3A_2498 : i32 to vector<16xi32>
          %parallel_loop3A_2500 = arith.muli %parallel_loop3A_2497, %parallel_loop3A_2499 : vector<16xi32>
          %parallel_loop3A_2501 = arith.constant 0 : i32
          %parallel_loop3A_2502 = vector.broadcast %parallel_loop3A_2501 : i32 to vector<16xi32>
          %parallel_loop3A_2503 = arith.addi %parallel_loop3A_2502, %parallel_loop3A_2500 : vector<16xi32>
          %parallel_loop3A_2504 = arith.addi %parallel_loop3A_2503, %iota3A : vector<16xi32>
          tpu.vector_store_idx %arg8[%parallel_loop3A_2504], %broadcast_in_dim3A_12 {add = true} : memref<8192xi32, #tpu.memory_space<vmem>>[vector<16xi32>], vector<16xi32>,
        } {sc.loop_unroll_factor = 8 : i64, sc.parallel_access}
        %dma_wait3A_2462 = arith.constant 0 : i32
        %dma_wait3A_2463 = tpu.memref_slice %arg2[%add3A_7, %dma_wait3A_2462] : memref<64x8192xf32, #tpu.memory_space<hbm>> -> memref<1x8192xf32, #tpu.memory_space<hbm>>
        %dma_wait3A_2464 = arith.constant 0 : i32
        %dma_wait3A_2465 = tpu.memref_slice %arg2[%add3A_7, %dma_wait3A_2464] : memref<64x8192xf32, #tpu.memory_space<hbm>> -> memref<1x8192xf32, #tpu.memory_space<hbm>>
        tpu.wait_dma2 semaphore(%arg12 : memref<!tpu.dma_semaphore, #tpu.memory_space<semaphore_mem>>) src(%dma_wait3A_2465 : memref<1x8192xf32, #tpu.memory_space<hbm>>) dst(%arg5 : memref<1x8192xf32, #tpu.memory_space<vmem>>)
        %parallel_loop3A_2466 = arith.constant 0 : i32
        %parallel_loop3A_2467 = arith.constant 512 : i32
        %parallel_loop3A_2468 = arith.constant 1 : i32
        scf.for %parallel_loop3A_2470 = %parallel_loop3A_2466 to %parallel_loop3A_2467 step %parallel_loop3A_2468  : i32 {
          %parallel_loop3A_2471 = arith.constant 16 : i32
          %parallel_loop3A_2472 = arith.muli %parallel_loop3A_2470, %parallel_loop3A_2471 : i32
          %parallel_loop3A_2473 = arith.constant 0 : i32
          %parallel_loop3A_2474 = arith.index_cast %parallel_loop3A_2473 : i32 to index
          %parallel_loop3A_2475 = arith.index_cast %parallel_loop3A_2472 : i32 to index
          %parallel_loop3A_2476 = tpu.vector_load %arg5[%parallel_loop3A_2474, %parallel_loop3A_2475] {strides = array<i32>} : memref<1x8192xf32, #tpu.memory_space<vmem>>, vector<16xf32>,
          %parallel_loop3A_2477 = tpu.bitcast %parallel_loop3A_2476 : vector<16xf32> -> vector<16xi32>
          %parallel_loop3A_2478 = arith.constant 31 : i32
          %parallel_loop3A_2479 = vector.broadcast %parallel_loop3A_2478 : i32 to vector<16xi32>
          %parallel_loop3A_2480 = arith.shrsi %parallel_loop3A_2477, %parallel_loop3A_2479 : vector<16xi32>
          %parallel_loop3A_2481 = arith.constant 2147483647 : i32
          %parallel_loop3A_2482 = vector.broadcast %parallel_loop3A_2481 : i32 to vector<16xi32>
          %parallel_loop3A_2483 = arith.andi %parallel_loop3A_2480, %parallel_loop3A_2482 : vector<16xi32>
          %parallel_loop3A_2484 = arith.xori %parallel_loop3A_2477, %parallel_loop3A_2483 : vector<16xi32>
          %parallel_loop3A_2485 = arith.constant 16 : i32
          %parallel_loop3A_2486 = arith.muli %parallel_loop3A_2470, %parallel_loop3A_2485 : i32
          %parallel_loop3A_2487 = arith.index_cast %parallel_loop3A_2486 : i32 to index
          %parallel_loop3A_2488 = tpu.vector_load %arg7[%parallel_loop3A_2487] {strides = array<i32>} : memref<8192xi32, #tpu.memory_space<vmem>>, vector<16xi32>,
          tpu.vector_store %arg7[%parallel_loop3A_2487], %parallel_loop3A_2484 {strides = array<i32>} : memref<8192xi32, #tpu.memory_space<vmem>>, vector<16xi32>,
          %parallel_loop3A_2489 = arith.constant 24 : i32
          %parallel_loop3A_2490 = vector.broadcast %parallel_loop3A_2489 : i32 to vector<16xi32>
          %parallel_loop3A_2491 = arith.shrsi %parallel_loop3A_2484, %parallel_loop3A_2490 : vector<16xi32>
          %parallel_loop3A_2492 = arith.constant 255 : i32
          %parallel_loop3A_2493 = vector.broadcast %parallel_loop3A_2492 : i32 to vector<16xi32>
          %parallel_loop3A_2494 = arith.andi %parallel_loop3A_2491, %parallel_loop3A_2493 : vector<16xi32>
          %parallel_loop3A_2495 = arith.constant 128 : i32
          %parallel_loop3A_2496 = vector.broadcast %parallel_loop3A_2495 : i32 to vector<16xi32>
          %parallel_loop3A_2497 = arith.xori %parallel_loop3A_2494, %parallel_loop3A_2496 : vector<16xi32>
          %parallel_loop3A_2498 = arith.constant 16 : i32
          %parallel_loop3A_2499 = vector.broadcast %parallel_loop3A_2498 : i32 to vector<16xi32>
          %parallel_loop3A_2500 = arith.muli %parallel_loop3A_2497, %parallel_loop3A_2499 : vector<16xi32>
          %parallel_loop3A_2501 = arith.constant 4096 : i32
          %parallel_loop3A_2502 = vector.broadcast %parallel_loop3A_2501 : i32 to vector<16xi32>
          %parallel_loop3A_2503 = arith.addi %parallel_loop3A_2502, %parallel_loop3A_2500 : vector<16xi32>
          %parallel_loop3A_2504 = arith.addi %parallel_loop3A_2503, %iota3A : vector<16xi32>
          tpu.vector_store_idx %arg8[%parallel_loop3A_2504], %broadcast_in_dim3A_12 {add = true} : memref<8192xi32, #tpu.memory_space<vmem>>[vector<16xi32>], vector<16xi32>,
        } {sc.loop_unroll_factor = 8 : i64, sc.parallel_access}
        %cond3A_2469 = arith.constant 0 : i32
        scf.yield %cond3A_2469 : i32
      } else {
        %shift_right_arithmetic3A = arith.shrsi %scan3A_49, %add3A_62 : vector<16xi32>
        %parallel_loop3A_2455 = arith.constant 0 : i32
        %parallel_loop3A_2456 = arith.constant 512 : i32
        %parallel_loop3A_2457 = arith.constant 1 : i32
        scf.for %parallel_loop3A_2463 = %parallel_loop3A_2455 to %parallel_loop3A_2456 step %parallel_loop3A_2457  : i32 {
          %parallel_loop3A_2464 = arith.constant 16 : i32
          %parallel_loop3A_2465 = arith.muli %parallel_loop3A_2463, %parallel_loop3A_2464 : i32
          %parallel_loop3A_2466 = arith.index_cast %parallel_loop3A_2465 : i32 to index
          %parallel_loop3A_2467 = tpu.vector_load %arg6[%parallel_loop3A_2466] {strides = array<i32>} : memref<8192xi32, #tpu.memory_space<vmem>>, vector<16xi32>,
          %parallel_loop3A_2468 = arith.shrsi %parallel_loop3A_2467, %add3A_62 : vector<16xi32>
          %parallel_loop3A_2469 = arith.cmpi eq, %parallel_loop3A_2468, %shift_right_arithmetic3A : vector<16xi32>
          %parallel_loop3A_2470 = arith.shrsi %parallel_loop3A_2467, %mul3A_59 : vector<16xi32>
          %parallel_loop3A_2471 = arith.constant 255 : i32
          %parallel_loop3A_2472 = vector.broadcast %parallel_loop3A_2471 : i32 to vector<16xi32>
          %parallel_loop3A_2473 = arith.andi %parallel_loop3A_2470, %parallel_loop3A_2472 : vector<16xi32>
          %parallel_loop3A_2474 = arith.constant 16 : i32
          %parallel_loop3A_2475 = vector.broadcast %parallel_loop3A_2474 : i32 to vector<16xi32>
          %parallel_loop3A_2476 = arith.muli %parallel_loop3A_2473, %parallel_loop3A_2475 : vector<16xi32>
          %parallel_loop3A_2477 = arith.constant 0 : i32
          %parallel_loop3A_2478 = vector.broadcast %parallel_loop3A_2477 : i32 to vector<16xi32>
          %parallel_loop3A_2479 = arith.addi %parallel_loop3A_2478, %parallel_loop3A_2476 : vector<16xi32>
          %parallel_loop3A_2480 = arith.addi %parallel_loop3A_2479, %iota3A : vector<16xi32>
          tpu.vector_store_idx %arg8[%parallel_loop3A_2480], %broadcast_in_dim3A_12 masked %parallel_loop3A_2469 {add = true} : memref<8192xi32, #tpu.memory_space<vmem>>[vector<16xi32>], vector<16xi32>, vector<16xi1>
        } {sc.loop_unroll_factor = 8 : i64, sc.parallel_access}
        %shift_right_arithmetic3A_2458 = arith.shrsi %scan3A_51, %add3A_62 : vector<16xi32>
        %parallel_loop3A_2459 = arith.constant 0 : i32
        %parallel_loop3A_2460 = arith.constant 512 : i32
        %parallel_loop3A_2461 = arith.constant 1 : i32
        scf.for %parallel_loop3A_2463 = %parallel_loop3A_2459 to %parallel_loop3A_2460 step %parallel_loop3A_2461  : i32 {
          %parallel_loop3A_2464 = arith.constant 16 : i32
          %parallel_loop3A_2465 = arith.muli %parallel_loop3A_2463, %parallel_loop3A_2464 : i32
          %parallel_loop3A_2466 = arith.index_cast %parallel_loop3A_2465 : i32 to index
          %parallel_loop3A_2467 = tpu.vector_load %arg7[%parallel_loop3A_2466] {strides = array<i32>} : memref<8192xi32, #tpu.memory_space<vmem>>, vector<16xi32>,
          %parallel_loop3A_2468 = arith.shrsi %parallel_loop3A_2467, %add3A_62 : vector<16xi32>
          %parallel_loop3A_2469 = arith.cmpi eq, %parallel_loop3A_2468, %shift_right_arithmetic3A_2458 : vector<16xi32>
          %parallel_loop3A_2470 = arith.shrsi %parallel_loop3A_2467, %mul3A_59 : vector<16xi32>
          %parallel_loop3A_2471 = arith.constant 255 : i32
          %parallel_loop3A_2472 = vector.broadcast %parallel_loop3A_2471 : i32 to vector<16xi32>
          %parallel_loop3A_2473 = arith.andi %parallel_loop3A_2470, %parallel_loop3A_2472 : vector<16xi32>
          %parallel_loop3A_2474 = arith.constant 16 : i32
          %parallel_loop3A_2475 = vector.broadcast %parallel_loop3A_2474 : i32 to vector<16xi32>
          %parallel_loop3A_2476 = arith.muli %parallel_loop3A_2473, %parallel_loop3A_2475 : vector<16xi32>
          %parallel_loop3A_2477 = arith.constant 4096 : i32
          %parallel_loop3A_2478 = vector.broadcast %parallel_loop3A_2477 : i32 to vector<16xi32>
          %parallel_loop3A_2479 = arith.addi %parallel_loop3A_2478, %parallel_loop3A_2476 : vector<16xi32>
          %parallel_loop3A_2480 = arith.addi %parallel_loop3A_2479, %iota3A : vector<16xi32>
          tpu.vector_store_idx %arg8[%parallel_loop3A_2480], %broadcast_in_dim3A_12 masked %parallel_loop3A_2469 {add = true} : memref<8192xi32, #tpu.memory_space<vmem>>[vector<16xi32>], vector<16xi32>, vector<16xi1>
        } {sc.loop_unroll_factor = 8 : i64, sc.parallel_access}
        %cond3A_2462 = arith.constant 0 : i32
        scf.yield %cond3A_2462 : i32
      }
      %get3A = arith.constant 0 : index
      %get3A_70 = tpu.vector_load %arg8[%get3A] {strides = array<i32>} : memref<8192xi32, #tpu.memory_space<vmem>>, vector<16xi32>,
      %get3A_71 = arith.constant 16 : index
      %get3A_72 = tpu.vector_load %arg8[%get3A_71] {strides = array<i32>} : memref<8192xi32, #tpu.memory_space<vmem>>, vector<16xi32>,
      %get3A_73 = arith.constant 32 : index
      %get3A_74 = tpu.vector_load %arg8[%get3A_73] {strides = array<i32>} : memref<8192xi32, #tpu.memory_space<vmem>>, vector<16xi32>,
      %get3A_75 = arith.constant 48 : index
      %get3A_76 = tpu.vector_load %arg8[%get3A_75] {strides = array<i32>} : memref<8192xi32, #tpu.memory_space<vmem>>, vector<16xi32>,
      %get3A_77 = arith.constant 64 : index
      %get3A_78 = tpu.vector_load %arg8[%get3A_77] {strides = array<i32>} : memref<8192xi32, #tpu.memory_space<vmem>>, vector<16xi32>,
      %get3A_79 = arith.constant 80 : index
      %get3A_80 = tpu.vector_load %arg8[%get3A_79] {strides = array<i32>} : memref<8192xi32, #tpu.memory_space<vmem>>, vector<16xi32>,
      %get3A_81 = arith.constant 96 : index
      %get3A_82 = tpu.vector_load %arg8[%get3A_81] {strides = array<i32>} : memref<8192xi32, #tpu.memory_space<vmem>>, vector<16xi32>,
      %get3A_83 = arith.constant 112 : index
      %get3A_84 = tpu.vector_load %arg8[%get3A_83] {strides = array<i32>} : memref<8192xi32, #tpu.memory_space<vmem>>, vector<16xi32>,
      %get3A_85 = arith.constant 128 : index
      %get3A_86 = tpu.vector_load %arg8[%get3A_85] {strides = array<i32>} : memref<8192xi32, #tpu.memory_space<vmem>>, vector<16xi32>,
      %get3A_87 = arith.constant 144 : index
      %get3A_88 = tpu.vector_load %arg8[%get3A_87] {strides = array<i32>} : memref<8192xi32, #tpu.memory_space<vmem>>, vector<16xi32>,
      %get3A_89 = arith.constant 160 : index
      %get3A_90 = tpu.vector_load %arg8[%get3A_89] {strides = array<i32>} : memref<8192xi32, #tpu.memory_space<vmem>>, vector<16xi32>,
      %get3A_91 = arith.constant 176 : index
      %get3A_92 = tpu.vector_load %arg8[%get3A_91] {strides = array<i32>} : memref<8192xi32, #tpu.memory_space<vmem>>, vector<16xi32>,
      %get3A_93 = arith.constant 192 : index
      %get3A_94 = tpu.vector_load %arg8[%get3A_93] {strides = array<i32>} : memref<8192xi32, #tpu.memory_space<vmem>>, vector<16xi32>,
      %get3A_95 = arith.constant 208 : index
      %get3A_96 = tpu.vector_load %arg8[%get3A_95] {strides = array<i32>} : memref<8192xi32, #tpu.memory_space<vmem>>, vector<16xi32>,
      %get3A_97 = arith.constant 224 : index
      %get3A_98 = tpu.vector_load %arg8[%get3A_97] {strides = array<i32>} : memref<8192xi32, #tpu.memory_space<vmem>>, vector<16xi32>,
      %get3A_99 = arith.constant 240 : index
      %get3A_100 = tpu.vector_load %arg8[%get3A_99] {strides = array<i32>} : memref<8192xi32, #tpu.memory_space<vmem>>, vector<16xi32>,
      %add3A_101 = arith.addi %get3A_70, %get3A_72 : vector<16xi32>
      %add3A_102 = arith.addi %get3A_74, %get3A_76 : vector<16xi32>
      %add3A_103 = arith.addi %get3A_78, %get3A_80 : vector<16xi32>
      %add3A_104 = arith.addi %get3A_82, %get3A_84 : vector<16xi32>
      %add3A_105 = arith.addi %get3A_86, %get3A_88 : vector<16xi32>
      %add3A_106 = arith.addi %get3A_90, %get3A_92 : vector<16xi32>
      %add3A_107 = arith.addi %get3A_94, %get3A_96 : vector<16xi32>
      %add3A_108 = arith.addi %get3A_98, %get3A_100 : vector<16xi32>
      %add3A_109 = arith.addi %add3A_101, %add3A_102 : vector<16xi32>
      %add3A_110 = arith.addi %add3A_103, %add3A_104 : vector<16xi32>
      %add3A_111 = arith.addi %add3A_105, %add3A_106 : vector<16xi32>
      %add3A_112 = arith.addi %add3A_107, %add3A_108 : vector<16xi32>
      %add3A_113 = arith.addi %add3A_109, %add3A_110 : vector<16xi32>
      %add3A_114 = arith.addi %add3A_111, %add3A_112 : vector<16xi32>
      %add3A_115 = arith.addi %add3A_113, %add3A_114 : vector<16xi32>
      %mul3A_116 = arith.constant 16 : i32
      %mul3A_117 = vector.broadcast %mul3A_116 : i32 to vector<16xi32>
      %mul3A_118 = arith.muli %iota3A, %mul3A_117 : vector<16xi32>
      %add3A_119 = arith.constant 0 : i32
      %add3A_120 = vector.broadcast %add3A_119 : i32 to vector<16xi32>
      %add3A_121 = arith.addi %mul3A_118, %add3A_120 : vector<16xi32>
      tpu.vector_store_idx %arg9[%add3A_121], %add3A_115 : memref<256xi32, #tpu.memory_space<vmem>>[vector<16xi32>], vector<16xi32>,
      %get3A_122 = arith.constant 256 : index
      %get3A_123 = tpu.vector_load %arg8[%get3A_122] {strides = array<i32>} : memref<8192xi32, #tpu.memory_space<vmem>>, vector<16xi32>,
      %get3A_124 = arith.constant 272 : index
      %get3A_125 = tpu.vector_load %arg8[%get3A_124] {strides = array<i32>} : memref<8192xi32, #tpu.memory_space<vmem>>, vector<16xi32>,
      %get3A_126 = arith.constant 288 : index
      %get3A_127 = tpu.vector_load %arg8[%get3A_126] {strides = array<i32>} : memref<8192xi32, #tpu.memory_space<vmem>>, vector<16xi32>,
      %get3A_128 = arith.constant 304 : index
      %get3A_129 = tpu.vector_load %arg8[%get3A_128] {strides = array<i32>} : memref<8192xi32, #tpu.memory_space<vmem>>, vector<16xi32>,
      %get3A_130 = arith.constant 320 : index
      %get3A_131 = tpu.vector_load %arg8[%get3A_130] {strides = array<i32>} : memref<8192xi32, #tpu.memory_space<vmem>>, vector<16xi32>,
      %get3A_132 = arith.constant 336 : index
      %get3A_133 = tpu.vector_load %arg8[%get3A_132] {strides = array<i32>} : memref<8192xi32, #tpu.memory_space<vmem>>, vector<16xi32>,
      %get3A_134 = arith.constant 352 : index
      %get3A_135 = tpu.vector_load %arg8[%get3A_134] {strides = array<i32>} : memref<8192xi32, #tpu.memory_space<vmem>>, vector<16xi32>,
      %get3A_136 = arith.constant 368 : index
      %get3A_137 = tpu.vector_load %arg8[%get3A_136] {strides = array<i32>} : memref<8192xi32, #tpu.memory_space<vmem>>, vector<16xi32>,
      %get3A_138 = arith.constant 384 : index
      %get3A_139 = tpu.vector_load %arg8[%get3A_138] {strides = array<i32>} : memref<8192xi32, #tpu.memory_space<vmem>>, vector<16xi32>,
      %get3A_140 = arith.constant 400 : index
      %get3A_141 = tpu.vector_load %arg8[%get3A_140] {strides = array<i32>} : memref<8192xi32, #tpu.memory_space<vmem>>, vector<16xi32>,
      %get3A_142 = arith.constant 416 : index
      %get3A_143 = tpu.vector_load %arg8[%get3A_142] {strides = array<i32>} : memref<8192xi32, #tpu.memory_space<vmem>>, vector<16xi32>,
      %get3A_144 = arith.constant 432 : index
      %get3A_145 = tpu.vector_load %arg8[%get3A_144] {strides = array<i32>} : memref<8192xi32, #tpu.memory_space<vmem>>, vector<16xi32>,
      %get3A_146 = arith.constant 448 : index
      %get3A_147 = tpu.vector_load %arg8[%get3A_146] {strides = array<i32>} : memref<8192xi32, #tpu.memory_space<vmem>>, vector<16xi32>,
      %get3A_148 = arith.constant 464 : index
      %get3A_149 = tpu.vector_load %arg8[%get3A_148] {strides = array<i32>} : memref<8192xi32, #tpu.memory_space<vmem>>, vector<16xi32>,
      %get3A_150 = arith.constant 480 : index
      %get3A_151 = tpu.vector_load %arg8[%get3A_150] {strides = array<i32>} : memref<8192xi32, #tpu.memory_space<vmem>>, vector<16xi32>,
      %get3A_152 = arith.constant 496 : index
      %get3A_153 = tpu.vector_load %arg8[%get3A_152] {strides = array<i32>} : memref<8192xi32, #tpu.memory_space<vmem>>, vector<16xi32>,
      %add3A_154 = arith.addi %get3A_123, %get3A_125 : vector<16xi32>
      %add3A_155 = arith.addi %get3A_127, %get3A_129 : vector<16xi32>
      %add3A_156 = arith.addi %get3A_131, %get3A_133 : vector<16xi32>
      %add3A_157 = arith.addi %get3A_135, %get3A_137 : vector<16xi32>
      %add3A_158 = arith.addi %get3A_139, %get3A_141 : vector<16xi32>
      %add3A_159 = arith.addi %get3A_143, %get3A_145 : vector<16xi32>
      %add3A_160 = arith.addi %get3A_147, %get3A_149 : vector<16xi32>
      %add3A_161 = arith.addi %get3A_151, %get3A_153 : vector<16xi32>
      %add3A_162 = arith.addi %add3A_154, %add3A_155 : vector<16xi32>
      %add3A_163 = arith.addi %add3A_156, %add3A_157 : vector<16xi32>
      %add3A_164 = arith.addi %add3A_158, %add3A_159 : vector<16xi32>
      %add3A_165 = arith.addi %add3A_160, %add3A_161 : vector<16xi32>
      %add3A_166 = arith.addi %add3A_162, %add3A_163 : vector<16xi32>
      %add3A_167 = arith.addi %add3A_164, %add3A_165 : vector<16xi32>
      %add3A_168 = arith.addi %add3A_166, %add3A_167 : vector<16xi32>
      %mul3A_169 = arith.constant 16 : i32
      %mul3A_170 = vector.broadcast %mul3A_169 : i32 to vector<16xi32>
      %mul3A_171 = arith.muli %iota3A, %mul3A_170 : vector<16xi32>
      %add3A_172 = arith.constant 1 : i32
      %add3A_173 = vector.broadcast %add3A_172 : i32 to vector<16xi32>
      %add3A_174 = arith.addi %mul3A_171, %add3A_173 : vector<16xi32>
      tpu.vector_store_idx %arg9[%add3A_174], %add3A_168 : memref<256xi32, #tpu.memory_space<vmem>>[vector<16xi32>], vector<16xi32>,
      %get3A_175 = arith.constant 512 : index
      %get3A_176 = tpu.vector_load %arg8[%get3A_175] {strides = array<i32>} : memref<8192xi32, #tpu.memory_space<vmem>>, vector<16xi32>,
      %get3A_177 = arith.constant 528 : index
      %get3A_178 = tpu.vector_load %arg8[%get3A_177] {strides = array<i32>} : memref<8192xi32, #tpu.memory_space<vmem>>, vector<16xi32>,
      %get3A_179 = arith.constant 544 : index
      %get3A_180 = tpu.vector_load %arg8[%get3A_179] {strides = array<i32>} : memref<8192xi32, #tpu.memory_space<vmem>>, vector<16xi32>,
      %get3A_181 = arith.constant 560 : index
      %get3A_182 = tpu.vector_load %arg8[%get3A_181] {strides = array<i32>} : memref<8192xi32, #tpu.memory_space<vmem>>, vector<16xi32>,
      %get3A_183 = arith.constant 576 : index
      %get3A_184 = tpu.vector_load %arg8[%get3A_183] {strides = array<i32>} : memref<8192xi32, #tpu.memory_space<vmem>>, vector<16xi32>,
      %get3A_185 = arith.constant 592 : index
      %get3A_186 = tpu.vector_load %arg8[%get3A_185] {strides = array<i32>} : memref<8192xi32, #tpu.memory_space<vmem>>, vector<16xi32>,
      %get3A_187 = arith.constant 608 : index
      %get3A_188 = tpu.vector_load %arg8[%get3A_187] {strides = array<i32>} : memref<8192xi32, #tpu.memory_space<vmem>>, vector<16xi32>,
      %get3A_189 = arith.constant 624 : index
      %get3A_190 = tpu.vector_load %arg8[%get3A_189] {strides = array<i32>} : memref<8192xi32, #tpu.memory_space<vmem>>, vector<16xi32>,
      %get3A_191 = arith.constant 640 : index
      %get3A_192 = tpu.vector_load %arg8[%get3A_191] {strides = array<i32>} : memref<8192xi32, #tpu.memory_space<vmem>>, vector<16xi32>,
      %get3A_193 = arith.constant 656 : index
      %get3A_194 = tpu.vector_load %arg8[%get3A_193] {strides = array<i32>} : memref<8192xi32, #tpu.memory_space<vmem>>, vector<16xi32>,
      %get3A_195 = arith.constant 672 : index
      %get3A_196 = tpu.vector_load %arg8[%get3A_195] {strides = array<i32>} : memref<8192xi32, #tpu.memory_space<vmem>>, vector<16xi32>,
      %get3A_197 = arith.constant 688 : index
      %get3A_198 = tpu.vector_load %arg8[%get3A_197] {strides = array<i32>} : memref<8192xi32, #tpu.memory_space<vmem>>, vector<16xi32>,
      %get3A_199 = arith.constant 704 : index
      %get3A_200 = tpu.vector_load %arg8[%get3A_199] {strides = array<i32>} : memref<8192xi32, #tpu.memory_space<vmem>>, vector<16xi32>,
      %get3A_201 = arith.constant 720 : index
      %get3A_202 = tpu.vector_load %arg8[%get3A_201] {strides = array<i32>} : memref<8192xi32, #tpu.memory_space<vmem>>, vector<16xi32>,
      %get3A_203 = arith.constant 736 : index
      %get3A_204 = tpu.vector_load %arg8[%get3A_203] {strides = array<i32>} : memref<8192xi32, #tpu.memory_space<vmem>>, vector<16xi32>,
      %get3A_205 = arith.constant 752 : index
      %get3A_206 = tpu.vector_load %arg8[%get3A_205] {strides = array<i32>} : memref<8192xi32, #tpu.memory_space<vmem>>, vector<16xi32>,
      %add3A_207 = arith.addi %get3A_176, %get3A_178 : vector<16xi32>
      %add3A_208 = arith.addi %get3A_180, %get3A_182 : vector<16xi32>
      %add3A_209 = arith.addi %get3A_184, %get3A_186 : vector<16xi32>
      %add3A_210 = arith.addi %get3A_188, %get3A_190 : vector<16xi32>
      %add3A_211 = arith.addi %get3A_192, %get3A_194 : vector<16xi32>
      %add3A_212 = arith.addi %get3A_196, %get3A_198 : vector<16xi32>
      %add3A_213 = arith.addi %get3A_200, %get3A_202 : vector<16xi32>
      %add3A_214 = arith.addi %get3A_204, %get3A_206 : vector<16xi32>
      %add3A_215 = arith.addi %add3A_207, %add3A_208 : vector<16xi32>
      %add3A_216 = arith.addi %add3A_209, %add3A_210 : vector<16xi32>
      %add3A_217 = arith.addi %add3A_211, %add3A_212 : vector<16xi32>
      %add3A_218 = arith.addi %add3A_213, %add3A_214 : vector<16xi32>
      %add3A_219 = arith.addi %add3A_215, %add3A_216 : vector<16xi32>
      %add3A_220 = arith.addi %add3A_217, %add3A_218 : vector<16xi32>
      %add3A_221 = arith.addi %add3A_219, %add3A_220 : vector<16xi32>
      %mul3A_222 = arith.constant 16 : i32
      %mul3A_223 = vector.broadcast %mul3A_222 : i32 to vector<16xi32>
      %mul3A_224 = arith.muli %iota3A, %mul3A_223 : vector<16xi32>
      %add3A_225 = arith.constant 2 : i32
      %add3A_226 = vector.broadcast %add3A_225 : i32 to vector<16xi32>
      %add3A_227 = arith.addi %mul3A_224, %add3A_226 : vector<16xi32>
      tpu.vector_store_idx %arg9[%add3A_227], %add3A_221 : memref<256xi32, #tpu.memory_space<vmem>>[vector<16xi32>], vector<16xi32>,
      %get3A_228 = arith.constant 768 : index
      %get3A_229 = tpu.vector_load %arg8[%get3A_228] {strides = array<i32>} : memref<8192xi32, #tpu.memory_space<vmem>>, vector<16xi32>,
      %get3A_230 = arith.constant 784 : index
      %get3A_231 = tpu.vector_load %arg8[%get3A_230] {strides = array<i32>} : memref<8192xi32, #tpu.memory_space<vmem>>, vector<16xi32>,
      %get3A_232 = arith.constant 800 : index
      %get3A_233 = tpu.vector_load %arg8[%get3A_232] {strides = array<i32>} : memref<8192xi32, #tpu.memory_space<vmem>>, vector<16xi32>,
      %get3A_234 = arith.constant 816 : index
      %get3A_235 = tpu.vector_load %arg8[%get3A_234] {strides = array<i32>} : memref<8192xi32, #tpu.memory_space<vmem>>, vector<16xi32>,
      %get3A_236 = arith.constant 832 : index
      %get3A_237 = tpu.vector_load %arg8[%get3A_236] {strides = array<i32>} : memref<8192xi32, #tpu.memory_space<vmem>>, vector<16xi32>,
      %get3A_238 = arith.constant 848 : index
      %get3A_239 = tpu.vector_load %arg8[%get3A_238] {strides = array<i32>} : memref<8192xi32, #tpu.memory_space<vmem>>, vector<16xi32>,
      %get3A_240 = arith.constant 864 : index
      %get3A_241 = tpu.vector_load %arg8[%get3A_240] {strides = array<i32>} : memref<8192xi32, #tpu.memory_space<vmem>>, vector<16xi32>,
      %get3A_242 = arith.constant 880 : index
      %get3A_243 = tpu.vector_load %arg8[%get3A_242] {strides = array<i32>} : memref<8192xi32, #tpu.memory_space<vmem>>, vector<16xi32>,
      %get3A_244 = arith.constant 896 : index
      %get3A_245 = tpu.vector_load %arg8[%get3A_244] {strides = array<i32>} : memref<8192xi32, #tpu.memory_space<vmem>>, vector<16xi32>,
      %get3A_246 = arith.constant 912 : index
      %get3A_247 = tpu.vector_load %arg8[%get3A_246] {strides = array<i32>} : memref<8192xi32, #tpu.memory_space<vmem>>, vector<16xi32>,
      %get3A_248 = arith.constant 928 : index
      %get3A_249 = tpu.vector_load %arg8[%get3A_248] {strides = array<i32>} : memref<8192xi32, #tpu.memory_space<vmem>>, vector<16xi32>,
      %get3A_250 = arith.constant 944 : index
      %get3A_251 = tpu.vector_load %arg8[%get3A_250] {strides = array<i32>} : memref<8192xi32, #tpu.memory_space<vmem>>, vector<16xi32>,
      %get3A_252 = arith.constant 960 : index
      %get3A_253 = tpu.vector_load %arg8[%get3A_252] {strides = array<i32>} : memref<8192xi32, #tpu.memory_space<vmem>>, vector<16xi32>,
      %get3A_254 = arith.constant 976 : index
      %get3A_255 = tpu.vector_load %arg8[%get3A_254] {strides = array<i32>} : memref<8192xi32, #tpu.memory_space<vmem>>, vector<16xi32>,
      %get3A_256 = arith.constant 992 : index
      %get3A_257 = tpu.vector_load %arg8[%get3A_256] {strides = array<i32>} : memref<8192xi32, #tpu.memory_space<vmem>>, vector<16xi32>,
      %get3A_258 = arith.constant 1008 : index
      %get3A_259 = tpu.vector_load %arg8[%get3A_258] {strides = array<i32>} : memref<8192xi32, #tpu.memory_space<vmem>>, vector<16xi32>,
      %add3A_260 = arith.addi %get3A_229, %get3A_231 : vector<16xi32>
      %add3A_261 = arith.addi %get3A_233, %get3A_235 : vector<16xi32>
      %add3A_262 = arith.addi %get3A_237, %get3A_239 : vector<16xi32>
      %add3A_263 = arith.addi %get3A_241, %get3A_243 : vector<16xi32>
      %add3A_264 = arith.addi %get3A_245, %get3A_247 : vector<16xi32>
      %add3A_265 = arith.addi %get3A_249, %get3A_251 : vector<16xi32>
      %add3A_266 = arith.addi %get3A_253, %get3A_255 : vector<16xi32>
      %add3A_267 = arith.addi %get3A_257, %get3A_259 : vector<16xi32>
      %add3A_268 = arith.addi %add3A_260, %add3A_261 : vector<16xi32>
      %add3A_269 = arith.addi %add3A_262, %add3A_263 : vector<16xi32>
      %add3A_270 = arith.addi %add3A_264, %add3A_265 : vector<16xi32>
      %add3A_271 = arith.addi %add3A_266, %add3A_267 : vector<16xi32>
      %add3A_272 = arith.addi %add3A_268, %add3A_269 : vector<16xi32>
      %add3A_273 = arith.addi %add3A_270, %add3A_271 : vector<16xi32>
      %add3A_274 = arith.addi %add3A_272, %add3A_273 : vector<16xi32>
      %mul3A_275 = arith.constant 16 : i32
      %mul3A_276 = vector.broadcast %mul3A_275 : i32 to vector<16xi32>
      %mul3A_277 = arith.muli %iota3A, %mul3A_276 : vector<16xi32>
      %add3A_278 = arith.constant 3 : i32
      %add3A_279 = vector.broadcast %add3A_278 : i32 to vector<16xi32>
      %add3A_280 = arith.addi %mul3A_277, %add3A_279 : vector<16xi32>
      tpu.vector_store_idx %arg9[%add3A_280], %add3A_274 : memref<256xi32, #tpu.memory_space<vmem>>[vector<16xi32>], vector<16xi32>,
      %get3A_281 = arith.constant 1024 : index
      %get3A_282 = tpu.vector_load %arg8[%get3A_281] {strides = array<i32>} : memref<8192xi32, #tpu.memory_space<vmem>>, vector<16xi32>,
      %get3A_283 = arith.constant 1040 : index
      %get3A_284 = tpu.vector_load %arg8[%get3A_283] {strides = array<i32>} : memref<8192xi32, #tpu.memory_space<vmem>>, vector<16xi32>,
      %get3A_285 = arith.constant 1056 : index
      %get3A_286 = tpu.vector_load %arg8[%get3A_285] {strides = array<i32>} : memref<8192xi32, #tpu.memory_space<vmem>>, vector<16xi32>,
      %get3A_287 = arith.constant 1072 : index
      %get3A_288 = tpu.vector_load %arg8[%get3A_287] {strides = array<i32>} : memref<8192xi32, #tpu.memory_space<vmem>>, vector<16xi32>,
      %get3A_289 = arith.constant 1088 : index
      %get3A_290 = tpu.vector_load %arg8[%get3A_289] {strides = array<i32>} : memref<8192xi32, #tpu.memory_space<vmem>>, vector<16xi32>,
      %get3A_291 = arith.constant 1104 : index
      %get3A_292 = tpu.vector_load %arg8[%get3A_291] {strides = array<i32>} : memref<8192xi32, #tpu.memory_space<vmem>>, vector<16xi32>,
      %get3A_293 = arith.constant 1120 : index
      %get3A_294 = tpu.vector_load %arg8[%get3A_293] {strides = array<i32>} : memref<8192xi32, #tpu.memory_space<vmem>>, vector<16xi32>,
      %get3A_295 = arith.constant 1136 : index
      %get3A_296 = tpu.vector_load %arg8[%get3A_295] {strides = array<i32>} : memref<8192xi32, #tpu.memory_space<vmem>>, vector<16xi32>,
      %get3A_297 = arith.constant 1152 : index
      %get3A_298 = tpu.vector_load %arg8[%get3A_297] {strides = array<i32>} : memref<8192xi32, #tpu.memory_space<vmem>>, vector<16xi32>,
      %get3A_299 = arith.constant 1168 : index
      %get3A_300 = tpu.vector_load %arg8[%get3A_299] {strides = array<i32>} : memref<8192xi32, #tpu.memory_space<vmem>>, vector<16xi32>,
      %get3A_301 = arith.constant 1184 : index
      %get3A_302 = tpu.vector_load %arg8[%get3A_301] {strides = array<i32>} : memref<8192xi32, #tpu.memory_space<vmem>>, vector<16xi32>,
      %get3A_303 = arith.constant 1200 : index
      %get3A_304 = tpu.vector_load %arg8[%get3A_303] {strides = array<i32>} : memref<8192xi32, #tpu.memory_space<vmem>>, vector<16xi32>,
      %get3A_305 = arith.constant 1216 : index
      %get3A_306 = tpu.vector_load %arg8[%get3A_305] {strides = array<i32>} : memref<8192xi32, #tpu.memory_space<vmem>>, vector<16xi32>,
      %get3A_307 = arith.constant 1232 : index
      %get3A_308 = tpu.vector_load %arg8[%get3A_307] {strides = array<i32>} : memref<8192xi32, #tpu.memory_space<vmem>>, vector<16xi32>,
      %get3A_309 = arith.constant 1248 : index
      %get3A_310 = tpu.vector_load %arg8[%get3A_309] {strides = array<i32>} : memref<8192xi32, #tpu.memory_space<vmem>>, vector<16xi32>,
      %get3A_311 = arith.constant 1264 : index
      %get3A_312 = tpu.vector_load %arg8[%get3A_311] {strides = array<i32>} : memref<8192xi32, #tpu.memory_space<vmem>>, vector<16xi32>,
      %add3A_313 = arith.addi %get3A_282, %get3A_284 : vector<16xi32>
      %add3A_314 = arith.addi %get3A_286, %get3A_288 : vector<16xi32>
      %add3A_315 = arith.addi %get3A_290, %get3A_292 : vector<16xi32>
      %add3A_316 = arith.addi %get3A_294, %get3A_296 : vector<16xi32>
      %add3A_317 = arith.addi %get3A_298, %get3A_300 : vector<16xi32>
      %add3A_318 = arith.addi %get3A_302, %get3A_304 : vector<16xi32>
      %add3A_319 = arith.addi %get3A_306, %get3A_308 : vector<16xi32>
      %add3A_320 = arith.addi %get3A_310, %get3A_312 : vector<16xi32>
      %add3A_321 = arith.addi %add3A_313, %add3A_314 : vector<16xi32>
      %add3A_322 = arith.addi %add3A_315, %add3A_316 : vector<16xi32>
      %add3A_323 = arith.addi %add3A_317, %add3A_318 : vector<16xi32>
      %add3A_324 = arith.addi %add3A_319, %add3A_320 : vector<16xi32>
      %add3A_325 = arith.addi %add3A_321, %add3A_322 : vector<16xi32>
      %add3A_326 = arith.addi %add3A_323, %add3A_324 : vector<16xi32>
      %add3A_327 = arith.addi %add3A_325, %add3A_326 : vector<16xi32>
      %mul3A_328 = arith.constant 16 : i32
      %mul3A_329 = vector.broadcast %mul3A_328 : i32 to vector<16xi32>
      %mul3A_330 = arith.muli %iota3A, %mul3A_329 : vector<16xi32>
      %add3A_331 = arith.constant 4 : i32
      %add3A_332 = vector.broadcast %add3A_331 : i32 to vector<16xi32>
      %add3A_333 = arith.addi %mul3A_330, %add3A_332 : vector<16xi32>
      tpu.vector_store_idx %arg9[%add3A_333], %add3A_327 : memref<256xi32, #tpu.memory_space<vmem>>[vector<16xi32>], vector<16xi32>,
      %get3A_334 = arith.constant 1280 : index
      %get3A_335 = tpu.vector_load %arg8[%get3A_334] {strides = array<i32>} : memref<8192xi32, #tpu.memory_space<vmem>>, vector<16xi32>,
      %get3A_336 = arith.constant 1296 : index
      %get3A_337 = tpu.vector_load %arg8[%get3A_336] {strides = array<i32>} : memref<8192xi32, #tpu.memory_space<vmem>>, vector<16xi32>,
      %get3A_338 = arith.constant 1312 : index
      %get3A_339 = tpu.vector_load %arg8[%get3A_338] {strides = array<i32>} : memref<8192xi32, #tpu.memory_space<vmem>>, vector<16xi32>,
      %get3A_340 = arith.constant 1328 : index
      %get3A_341 = tpu.vector_load %arg8[%get3A_340] {strides = array<i32>} : memref<8192xi32, #tpu.memory_space<vmem>>, vector<16xi32>,
      %get3A_342 = arith.constant 1344 : index
      %get3A_343 = tpu.vector_load %arg8[%get3A_342] {strides = array<i32>} : memref<8192xi32, #tpu.memory_space<vmem>>, vector<16xi32>,
      %get3A_344 = arith.constant 1360 : index
      %get3A_345 = tpu.vector_load %arg8[%get3A_344] {strides = array<i32>} : memref<8192xi32, #tpu.memory_space<vmem>>, vector<16xi32>,
      %get3A_346 = arith.constant 1376 : index
      %get3A_347 = tpu.vector_load %arg8[%get3A_346] {strides = array<i32>} : memref<8192xi32, #tpu.memory_space<vmem>>, vector<16xi32>,
      %get3A_348 = arith.constant 1392 : index
      %get3A_349 = tpu.vector_load %arg8[%get3A_348] {strides = array<i32>} : memref<8192xi32, #tpu.memory_space<vmem>>, vector<16xi32>,
      %get3A_350 = arith.constant 1408 : index
      %get3A_351 = tpu.vector_load %arg8[%get3A_350] {strides = array<i32>} : memref<8192xi32, #tpu.memory_space<vmem>>, vector<16xi32>,
      %get3A_352 = arith.constant 1424 : index
      %get3A_353 = tpu.vector_load %arg8[%get3A_352] {strides = array<i32>} : memref<8192xi32, #tpu.memory_space<vmem>>, vector<16xi32>,
      %get3A_354 = arith.constant 1440 : index
      %get3A_355 = tpu.vector_load %arg8[%get3A_354] {strides = array<i32>} : memref<8192xi32, #tpu.memory_space<vmem>>, vector<16xi32>,
      %get3A_356 = arith.constant 1456 : index
      %get3A_357 = tpu.vector_load %arg8[%get3A_356] {strides = array<i32>} : memref<8192xi32, #tpu.memory_space<vmem>>, vector<16xi32>,
      %get3A_358 = arith.constant 1472 : index
      %get3A_359 = tpu.vector_load %arg8[%get3A_358] {strides = array<i32>} : memref<8192xi32, #tpu.memory_space<vmem>>, vector<16xi32>,
      %get3A_360 = arith.constant 1488 : index
      %get3A_361 = tpu.vector_load %arg8[%get3A_360] {strides = array<i32>} : memref<8192xi32, #tpu.memory_space<vmem>>, vector<16xi32>,
      %get3A_362 = arith.constant 1504 : index
      %get3A_363 = tpu.vector_load %arg8[%get3A_362] {strides = array<i32>} : memref<8192xi32, #tpu.memory_space<vmem>>, vector<16xi32>,
      %get3A_364 = arith.constant 1520 : index
      %get3A_365 = tpu.vector_load %arg8[%get3A_364] {strides = array<i32>} : memref<8192xi32, #tpu.memory_space<vmem>>, vector<16xi32>,
      %add3A_366 = arith.addi %get3A_335, %get3A_337 : vector<16xi32>
      %add3A_367 = arith.addi %get3A_339, %get3A_341 : vector<16xi32>
      %add3A_368 = arith.addi %get3A_343, %get3A_345 : vector<16xi32>
      %add3A_369 = arith.addi %get3A_347, %get3A_349 : vector<16xi32>
      %add3A_370 = arith.addi %get3A_351, %get3A_353 : vector<16xi32>
      %add3A_371 = arith.addi %get3A_355, %get3A_357 : vector<16xi32>
      %add3A_372 = arith.addi %get3A_359, %get3A_361 : vector<16xi32>
      %add3A_373 = arith.addi %get3A_363, %get3A_365 : vector<16xi32>
      %add3A_374 = arith.addi %add3A_366, %add3A_367 : vector<16xi32>
      %add3A_375 = arith.addi %add3A_368, %add3A_369 : vector<16xi32>
      %add3A_376 = arith.addi %add3A_370, %add3A_371 : vector<16xi32>
      %add3A_377 = arith.addi %add3A_372, %add3A_373 : vector<16xi32>
      %add3A_378 = arith.addi %add3A_374, %add3A_375 : vector<16xi32>
      %add3A_379 = arith.addi %add3A_376, %add3A_377 : vector<16xi32>
      %add3A_380 = arith.addi %add3A_378, %add3A_379 : vector<16xi32>
      %mul3A_381 = arith.constant 16 : i32
      %mul3A_382 = vector.broadcast %mul3A_381 : i32 to vector<16xi32>
      %mul3A_383 = arith.muli %iota3A, %mul3A_382 : vector<16xi32>
      %add3A_384 = arith.constant 5 : i32
      %add3A_385 = vector.broadcast %add3A_384 : i32 to vector<16xi32>
      %add3A_386 = arith.addi %mul3A_383, %add3A_385 : vector<16xi32>
      tpu.vector_store_idx %arg9[%add3A_386], %add3A_380 : memref<256xi32, #tpu.memory_space<vmem>>[vector<16xi32>], vector<16xi32>,
      %get3A_387 = arith.constant 1536 : index
      %get3A_388 = tpu.vector_load %arg8[%get3A_387] {strides = array<i32>} : memref<8192xi32, #tpu.memory_space<vmem>>, vector<16xi32>,
      %get3A_389 = arith.constant 1552 : index
      %get3A_390 = tpu.vector_load %arg8[%get3A_389] {strides = array<i32>} : memref<8192xi32, #tpu.memory_space<vmem>>, vector<16xi32>,
      %get3A_391 = arith.constant 1568 : index
      %get3A_392 = tpu.vector_load %arg8[%get3A_391] {strides = array<i32>} : memref<8192xi32, #tpu.memory_space<vmem>>, vector<16xi32>,
      %get3A_393 = arith.constant 1584 : index
      %get3A_394 = tpu.vector_load %arg8[%get3A_393] {strides = array<i32>} : memref<8192xi32, #tpu.memory_space<vmem>>, vector<16xi32>,
      %get3A_395 = arith.constant 1600 : index
      %get3A_396 = tpu.vector_load %arg8[%get3A_395] {strides = array<i32>} : memref<8192xi32, #tpu.memory_space<vmem>>, vector<16xi32>,
      %get3A_397 = arith.constant 1616 : index
      %get3A_398 = tpu.vector_load %arg8[%get3A_397] {strides = array<i32>} : memref<8192xi32, #tpu.memory_space<vmem>>, vector<16xi32>,
      %get3A_399 = arith.constant 1632 : index
      %get3A_400 = tpu.vector_load %arg8[%get3A_399] {strides = array<i32>} : memref<8192xi32, #tpu.memory_space<vmem>>, vector<16xi32>,
      %get3A_401 = arith.constant 1648 : index
      %get3A_402 = tpu.vector_load %arg8[%get3A_401] {strides = array<i32>} : memref<8192xi32, #tpu.memory_space<vmem>>, vector<16xi32>,
      %get3A_403 = arith.constant 1664 : index
      %get3A_404 = tpu.vector_load %arg8[%get3A_403] {strides = array<i32>} : memref<8192xi32, #tpu.memory_space<vmem>>, vector<16xi32>,
      %get3A_405 = arith.constant 1680 : index
      %get3A_406 = tpu.vector_load %arg8[%get3A_405] {strides = array<i32>} : memref<8192xi32, #tpu.memory_space<vmem>>, vector<16xi32>,
      %get3A_407 = arith.constant 1696 : index
      %get3A_408 = tpu.vector_load %arg8[%get3A_407] {strides = array<i32>} : memref<8192xi32, #tpu.memory_space<vmem>>, vector<16xi32>,
      %get3A_409 = arith.constant 1712 : index
      %get3A_410 = tpu.vector_load %arg8[%get3A_409] {strides = array<i32>} : memref<8192xi32, #tpu.memory_space<vmem>>, vector<16xi32>,
      %get3A_411 = arith.constant 1728 : index
      %get3A_412 = tpu.vector_load %arg8[%get3A_411] {strides = array<i32>} : memref<8192xi32, #tpu.memory_space<vmem>>, vector<16xi32>,
      %get3A_413 = arith.constant 1744 : index
      %get3A_414 = tpu.vector_load %arg8[%get3A_413] {strides = array<i32>} : memref<8192xi32, #tpu.memory_space<vmem>>, vector<16xi32>,
      %get3A_415 = arith.constant 1760 : index
      %get3A_416 = tpu.vector_load %arg8[%get3A_415] {strides = array<i32>} : memref<8192xi32, #tpu.memory_space<vmem>>, vector<16xi32>,
      %get3A_417 = arith.constant 1776 : index
      %get3A_418 = tpu.vector_load %arg8[%get3A_417] {strides = array<i32>} : memref<8192xi32, #tpu.memory_space<vmem>>, vector<16xi32>,
      %add3A_419 = arith.addi %get3A_388, %get3A_390 : vector<16xi32>
      %add3A_420 = arith.addi %get3A_392, %get3A_394 : vector<16xi32>
      %add3A_421 = arith.addi %get3A_396, %get3A_398 : vector<16xi32>
      %add3A_422 = arith.addi %get3A_400, %get3A_402 : vector<16xi32>
      %add3A_423 = arith.addi %get3A_404, %get3A_406 : vector<16xi32>
      %add3A_424 = arith.addi %get3A_408, %get3A_410 : vector<16xi32>
      %add3A_425 = arith.addi %get3A_412, %get3A_414 : vector<16xi32>
      %add3A_426 = arith.addi %get3A_416, %get3A_418 : vector<16xi32>
      %add3A_427 = arith.addi %add3A_419, %add3A_420 : vector<16xi32>
      %add3A_428 = arith.addi %add3A_421, %add3A_422 : vector<16xi32>
      %add3A_429 = arith.addi %add3A_423, %add3A_424 : vector<16xi32>
      %add3A_430 = arith.addi %add3A_425, %add3A_426 : vector<16xi32>
      %add3A_431 = arith.addi %add3A_427, %add3A_428 : vector<16xi32>
      %add3A_432 = arith.addi %add3A_429, %add3A_430 : vector<16xi32>
      %add3A_433 = arith.addi %add3A_431, %add3A_432 : vector<16xi32>
      %mul3A_434 = arith.constant 16 : i32
      %mul3A_435 = vector.broadcast %mul3A_434 : i32 to vector<16xi32>
      %mul3A_436 = arith.muli %iota3A, %mul3A_435 : vector<16xi32>
      %add3A_437 = arith.constant 6 : i32
      %add3A_438 = vector.broadcast %add3A_437 : i32 to vector<16xi32>
      %add3A_439 = arith.addi %mul3A_436, %add3A_438 : vector<16xi32>
      tpu.vector_store_idx %arg9[%add3A_439], %add3A_433 : memref<256xi32, #tpu.memory_space<vmem>>[vector<16xi32>], vector<16xi32>,
      %get3A_440 = arith.constant 1792 : index
      %get3A_441 = tpu.vector_load %arg8[%get3A_440] {strides = array<i32>} : memref<8192xi32, #tpu.memory_space<vmem>>, vector<16xi32>,
      %get3A_442 = arith.constant 1808 : index
      %get3A_443 = tpu.vector_load %arg8[%get3A_442] {strides = array<i32>} : memref<8192xi32, #tpu.memory_space<vmem>>, vector<16xi32>,
      %get3A_444 = arith.constant 1824 : index
      %get3A_445 = tpu.vector_load %arg8[%get3A_444] {strides = array<i32>} : memref<8192xi32, #tpu.memory_space<vmem>>, vector<16xi32>,
      %get3A_446 = arith.constant 1840 : index
      %get3A_447 = tpu.vector_load %arg8[%get3A_446] {strides = array<i32>} : memref<8192xi32, #tpu.memory_space<vmem>>, vector<16xi32>,
      %get3A_448 = arith.constant 1856 : index
      %get3A_449 = tpu.vector_load %arg8[%get3A_448] {strides = array<i32>} : memref<8192xi32, #tpu.memory_space<vmem>>, vector<16xi32>,
      %get3A_450 = arith.constant 1872 : index
      %get3A_451 = tpu.vector_load %arg8[%get3A_450] {strides = array<i32>} : memref<8192xi32, #tpu.memory_space<vmem>>, vector<16xi32>,
      %get3A_452 = arith.constant 1888 : index
      %get3A_453 = tpu.vector_load %arg8[%get3A_452] {strides = array<i32>} : memref<8192xi32, #tpu.memory_space<vmem>>, vector<16xi32>,
      %get3A_454 = arith.constant 1904 : index
      %get3A_455 = tpu.vector_load %arg8[%get3A_454] {strides = array<i32>} : memref<8192xi32, #tpu.memory_space<vmem>>, vector<16xi32>,
      %get3A_456 = arith.constant 1920 : index
      %get3A_457 = tpu.vector_load %arg8[%get3A_456] {strides = array<i32>} : memref<8192xi32, #tpu.memory_space<vmem>>, vector<16xi32>,
      %get3A_458 = arith.constant 1936 : index
      %get3A_459 = tpu.vector_load %arg8[%get3A_458] {strides = array<i32>} : memref<8192xi32, #tpu.memory_space<vmem>>, vector<16xi32>,
      %get3A_460 = arith.constant 1952 : index
      %get3A_461 = tpu.vector_load %arg8[%get3A_460] {strides = array<i32>} : memref<8192xi32, #tpu.memory_space<vmem>>, vector<16xi32>,
      %get3A_462 = arith.constant 1968 : index
      %get3A_463 = tpu.vector_load %arg8[%get3A_462] {strides = array<i32>} : memref<8192xi32, #tpu.memory_space<vmem>>, vector<16xi32>,
      %get3A_464 = arith.constant 1984 : index
      %get3A_465 = tpu.vector_load %arg8[%get3A_464] {strides = array<i32>} : memref<8192xi32, #tpu.memory_space<vmem>>, vector<16xi32>,
      %get3A_466 = arith.constant 2000 : index
      %get3A_467 = tpu.vector_load %arg8[%get3A_466] {strides = array<i32>} : memref<8192xi32, #tpu.memory_space<vmem>>, vector<16xi32>,
      %get3A_468 = arith.constant 2016 : index
      %get3A_469 = tpu.vector_load %arg8[%get3A_468] {strides = array<i32>} : memref<8192xi32, #tpu.memory_space<vmem>>, vector<16xi32>,
      %get3A_470 = arith.constant 2032 : index
      %get3A_471 = tpu.vector_load %arg8[%get3A_470] {strides = array<i32>} : memref<8192xi32, #tpu.memory_space<vmem>>, vector<16xi32>,
      %add3A_472 = arith.addi %get3A_441, %get3A_443 : vector<16xi32>
      %add3A_473 = arith.addi %get3A_445, %get3A_447 : vector<16xi32>
      %add3A_474 = arith.addi %get3A_449, %get3A_451 : vector<16xi32>
      %add3A_475 = arith.addi %get3A_453, %get3A_455 : vector<16xi32>
      %add3A_476 = arith.addi %get3A_457, %get3A_459 : vector<16xi32>
      %add3A_477 = arith.addi %get3A_461, %get3A_463 : vector<16xi32>
      %add3A_478 = arith.addi %get3A_465, %get3A_467 : vector<16xi32>
      %add3A_479 = arith.addi %get3A_469, %get3A_471 : vector<16xi32>
      %add3A_480 = arith.addi %add3A_472, %add3A_473 : vector<16xi32>
      %add3A_481 = arith.addi %add3A_474, %add3A_475 : vector<16xi32>
      %add3A_482 = arith.addi %add3A_476, %add3A_477 : vector<16xi32>
      %add3A_483 = arith.addi %add3A_478, %add3A_479 : vector<16xi32>
      %add3A_484 = arith.addi %add3A_480, %add3A_481 : vector<16xi32>
      %add3A_485 = arith.addi %add3A_482, %add3A_483 : vector<16xi32>
      %add3A_486 = arith.addi %add3A_484, %add3A_485 : vector<16xi32>
      %mul3A_487 = arith.constant 16 : i32
      %mul3A_488 = vector.broadcast %mul3A_487 : i32 to vector<16xi32>
      %mul3A_489 = arith.muli %iota3A, %mul3A_488 : vector<16xi32>
      %add3A_490 = arith.constant 7 : i32
      %add3A_491 = vector.broadcast %add3A_490 : i32 to vector<16xi32>
      %add3A_492 = arith.addi %mul3A_489, %add3A_491 : vector<16xi32>
      tpu.vector_store_idx %arg9[%add3A_492], %add3A_486 : memref<256xi32, #tpu.memory_space<vmem>>[vector<16xi32>], vector<16xi32>,
      %get3A_493 = arith.constant 2048 : index
      %get3A_494 = tpu.vector_load %arg8[%get3A_493] {strides = array<i32>} : memref<8192xi32, #tpu.memory_space<vmem>>, vector<16xi32>,
      %get3A_495 = arith.constant 2064 : index
      %get3A_496 = tpu.vector_load %arg8[%get3A_495] {strides = array<i32>} : memref<8192xi32, #tpu.memory_space<vmem>>, vector<16xi32>,
      %get3A_497 = arith.constant 2080 : index
      %get3A_498 = tpu.vector_load %arg8[%get3A_497] {strides = array<i32>} : memref<8192xi32, #tpu.memory_space<vmem>>, vector<16xi32>,
      %get3A_499 = arith.constant 2096 : index
      %get3A_500 = tpu.vector_load %arg8[%get3A_499] {strides = array<i32>} : memref<8192xi32, #tpu.memory_space<vmem>>, vector<16xi32>,
      %get3A_501 = arith.constant 2112 : index
      %get3A_502 = tpu.vector_load %arg8[%get3A_501] {strides = array<i32>} : memref<8192xi32, #tpu.memory_space<vmem>>, vector<16xi32>,
      %get3A_503 = arith.constant 2128 : index
      %get3A_504 = tpu.vector_load %arg8[%get3A_503] {strides = array<i32>} : memref<8192xi32, #tpu.memory_space<vmem>>, vector<16xi32>,
      %get3A_505 = arith.constant 2144 : index
      %get3A_506 = tpu.vector_load %arg8[%get3A_505] {strides = array<i32>} : memref<8192xi32, #tpu.memory_space<vmem>>, vector<16xi32>,
      %get3A_507 = arith.constant 2160 : index
      %get3A_508 = tpu.vector_load %arg8[%get3A_507] {strides = array<i32>} : memref<8192xi32, #tpu.memory_space<vmem>>, vector<16xi32>,
      %get3A_509 = arith.constant 2176 : index
      %get3A_510 = tpu.vector_load %arg8[%get3A_509] {strides = array<i32>} : memref<8192xi32, #tpu.memory_space<vmem>>, vector<16xi32>,
      %get3A_511 = arith.constant 2192 : index
      %get3A_512 = tpu.vector_load %arg8[%get3A_511] {strides = array<i32>} : memref<8192xi32, #tpu.memory_space<vmem>>, vector<16xi32>,
      %get3A_513 = arith.constant 2208 : index
      %get3A_514 = tpu.vector_load %arg8[%get3A_513] {strides = array<i32>} : memref<8192xi32, #tpu.memory_space<vmem>>, vector<16xi32>,
      %get3A_515 = arith.constant 2224 : index
      %get3A_516 = tpu.vector_load %arg8[%get3A_515] {strides = array<i32>} : memref<8192xi32, #tpu.memory_space<vmem>>, vector<16xi32>,
      %get3A_517 = arith.constant 2240 : index
      %get3A_518 = tpu.vector_load %arg8[%get3A_517] {strides = array<i32>} : memref<8192xi32, #tpu.memory_space<vmem>>, vector<16xi32>,
      %get3A_519 = arith.constant 2256 : index
      %get3A_520 = tpu.vector_load %arg8[%get3A_519] {strides = array<i32>} : memref<8192xi32, #tpu.memory_space<vmem>>, vector<16xi32>,
      %get3A_521 = arith.constant 2272 : index
      %get3A_522 = tpu.vector_load %arg8[%get3A_521] {strides = array<i32>} : memref<8192xi32, #tpu.memory_space<vmem>>, vector<16xi32>,
      %get3A_523 = arith.constant 2288 : index
      %get3A_524 = tpu.vector_load %arg8[%get3A_523] {strides = array<i32>} : memref<8192xi32, #tpu.memory_space<vmem>>, vector<16xi32>,
      %add3A_525 = arith.addi %get3A_494, %get3A_496 : vector<16xi32>
      %add3A_526 = arith.addi %get3A_498, %get3A_500 : vector<16xi32>
      %add3A_527 = arith.addi %get3A_502, %get3A_504 : vector<16xi32>
      %add3A_528 = arith.addi %get3A_506, %get3A_508 : vector<16xi32>
      %add3A_529 = arith.addi %get3A_510, %get3A_512 : vector<16xi32>
      %add3A_530 = arith.addi %get3A_514, %get3A_516 : vector<16xi32>
      %add3A_531 = arith.addi %get3A_518, %get3A_520 : vector<16xi32>
      %add3A_532 = arith.addi %get3A_522, %get3A_524 : vector<16xi32>
      %add3A_533 = arith.addi %add3A_525, %add3A_526 : vector<16xi32>
      %add3A_534 = arith.addi %add3A_527, %add3A_528 : vector<16xi32>
      %add3A_535 = arith.addi %add3A_529, %add3A_530 : vector<16xi32>
      %add3A_536 = arith.addi %add3A_531, %add3A_532 : vector<16xi32>
      %add3A_537 = arith.addi %add3A_533, %add3A_534 : vector<16xi32>
      %add3A_538 = arith.addi %add3A_535, %add3A_536 : vector<16xi32>
      %add3A_539 = arith.addi %add3A_537, %add3A_538 : vector<16xi32>
      %mul3A_540 = arith.constant 16 : i32
      %mul3A_541 = vector.broadcast %mul3A_540 : i32 to vector<16xi32>
      %mul3A_542 = arith.muli %iota3A, %mul3A_541 : vector<16xi32>
      %add3A_543 = arith.constant 8 : i32
      %add3A_544 = vector.broadcast %add3A_543 : i32 to vector<16xi32>
      %add3A_545 = arith.addi %mul3A_542, %add3A_544 : vector<16xi32>
      tpu.vector_store_idx %arg9[%add3A_545], %add3A_539 : memref<256xi32, #tpu.memory_space<vmem>>[vector<16xi32>], vector<16xi32>,
      %get3A_546 = arith.constant 2304 : index
      %get3A_547 = tpu.vector_load %arg8[%get3A_546] {strides = array<i32>} : memref<8192xi32, #tpu.memory_space<vmem>>, vector<16xi32>,
      %get3A_548 = arith.constant 2320 : index
      %get3A_549 = tpu.vector_load %arg8[%get3A_548] {strides = array<i32>} : memref<8192xi32, #tpu.memory_space<vmem>>, vector<16xi32>,
      %get3A_550 = arith.constant 2336 : index
      %get3A_551 = tpu.vector_load %arg8[%get3A_550] {strides = array<i32>} : memref<8192xi32, #tpu.memory_space<vmem>>, vector<16xi32>,
      %get3A_552 = arith.constant 2352 : index
      %get3A_553 = tpu.vector_load %arg8[%get3A_552] {strides = array<i32>} : memref<8192xi32, #tpu.memory_space<vmem>>, vector<16xi32>,
      %get3A_554 = arith.constant 2368 : index
      %get3A_555 = tpu.vector_load %arg8[%get3A_554] {strides = array<i32>} : memref<8192xi32, #tpu.memory_space<vmem>>, vector<16xi32>,
      %get3A_556 = arith.constant 2384 : index
      %get3A_557 = tpu.vector_load %arg8[%get3A_556] {strides = array<i32>} : memref<8192xi32, #tpu.memory_space<vmem>>, vector<16xi32>,
      %get3A_558 = arith.constant 2400 : index
      %get3A_559 = tpu.vector_load %arg8[%get3A_558] {strides = array<i32>} : memref<8192xi32, #tpu.memory_space<vmem>>, vector<16xi32>,
      %get3A_560 = arith.constant 2416 : index
      %get3A_561 = tpu.vector_load %arg8[%get3A_560] {strides = array<i32>} : memref<8192xi32, #tpu.memory_space<vmem>>, vector<16xi32>,
      %get3A_562 = arith.constant 2432 : index
      %get3A_563 = tpu.vector_load %arg8[%get3A_562] {strides = array<i32>} : memref<8192xi32, #tpu.memory_space<vmem>>, vector<16xi32>,
      %get3A_564 = arith.constant 2448 : index
      %get3A_565 = tpu.vector_load %arg8[%get3A_564] {strides = array<i32>} : memref<8192xi32, #tpu.memory_space<vmem>>, vector<16xi32>,
      %get3A_566 = arith.constant 2464 : index
      %get3A_567 = tpu.vector_load %arg8[%get3A_566] {strides = array<i32>} : memref<8192xi32, #tpu.memory_space<vmem>>, vector<16xi32>,
      %get3A_568 = arith.constant 2480 : index
      %get3A_569 = tpu.vector_load %arg8[%get3A_568] {strides = array<i32>} : memref<8192xi32, #tpu.memory_space<vmem>>, vector<16xi32>,
      %get3A_570 = arith.constant 2496 : index
      %get3A_571 = tpu.vector_load %arg8[%get3A_570] {strides = array<i32>} : memref<8192xi32, #tpu.memory_space<vmem>>, vector<16xi32>,
      %get3A_572 = arith.constant 2512 : index
      %get3A_573 = tpu.vector_load %arg8[%get3A_572] {strides = array<i32>} : memref<8192xi32, #tpu.memory_space<vmem>>, vector<16xi32>,
      %get3A_574 = arith.constant 2528 : index
      %get3A_575 = tpu.vector_load %arg8[%get3A_574] {strides = array<i32>} : memref<8192xi32, #tpu.memory_space<vmem>>, vector<16xi32>,
      %get3A_576 = arith.constant 2544 : index
      %get3A_577 = tpu.vector_load %arg8[%get3A_576] {strides = array<i32>} : memref<8192xi32, #tpu.memory_space<vmem>>, vector<16xi32>,
      %add3A_578 = arith.addi %get3A_547, %get3A_549 : vector<16xi32>
      %add3A_579 = arith.addi %get3A_551, %get3A_553 : vector<16xi32>
      %add3A_580 = arith.addi %get3A_555, %get3A_557 : vector<16xi32>
      %add3A_581 = arith.addi %get3A_559, %get3A_561 : vector<16xi32>
      %add3A_582 = arith.addi %get3A_563, %get3A_565 : vector<16xi32>
      %add3A_583 = arith.addi %get3A_567, %get3A_569 : vector<16xi32>
      %add3A_584 = arith.addi %get3A_571, %get3A_573 : vector<16xi32>
      %add3A_585 = arith.addi %get3A_575, %get3A_577 : vector<16xi32>
      %add3A_586 = arith.addi %add3A_578, %add3A_579 : vector<16xi32>
      %add3A_587 = arith.addi %add3A_580, %add3A_581 : vector<16xi32>
      %add3A_588 = arith.addi %add3A_582, %add3A_583 : vector<16xi32>
      %add3A_589 = arith.addi %add3A_584, %add3A_585 : vector<16xi32>
      %add3A_590 = arith.addi %add3A_586, %add3A_587 : vector<16xi32>
      %add3A_591 = arith.addi %add3A_588, %add3A_589 : vector<16xi32>
      %add3A_592 = arith.addi %add3A_590, %add3A_591 : vector<16xi32>
      %mul3A_593 = arith.constant 16 : i32
      %mul3A_594 = vector.broadcast %mul3A_593 : i32 to vector<16xi32>
      %mul3A_595 = arith.muli %iota3A, %mul3A_594 : vector<16xi32>
      %add3A_596 = arith.constant 9 : i32
      %add3A_597 = vector.broadcast %add3A_596 : i32 to vector<16xi32>
      %add3A_598 = arith.addi %mul3A_595, %add3A_597 : vector<16xi32>
      tpu.vector_store_idx %arg9[%add3A_598], %add3A_592 : memref<256xi32, #tpu.memory_space<vmem>>[vector<16xi32>], vector<16xi32>,
      %get3A_599 = arith.constant 2560 : index
      %get3A_600 = tpu.vector_load %arg8[%get3A_599] {strides = array<i32>} : memref<8192xi32, #tpu.memory_space<vmem>>, vector<16xi32>,
      %get3A_601 = arith.constant 2576 : index
      %get3A_602 = tpu.vector_load %arg8[%get3A_601] {strides = array<i32>} : memref<8192xi32, #tpu.memory_space<vmem>>, vector<16xi32>,
      %get3A_603 = arith.constant 2592 : index
      %get3A_604 = tpu.vector_load %arg8[%get3A_603] {strides = array<i32>} : memref<8192xi32, #tpu.memory_space<vmem>>, vector<16xi32>,
      %get3A_605 = arith.constant 2608 : index
      %get3A_606 = tpu.vector_load %arg8[%get3A_605] {strides = array<i32>} : memref<8192xi32, #tpu.memory_space<vmem>>, vector<16xi32>,
      %get3A_607 = arith.constant 2624 : index
      %get3A_608 = tpu.vector_load %arg8[%get3A_607] {strides = array<i32>} : memref<8192xi32, #tpu.memory_space<vmem>>, vector<16xi32>,
      %get3A_609 = arith.constant 2640 : index
      %get3A_610 = tpu.vector_load %arg8[%get3A_609] {strides = array<i32>} : memref<8192xi32, #tpu.memory_space<vmem>>, vector<16xi32>,
      %get3A_611 = arith.constant 2656 : index
      %get3A_612 = tpu.vector_load %arg8[%get3A_611] {strides = array<i32>} : memref<8192xi32, #tpu.memory_space<vmem>>, vector<16xi32>,
      %get3A_613 = arith.constant 2672 : index
      %get3A_614 = tpu.vector_load %arg8[%get3A_613] {strides = array<i32>} : memref<8192xi32, #tpu.memory_space<vmem>>, vector<16xi32>,
      %get3A_615 = arith.constant 2688 : index
      %get3A_616 = tpu.vector_load %arg8[%get3A_615] {strides = array<i32>} : memref<8192xi32, #tpu.memory_space<vmem>>, vector<16xi32>,
      %get3A_617 = arith.constant 2704 : index
      %get3A_618 = tpu.vector_load %arg8[%get3A_617] {strides = array<i32>} : memref<8192xi32, #tpu.memory_space<vmem>>, vector<16xi32>,
      %get3A_619 = arith.constant 2720 : index
      %get3A_620 = tpu.vector_load %arg8[%get3A_619] {strides = array<i32>} : memref<8192xi32, #tpu.memory_space<vmem>>, vector<16xi32>,
      %get3A_621 = arith.constant 2736 : index
      %get3A_622 = tpu.vector_load %arg8[%get3A_621] {strides = array<i32>} : memref<8192xi32, #tpu.memory_space<vmem>>, vector<16xi32>,
      %get3A_623 = arith.constant 2752 : index
      %get3A_624 = tpu.vector_load %arg8[%get3A_623] {strides = array<i32>} : memref<8192xi32, #tpu.memory_space<vmem>>, vector<16xi32>,
      %get3A_625 = arith.constant 2768 : index
      %get3A_626 = tpu.vector_load %arg8[%get3A_625] {strides = array<i32>} : memref<8192xi32, #tpu.memory_space<vmem>>, vector<16xi32>,
      %get3A_627 = arith.constant 2784 : index
      %get3A_628 = tpu.vector_load %arg8[%get3A_627] {strides = array<i32>} : memref<8192xi32, #tpu.memory_space<vmem>>, vector<16xi32>,
      %get3A_629 = arith.constant 2800 : index
      %get3A_630 = tpu.vector_load %arg8[%get3A_629] {strides = array<i32>} : memref<8192xi32, #tpu.memory_space<vmem>>, vector<16xi32>,
      %add3A_631 = arith.addi %get3A_600, %get3A_602 : vector<16xi32>
      %add3A_632 = arith.addi %get3A_604, %get3A_606 : vector<16xi32>
      %add3A_633 = arith.addi %get3A_608, %get3A_610 : vector<16xi32>
      %add3A_634 = arith.addi %get3A_612, %get3A_614 : vector<16xi32>
      %add3A_635 = arith.addi %get3A_616, %get3A_618 : vector<16xi32>
      %add3A_636 = arith.addi %get3A_620, %get3A_622 : vector<16xi32>
      %add3A_637 = arith.addi %get3A_624, %get3A_626 : vector<16xi32>
      %add3A_638 = arith.addi %get3A_628, %get3A_630 : vector<16xi32>
      %add3A_639 = arith.addi %add3A_631, %add3A_632 : vector<16xi32>
      %add3A_640 = arith.addi %add3A_633, %add3A_634 : vector<16xi32>
      %add3A_641 = arith.addi %add3A_635, %add3A_636 : vector<16xi32>
      %add3A_642 = arith.addi %add3A_637, %add3A_638 : vector<16xi32>
      %add3A_643 = arith.addi %add3A_639, %add3A_640 : vector<16xi32>
      %add3A_644 = arith.addi %add3A_641, %add3A_642 : vector<16xi32>
      %add3A_645 = arith.addi %add3A_643, %add3A_644 : vector<16xi32>
      %mul3A_646 = arith.constant 16 : i32
      %mul3A_647 = vector.broadcast %mul3A_646 : i32 to vector<16xi32>
      %mul3A_648 = arith.muli %iota3A, %mul3A_647 : vector<16xi32>
      %add3A_649 = arith.constant 10 : i32
      %add3A_650 = vector.broadcast %add3A_649 : i32 to vector<16xi32>
      %add3A_651 = arith.addi %mul3A_648, %add3A_650 : vector<16xi32>
      tpu.vector_store_idx %arg9[%add3A_651], %add3A_645 : memref<256xi32, #tpu.memory_space<vmem>>[vector<16xi32>], vector<16xi32>,
      %get3A_652 = arith.constant 2816 : index
      %get3A_653 = tpu.vector_load %arg8[%get3A_652] {strides = array<i32>} : memref<8192xi32, #tpu.memory_space<vmem>>, vector<16xi32>,
      %get3A_654 = arith.constant 2832 : index
      %get3A_655 = tpu.vector_load %arg8[%get3A_654] {strides = array<i32>} : memref<8192xi32, #tpu.memory_space<vmem>>, vector<16xi32>,
      %get3A_656 = arith.constant 2848 : index
      %get3A_657 = tpu.vector_load %arg8[%get3A_656] {strides = array<i32>} : memref<8192xi32, #tpu.memory_space<vmem>>, vector<16xi32>,
      %get3A_658 = arith.constant 2864 : index
      %get3A_659 = tpu.vector_load %arg8[%get3A_658] {strides = array<i32>} : memref<8192xi32, #tpu.memory_space<vmem>>, vector<16xi32>,
      %get3A_660 = arith.constant 2880 : index
      %get3A_661 = tpu.vector_load %arg8[%get3A_660] {strides = array<i32>} : memref<8192xi32, #tpu.memory_space<vmem>>, vector<16xi32>,
      %get3A_662 = arith.constant 2896 : index
      %get3A_663 = tpu.vector_load %arg8[%get3A_662] {strides = array<i32>} : memref<8192xi32, #tpu.memory_space<vmem>>, vector<16xi32>,
      %get3A_664 = arith.constant 2912 : index
      %get3A_665 = tpu.vector_load %arg8[%get3A_664] {strides = array<i32>} : memref<8192xi32, #tpu.memory_space<vmem>>, vector<16xi32>,
      %get3A_666 = arith.constant 2928 : index
      %get3A_667 = tpu.vector_load %arg8[%get3A_666] {strides = array<i32>} : memref<8192xi32, #tpu.memory_space<vmem>>, vector<16xi32>,
      %get3A_668 = arith.constant 2944 : index
      %get3A_669 = tpu.vector_load %arg8[%get3A_668] {strides = array<i32>} : memref<8192xi32, #tpu.memory_space<vmem>>, vector<16xi32>,
      %get3A_670 = arith.constant 2960 : index
      %get3A_671 = tpu.vector_load %arg8[%get3A_670] {strides = array<i32>} : memref<8192xi32, #tpu.memory_space<vmem>>, vector<16xi32>,
      %get3A_672 = arith.constant 2976 : index
      %get3A_673 = tpu.vector_load %arg8[%get3A_672] {strides = array<i32>} : memref<8192xi32, #tpu.memory_space<vmem>>, vector<16xi32>,
      %get3A_674 = arith.constant 2992 : index
      %get3A_675 = tpu.vector_load %arg8[%get3A_674] {strides = array<i32>} : memref<8192xi32, #tpu.memory_space<vmem>>, vector<16xi32>,
      %get3A_676 = arith.constant 3008 : index
      %get3A_677 = tpu.vector_load %arg8[%get3A_676] {strides = array<i32>} : memref<8192xi32, #tpu.memory_space<vmem>>, vector<16xi32>,
      %get3A_678 = arith.constant 3024 : index
      %get3A_679 = tpu.vector_load %arg8[%get3A_678] {strides = array<i32>} : memref<8192xi32, #tpu.memory_space<vmem>>, vector<16xi32>,
      %get3A_680 = arith.constant 3040 : index
      %get3A_681 = tpu.vector_load %arg8[%get3A_680] {strides = array<i32>} : memref<8192xi32, #tpu.memory_space<vmem>>, vector<16xi32>,
      %get3A_682 = arith.constant 3056 : index
      %get3A_683 = tpu.vector_load %arg8[%get3A_682] {strides = array<i32>} : memref<8192xi32, #tpu.memory_space<vmem>>, vector<16xi32>,
      %add3A_684 = arith.addi %get3A_653, %get3A_655 : vector<16xi32>
      %add3A_685 = arith.addi %get3A_657, %get3A_659 : vector<16xi32>
      %add3A_686 = arith.addi %get3A_661, %get3A_663 : vector<16xi32>
      %add3A_687 = arith.addi %get3A_665, %get3A_667 : vector<16xi32>
      %add3A_688 = arith.addi %get3A_669, %get3A_671 : vector<16xi32>
      %add3A_689 = arith.addi %get3A_673, %get3A_675 : vector<16xi32>
      %add3A_690 = arith.addi %get3A_677, %get3A_679 : vector<16xi32>
      %add3A_691 = arith.addi %get3A_681, %get3A_683 : vector<16xi32>
      %add3A_692 = arith.addi %add3A_684, %add3A_685 : vector<16xi32>
      %add3A_693 = arith.addi %add3A_686, %add3A_687 : vector<16xi32>
      %add3A_694 = arith.addi %add3A_688, %add3A_689 : vector<16xi32>
      %add3A_695 = arith.addi %add3A_690, %add3A_691 : vector<16xi32>
      %add3A_696 = arith.addi %add3A_692, %add3A_693 : vector<16xi32>
      %add3A_697 = arith.addi %add3A_694, %add3A_695 : vector<16xi32>
      %add3A_698 = arith.addi %add3A_696, %add3A_697 : vector<16xi32>
      %mul3A_699 = arith.constant 16 : i32
      %mul3A_700 = vector.broadcast %mul3A_699 : i32 to vector<16xi32>
      %mul3A_701 = arith.muli %iota3A, %mul3A_700 : vector<16xi32>
      %add3A_702 = arith.constant 11 : i32
      %add3A_703 = vector.broadcast %add3A_702 : i32 to vector<16xi32>
      %add3A_704 = arith.addi %mul3A_701, %add3A_703 : vector<16xi32>
      tpu.vector_store_idx %arg9[%add3A_704], %add3A_698 : memref<256xi32, #tpu.memory_space<vmem>>[vector<16xi32>], vector<16xi32>,
      %get3A_705 = arith.constant 3072 : index
      %get3A_706 = tpu.vector_load %arg8[%get3A_705] {strides = array<i32>} : memref<8192xi32, #tpu.memory_space<vmem>>, vector<16xi32>,
      %get3A_707 = arith.constant 3088 : index
      %get3A_708 = tpu.vector_load %arg8[%get3A_707] {strides = array<i32>} : memref<8192xi32, #tpu.memory_space<vmem>>, vector<16xi32>,
      %get3A_709 = arith.constant 3104 : index
      %get3A_710 = tpu.vector_load %arg8[%get3A_709] {strides = array<i32>} : memref<8192xi32, #tpu.memory_space<vmem>>, vector<16xi32>,
      %get3A_711 = arith.constant 3120 : index
      %get3A_712 = tpu.vector_load %arg8[%get3A_711] {strides = array<i32>} : memref<8192xi32, #tpu.memory_space<vmem>>, vector<16xi32>,
      %get3A_713 = arith.constant 3136 : index
      %get3A_714 = tpu.vector_load %arg8[%get3A_713] {strides = array<i32>} : memref<8192xi32, #tpu.memory_space<vmem>>, vector<16xi32>,
      %get3A_715 = arith.constant 3152 : index
      %get3A_716 = tpu.vector_load %arg8[%get3A_715] {strides = array<i32>} : memref<8192xi32, #tpu.memory_space<vmem>>, vector<16xi32>,
      %get3A_717 = arith.constant 3168 : index
      %get3A_718 = tpu.vector_load %arg8[%get3A_717] {strides = array<i32>} : memref<8192xi32, #tpu.memory_space<vmem>>, vector<16xi32>,
      %get3A_719 = arith.constant 3184 : index
      %get3A_720 = tpu.vector_load %arg8[%get3A_719] {strides = array<i32>} : memref<8192xi32, #tpu.memory_space<vmem>>, vector<16xi32>,
      %get3A_721 = arith.constant 3200 : index
      %get3A_722 = tpu.vector_load %arg8[%get3A_721] {strides = array<i32>} : memref<8192xi32, #tpu.memory_space<vmem>>, vector<16xi32>,
      %get3A_723 = arith.constant 3216 : index
      %get3A_724 = tpu.vector_load %arg8[%get3A_723] {strides = array<i32>} : memref<8192xi32, #tpu.memory_space<vmem>>, vector<16xi32>,
      %get3A_725 = arith.constant 3232 : index
      %get3A_726 = tpu.vector_load %arg8[%get3A_725] {strides = array<i32>} : memref<8192xi32, #tpu.memory_space<vmem>>, vector<16xi32>,
      %get3A_727 = arith.constant 3248 : index
      %get3A_728 = tpu.vector_load %arg8[%get3A_727] {strides = array<i32>} : memref<8192xi32, #tpu.memory_space<vmem>>, vector<16xi32>,
      %get3A_729 = arith.constant 3264 : index
      %get3A_730 = tpu.vector_load %arg8[%get3A_729] {strides = array<i32>} : memref<8192xi32, #tpu.memory_space<vmem>>, vector<16xi32>,
      %get3A_731 = arith.constant 3280 : index
      %get3A_732 = tpu.vector_load %arg8[%get3A_731] {strides = array<i32>} : memref<8192xi32, #tpu.memory_space<vmem>>, vector<16xi32>,
      %get3A_733 = arith.constant 3296 : index
      %get3A_734 = tpu.vector_load %arg8[%get3A_733] {strides = array<i32>} : memref<8192xi32, #tpu.memory_space<vmem>>, vector<16xi32>,
      %get3A_735 = arith.constant 3312 : index
      %get3A_736 = tpu.vector_load %arg8[%get3A_735] {strides = array<i32>} : memref<8192xi32, #tpu.memory_space<vmem>>, vector<16xi32>,
      %add3A_737 = arith.addi %get3A_706, %get3A_708 : vector<16xi32>
      %add3A_738 = arith.addi %get3A_710, %get3A_712 : vector<16xi32>
      %add3A_739 = arith.addi %get3A_714, %get3A_716 : vector<16xi32>
      %add3A_740 = arith.addi %get3A_718, %get3A_720 : vector<16xi32>
      %add3A_741 = arith.addi %get3A_722, %get3A_724 : vector<16xi32>
      %add3A_742 = arith.addi %get3A_726, %get3A_728 : vector<16xi32>
      %add3A_743 = arith.addi %get3A_730, %get3A_732 : vector<16xi32>
      %add3A_744 = arith.addi %get3A_734, %get3A_736 : vector<16xi32>
      %add3A_745 = arith.addi %add3A_737, %add3A_738 : vector<16xi32>
      %add3A_746 = arith.addi %add3A_739, %add3A_740 : vector<16xi32>
      %add3A_747 = arith.addi %add3A_741, %add3A_742 : vector<16xi32>
      %add3A_748 = arith.addi %add3A_743, %add3A_744 : vector<16xi32>
      %add3A_749 = arith.addi %add3A_745, %add3A_746 : vector<16xi32>
      %add3A_750 = arith.addi %add3A_747, %add3A_748 : vector<16xi32>
      %add3A_751 = arith.addi %add3A_749, %add3A_750 : vector<16xi32>
      %mul3A_752 = arith.constant 16 : i32
      %mul3A_753 = vector.broadcast %mul3A_752 : i32 to vector<16xi32>
      %mul3A_754 = arith.muli %iota3A, %mul3A_753 : vector<16xi32>
      %add3A_755 = arith.constant 12 : i32
      %add3A_756 = vector.broadcast %add3A_755 : i32 to vector<16xi32>
      %add3A_757 = arith.addi %mul3A_754, %add3A_756 : vector<16xi32>
      tpu.vector_store_idx %arg9[%add3A_757], %add3A_751 : memref<256xi32, #tpu.memory_space<vmem>>[vector<16xi32>], vector<16xi32>,
      %get3A_758 = arith.constant 3328 : index
      %get3A_759 = tpu.vector_load %arg8[%get3A_758] {strides = array<i32>} : memref<8192xi32, #tpu.memory_space<vmem>>, vector<16xi32>,
      %get3A_760 = arith.constant 3344 : index
      %get3A_761 = tpu.vector_load %arg8[%get3A_760] {strides = array<i32>} : memref<8192xi32, #tpu.memory_space<vmem>>, vector<16xi32>,
      %get3A_762 = arith.constant 3360 : index
      %get3A_763 = tpu.vector_load %arg8[%get3A_762] {strides = array<i32>} : memref<8192xi32, #tpu.memory_space<vmem>>, vector<16xi32>,
      %get3A_764 = arith.constant 3376 : index
      %get3A_765 = tpu.vector_load %arg8[%get3A_764] {strides = array<i32>} : memref<8192xi32, #tpu.memory_space<vmem>>, vector<16xi32>,
      %get3A_766 = arith.constant 3392 : index
      %get3A_767 = tpu.vector_load %arg8[%get3A_766] {strides = array<i32>} : memref<8192xi32, #tpu.memory_space<vmem>>, vector<16xi32>,
      %get3A_768 = arith.constant 3408 : index
      %get3A_769 = tpu.vector_load %arg8[%get3A_768] {strides = array<i32>} : memref<8192xi32, #tpu.memory_space<vmem>>, vector<16xi32>,
      %get3A_770 = arith.constant 3424 : index
      %get3A_771 = tpu.vector_load %arg8[%get3A_770] {strides = array<i32>} : memref<8192xi32, #tpu.memory_space<vmem>>, vector<16xi32>,
      %get3A_772 = arith.constant 3440 : index
      %get3A_773 = tpu.vector_load %arg8[%get3A_772] {strides = array<i32>} : memref<8192xi32, #tpu.memory_space<vmem>>, vector<16xi32>,
      %get3A_774 = arith.constant 3456 : index
      %get3A_775 = tpu.vector_load %arg8[%get3A_774] {strides = array<i32>} : memref<8192xi32, #tpu.memory_space<vmem>>, vector<16xi32>,
      %get3A_776 = arith.constant 3472 : index
      %get3A_777 = tpu.vector_load %arg8[%get3A_776] {strides = array<i32>} : memref<8192xi32, #tpu.memory_space<vmem>>, vector<16xi32>,
      %get3A_778 = arith.constant 3488 : index
      %get3A_779 = tpu.vector_load %arg8[%get3A_778] {strides = array<i32>} : memref<8192xi32, #tpu.memory_space<vmem>>, vector<16xi32>,
      %get3A_780 = arith.constant 3504 : index
      %get3A_781 = tpu.vector_load %arg8[%get3A_780] {strides = array<i32>} : memref<8192xi32, #tpu.memory_space<vmem>>, vector<16xi32>,
      %get3A_782 = arith.constant 3520 : index
      %get3A_783 = tpu.vector_load %arg8[%get3A_782] {strides = array<i32>} : memref<8192xi32, #tpu.memory_space<vmem>>, vector<16xi32>,
      %get3A_784 = arith.constant 3536 : index
      %get3A_785 = tpu.vector_load %arg8[%get3A_784] {strides = array<i32>} : memref<8192xi32, #tpu.memory_space<vmem>>, vector<16xi32>,
      %get3A_786 = arith.constant 3552 : index
      %get3A_787 = tpu.vector_load %arg8[%get3A_786] {strides = array<i32>} : memref<8192xi32, #tpu.memory_space<vmem>>, vector<16xi32>,
      %get3A_788 = arith.constant 3568 : index
      %get3A_789 = tpu.vector_load %arg8[%get3A_788] {strides = array<i32>} : memref<8192xi32, #tpu.memory_space<vmem>>, vector<16xi32>,
      %add3A_790 = arith.addi %get3A_759, %get3A_761 : vector<16xi32>
      %add3A_791 = arith.addi %get3A_763, %get3A_765 : vector<16xi32>
      %add3A_792 = arith.addi %get3A_767, %get3A_769 : vector<16xi32>
      %add3A_793 = arith.addi %get3A_771, %get3A_773 : vector<16xi32>
      %add3A_794 = arith.addi %get3A_775, %get3A_777 : vector<16xi32>
      %add3A_795 = arith.addi %get3A_779, %get3A_781 : vector<16xi32>
      %add3A_796 = arith.addi %get3A_783, %get3A_785 : vector<16xi32>
      %add3A_797 = arith.addi %get3A_787, %get3A_789 : vector<16xi32>
      %add3A_798 = arith.addi %add3A_790, %add3A_791 : vector<16xi32>
      %add3A_799 = arith.addi %add3A_792, %add3A_793 : vector<16xi32>
      %add3A_800 = arith.addi %add3A_794, %add3A_795 : vector<16xi32>
      %add3A_801 = arith.addi %add3A_796, %add3A_797 : vector<16xi32>
      %add3A_802 = arith.addi %add3A_798, %add3A_799 : vector<16xi32>
      %add3A_803 = arith.addi %add3A_800, %add3A_801 : vector<16xi32>
      %add3A_804 = arith.addi %add3A_802, %add3A_803 : vector<16xi32>
      %mul3A_805 = arith.constant 16 : i32
      %mul3A_806 = vector.broadcast %mul3A_805 : i32 to vector<16xi32>
      %mul3A_807 = arith.muli %iota3A, %mul3A_806 : vector<16xi32>
      %add3A_808 = arith.constant 13 : i32
      %add3A_809 = vector.broadcast %add3A_808 : i32 to vector<16xi32>
      %add3A_810 = arith.addi %mul3A_807, %add3A_809 : vector<16xi32>
      tpu.vector_store_idx %arg9[%add3A_810], %add3A_804 : memref<256xi32, #tpu.memory_space<vmem>>[vector<16xi32>], vector<16xi32>,
      %get3A_811 = arith.constant 3584 : index
      %get3A_812 = tpu.vector_load %arg8[%get3A_811] {strides = array<i32>} : memref<8192xi32, #tpu.memory_space<vmem>>, vector<16xi32>,
      %get3A_813 = arith.constant 3600 : index
      %get3A_814 = tpu.vector_load %arg8[%get3A_813] {strides = array<i32>} : memref<8192xi32, #tpu.memory_space<vmem>>, vector<16xi32>,
      %get3A_815 = arith.constant 3616 : index
      %get3A_816 = tpu.vector_load %arg8[%get3A_815] {strides = array<i32>} : memref<8192xi32, #tpu.memory_space<vmem>>, vector<16xi32>,
      %get3A_817 = arith.constant 3632 : index
      %get3A_818 = tpu.vector_load %arg8[%get3A_817] {strides = array<i32>} : memref<8192xi32, #tpu.memory_space<vmem>>, vector<16xi32>,
      %get3A_819 = arith.constant 3648 : index
      %get3A_820 = tpu.vector_load %arg8[%get3A_819] {strides = array<i32>} : memref<8192xi32, #tpu.memory_space<vmem>>, vector<16xi32>,
      %get3A_821 = arith.constant 3664 : index
      %get3A_822 = tpu.vector_load %arg8[%get3A_821] {strides = array<i32>} : memref<8192xi32, #tpu.memory_space<vmem>>, vector<16xi32>,
      %get3A_823 = arith.constant 3680 : index
      %get3A_824 = tpu.vector_load %arg8[%get3A_823] {strides = array<i32>} : memref<8192xi32, #tpu.memory_space<vmem>>, vector<16xi32>,
      %get3A_825 = arith.constant 3696 : index
      %get3A_826 = tpu.vector_load %arg8[%get3A_825] {strides = array<i32>} : memref<8192xi32, #tpu.memory_space<vmem>>, vector<16xi32>,
      %get3A_827 = arith.constant 3712 : index
      %get3A_828 = tpu.vector_load %arg8[%get3A_827] {strides = array<i32>} : memref<8192xi32, #tpu.memory_space<vmem>>, vector<16xi32>,
      %get3A_829 = arith.constant 3728 : index
      %get3A_830 = tpu.vector_load %arg8[%get3A_829] {strides = array<i32>} : memref<8192xi32, #tpu.memory_space<vmem>>, vector<16xi32>,
      %get3A_831 = arith.constant 3744 : index
      %get3A_832 = tpu.vector_load %arg8[%get3A_831] {strides = array<i32>} : memref<8192xi32, #tpu.memory_space<vmem>>, vector<16xi32>,
      %get3A_833 = arith.constant 3760 : index
      %get3A_834 = tpu.vector_load %arg8[%get3A_833] {strides = array<i32>} : memref<8192xi32, #tpu.memory_space<vmem>>, vector<16xi32>,
      %get3A_835 = arith.constant 3776 : index
      %get3A_836 = tpu.vector_load %arg8[%get3A_835] {strides = array<i32>} : memref<8192xi32, #tpu.memory_space<vmem>>, vector<16xi32>,
      %get3A_837 = arith.constant 3792 : index
      %get3A_838 = tpu.vector_load %arg8[%get3A_837] {strides = array<i32>} : memref<8192xi32, #tpu.memory_space<vmem>>, vector<16xi32>,
      %get3A_839 = arith.constant 3808 : index
      %get3A_840 = tpu.vector_load %arg8[%get3A_839] {strides = array<i32>} : memref<8192xi32, #tpu.memory_space<vmem>>, vector<16xi32>,
      %get3A_841 = arith.constant 3824 : index
      %get3A_842 = tpu.vector_load %arg8[%get3A_841] {strides = array<i32>} : memref<8192xi32, #tpu.memory_space<vmem>>, vector<16xi32>,
      %add3A_843 = arith.addi %get3A_812, %get3A_814 : vector<16xi32>
      %add3A_844 = arith.addi %get3A_816, %get3A_818 : vector<16xi32>
      %add3A_845 = arith.addi %get3A_820, %get3A_822 : vector<16xi32>
      %add3A_846 = arith.addi %get3A_824, %get3A_826 : vector<16xi32>
      %add3A_847 = arith.addi %get3A_828, %get3A_830 : vector<16xi32>
      %add3A_848 = arith.addi %get3A_832, %get3A_834 : vector<16xi32>
      %add3A_849 = arith.addi %get3A_836, %get3A_838 : vector<16xi32>
      %add3A_850 = arith.addi %get3A_840, %get3A_842 : vector<16xi32>
      %add3A_851 = arith.addi %add3A_843, %add3A_844 : vector<16xi32>
      %add3A_852 = arith.addi %add3A_845, %add3A_846 : vector<16xi32>
      %add3A_853 = arith.addi %add3A_847, %add3A_848 : vector<16xi32>
      %add3A_854 = arith.addi %add3A_849, %add3A_850 : vector<16xi32>
      %add3A_855 = arith.addi %add3A_851, %add3A_852 : vector<16xi32>
      %add3A_856 = arith.addi %add3A_853, %add3A_854 : vector<16xi32>
      %add3A_857 = arith.addi %add3A_855, %add3A_856 : vector<16xi32>
      %mul3A_858 = arith.constant 16 : i32
      %mul3A_859 = vector.broadcast %mul3A_858 : i32 to vector<16xi32>
      %mul3A_860 = arith.muli %iota3A, %mul3A_859 : vector<16xi32>
      %add3A_861 = arith.constant 14 : i32
      %add3A_862 = vector.broadcast %add3A_861 : i32 to vector<16xi32>
      %add3A_863 = arith.addi %mul3A_860, %add3A_862 : vector<16xi32>
      tpu.vector_store_idx %arg9[%add3A_863], %add3A_857 : memref<256xi32, #tpu.memory_space<vmem>>[vector<16xi32>], vector<16xi32>,
      %get3A_864 = arith.constant 3840 : index
      %get3A_865 = tpu.vector_load %arg8[%get3A_864] {strides = array<i32>} : memref<8192xi32, #tpu.memory_space<vmem>>, vector<16xi32>,
      %get3A_866 = arith.constant 3856 : index
      %get3A_867 = tpu.vector_load %arg8[%get3A_866] {strides = array<i32>} : memref<8192xi32, #tpu.memory_space<vmem>>, vector<16xi32>,
      %get3A_868 = arith.constant 3872 : index
      %get3A_869 = tpu.vector_load %arg8[%get3A_868] {strides = array<i32>} : memref<8192xi32, #tpu.memory_space<vmem>>, vector<16xi32>,
      %get3A_870 = arith.constant 3888 : index
      %get3A_871 = tpu.vector_load %arg8[%get3A_870] {strides = array<i32>} : memref<8192xi32, #tpu.memory_space<vmem>>, vector<16xi32>,
      %get3A_872 = arith.constant 3904 : index
      %get3A_873 = tpu.vector_load %arg8[%get3A_872] {strides = array<i32>} : memref<8192xi32, #tpu.memory_space<vmem>>, vector<16xi32>,
      %get3A_874 = arith.constant 3920 : index
      %get3A_875 = tpu.vector_load %arg8[%get3A_874] {strides = array<i32>} : memref<8192xi32, #tpu.memory_space<vmem>>, vector<16xi32>,
      %get3A_876 = arith.constant 3936 : index
      %get3A_877 = tpu.vector_load %arg8[%get3A_876] {strides = array<i32>} : memref<8192xi32, #tpu.memory_space<vmem>>, vector<16xi32>,
      %get3A_878 = arith.constant 3952 : index
      %get3A_879 = tpu.vector_load %arg8[%get3A_878] {strides = array<i32>} : memref<8192xi32, #tpu.memory_space<vmem>>, vector<16xi32>,
      %get3A_880 = arith.constant 3968 : index
      %get3A_881 = tpu.vector_load %arg8[%get3A_880] {strides = array<i32>} : memref<8192xi32, #tpu.memory_space<vmem>>, vector<16xi32>,
      %get3A_882 = arith.constant 3984 : index
      %get3A_883 = tpu.vector_load %arg8[%get3A_882] {strides = array<i32>} : memref<8192xi32, #tpu.memory_space<vmem>>, vector<16xi32>,
      %get3A_884 = arith.constant 4000 : index
      %get3A_885 = tpu.vector_load %arg8[%get3A_884] {strides = array<i32>} : memref<8192xi32, #tpu.memory_space<vmem>>, vector<16xi32>,
      %get3A_886 = arith.constant 4016 : index
      %get3A_887 = tpu.vector_load %arg8[%get3A_886] {strides = array<i32>} : memref<8192xi32, #tpu.memory_space<vmem>>, vector<16xi32>,
      %get3A_888 = arith.constant 4032 : index
      %get3A_889 = tpu.vector_load %arg8[%get3A_888] {strides = array<i32>} : memref<8192xi32, #tpu.memory_space<vmem>>, vector<16xi32>,
      %get3A_890 = arith.constant 4048 : index
      %get3A_891 = tpu.vector_load %arg8[%get3A_890] {strides = array<i32>} : memref<8192xi32, #tpu.memory_space<vmem>>, vector<16xi32>,
      %get3A_892 = arith.constant 4064 : index
      %get3A_893 = tpu.vector_load %arg8[%get3A_892] {strides = array<i32>} : memref<8192xi32, #tpu.memory_space<vmem>>, vector<16xi32>,
      %get3A_894 = arith.constant 4080 : index
      %get3A_895 = tpu.vector_load %arg8[%get3A_894] {strides = array<i32>} : memref<8192xi32, #tpu.memory_space<vmem>>, vector<16xi32>,
      %add3A_896 = arith.addi %get3A_865, %get3A_867 : vector<16xi32>
      %add3A_897 = arith.addi %get3A_869, %get3A_871 : vector<16xi32>
      %add3A_898 = arith.addi %get3A_873, %get3A_875 : vector<16xi32>
      %add3A_899 = arith.addi %get3A_877, %get3A_879 : vector<16xi32>
      %add3A_900 = arith.addi %get3A_881, %get3A_883 : vector<16xi32>
      %add3A_901 = arith.addi %get3A_885, %get3A_887 : vector<16xi32>
      %add3A_902 = arith.addi %get3A_889, %get3A_891 : vector<16xi32>
      %add3A_903 = arith.addi %get3A_893, %get3A_895 : vector<16xi32>
      %add3A_904 = arith.addi %add3A_896, %add3A_897 : vector<16xi32>
      %add3A_905 = arith.addi %add3A_898, %add3A_899 : vector<16xi32>
      %add3A_906 = arith.addi %add3A_900, %add3A_901 : vector<16xi32>
      %add3A_907 = arith.addi %add3A_902, %add3A_903 : vector<16xi32>
      %add3A_908 = arith.addi %add3A_904, %add3A_905 : vector<16xi32>
      %add3A_909 = arith.addi %add3A_906, %add3A_907 : vector<16xi32>
      %add3A_910 = arith.addi %add3A_908, %add3A_909 : vector<16xi32>
      %mul3A_911 = arith.constant 16 : i32
      %mul3A_912 = vector.broadcast %mul3A_911 : i32 to vector<16xi32>
      %mul3A_913 = arith.muli %iota3A, %mul3A_912 : vector<16xi32>
      %add3A_914 = arith.constant 15 : i32
      %add3A_915 = vector.broadcast %add3A_914 : i32 to vector<16xi32>
      %add3A_916 = arith.addi %mul3A_913, %add3A_915 : vector<16xi32>
      tpu.vector_store_idx %arg9[%add3A_916], %add3A_910 : memref<256xi32, #tpu.memory_space<vmem>>[vector<16xi32>], vector<16xi32>,
      %get3A_917 = arith.constant 0 : index
      %get3A_918 = tpu.vector_load %arg9[%get3A_917] {strides = array<i32>} : memref<256xi32, #tpu.memory_space<vmem>>, vector<16xi32>,
      %get3A_919 = arith.constant 16 : index
      %get3A_920 = tpu.vector_load %arg9[%get3A_919] {strides = array<i32>} : memref<256xi32, #tpu.memory_space<vmem>>, vector<16xi32>,
      %get3A_921 = arith.constant 32 : index
      %get3A_922 = tpu.vector_load %arg9[%get3A_921] {strides = array<i32>} : memref<256xi32, #tpu.memory_space<vmem>>, vector<16xi32>,
      %get3A_923 = arith.constant 48 : index
      %get3A_924 = tpu.vector_load %arg9[%get3A_923] {strides = array<i32>} : memref<256xi32, #tpu.memory_space<vmem>>, vector<16xi32>,
      %get3A_925 = arith.constant 64 : index
      %get3A_926 = tpu.vector_load %arg9[%get3A_925] {strides = array<i32>} : memref<256xi32, #tpu.memory_space<vmem>>, vector<16xi32>,
      %get3A_927 = arith.constant 80 : index
      %get3A_928 = tpu.vector_load %arg9[%get3A_927] {strides = array<i32>} : memref<256xi32, #tpu.memory_space<vmem>>, vector<16xi32>,
      %get3A_929 = arith.constant 96 : index
      %get3A_930 = tpu.vector_load %arg9[%get3A_929] {strides = array<i32>} : memref<256xi32, #tpu.memory_space<vmem>>, vector<16xi32>,
      %get3A_931 = arith.constant 112 : index
      %get3A_932 = tpu.vector_load %arg9[%get3A_931] {strides = array<i32>} : memref<256xi32, #tpu.memory_space<vmem>>, vector<16xi32>,
      %get3A_933 = arith.constant 128 : index
      %get3A_934 = tpu.vector_load %arg9[%get3A_933] {strides = array<i32>} : memref<256xi32, #tpu.memory_space<vmem>>, vector<16xi32>,
      %get3A_935 = arith.constant 144 : index
      %get3A_936 = tpu.vector_load %arg9[%get3A_935] {strides = array<i32>} : memref<256xi32, #tpu.memory_space<vmem>>, vector<16xi32>,
      %get3A_937 = arith.constant 160 : index
      %get3A_938 = tpu.vector_load %arg9[%get3A_937] {strides = array<i32>} : memref<256xi32, #tpu.memory_space<vmem>>, vector<16xi32>,
      %get3A_939 = arith.constant 176 : index
      %get3A_940 = tpu.vector_load %arg9[%get3A_939] {strides = array<i32>} : memref<256xi32, #tpu.memory_space<vmem>>, vector<16xi32>,
      %get3A_941 = arith.constant 192 : index
      %get3A_942 = tpu.vector_load %arg9[%get3A_941] {strides = array<i32>} : memref<256xi32, #tpu.memory_space<vmem>>, vector<16xi32>,
      %get3A_943 = arith.constant 208 : index
      %get3A_944 = tpu.vector_load %arg9[%get3A_943] {strides = array<i32>} : memref<256xi32, #tpu.memory_space<vmem>>, vector<16xi32>,
      %get3A_945 = arith.constant 224 : index
      %get3A_946 = tpu.vector_load %arg9[%get3A_945] {strides = array<i32>} : memref<256xi32, #tpu.memory_space<vmem>>, vector<16xi32>,
      %get3A_947 = arith.constant 240 : index
      %get3A_948 = tpu.vector_load %arg9[%get3A_947] {strides = array<i32>} : memref<256xi32, #tpu.memory_space<vmem>>, vector<16xi32>,
      %add3A_949 = arith.addi %get3A_918, %get3A_920 : vector<16xi32>
      %add3A_950 = arith.addi %get3A_922, %get3A_924 : vector<16xi32>
      %add3A_951 = arith.addi %get3A_926, %get3A_928 : vector<16xi32>
      %add3A_952 = arith.addi %get3A_930, %get3A_932 : vector<16xi32>
      %add3A_953 = arith.addi %get3A_934, %get3A_936 : vector<16xi32>
      %add3A_954 = arith.addi %get3A_938, %get3A_940 : vector<16xi32>
      %add3A_955 = arith.addi %get3A_942, %get3A_944 : vector<16xi32>
      %add3A_956 = arith.addi %get3A_946, %get3A_948 : vector<16xi32>
      %add3A_957 = arith.addi %add3A_949, %add3A_950 : vector<16xi32>
      %add3A_958 = arith.addi %add3A_951, %add3A_952 : vector<16xi32>
      %add3A_959 = arith.addi %add3A_953, %add3A_954 : vector<16xi32>
      %add3A_960 = arith.addi %add3A_955, %add3A_956 : vector<16xi32>
      %add3A_961 = arith.addi %add3A_957, %add3A_958 : vector<16xi32>
      %add3A_962 = arith.addi %add3A_959, %add3A_960 : vector<16xi32>
      %add3A_963 = arith.addi %add3A_961, %add3A_962 : vector<16xi32>
      %rev3A = arith.constant 15 : i32
      %rev3A_964 = vector.broadcast %rev3A : i32 to vector<16xi32>
      %rev3A_965 = tpu.iota {dimensions = array<i32: 0>} : vector<16xi32>
      %rev3A_966 = arith.subi %rev3A_964, %rev3A_965 : vector<16xi32>
      %rev3A_967 = tpu.dynamic_gather %add3A_963[%rev3A_966] in [0] : vector<16xi32>, vector<16xi32> -> vector<16xi32>
      %broadcast_in_dim3A_968 = arith.constant true
      %broadcast_in_dim3A_969 = vector.broadcast %broadcast_in_dim3A_968 : i1 to vector<16xi1>
      %masked_cumsum3A = tpu.scan <sum>, %rev3A_967 masked %broadcast_in_dim3A_969 : vector<16xi32>, vector<16xi1> -> vector<16xi32>
      %ge3A = arith.cmpi sge, %masked_cumsum3A, %scan3A_50 : vector<16xi32>
      %all_reduce_population_count3A = tpu.all_reduce %ge3A {dim = 0 : i64, kind = #tpu.reduction_kind<sum>} : vector<16xi1> -> vector<16xi32>
      %sub3A_970 = arith.constant 1 : i32
      %sub3A_971 = vector.broadcast %sub3A_970 : i32 to vector<16xi32>
      %sub3A_972 = arith.subi %all_reduce_population_count3A, %sub3A_971 : vector<16xi32>
      %sub3A_973 = arith.constant 16 : i32
      %sub3A_974 = vector.broadcast %sub3A_973 : i32 to vector<16xi32>
      %sub3A_975 = arith.subi %sub3A_974, %all_reduce_population_count3A : vector<16xi32>
      %sub3A_976 = arith.constant 1 : i32
      %sub3A_977 = vector.broadcast %sub3A_976 : i32 to vector<16xi32>
      %sub3A_978 = arith.subi %sub3A_975, %sub3A_977 : vector<16xi32>
      %max3A = arith.constant 0 : i32
      %max3A_979 = vector.broadcast %max3A : i32 to vector<16xi32>
      %max3A_980 = arith.maxsi %sub3A_978, %max3A_979 : vector<16xi32>
      %lt3A = arith.constant 0 : i32
      %lt3A_981 = vector.broadcast %lt3A : i32 to vector<16xi32>
      %lt3A_982 = arith.cmpi slt, %max3A_980, %lt3A_981 : vector<16xi32>
      %add3A_983 = arith.constant 16 : i32
      %add3A_984 = vector.broadcast %add3A_983 : i32 to vector<16xi32>
      %add3A_985 = arith.addi %max3A_980, %add3A_984 : vector<16xi32>
      %select_n3A = arith.select %lt3A_982, %add3A_985, %max3A_980 : vector<16xi1>, vector<16xi32>
      %broadcast_in_dim3A_986 = vector.shape_cast %select_n3A : vector<16xi32> to vector<16x1xi32>
      %gather3A = vector.shape_cast %broadcast_in_dim3A_986 : vector<16x1xi32> to vector<16xi32>
      %gather3A_987 = tpu.dynamic_gather %masked_cumsum3A[%gather3A] in [0] : vector<16xi32>, vector<16xi32> -> vector<16xi32>
      %eq3A_988 = arith.constant 0 : i32
      %eq3A_989 = vector.broadcast %eq3A_988 : i32 to vector<16xi32>
      %eq3A_990 = arith.cmpi eq, %sub3A_975, %eq3A_989 : vector<16xi32>
      %select_n3A_991 = arith.select %eq3A_990, %broadcast_in_dim3A_14, %gather3A_987 : vector<16xi1>, vector<16xi32>
      %reduce_max3A = arith.constant true
      %reduce_max3A_992 = vector.broadcast %reduce_max3A : i1 to vector<16xi1>
      %reduce_max3A_993 = arith.constant -2147483648 : i32
      %reduce_max3A_994 = vector.broadcast %reduce_max3A_993 : i32 to vector<16xi32>
      %reduce_max3A_995 = arith.xori %sub3A_972, %reduce_max3A_994 : vector<16xi32>
      %reduce_max3A_996 = tpu.scan <max>, %reduce_max3A_995 masked %reduce_max3A_992 : vector<16xi32>, vector<16xi1> -> vector<16xi32>
      %reduce_max3A_997 = arith.xori %reduce_max3A_996, %reduce_max3A_994 : vector<16xi32>
      %reduce_max3A_998 = vector.extract %reduce_max3A_997[15] : i32 from vector<16xi32>
      %mul3A_999 = arith.constant 256 : i32
      %mul3A_1000 = arith.muli %reduce_max3A_998, %mul3A_999 : i32
      %add3A_1001 = arith.constant 0 : i32
      %add3A_1002 = arith.addi %add3A_1001, %mul3A_1000 : i32
      %add3A_1003 = arith.constant 0 : i32
      %add3A_1004 = arith.addi %add3A_1002, %add3A_1003 : i32
      %get3A_1005 = arith.index_cast %add3A_1004 : i32 to index
      %get3A_1006 = tpu.vector_load %arg8[%get3A_1005] {strides = array<i32>} : memref<8192xi32, #tpu.memory_space<vmem>>, vector<16xi32>,
      %mul3A_1007 = arith.constant 16 : i32
      %mul3A_1008 = vector.broadcast %mul3A_1007 : i32 to vector<16xi32>
      %mul3A_1009 = arith.muli %iota3A, %mul3A_1008 : vector<16xi32>
      %add3A_1010 = arith.constant 0 : i32
      %add3A_1011 = vector.broadcast %add3A_1010 : i32 to vector<16xi32>
      %add3A_1012 = arith.addi %mul3A_1009, %add3A_1011 : vector<16xi32>
      tpu.vector_store_idx %arg9[%add3A_1012], %get3A_1006 : memref<256xi32, #tpu.memory_space<vmem>>[vector<16xi32>], vector<16xi32>,
      %add3A_1013 = arith.constant 16 : i32
      %add3A_1014 = arith.addi %add3A_1002, %add3A_1013 : i32
      %get3A_1015 = arith.index_cast %add3A_1014 : i32 to index
      %get3A_1016 = tpu.vector_load %arg8[%get3A_1015] {strides = array<i32>} : memref<8192xi32, #tpu.memory_space<vmem>>, vector<16xi32>,
      %mul3A_1017 = arith.constant 16 : i32
      %mul3A_1018 = vector.broadcast %mul3A_1017 : i32 to vector<16xi32>
      %mul3A_1019 = arith.muli %iota3A, %mul3A_1018 : vector<16xi32>
      %add3A_1020 = arith.constant 1 : i32
      %add3A_1021 = vector.broadcast %add3A_1020 : i32 to vector<16xi32>
      %add3A_1022 = arith.addi %mul3A_1019, %add3A_1021 : vector<16xi32>
      tpu.vector_store_idx %arg9[%add3A_1022], %get3A_1016 : memref<256xi32, #tpu.memory_space<vmem>>[vector<16xi32>], vector<16xi32>,
      %add3A_1023 = arith.constant 32 : i32
      %add3A_1024 = arith.addi %add3A_1002, %add3A_1023 : i32
      %get3A_1025 = arith.index_cast %add3A_1024 : i32 to index
      %get3A_1026 = tpu.vector_load %arg8[%get3A_1025] {strides = array<i32>} : memref<8192xi32, #tpu.memory_space<vmem>>, vector<16xi32>,
      %mul3A_1027 = arith.constant 16 : i32
      %mul3A_1028 = vector.broadcast %mul3A_1027 : i32 to vector<16xi32>
      %mul3A_1029 = arith.muli %iota3A, %mul3A_1028 : vector<16xi32>
      %add3A_1030 = arith.constant 2 : i32
      %add3A_1031 = vector.broadcast %add3A_1030 : i32 to vector<16xi32>
      %add3A_1032 = arith.addi %mul3A_1029, %add3A_1031 : vector<16xi32>
      tpu.vector_store_idx %arg9[%add3A_1032], %get3A_1026 : memref<256xi32, #tpu.memory_space<vmem>>[vector<16xi32>], vector<16xi32>,
      %add3A_1033 = arith.constant 48 : i32
      %add3A_1034 = arith.addi %add3A_1002, %add3A_1033 : i32
      %get3A_1035 = arith.index_cast %add3A_1034 : i32 to index
      %get3A_1036 = tpu.vector_load %arg8[%get3A_1035] {strides = array<i32>} : memref<8192xi32, #tpu.memory_space<vmem>>, vector<16xi32>,
      %mul3A_1037 = arith.constant 16 : i32
      %mul3A_1038 = vector.broadcast %mul3A_1037 : i32 to vector<16xi32>
      %mul3A_1039 = arith.muli %iota3A, %mul3A_1038 : vector<16xi32>
      %add3A_1040 = arith.constant 3 : i32
      %add3A_1041 = vector.broadcast %add3A_1040 : i32 to vector<16xi32>
      %add3A_1042 = arith.addi %mul3A_1039, %add3A_1041 : vector<16xi32>
      tpu.vector_store_idx %arg9[%add3A_1042], %get3A_1036 : memref<256xi32, #tpu.memory_space<vmem>>[vector<16xi32>], vector<16xi32>,
      %add3A_1043 = arith.constant 64 : i32
      %add3A_1044 = arith.addi %add3A_1002, %add3A_1043 : i32
      %get3A_1045 = arith.index_cast %add3A_1044 : i32 to index
      %get3A_1046 = tpu.vector_load %arg8[%get3A_1045] {strides = array<i32>} : memref<8192xi32, #tpu.memory_space<vmem>>, vector<16xi32>,
      %mul3A_1047 = arith.constant 16 : i32
      %mul3A_1048 = vector.broadcast %mul3A_1047 : i32 to vector<16xi32>
      %mul3A_1049 = arith.muli %iota3A, %mul3A_1048 : vector<16xi32>
      %add3A_1050 = arith.constant 4 : i32
      %add3A_1051 = vector.broadcast %add3A_1050 : i32 to vector<16xi32>
      %add3A_1052 = arith.addi %mul3A_1049, %add3A_1051 : vector<16xi32>
      tpu.vector_store_idx %arg9[%add3A_1052], %get3A_1046 : memref<256xi32, #tpu.memory_space<vmem>>[vector<16xi32>], vector<16xi32>,
      %add3A_1053 = arith.constant 80 : i32
      %add3A_1054 = arith.addi %add3A_1002, %add3A_1053 : i32
      %get3A_1055 = arith.index_cast %add3A_1054 : i32 to index
      %get3A_1056 = tpu.vector_load %arg8[%get3A_1055] {strides = array<i32>} : memref<8192xi32, #tpu.memory_space<vmem>>, vector<16xi32>,
      %mul3A_1057 = arith.constant 16 : i32
      %mul3A_1058 = vector.broadcast %mul3A_1057 : i32 to vector<16xi32>
      %mul3A_1059 = arith.muli %iota3A, %mul3A_1058 : vector<16xi32>
      %add3A_1060 = arith.constant 5 : i32
      %add3A_1061 = vector.broadcast %add3A_1060 : i32 to vector<16xi32>
      %add3A_1062 = arith.addi %mul3A_1059, %add3A_1061 : vector<16xi32>
      tpu.vector_store_idx %arg9[%add3A_1062], %get3A_1056 : memref<256xi32, #tpu.memory_space<vmem>>[vector<16xi32>], vector<16xi32>,
      %add3A_1063 = arith.constant 96 : i32
      %add3A_1064 = arith.addi %add3A_1002, %add3A_1063 : i32
      %get3A_1065 = arith.index_cast %add3A_1064 : i32 to index
      %get3A_1066 = tpu.vector_load %arg8[%get3A_1065] {strides = array<i32>} : memref<8192xi32, #tpu.memory_space<vmem>>, vector<16xi32>,
      %mul3A_1067 = arith.constant 16 : i32
      %mul3A_1068 = vector.broadcast %mul3A_1067 : i32 to vector<16xi32>
      %mul3A_1069 = arith.muli %iota3A, %mul3A_1068 : vector<16xi32>
      %add3A_1070 = arith.constant 6 : i32
      %add3A_1071 = vector.broadcast %add3A_1070 : i32 to vector<16xi32>
      %add3A_1072 = arith.addi %mul3A_1069, %add3A_1071 : vector<16xi32>
      tpu.vector_store_idx %arg9[%add3A_1072], %get3A_1066 : memref<256xi32, #tpu.memory_space<vmem>>[vector<16xi32>], vector<16xi32>,
      %add3A_1073 = arith.constant 112 : i32
      %add3A_1074 = arith.addi %add3A_1002, %add3A_1073 : i32
      %get3A_1075 = arith.index_cast %add3A_1074 : i32 to index
      %get3A_1076 = tpu.vector_load %arg8[%get3A_1075] {strides = array<i32>} : memref<8192xi32, #tpu.memory_space<vmem>>, vector<16xi32>,
      %mul3A_1077 = arith.constant 16 : i32
      %mul3A_1078 = vector.broadcast %mul3A_1077 : i32 to vector<16xi32>
      %mul3A_1079 = arith.muli %iota3A, %mul3A_1078 : vector<16xi32>
      %add3A_1080 = arith.constant 7 : i32
      %add3A_1081 = vector.broadcast %add3A_1080 : i32 to vector<16xi32>
      %add3A_1082 = arith.addi %mul3A_1079, %add3A_1081 : vector<16xi32>
      tpu.vector_store_idx %arg9[%add3A_1082], %get3A_1076 : memref<256xi32, #tpu.memory_space<vmem>>[vector<16xi32>], vector<16xi32>,
      %add3A_1083 = arith.constant 128 : i32
      %add3A_1084 = arith.addi %add3A_1002, %add3A_1083 : i32
      %get3A_1085 = arith.index_cast %add3A_1084 : i32 to index
      %get3A_1086 = tpu.vector_load %arg8[%get3A_1085] {strides = array<i32>} : memref<8192xi32, #tpu.memory_space<vmem>>, vector<16xi32>,
      %mul3A_1087 = arith.constant 16 : i32
      %mul3A_1088 = vector.broadcast %mul3A_1087 : i32 to vector<16xi32>
      %mul3A_1089 = arith.muli %iota3A, %mul3A_1088 : vector<16xi32>
      %add3A_1090 = arith.constant 8 : i32
      %add3A_1091 = vector.broadcast %add3A_1090 : i32 to vector<16xi32>
      %add3A_1092 = arith.addi %mul3A_1089, %add3A_1091 : vector<16xi32>
      tpu.vector_store_idx %arg9[%add3A_1092], %get3A_1086 : memref<256xi32, #tpu.memory_space<vmem>>[vector<16xi32>], vector<16xi32>,
      %add3A_1093 = arith.constant 144 : i32
      %add3A_1094 = arith.addi %add3A_1002, %add3A_1093 : i32
      %get3A_1095 = arith.index_cast %add3A_1094 : i32 to index
      %get3A_1096 = tpu.vector_load %arg8[%get3A_1095] {strides = array<i32>} : memref<8192xi32, #tpu.memory_space<vmem>>, vector<16xi32>,
      %mul3A_1097 = arith.constant 16 : i32
      %mul3A_1098 = vector.broadcast %mul3A_1097 : i32 to vector<16xi32>
      %mul3A_1099 = arith.muli %iota3A, %mul3A_1098 : vector<16xi32>
      %add3A_1100 = arith.constant 9 : i32
      %add3A_1101 = vector.broadcast %add3A_1100 : i32 to vector<16xi32>
      %add3A_1102 = arith.addi %mul3A_1099, %add3A_1101 : vector<16xi32>
      tpu.vector_store_idx %arg9[%add3A_1102], %get3A_1096 : memref<256xi32, #tpu.memory_space<vmem>>[vector<16xi32>], vector<16xi32>,
      %add3A_1103 = arith.constant 160 : i32
      %add3A_1104 = arith.addi %add3A_1002, %add3A_1103 : i32
      %get3A_1105 = arith.index_cast %add3A_1104 : i32 to index
      %get3A_1106 = tpu.vector_load %arg8[%get3A_1105] {strides = array<i32>} : memref<8192xi32, #tpu.memory_space<vmem>>, vector<16xi32>,
      %mul3A_1107 = arith.constant 16 : i32
      %mul3A_1108 = vector.broadcast %mul3A_1107 : i32 to vector<16xi32>
      %mul3A_1109 = arith.muli %iota3A, %mul3A_1108 : vector<16xi32>
      %add3A_1110 = arith.constant 10 : i32
      %add3A_1111 = vector.broadcast %add3A_1110 : i32 to vector<16xi32>
      %add3A_1112 = arith.addi %mul3A_1109, %add3A_1111 : vector<16xi32>
      tpu.vector_store_idx %arg9[%add3A_1112], %get3A_1106 : memref<256xi32, #tpu.memory_space<vmem>>[vector<16xi32>], vector<16xi32>,
      %add3A_1113 = arith.constant 176 : i32
      %add3A_1114 = arith.addi %add3A_1002, %add3A_1113 : i32
      %get3A_1115 = arith.index_cast %add3A_1114 : i32 to index
      %get3A_1116 = tpu.vector_load %arg8[%get3A_1115] {strides = array<i32>} : memref<8192xi32, #tpu.memory_space<vmem>>, vector<16xi32>,
      %mul3A_1117 = arith.constant 16 : i32
      %mul3A_1118 = vector.broadcast %mul3A_1117 : i32 to vector<16xi32>
      %mul3A_1119 = arith.muli %iota3A, %mul3A_1118 : vector<16xi32>
      %add3A_1120 = arith.constant 11 : i32
      %add3A_1121 = vector.broadcast %add3A_1120 : i32 to vector<16xi32>
      %add3A_1122 = arith.addi %mul3A_1119, %add3A_1121 : vector<16xi32>
      tpu.vector_store_idx %arg9[%add3A_1122], %get3A_1116 : memref<256xi32, #tpu.memory_space<vmem>>[vector<16xi32>], vector<16xi32>,
      %add3A_1123 = arith.constant 192 : i32
      %add3A_1124 = arith.addi %add3A_1002, %add3A_1123 : i32
      %get3A_1125 = arith.index_cast %add3A_1124 : i32 to index
      %get3A_1126 = tpu.vector_load %arg8[%get3A_1125] {strides = array<i32>} : memref<8192xi32, #tpu.memory_space<vmem>>, vector<16xi32>,
      %mul3A_1127 = arith.constant 16 : i32
      %mul3A_1128 = vector.broadcast %mul3A_1127 : i32 to vector<16xi32>
      %mul3A_1129 = arith.muli %iota3A, %mul3A_1128 : vector<16xi32>
      %add3A_1130 = arith.constant 12 : i32
      %add3A_1131 = vector.broadcast %add3A_1130 : i32 to vector<16xi32>
      %add3A_1132 = arith.addi %mul3A_1129, %add3A_1131 : vector<16xi32>
      tpu.vector_store_idx %arg9[%add3A_1132], %get3A_1126 : memref<256xi32, #tpu.memory_space<vmem>>[vector<16xi32>], vector<16xi32>,
      %add3A_1133 = arith.constant 208 : i32
      %add3A_1134 = arith.addi %add3A_1002, %add3A_1133 : i32
      %get3A_1135 = arith.index_cast %add3A_1134 : i32 to index
      %get3A_1136 = tpu.vector_load %arg8[%get3A_1135] {strides = array<i32>} : memref<8192xi32, #tpu.memory_space<vmem>>, vector<16xi32>,
      %mul3A_1137 = arith.constant 16 : i32
      %mul3A_1138 = vector.broadcast %mul3A_1137 : i32 to vector<16xi32>
      %mul3A_1139 = arith.muli %iota3A, %mul3A_1138 : vector<16xi32>
      %add3A_1140 = arith.constant 13 : i32
      %add3A_1141 = vector.broadcast %add3A_1140 : i32 to vector<16xi32>
      %add3A_1142 = arith.addi %mul3A_1139, %add3A_1141 : vector<16xi32>
      tpu.vector_store_idx %arg9[%add3A_1142], %get3A_1136 : memref<256xi32, #tpu.memory_space<vmem>>[vector<16xi32>], vector<16xi32>,
      %add3A_1143 = arith.constant 224 : i32
      %add3A_1144 = arith.addi %add3A_1002, %add3A_1143 : i32
      %get3A_1145 = arith.index_cast %add3A_1144 : i32 to index
      %get3A_1146 = tpu.vector_load %arg8[%get3A_1145] {strides = array<i32>} : memref<8192xi32, #tpu.memory_space<vmem>>, vector<16xi32>,
      %mul3A_1147 = arith.constant 16 : i32
      %mul3A_1148 = vector.broadcast %mul3A_1147 : i32 to vector<16xi32>
      %mul3A_1149 = arith.muli %iota3A, %mul3A_1148 : vector<16xi32>
      %add3A_1150 = arith.constant 14 : i32
      %add3A_1151 = vector.broadcast %add3A_1150 : i32 to vector<16xi32>
      %add3A_1152 = arith.addi %mul3A_1149, %add3A_1151 : vector<16xi32>
      tpu.vector_store_idx %arg9[%add3A_1152], %get3A_1146 : memref<256xi32, #tpu.memory_space<vmem>>[vector<16xi32>], vector<16xi32>,
      %add3A_1153 = arith.constant 240 : i32
      %add3A_1154 = arith.addi %add3A_1002, %add3A_1153 : i32
      %get3A_1155 = arith.index_cast %add3A_1154 : i32 to index
      %get3A_1156 = tpu.vector_load %arg8[%get3A_1155] {strides = array<i32>} : memref<8192xi32, #tpu.memory_space<vmem>>, vector<16xi32>,
      %mul3A_1157 = arith.constant 16 : i32
      %mul3A_1158 = vector.broadcast %mul3A_1157 : i32 to vector<16xi32>
      %mul3A_1159 = arith.muli %iota3A, %mul3A_1158 : vector<16xi32>
      %add3A_1160 = arith.constant 15 : i32
      %add3A_1161 = vector.broadcast %add3A_1160 : i32 to vector<16xi32>
      %add3A_1162 = arith.addi %mul3A_1159, %add3A_1161 : vector<16xi32>
      tpu.vector_store_idx %arg9[%add3A_1162], %get3A_1156 : memref<256xi32, #tpu.memory_space<vmem>>[vector<16xi32>], vector<16xi32>,
      %get3A_1163 = arith.constant 0 : index
      %get3A_1164 = tpu.vector_load %arg9[%get3A_1163] {strides = array<i32>} : memref<256xi32, #tpu.memory_space<vmem>>, vector<16xi32>,
      %get3A_1165 = arith.constant 16 : index
      %get3A_1166 = tpu.vector_load %arg9[%get3A_1165] {strides = array<i32>} : memref<256xi32, #tpu.memory_space<vmem>>, vector<16xi32>,
      %get3A_1167 = arith.constant 32 : index
      %get3A_1168 = tpu.vector_load %arg9[%get3A_1167] {strides = array<i32>} : memref<256xi32, #tpu.memory_space<vmem>>, vector<16xi32>,
      %get3A_1169 = arith.constant 48 : index
      %get3A_1170 = tpu.vector_load %arg9[%get3A_1169] {strides = array<i32>} : memref<256xi32, #tpu.memory_space<vmem>>, vector<16xi32>,
      %get3A_1171 = arith.constant 64 : index
      %get3A_1172 = tpu.vector_load %arg9[%get3A_1171] {strides = array<i32>} : memref<256xi32, #tpu.memory_space<vmem>>, vector<16xi32>,
      %get3A_1173 = arith.constant 80 : index
      %get3A_1174 = tpu.vector_load %arg9[%get3A_1173] {strides = array<i32>} : memref<256xi32, #tpu.memory_space<vmem>>, vector<16xi32>,
      %get3A_1175 = arith.constant 96 : index
      %get3A_1176 = tpu.vector_load %arg9[%get3A_1175] {strides = array<i32>} : memref<256xi32, #tpu.memory_space<vmem>>, vector<16xi32>,
      %get3A_1177 = arith.constant 112 : index
      %get3A_1178 = tpu.vector_load %arg9[%get3A_1177] {strides = array<i32>} : memref<256xi32, #tpu.memory_space<vmem>>, vector<16xi32>,
      %get3A_1179 = arith.constant 128 : index
      %get3A_1180 = tpu.vector_load %arg9[%get3A_1179] {strides = array<i32>} : memref<256xi32, #tpu.memory_space<vmem>>, vector<16xi32>,
      %get3A_1181 = arith.constant 144 : index
      %get3A_1182 = tpu.vector_load %arg9[%get3A_1181] {strides = array<i32>} : memref<256xi32, #tpu.memory_space<vmem>>, vector<16xi32>,
      %get3A_1183 = arith.constant 160 : index
      %get3A_1184 = tpu.vector_load %arg9[%get3A_1183] {strides = array<i32>} : memref<256xi32, #tpu.memory_space<vmem>>, vector<16xi32>,
      %get3A_1185 = arith.constant 176 : index
      %get3A_1186 = tpu.vector_load %arg9[%get3A_1185] {strides = array<i32>} : memref<256xi32, #tpu.memory_space<vmem>>, vector<16xi32>,
      %get3A_1187 = arith.constant 192 : index
      %get3A_1188 = tpu.vector_load %arg9[%get3A_1187] {strides = array<i32>} : memref<256xi32, #tpu.memory_space<vmem>>, vector<16xi32>,
      %get3A_1189 = arith.constant 208 : index
      %get3A_1190 = tpu.vector_load %arg9[%get3A_1189] {strides = array<i32>} : memref<256xi32, #tpu.memory_space<vmem>>, vector<16xi32>,
      %get3A_1191 = arith.constant 224 : index
      %get3A_1192 = tpu.vector_load %arg9[%get3A_1191] {strides = array<i32>} : memref<256xi32, #tpu.memory_space<vmem>>, vector<16xi32>,
      %get3A_1193 = arith.constant 240 : index
      %get3A_1194 = tpu.vector_load %arg9[%get3A_1193] {strides = array<i32>} : memref<256xi32, #tpu.memory_space<vmem>>, vector<16xi32>,
      %add3A_1195 = arith.addi %get3A_1164, %get3A_1166 : vector<16xi32>
      %add3A_1196 = arith.addi %get3A_1168, %get3A_1170 : vector<16xi32>
      %add3A_1197 = arith.addi %get3A_1172, %get3A_1174 : vector<16xi32>
      %add3A_1198 = arith.addi %get3A_1176, %get3A_1178 : vector<16xi32>
      %add3A_1199 = arith.addi %get3A_1180, %get3A_1182 : vector<16xi32>
      %add3A_1200 = arith.addi %get3A_1184, %get3A_1186 : vector<16xi32>
      %add3A_1201 = arith.addi %get3A_1188, %get3A_1190 : vector<16xi32>
      %add3A_1202 = arith.addi %get3A_1192, %get3A_1194 : vector<16xi32>
      %add3A_1203 = arith.addi %add3A_1195, %add3A_1196 : vector<16xi32>
      %add3A_1204 = arith.addi %add3A_1197, %add3A_1198 : vector<16xi32>
      %add3A_1205 = arith.addi %add3A_1199, %add3A_1200 : vector<16xi32>
      %add3A_1206 = arith.addi %add3A_1201, %add3A_1202 : vector<16xi32>
      %add3A_1207 = arith.addi %add3A_1203, %add3A_1204 : vector<16xi32>
      %add3A_1208 = arith.addi %add3A_1205, %add3A_1206 : vector<16xi32>
      %add3A_1209 = arith.addi %add3A_1207, %add3A_1208 : vector<16xi32>
      %sub3A_1210 = arith.subi %scan3A_50, %select_n3A_991 : vector<16xi32>
      %rev3A_1211 = arith.constant 15 : i32
      %rev3A_1212 = vector.broadcast %rev3A_1211 : i32 to vector<16xi32>
      %rev3A_1213 = tpu.iota {dimensions = array<i32: 0>} : vector<16xi32>
      %rev3A_1214 = arith.subi %rev3A_1212, %rev3A_1213 : vector<16xi32>
      %rev3A_1215 = tpu.dynamic_gather %add3A_1209[%rev3A_1214] in [0] : vector<16xi32>, vector<16xi32> -> vector<16xi32>
      %broadcast_in_dim3A_1216 = arith.constant true
      %broadcast_in_dim3A_1217 = vector.broadcast %broadcast_in_dim3A_1216 : i1 to vector<16xi1>
      %masked_cumsum3A_1218 = tpu.scan <sum>, %rev3A_1215 masked %broadcast_in_dim3A_1217 : vector<16xi32>, vector<16xi1> -> vector<16xi32>
      %ge3A_1219 = arith.cmpi sge, %masked_cumsum3A_1218, %sub3A_1210 : vector<16xi32>
      %all_reduce_population_count3A_1220 = tpu.all_reduce %ge3A_1219 {dim = 0 : i64, kind = #tpu.reduction_kind<sum>} : vector<16xi1> -> vector<16xi32>
      %sub3A_1221 = arith.constant 1 : i32
      %sub3A_1222 = vector.broadcast %sub3A_1221 : i32 to vector<16xi32>
      %sub3A_1223 = arith.subi %all_reduce_population_count3A_1220, %sub3A_1222 : vector<16xi32>
      %sub3A_1224 = arith.constant 16 : i32
      %sub3A_1225 = vector.broadcast %sub3A_1224 : i32 to vector<16xi32>
      %sub3A_1226 = arith.subi %sub3A_1225, %all_reduce_population_count3A_1220 : vector<16xi32>
      %sub3A_1227 = arith.constant 1 : i32
      %sub3A_1228 = vector.broadcast %sub3A_1227 : i32 to vector<16xi32>
      %sub3A_1229 = arith.subi %sub3A_1226, %sub3A_1228 : vector<16xi32>
      %max3A_1230 = arith.constant 0 : i32
      %max3A_1231 = vector.broadcast %max3A_1230 : i32 to vector<16xi32>
      %max3A_1232 = arith.maxsi %sub3A_1229, %max3A_1231 : vector<16xi32>
      %lt3A_1233 = arith.constant 0 : i32
      %lt3A_1234 = vector.broadcast %lt3A_1233 : i32 to vector<16xi32>
      %lt3A_1235 = arith.cmpi slt, %max3A_1232, %lt3A_1234 : vector<16xi32>
      %add3A_1236 = arith.constant 16 : i32
      %add3A_1237 = vector.broadcast %add3A_1236 : i32 to vector<16xi32>
      %add3A_1238 = arith.addi %max3A_1232, %add3A_1237 : vector<16xi32>
      %select_n3A_1239 = arith.select %lt3A_1235, %add3A_1238, %max3A_1232 : vector<16xi1>, vector<16xi32>
      %broadcast_in_dim3A_1240 = vector.shape_cast %select_n3A_1239 : vector<16xi32> to vector<16x1xi32>
      %gather3A_1241 = vector.shape_cast %broadcast_in_dim3A_1240 : vector<16x1xi32> to vector<16xi32>
      %gather3A_1242 = tpu.dynamic_gather %masked_cumsum3A_1218[%gather3A_1241] in [0] : vector<16xi32>, vector<16xi32> -> vector<16xi32>
      %eq3A_1243 = arith.constant 0 : i32
      %eq3A_1244 = vector.broadcast %eq3A_1243 : i32 to vector<16xi32>
      %eq3A_1245 = arith.cmpi eq, %sub3A_1226, %eq3A_1244 : vector<16xi32>
      %select_n3A_1246 = arith.select %eq3A_1245, %broadcast_in_dim3A_14, %gather3A_1242 : vector<16xi1>, vector<16xi32>
      %mul3A_1247 = arith.constant 16 : i32
      %mul3A_1248 = vector.broadcast %mul3A_1247 : i32 to vector<16xi32>
      %mul3A_1249 = arith.muli %sub3A_972, %mul3A_1248 : vector<16xi32>
      %add3A_1250 = arith.addi %mul3A_1249, %sub3A_1223 : vector<16xi32>
      %add3A_1251 = arith.addi %select_n3A_991, %select_n3A_1246 : vector<16xi32>
      %get3A_1252 = arith.constant 4096 : index
      %get3A_1253 = tpu.vector_load %arg8[%get3A_1252] {strides = array<i32>} : memref<8192xi32, #tpu.memory_space<vmem>>, vector<16xi32>,
      %get3A_1254 = arith.constant 4112 : index
      %get3A_1255 = tpu.vector_load %arg8[%get3A_1254] {strides = array<i32>} : memref<8192xi32, #tpu.memory_space<vmem>>, vector<16xi32>,
      %get3A_1256 = arith.constant 4128 : index
      %get3A_1257 = tpu.vector_load %arg8[%get3A_1256] {strides = array<i32>} : memref<8192xi32, #tpu.memory_space<vmem>>, vector<16xi32>,
      %get3A_1258 = arith.constant 4144 : index
      %get3A_1259 = tpu.vector_load %arg8[%get3A_1258] {strides = array<i32>} : memref<8192xi32, #tpu.memory_space<vmem>>, vector<16xi32>,
      %get3A_1260 = arith.constant 4160 : index
      %get3A_1261 = tpu.vector_load %arg8[%get3A_1260] {strides = array<i32>} : memref<8192xi32, #tpu.memory_space<vmem>>, vector<16xi32>,
      %get3A_1262 = arith.constant 4176 : index
      %get3A_1263 = tpu.vector_load %arg8[%get3A_1262] {strides = array<i32>} : memref<8192xi32, #tpu.memory_space<vmem>>, vector<16xi32>,
      %get3A_1264 = arith.constant 4192 : index
      %get3A_1265 = tpu.vector_load %arg8[%get3A_1264] {strides = array<i32>} : memref<8192xi32, #tpu.memory_space<vmem>>, vector<16xi32>,
      %get3A_1266 = arith.constant 4208 : index
      %get3A_1267 = tpu.vector_load %arg8[%get3A_1266] {strides = array<i32>} : memref<8192xi32, #tpu.memory_space<vmem>>, vector<16xi32>,
      %get3A_1268 = arith.constant 4224 : index
      %get3A_1269 = tpu.vector_load %arg8[%get3A_1268] {strides = array<i32>} : memref<8192xi32, #tpu.memory_space<vmem>>, vector<16xi32>,
      %get3A_1270 = arith.constant 4240 : index
      %get3A_1271 = tpu.vector_load %arg8[%get3A_1270] {strides = array<i32>} : memref<8192xi32, #tpu.memory_space<vmem>>, vector<16xi32>,
      %get3A_1272 = arith.constant 4256 : index
      %get3A_1273 = tpu.vector_load %arg8[%get3A_1272] {strides = array<i32>} : memref<8192xi32, #tpu.memory_space<vmem>>, vector<16xi32>,
      %get3A_1274 = arith.constant 4272 : index
      %get3A_1275 = tpu.vector_load %arg8[%get3A_1274] {strides = array<i32>} : memref<8192xi32, #tpu.memory_space<vmem>>, vector<16xi32>,
      %get3A_1276 = arith.constant 4288 : index
      %get3A_1277 = tpu.vector_load %arg8[%get3A_1276] {strides = array<i32>} : memref<8192xi32, #tpu.memory_space<vmem>>, vector<16xi32>,
      %get3A_1278 = arith.constant 4304 : index
      %get3A_1279 = tpu.vector_load %arg8[%get3A_1278] {strides = array<i32>} : memref<8192xi32, #tpu.memory_space<vmem>>, vector<16xi32>,
      %get3A_1280 = arith.constant 4320 : index
      %get3A_1281 = tpu.vector_load %arg8[%get3A_1280] {strides = array<i32>} : memref<8192xi32, #tpu.memory_space<vmem>>, vector<16xi32>,
      %get3A_1282 = arith.constant 4336 : index
      %get3A_1283 = tpu.vector_load %arg8[%get3A_1282] {strides = array<i32>} : memref<8192xi32, #tpu.memory_space<vmem>>, vector<16xi32>,
      %add3A_1284 = arith.addi %get3A_1253, %get3A_1255 : vector<16xi32>
      %add3A_1285 = arith.addi %get3A_1257, %get3A_1259 : vector<16xi32>
      %add3A_1286 = arith.addi %get3A_1261, %get3A_1263 : vector<16xi32>
      %add3A_1287 = arith.addi %get3A_1265, %get3A_1267 : vector<16xi32>
      %add3A_1288 = arith.addi %get3A_1269, %get3A_1271 : vector<16xi32>
      %add3A_1289 = arith.addi %get3A_1273, %get3A_1275 : vector<16xi32>
      %add3A_1290 = arith.addi %get3A_1277, %get3A_1279 : vector<16xi32>
      %add3A_1291 = arith.addi %get3A_1281, %get3A_1283 : vector<16xi32>
      %add3A_1292 = arith.addi %add3A_1284, %add3A_1285 : vector<16xi32>
      %add3A_1293 = arith.addi %add3A_1286, %add3A_1287 : vector<16xi32>
      %add3A_1294 = arith.addi %add3A_1288, %add3A_1289 : vector<16xi32>
      %add3A_1295 = arith.addi %add3A_1290, %add3A_1291 : vector<16xi32>
      %add3A_1296 = arith.addi %add3A_1292, %add3A_1293 : vector<16xi32>
      %add3A_1297 = arith.addi %add3A_1294, %add3A_1295 : vector<16xi32>
      %add3A_1298 = arith.addi %add3A_1296, %add3A_1297 : vector<16xi32>
      %mul3A_1299 = arith.constant 16 : i32
      %mul3A_1300 = vector.broadcast %mul3A_1299 : i32 to vector<16xi32>
      %mul3A_1301 = arith.muli %iota3A, %mul3A_1300 : vector<16xi32>
      %add3A_1302 = arith.constant 0 : i32
      %add3A_1303 = vector.broadcast %add3A_1302 : i32 to vector<16xi32>
      %add3A_1304 = arith.addi %mul3A_1301, %add3A_1303 : vector<16xi32>
      tpu.vector_store_idx %arg10[%add3A_1304], %add3A_1298 : memref<256xi32, #tpu.memory_space<vmem>>[vector<16xi32>], vector<16xi32>,
      %get3A_1305 = arith.constant 4352 : index
      %get3A_1306 = tpu.vector_load %arg8[%get3A_1305] {strides = array<i32>} : memref<8192xi32, #tpu.memory_space<vmem>>, vector<16xi32>,
      %get3A_1307 = arith.constant 4368 : index
      %get3A_1308 = tpu.vector_load %arg8[%get3A_1307] {strides = array<i32>} : memref<8192xi32, #tpu.memory_space<vmem>>, vector<16xi32>,
      %get3A_1309 = arith.constant 4384 : index
      %get3A_1310 = tpu.vector_load %arg8[%get3A_1309] {strides = array<i32>} : memref<8192xi32, #tpu.memory_space<vmem>>, vector<16xi32>,
      %get3A_1311 = arith.constant 4400 : index
      %get3A_1312 = tpu.vector_load %arg8[%get3A_1311] {strides = array<i32>} : memref<8192xi32, #tpu.memory_space<vmem>>, vector<16xi32>,
      %get3A_1313 = arith.constant 4416 : index
      %get3A_1314 = tpu.vector_load %arg8[%get3A_1313] {strides = array<i32>} : memref<8192xi32, #tpu.memory_space<vmem>>, vector<16xi32>,
      %get3A_1315 = arith.constant 4432 : index
      %get3A_1316 = tpu.vector_load %arg8[%get3A_1315] {strides = array<i32>} : memref<8192xi32, #tpu.memory_space<vmem>>, vector<16xi32>,
      %get3A_1317 = arith.constant 4448 : index
      %get3A_1318 = tpu.vector_load %arg8[%get3A_1317] {strides = array<i32>} : memref<8192xi32, #tpu.memory_space<vmem>>, vector<16xi32>,
      %get3A_1319 = arith.constant 4464 : index
      %get3A_1320 = tpu.vector_load %arg8[%get3A_1319] {strides = array<i32>} : memref<8192xi32, #tpu.memory_space<vmem>>, vector<16xi32>,
      %get3A_1321 = arith.constant 4480 : index
      %get3A_1322 = tpu.vector_load %arg8[%get3A_1321] {strides = array<i32>} : memref<8192xi32, #tpu.memory_space<vmem>>, vector<16xi32>,
      %get3A_1323 = arith.constant 4496 : index
      %get3A_1324 = tpu.vector_load %arg8[%get3A_1323] {strides = array<i32>} : memref<8192xi32, #tpu.memory_space<vmem>>, vector<16xi32>,
      %get3A_1325 = arith.constant 4512 : index
      %get3A_1326 = tpu.vector_load %arg8[%get3A_1325] {strides = array<i32>} : memref<8192xi32, #tpu.memory_space<vmem>>, vector<16xi32>,
      %get3A_1327 = arith.constant 4528 : index
      %get3A_1328 = tpu.vector_load %arg8[%get3A_1327] {strides = array<i32>} : memref<8192xi32, #tpu.memory_space<vmem>>, vector<16xi32>,
      %get3A_1329 = arith.constant 4544 : index
      %get3A_1330 = tpu.vector_load %arg8[%get3A_1329] {strides = array<i32>} : memref<8192xi32, #tpu.memory_space<vmem>>, vector<16xi32>,
      %get3A_1331 = arith.constant 4560 : index
      %get3A_1332 = tpu.vector_load %arg8[%get3A_1331] {strides = array<i32>} : memref<8192xi32, #tpu.memory_space<vmem>>, vector<16xi32>,
      %get3A_1333 = arith.constant 4576 : index
      %get3A_1334 = tpu.vector_load %arg8[%get3A_1333] {strides = array<i32>} : memref<8192xi32, #tpu.memory_space<vmem>>, vector<16xi32>,
      %get3A_1335 = arith.constant 4592 : index
      %get3A_1336 = tpu.vector_load %arg8[%get3A_1335] {strides = array<i32>} : memref<8192xi32, #tpu.memory_space<vmem>>, vector<16xi32>,
      %add3A_1337 = arith.addi %get3A_1306, %get3A_1308 : vector<16xi32>
      %add3A_1338 = arith.addi %get3A_1310, %get3A_1312 : vector<16xi32>
      %add3A_1339 = arith.addi %get3A_1314, %get3A_1316 : vector<16xi32>
      %add3A_1340 = arith.addi %get3A_1318, %get3A_1320 : vector<16xi32>
      %add3A_1341 = arith.addi %get3A_1322, %get3A_1324 : vector<16xi32>
      %add3A_1342 = arith.addi %get3A_1326, %get3A_1328 : vector<16xi32>
      %add3A_1343 = arith.addi %get3A_1330, %get3A_1332 : vector<16xi32>
      %add3A_1344 = arith.addi %get3A_1334, %get3A_1336 : vector<16xi32>
      %add3A_1345 = arith.addi %add3A_1337, %add3A_1338 : vector<16xi32>
      %add3A_1346 = arith.addi %add3A_1339, %add3A_1340 : vector<16xi32>
      %add3A_1347 = arith.addi %add3A_1341, %add3A_1342 : vector<16xi32>
      %add3A_1348 = arith.addi %add3A_1343, %add3A_1344 : vector<16xi32>
      %add3A_1349 = arith.addi %add3A_1345, %add3A_1346 : vector<16xi32>
      %add3A_1350 = arith.addi %add3A_1347, %add3A_1348 : vector<16xi32>
      %add3A_1351 = arith.addi %add3A_1349, %add3A_1350 : vector<16xi32>
      %mul3A_1352 = arith.constant 16 : i32
      %mul3A_1353 = vector.broadcast %mul3A_1352 : i32 to vector<16xi32>
      %mul3A_1354 = arith.muli %iota3A, %mul3A_1353 : vector<16xi32>
      %add3A_1355 = arith.constant 1 : i32
      %add3A_1356 = vector.broadcast %add3A_1355 : i32 to vector<16xi32>
      %add3A_1357 = arith.addi %mul3A_1354, %add3A_1356 : vector<16xi32>
      tpu.vector_store_idx %arg10[%add3A_1357], %add3A_1351 : memref<256xi32, #tpu.memory_space<vmem>>[vector<16xi32>], vector<16xi32>,
      %get3A_1358 = arith.constant 4608 : index
      %get3A_1359 = tpu.vector_load %arg8[%get3A_1358] {strides = array<i32>} : memref<8192xi32, #tpu.memory_space<vmem>>, vector<16xi32>,
      %get3A_1360 = arith.constant 4624 : index
      %get3A_1361 = tpu.vector_load %arg8[%get3A_1360] {strides = array<i32>} : memref<8192xi32, #tpu.memory_space<vmem>>, vector<16xi32>,
      %get3A_1362 = arith.constant 4640 : index
      %get3A_1363 = tpu.vector_load %arg8[%get3A_1362] {strides = array<i32>} : memref<8192xi32, #tpu.memory_space<vmem>>, vector<16xi32>,
      %get3A_1364 = arith.constant 4656 : index
      %get3A_1365 = tpu.vector_load %arg8[%get3A_1364] {strides = array<i32>} : memref<8192xi32, #tpu.memory_space<vmem>>, vector<16xi32>,
      %get3A_1366 = arith.constant 4672 : index
      %get3A_1367 = tpu.vector_load %arg8[%get3A_1366] {strides = array<i32>} : memref<8192xi32, #tpu.memory_space<vmem>>, vector<16xi32>,
      %get3A_1368 = arith.constant 4688 : index
      %get3A_1369 = tpu.vector_load %arg8[%get3A_1368] {strides = array<i32>} : memref<8192xi32, #tpu.memory_space<vmem>>, vector<16xi32>,
      %get3A_1370 = arith.constant 4704 : index
      %get3A_1371 = tpu.vector_load %arg8[%get3A_1370] {strides = array<i32>} : memref<8192xi32, #tpu.memory_space<vmem>>, vector<16xi32>,
      %get3A_1372 = arith.constant 4720 : index
      %get3A_1373 = tpu.vector_load %arg8[%get3A_1372] {strides = array<i32>} : memref<8192xi32, #tpu.memory_space<vmem>>, vector<16xi32>,
      %get3A_1374 = arith.constant 4736 : index
      %get3A_1375 = tpu.vector_load %arg8[%get3A_1374] {strides = array<i32>} : memref<8192xi32, #tpu.memory_space<vmem>>, vector<16xi32>,
      %get3A_1376 = arith.constant 4752 : index
      %get3A_1377 = tpu.vector_load %arg8[%get3A_1376] {strides = array<i32>} : memref<8192xi32, #tpu.memory_space<vmem>>, vector<16xi32>,
      %get3A_1378 = arith.constant 4768 : index
      %get3A_1379 = tpu.vector_load %arg8[%get3A_1378] {strides = array<i32>} : memref<8192xi32, #tpu.memory_space<vmem>>, vector<16xi32>,
      %get3A_1380 = arith.constant 4784 : index
      %get3A_1381 = tpu.vector_load %arg8[%get3A_1380] {strides = array<i32>} : memref<8192xi32, #tpu.memory_space<vmem>>, vector<16xi32>,
      %get3A_1382 = arith.constant 4800 : index
      %get3A_1383 = tpu.vector_load %arg8[%get3A_1382] {strides = array<i32>} : memref<8192xi32, #tpu.memory_space<vmem>>, vector<16xi32>,
      %get3A_1384 = arith.constant 4816 : index
      %get3A_1385 = tpu.vector_load %arg8[%get3A_1384] {strides = array<i32>} : memref<8192xi32, #tpu.memory_space<vmem>>, vector<16xi32>,
      %get3A_1386 = arith.constant 4832 : index
      %get3A_1387 = tpu.vector_load %arg8[%get3A_1386] {strides = array<i32>} : memref<8192xi32, #tpu.memory_space<vmem>>, vector<16xi32>,
      %get3A_1388 = arith.constant 4848 : index
      %get3A_1389 = tpu.vector_load %arg8[%get3A_1388] {strides = array<i32>} : memref<8192xi32, #tpu.memory_space<vmem>>, vector<16xi32>,
      %add3A_1390 = arith.addi %get3A_1359, %get3A_1361 : vector<16xi32>
      %add3A_1391 = arith.addi %get3A_1363, %get3A_1365 : vector<16xi32>
      %add3A_1392 = arith.addi %get3A_1367, %get3A_1369 : vector<16xi32>
      %add3A_1393 = arith.addi %get3A_1371, %get3A_1373 : vector<16xi32>
      %add3A_1394 = arith.addi %get3A_1375, %get3A_1377 : vector<16xi32>
      %add3A_1395 = arith.addi %get3A_1379, %get3A_1381 : vector<16xi32>
      %add3A_1396 = arith.addi %get3A_1383, %get3A_1385 : vector<16xi32>
      %add3A_1397 = arith.addi %get3A_1387, %get3A_1389 : vector<16xi32>
      %add3A_1398 = arith.addi %add3A_1390, %add3A_1391 : vector<16xi32>
      %add3A_1399 = arith.addi %add3A_1392, %add3A_1393 : vector<16xi32>
      %add3A_1400 = arith.addi %add3A_1394, %add3A_1395 : vector<16xi32>
      %add3A_1401 = arith.addi %add3A_1396, %add3A_1397 : vector<16xi32>
      %add3A_1402 = arith.addi %add3A_1398, %add3A_1399 : vector<16xi32>
      %add3A_1403 = arith.addi %add3A_1400, %add3A_1401 : vector<16xi32>
      %add3A_1404 = arith.addi %add3A_1402, %add3A_1403 : vector<16xi32>
      %mul3A_1405 = arith.constant 16 : i32
      %mul3A_1406 = vector.broadcast %mul3A_1405 : i32 to vector<16xi32>
      %mul3A_1407 = arith.muli %iota3A, %mul3A_1406 : vector<16xi32>
      %add3A_1408 = arith.constant 2 : i32
      %add3A_1409 = vector.broadcast %add3A_1408 : i32 to vector<16xi32>
      %add3A_1410 = arith.addi %mul3A_1407, %add3A_1409 : vector<16xi32>
      tpu.vector_store_idx %arg10[%add3A_1410], %add3A_1404 : memref<256xi32, #tpu.memory_space<vmem>>[vector<16xi32>], vector<16xi32>,
      %get3A_1411 = arith.constant 4864 : index
      %get3A_1412 = tpu.vector_load %arg8[%get3A_1411] {strides = array<i32>} : memref<8192xi32, #tpu.memory_space<vmem>>, vector<16xi32>,
      %get3A_1413 = arith.constant 4880 : index
      %get3A_1414 = tpu.vector_load %arg8[%get3A_1413] {strides = array<i32>} : memref<8192xi32, #tpu.memory_space<vmem>>, vector<16xi32>,
      %get3A_1415 = arith.constant 4896 : index
      %get3A_1416 = tpu.vector_load %arg8[%get3A_1415] {strides = array<i32>} : memref<8192xi32, #tpu.memory_space<vmem>>, vector<16xi32>,
      %get3A_1417 = arith.constant 4912 : index
      %get3A_1418 = tpu.vector_load %arg8[%get3A_1417] {strides = array<i32>} : memref<8192xi32, #tpu.memory_space<vmem>>, vector<16xi32>,
      %get3A_1419 = arith.constant 4928 : index
      %get3A_1420 = tpu.vector_load %arg8[%get3A_1419] {strides = array<i32>} : memref<8192xi32, #tpu.memory_space<vmem>>, vector<16xi32>,
      %get3A_1421 = arith.constant 4944 : index
      %get3A_1422 = tpu.vector_load %arg8[%get3A_1421] {strides = array<i32>} : memref<8192xi32, #tpu.memory_space<vmem>>, vector<16xi32>,
      %get3A_1423 = arith.constant 4960 : index
      %get3A_1424 = tpu.vector_load %arg8[%get3A_1423] {strides = array<i32>} : memref<8192xi32, #tpu.memory_space<vmem>>, vector<16xi32>,
      %get3A_1425 = arith.constant 4976 : index
      %get3A_1426 = tpu.vector_load %arg8[%get3A_1425] {strides = array<i32>} : memref<8192xi32, #tpu.memory_space<vmem>>, vector<16xi32>,
      %get3A_1427 = arith.constant 4992 : index
      %get3A_1428 = tpu.vector_load %arg8[%get3A_1427] {strides = array<i32>} : memref<8192xi32, #tpu.memory_space<vmem>>, vector<16xi32>,
      %get3A_1429 = arith.constant 5008 : index
      %get3A_1430 = tpu.vector_load %arg8[%get3A_1429] {strides = array<i32>} : memref<8192xi32, #tpu.memory_space<vmem>>, vector<16xi32>,
      %get3A_1431 = arith.constant 5024 : index
      %get3A_1432 = tpu.vector_load %arg8[%get3A_1431] {strides = array<i32>} : memref<8192xi32, #tpu.memory_space<vmem>>, vector<16xi32>,
      %get3A_1433 = arith.constant 5040 : index
      %get3A_1434 = tpu.vector_load %arg8[%get3A_1433] {strides = array<i32>} : memref<8192xi32, #tpu.memory_space<vmem>>, vector<16xi32>,
      %get3A_1435 = arith.constant 5056 : index
      %get3A_1436 = tpu.vector_load %arg8[%get3A_1435] {strides = array<i32>} : memref<8192xi32, #tpu.memory_space<vmem>>, vector<16xi32>,
      %get3A_1437 = arith.constant 5072 : index
      %get3A_1438 = tpu.vector_load %arg8[%get3A_1437] {strides = array<i32>} : memref<8192xi32, #tpu.memory_space<vmem>>, vector<16xi32>,
      %get3A_1439 = arith.constant 5088 : index
      %get3A_1440 = tpu.vector_load %arg8[%get3A_1439] {strides = array<i32>} : memref<8192xi32, #tpu.memory_space<vmem>>, vector<16xi32>,
      %get3A_1441 = arith.constant 5104 : index
      %get3A_1442 = tpu.vector_load %arg8[%get3A_1441] {strides = array<i32>} : memref<8192xi32, #tpu.memory_space<vmem>>, vector<16xi32>,
      %add3A_1443 = arith.addi %get3A_1412, %get3A_1414 : vector<16xi32>
      %add3A_1444 = arith.addi %get3A_1416, %get3A_1418 : vector<16xi32>
      %add3A_1445 = arith.addi %get3A_1420, %get3A_1422 : vector<16xi32>
      %add3A_1446 = arith.addi %get3A_1424, %get3A_1426 : vector<16xi32>
      %add3A_1447 = arith.addi %get3A_1428, %get3A_1430 : vector<16xi32>
      %add3A_1448 = arith.addi %get3A_1432, %get3A_1434 : vector<16xi32>
      %add3A_1449 = arith.addi %get3A_1436, %get3A_1438 : vector<16xi32>
      %add3A_1450 = arith.addi %get3A_1440, %get3A_1442 : vector<16xi32>
      %add3A_1451 = arith.addi %add3A_1443, %add3A_1444 : vector<16xi32>
      %add3A_1452 = arith.addi %add3A_1445, %add3A_1446 : vector<16xi32>
      %add3A_1453 = arith.addi %add3A_1447, %add3A_1448 : vector<16xi32>
      %add3A_1454 = arith.addi %add3A_1449, %add3A_1450 : vector<16xi32>
      %add3A_1455 = arith.addi %add3A_1451, %add3A_1452 : vector<16xi32>
      %add3A_1456 = arith.addi %add3A_1453, %add3A_1454 : vector<16xi32>
      %add3A_1457 = arith.addi %add3A_1455, %add3A_1456 : vector<16xi32>
      %mul3A_1458 = arith.constant 16 : i32
      %mul3A_1459 = vector.broadcast %mul3A_1458 : i32 to vector<16xi32>
      %mul3A_1460 = arith.muli %iota3A, %mul3A_1459 : vector<16xi32>
      %add3A_1461 = arith.constant 3 : i32
      %add3A_1462 = vector.broadcast %add3A_1461 : i32 to vector<16xi32>
      %add3A_1463 = arith.addi %mul3A_1460, %add3A_1462 : vector<16xi32>
      tpu.vector_store_idx %arg10[%add3A_1463], %add3A_1457 : memref<256xi32, #tpu.memory_space<vmem>>[vector<16xi32>], vector<16xi32>,
      %get3A_1464 = arith.constant 5120 : index
      %get3A_1465 = tpu.vector_load %arg8[%get3A_1464] {strides = array<i32>} : memref<8192xi32, #tpu.memory_space<vmem>>, vector<16xi32>,
      %get3A_1466 = arith.constant 5136 : index
      %get3A_1467 = tpu.vector_load %arg8[%get3A_1466] {strides = array<i32>} : memref<8192xi32, #tpu.memory_space<vmem>>, vector<16xi32>,
      %get3A_1468 = arith.constant 5152 : index
      %get3A_1469 = tpu.vector_load %arg8[%get3A_1468] {strides = array<i32>} : memref<8192xi32, #tpu.memory_space<vmem>>, vector<16xi32>,
      %get3A_1470 = arith.constant 5168 : index
      %get3A_1471 = tpu.vector_load %arg8[%get3A_1470] {strides = array<i32>} : memref<8192xi32, #tpu.memory_space<vmem>>, vector<16xi32>,
      %get3A_1472 = arith.constant 5184 : index
      %get3A_1473 = tpu.vector_load %arg8[%get3A_1472] {strides = array<i32>} : memref<8192xi32, #tpu.memory_space<vmem>>, vector<16xi32>,
      %get3A_1474 = arith.constant 5200 : index
      %get3A_1475 = tpu.vector_load %arg8[%get3A_1474] {strides = array<i32>} : memref<8192xi32, #tpu.memory_space<vmem>>, vector<16xi32>,
      %get3A_1476 = arith.constant 5216 : index
      %get3A_1477 = tpu.vector_load %arg8[%get3A_1476] {strides = array<i32>} : memref<8192xi32, #tpu.memory_space<vmem>>, vector<16xi32>,
      %get3A_1478 = arith.constant 5232 : index
      %get3A_1479 = tpu.vector_load %arg8[%get3A_1478] {strides = array<i32>} : memref<8192xi32, #tpu.memory_space<vmem>>, vector<16xi32>,
      %get3A_1480 = arith.constant 5248 : index
      %get3A_1481 = tpu.vector_load %arg8[%get3A_1480] {strides = array<i32>} : memref<8192xi32, #tpu.memory_space<vmem>>, vector<16xi32>,
      %get3A_1482 = arith.constant 5264 : index
      %get3A_1483 = tpu.vector_load %arg8[%get3A_1482] {strides = array<i32>} : memref<8192xi32, #tpu.memory_space<vmem>>, vector<16xi32>,
      %get3A_1484 = arith.constant 5280 : index
      %get3A_1485 = tpu.vector_load %arg8[%get3A_1484] {strides = array<i32>} : memref<8192xi32, #tpu.memory_space<vmem>>, vector<16xi32>,
      %get3A_1486 = arith.constant 5296 : index
      %get3A_1487 = tpu.vector_load %arg8[%get3A_1486] {strides = array<i32>} : memref<8192xi32, #tpu.memory_space<vmem>>, vector<16xi32>,
      %get3A_1488 = arith.constant 5312 : index
      %get3A_1489 = tpu.vector_load %arg8[%get3A_1488] {strides = array<i32>} : memref<8192xi32, #tpu.memory_space<vmem>>, vector<16xi32>,
      %get3A_1490 = arith.constant 5328 : index
      %get3A_1491 = tpu.vector_load %arg8[%get3A_1490] {strides = array<i32>} : memref<8192xi32, #tpu.memory_space<vmem>>, vector<16xi32>,
      %get3A_1492 = arith.constant 5344 : index
      %get3A_1493 = tpu.vector_load %arg8[%get3A_1492] {strides = array<i32>} : memref<8192xi32, #tpu.memory_space<vmem>>, vector<16xi32>,
      %get3A_1494 = arith.constant 5360 : index
      %get3A_1495 = tpu.vector_load %arg8[%get3A_1494] {strides = array<i32>} : memref<8192xi32, #tpu.memory_space<vmem>>, vector<16xi32>,
      %add3A_1496 = arith.addi %get3A_1465, %get3A_1467 : vector<16xi32>
      %add3A_1497 = arith.addi %get3A_1469, %get3A_1471 : vector<16xi32>
      %add3A_1498 = arith.addi %get3A_1473, %get3A_1475 : vector<16xi32>
      %add3A_1499 = arith.addi %get3A_1477, %get3A_1479 : vector<16xi32>
      %add3A_1500 = arith.addi %get3A_1481, %get3A_1483 : vector<16xi32>
      %add3A_1501 = arith.addi %get3A_1485, %get3A_1487 : vector<16xi32>
      %add3A_1502 = arith.addi %get3A_1489, %get3A_1491 : vector<16xi32>
      %add3A_1503 = arith.addi %get3A_1493, %get3A_1495 : vector<16xi32>
      %add3A_1504 = arith.addi %add3A_1496, %add3A_1497 : vector<16xi32>
      %add3A_1505 = arith.addi %add3A_1498, %add3A_1499 : vector<16xi32>
      %add3A_1506 = arith.addi %add3A_1500, %add3A_1501 : vector<16xi32>
      %add3A_1507 = arith.addi %add3A_1502, %add3A_1503 : vector<16xi32>
      %add3A_1508 = arith.addi %add3A_1504, %add3A_1505 : vector<16xi32>
      %add3A_1509 = arith.addi %add3A_1506, %add3A_1507 : vector<16xi32>
      %add3A_1510 = arith.addi %add3A_1508, %add3A_1509 : vector<16xi32>
      %mul3A_1511 = arith.constant 16 : i32
      %mul3A_1512 = vector.broadcast %mul3A_1511 : i32 to vector<16xi32>
      %mul3A_1513 = arith.muli %iota3A, %mul3A_1512 : vector<16xi32>
      %add3A_1514 = arith.constant 4 : i32
      %add3A_1515 = vector.broadcast %add3A_1514 : i32 to vector<16xi32>
      %add3A_1516 = arith.addi %mul3A_1513, %add3A_1515 : vector<16xi32>
      tpu.vector_store_idx %arg10[%add3A_1516], %add3A_1510 : memref<256xi32, #tpu.memory_space<vmem>>[vector<16xi32>], vector<16xi32>,
      %get3A_1517 = arith.constant 5376 : index
      %get3A_1518 = tpu.vector_load %arg8[%get3A_1517] {strides = array<i32>} : memref<8192xi32, #tpu.memory_space<vmem>>, vector<16xi32>,
      %get3A_1519 = arith.constant 5392 : index
      %get3A_1520 = tpu.vector_load %arg8[%get3A_1519] {strides = array<i32>} : memref<8192xi32, #tpu.memory_space<vmem>>, vector<16xi32>,
      %get3A_1521 = arith.constant 5408 : index
      %get3A_1522 = tpu.vector_load %arg8[%get3A_1521] {strides = array<i32>} : memref<8192xi32, #tpu.memory_space<vmem>>, vector<16xi32>,
      %get3A_1523 = arith.constant 5424 : index
      %get3A_1524 = tpu.vector_load %arg8[%get3A_1523] {strides = array<i32>} : memref<8192xi32, #tpu.memory_space<vmem>>, vector<16xi32>,
      %get3A_1525 = arith.constant 5440 : index
      %get3A_1526 = tpu.vector_load %arg8[%get3A_1525] {strides = array<i32>} : memref<8192xi32, #tpu.memory_space<vmem>>, vector<16xi32>,
      %get3A_1527 = arith.constant 5456 : index
      %get3A_1528 = tpu.vector_load %arg8[%get3A_1527] {strides = array<i32>} : memref<8192xi32, #tpu.memory_space<vmem>>, vector<16xi32>,
      %get3A_1529 = arith.constant 5472 : index
      %get3A_1530 = tpu.vector_load %arg8[%get3A_1529] {strides = array<i32>} : memref<8192xi32, #tpu.memory_space<vmem>>, vector<16xi32>,
      %get3A_1531 = arith.constant 5488 : index
      %get3A_1532 = tpu.vector_load %arg8[%get3A_1531] {strides = array<i32>} : memref<8192xi32, #tpu.memory_space<vmem>>, vector<16xi32>,
      %get3A_1533 = arith.constant 5504 : index
      %get3A_1534 = tpu.vector_load %arg8[%get3A_1533] {strides = array<i32>} : memref<8192xi32, #tpu.memory_space<vmem>>, vector<16xi32>,
      %get3A_1535 = arith.constant 5520 : index
      %get3A_1536 = tpu.vector_load %arg8[%get3A_1535] {strides = array<i32>} : memref<8192xi32, #tpu.memory_space<vmem>>, vector<16xi32>,
      %get3A_1537 = arith.constant 5536 : index
      %get3A_1538 = tpu.vector_load %arg8[%get3A_1537] {strides = array<i32>} : memref<8192xi32, #tpu.memory_space<vmem>>, vector<16xi32>,
      %get3A_1539 = arith.constant 5552 : index
      %get3A_1540 = tpu.vector_load %arg8[%get3A_1539] {strides = array<i32>} : memref<8192xi32, #tpu.memory_space<vmem>>, vector<16xi32>,
      %get3A_1541 = arith.constant 5568 : index
      %get3A_1542 = tpu.vector_load %arg8[%get3A_1541] {strides = array<i32>} : memref<8192xi32, #tpu.memory_space<vmem>>, vector<16xi32>,
      %get3A_1543 = arith.constant 5584 : index
      %get3A_1544 = tpu.vector_load %arg8[%get3A_1543] {strides = array<i32>} : memref<8192xi32, #tpu.memory_space<vmem>>, vector<16xi32>,
      %get3A_1545 = arith.constant 5600 : index
      %get3A_1546 = tpu.vector_load %arg8[%get3A_1545] {strides = array<i32>} : memref<8192xi32, #tpu.memory_space<vmem>>, vector<16xi32>,
      %get3A_1547 = arith.constant 5616 : index
      %get3A_1548 = tpu.vector_load %arg8[%get3A_1547] {strides = array<i32>} : memref<8192xi32, #tpu.memory_space<vmem>>, vector<16xi32>,
      %add3A_1549 = arith.addi %get3A_1518, %get3A_1520 : vector<16xi32>
      %add3A_1550 = arith.addi %get3A_1522, %get3A_1524 : vector<16xi32>
      %add3A_1551 = arith.addi %get3A_1526, %get3A_1528 : vector<16xi32>
      %add3A_1552 = arith.addi %get3A_1530, %get3A_1532 : vector<16xi32>
      %add3A_1553 = arith.addi %get3A_1534, %get3A_1536 : vector<16xi32>
      %add3A_1554 = arith.addi %get3A_1538, %get3A_1540 : vector<16xi32>
      %add3A_1555 = arith.addi %get3A_1542, %get3A_1544 : vector<16xi32>
      %add3A_1556 = arith.addi %get3A_1546, %get3A_1548 : vector<16xi32>
      %add3A_1557 = arith.addi %add3A_1549, %add3A_1550 : vector<16xi32>
      %add3A_1558 = arith.addi %add3A_1551, %add3A_1552 : vector<16xi32>
      %add3A_1559 = arith.addi %add3A_1553, %add3A_1554 : vector<16xi32>
      %add3A_1560 = arith.addi %add3A_1555, %add3A_1556 : vector<16xi32>
      %add3A_1561 = arith.addi %add3A_1557, %add3A_1558 : vector<16xi32>
      %add3A_1562 = arith.addi %add3A_1559, %add3A_1560 : vector<16xi32>
      %add3A_1563 = arith.addi %add3A_1561, %add3A_1562 : vector<16xi32>
      %mul3A_1564 = arith.constant 16 : i32
      %mul3A_1565 = vector.broadcast %mul3A_1564 : i32 to vector<16xi32>
      %mul3A_1566 = arith.muli %iota3A, %mul3A_1565 : vector<16xi32>
      %add3A_1567 = arith.constant 5 : i32
      %add3A_1568 = vector.broadcast %add3A_1567 : i32 to vector<16xi32>
      %add3A_1569 = arith.addi %mul3A_1566, %add3A_1568 : vector<16xi32>
      tpu.vector_store_idx %arg10[%add3A_1569], %add3A_1563 : memref<256xi32, #tpu.memory_space<vmem>>[vector<16xi32>], vector<16xi32>,
      %get3A_1570 = arith.constant 5632 : index
      %get3A_1571 = tpu.vector_load %arg8[%get3A_1570] {strides = array<i32>} : memref<8192xi32, #tpu.memory_space<vmem>>, vector<16xi32>,
      %get3A_1572 = arith.constant 5648 : index
      %get3A_1573 = tpu.vector_load %arg8[%get3A_1572] {strides = array<i32>} : memref<8192xi32, #tpu.memory_space<vmem>>, vector<16xi32>,
      %get3A_1574 = arith.constant 5664 : index
      %get3A_1575 = tpu.vector_load %arg8[%get3A_1574] {strides = array<i32>} : memref<8192xi32, #tpu.memory_space<vmem>>, vector<16xi32>,
      %get3A_1576 = arith.constant 5680 : index
      %get3A_1577 = tpu.vector_load %arg8[%get3A_1576] {strides = array<i32>} : memref<8192xi32, #tpu.memory_space<vmem>>, vector<16xi32>,
      %get3A_1578 = arith.constant 5696 : index
      %get3A_1579 = tpu.vector_load %arg8[%get3A_1578] {strides = array<i32>} : memref<8192xi32, #tpu.memory_space<vmem>>, vector<16xi32>,
      %get3A_1580 = arith.constant 5712 : index
      %get3A_1581 = tpu.vector_load %arg8[%get3A_1580] {strides = array<i32>} : memref<8192xi32, #tpu.memory_space<vmem>>, vector<16xi32>,
      %get3A_1582 = arith.constant 5728 : index
      %get3A_1583 = tpu.vector_load %arg8[%get3A_1582] {strides = array<i32>} : memref<8192xi32, #tpu.memory_space<vmem>>, vector<16xi32>,
      %get3A_1584 = arith.constant 5744 : index
      %get3A_1585 = tpu.vector_load %arg8[%get3A_1584] {strides = array<i32>} : memref<8192xi32, #tpu.memory_space<vmem>>, vector<16xi32>,
      %get3A_1586 = arith.constant 5760 : index
      %get3A_1587 = tpu.vector_load %arg8[%get3A_1586] {strides = array<i32>} : memref<8192xi32, #tpu.memory_space<vmem>>, vector<16xi32>,
      %get3A_1588 = arith.constant 5776 : index
      %get3A_1589 = tpu.vector_load %arg8[%get3A_1588] {strides = array<i32>} : memref<8192xi32, #tpu.memory_space<vmem>>, vector<16xi32>,
      %get3A_1590 = arith.constant 5792 : index
      %get3A_1591 = tpu.vector_load %arg8[%get3A_1590] {strides = array<i32>} : memref<8192xi32, #tpu.memory_space<vmem>>, vector<16xi32>,
      %get3A_1592 = arith.constant 5808 : index
      %get3A_1593 = tpu.vector_load %arg8[%get3A_1592] {strides = array<i32>} : memref<8192xi32, #tpu.memory_space<vmem>>, vector<16xi32>,
      %get3A_1594 = arith.constant 5824 : index
      %get3A_1595 = tpu.vector_load %arg8[%get3A_1594] {strides = array<i32>} : memref<8192xi32, #tpu.memory_space<vmem>>, vector<16xi32>,
      %get3A_1596 = arith.constant 5840 : index
      %get3A_1597 = tpu.vector_load %arg8[%get3A_1596] {strides = array<i32>} : memref<8192xi32, #tpu.memory_space<vmem>>, vector<16xi32>,
      %get3A_1598 = arith.constant 5856 : index
      %get3A_1599 = tpu.vector_load %arg8[%get3A_1598] {strides = array<i32>} : memref<8192xi32, #tpu.memory_space<vmem>>, vector<16xi32>,
      %get3A_1600 = arith.constant 5872 : index
      %get3A_1601 = tpu.vector_load %arg8[%get3A_1600] {strides = array<i32>} : memref<8192xi32, #tpu.memory_space<vmem>>, vector<16xi32>,
      %add3A_1602 = arith.addi %get3A_1571, %get3A_1573 : vector<16xi32>
      %add3A_1603 = arith.addi %get3A_1575, %get3A_1577 : vector<16xi32>
      %add3A_1604 = arith.addi %get3A_1579, %get3A_1581 : vector<16xi32>
      %add3A_1605 = arith.addi %get3A_1583, %get3A_1585 : vector<16xi32>
      %add3A_1606 = arith.addi %get3A_1587, %get3A_1589 : vector<16xi32>
      %add3A_1607 = arith.addi %get3A_1591, %get3A_1593 : vector<16xi32>
      %add3A_1608 = arith.addi %get3A_1595, %get3A_1597 : vector<16xi32>
      %add3A_1609 = arith.addi %get3A_1599, %get3A_1601 : vector<16xi32>
      %add3A_1610 = arith.addi %add3A_1602, %add3A_1603 : vector<16xi32>
      %add3A_1611 = arith.addi %add3A_1604, %add3A_1605 : vector<16xi32>
      %add3A_1612 = arith.addi %add3A_1606, %add3A_1607 : vector<16xi32>
      %add3A_1613 = arith.addi %add3A_1608, %add3A_1609 : vector<16xi32>
      %add3A_1614 = arith.addi %add3A_1610, %add3A_1611 : vector<16xi32>
      %add3A_1615 = arith.addi %add3A_1612, %add3A_1613 : vector<16xi32>
      %add3A_1616 = arith.addi %add3A_1614, %add3A_1615 : vector<16xi32>
      %mul3A_1617 = arith.constant 16 : i32
      %mul3A_1618 = vector.broadcast %mul3A_1617 : i32 to vector<16xi32>
      %mul3A_1619 = arith.muli %iota3A, %mul3A_1618 : vector<16xi32>
      %add3A_1620 = arith.constant 6 : i32
      %add3A_1621 = vector.broadcast %add3A_1620 : i32 to vector<16xi32>
      %add3A_1622 = arith.addi %mul3A_1619, %add3A_1621 : vector<16xi32>
      tpu.vector_store_idx %arg10[%add3A_1622], %add3A_1616 : memref<256xi32, #tpu.memory_space<vmem>>[vector<16xi32>], vector<16xi32>,
      %get3A_1623 = arith.constant 5888 : index
      %get3A_1624 = tpu.vector_load %arg8[%get3A_1623] {strides = array<i32>} : memref<8192xi32, #tpu.memory_space<vmem>>, vector<16xi32>,
      %get3A_1625 = arith.constant 5904 : index
      %get3A_1626 = tpu.vector_load %arg8[%get3A_1625] {strides = array<i32>} : memref<8192xi32, #tpu.memory_space<vmem>>, vector<16xi32>,
      %get3A_1627 = arith.constant 5920 : index
      %get3A_1628 = tpu.vector_load %arg8[%get3A_1627] {strides = array<i32>} : memref<8192xi32, #tpu.memory_space<vmem>>, vector<16xi32>,
      %get3A_1629 = arith.constant 5936 : index
      %get3A_1630 = tpu.vector_load %arg8[%get3A_1629] {strides = array<i32>} : memref<8192xi32, #tpu.memory_space<vmem>>, vector<16xi32>,
      %get3A_1631 = arith.constant 5952 : index
      %get3A_1632 = tpu.vector_load %arg8[%get3A_1631] {strides = array<i32>} : memref<8192xi32, #tpu.memory_space<vmem>>, vector<16xi32>,
      %get3A_1633 = arith.constant 5968 : index
      %get3A_1634 = tpu.vector_load %arg8[%get3A_1633] {strides = array<i32>} : memref<8192xi32, #tpu.memory_space<vmem>>, vector<16xi32>,
      %get3A_1635 = arith.constant 5984 : index
      %get3A_1636 = tpu.vector_load %arg8[%get3A_1635] {strides = array<i32>} : memref<8192xi32, #tpu.memory_space<vmem>>, vector<16xi32>,
      %get3A_1637 = arith.constant 6000 : index
      %get3A_1638 = tpu.vector_load %arg8[%get3A_1637] {strides = array<i32>} : memref<8192xi32, #tpu.memory_space<vmem>>, vector<16xi32>,
      %get3A_1639 = arith.constant 6016 : index
      %get3A_1640 = tpu.vector_load %arg8[%get3A_1639] {strides = array<i32>} : memref<8192xi32, #tpu.memory_space<vmem>>, vector<16xi32>,
      %get3A_1641 = arith.constant 6032 : index
      %get3A_1642 = tpu.vector_load %arg8[%get3A_1641] {strides = array<i32>} : memref<8192xi32, #tpu.memory_space<vmem>>, vector<16xi32>,
      %get3A_1643 = arith.constant 6048 : index
      %get3A_1644 = tpu.vector_load %arg8[%get3A_1643] {strides = array<i32>} : memref<8192xi32, #tpu.memory_space<vmem>>, vector<16xi32>,
      %get3A_1645 = arith.constant 6064 : index
      %get3A_1646 = tpu.vector_load %arg8[%get3A_1645] {strides = array<i32>} : memref<8192xi32, #tpu.memory_space<vmem>>, vector<16xi32>,
      %get3A_1647 = arith.constant 6080 : index
      %get3A_1648 = tpu.vector_load %arg8[%get3A_1647] {strides = array<i32>} : memref<8192xi32, #tpu.memory_space<vmem>>, vector<16xi32>,
      %get3A_1649 = arith.constant 6096 : index
      %get3A_1650 = tpu.vector_load %arg8[%get3A_1649] {strides = array<i32>} : memref<8192xi32, #tpu.memory_space<vmem>>, vector<16xi32>,
      %get3A_1651 = arith.constant 6112 : index
      %get3A_1652 = tpu.vector_load %arg8[%get3A_1651] {strides = array<i32>} : memref<8192xi32, #tpu.memory_space<vmem>>, vector<16xi32>,
      %get3A_1653 = arith.constant 6128 : index
      %get3A_1654 = tpu.vector_load %arg8[%get3A_1653] {strides = array<i32>} : memref<8192xi32, #tpu.memory_space<vmem>>, vector<16xi32>,
      %add3A_1655 = arith.addi %get3A_1624, %get3A_1626 : vector<16xi32>
      %add3A_1656 = arith.addi %get3A_1628, %get3A_1630 : vector<16xi32>
      %add3A_1657 = arith.addi %get3A_1632, %get3A_1634 : vector<16xi32>
      %add3A_1658 = arith.addi %get3A_1636, %get3A_1638 : vector<16xi32>
      %add3A_1659 = arith.addi %get3A_1640, %get3A_1642 : vector<16xi32>
      %add3A_1660 = arith.addi %get3A_1644, %get3A_1646 : vector<16xi32>
      %add3A_1661 = arith.addi %get3A_1648, %get3A_1650 : vector<16xi32>
      %add3A_1662 = arith.addi %get3A_1652, %get3A_1654 : vector<16xi32>
      %add3A_1663 = arith.addi %add3A_1655, %add3A_1656 : vector<16xi32>
      %add3A_1664 = arith.addi %add3A_1657, %add3A_1658 : vector<16xi32>
      %add3A_1665 = arith.addi %add3A_1659, %add3A_1660 : vector<16xi32>
      %add3A_1666 = arith.addi %add3A_1661, %add3A_1662 : vector<16xi32>
      %add3A_1667 = arith.addi %add3A_1663, %add3A_1664 : vector<16xi32>
      %add3A_1668 = arith.addi %add3A_1665, %add3A_1666 : vector<16xi32>
      %add3A_1669 = arith.addi %add3A_1667, %add3A_1668 : vector<16xi32>
      %mul3A_1670 = arith.constant 16 : i32
      %mul3A_1671 = vector.broadcast %mul3A_1670 : i32 to vector<16xi32>
      %mul3A_1672 = arith.muli %iota3A, %mul3A_1671 : vector<16xi32>
      %add3A_1673 = arith.constant 7 : i32
      %add3A_1674 = vector.broadcast %add3A_1673 : i32 to vector<16xi32>
      %add3A_1675 = arith.addi %mul3A_1672, %add3A_1674 : vector<16xi32>
      tpu.vector_store_idx %arg10[%add3A_1675], %add3A_1669 : memref<256xi32, #tpu.memory_space<vmem>>[vector<16xi32>], vector<16xi32>,
      %get3A_1676 = arith.constant 6144 : index
      %get3A_1677 = tpu.vector_load %arg8[%get3A_1676] {strides = array<i32>} : memref<8192xi32, #tpu.memory_space<vmem>>, vector<16xi32>,
      %get3A_1678 = arith.constant 6160 : index
      %get3A_1679 = tpu.vector_load %arg8[%get3A_1678] {strides = array<i32>} : memref<8192xi32, #tpu.memory_space<vmem>>, vector<16xi32>,
      %get3A_1680 = arith.constant 6176 : index
      %get3A_1681 = tpu.vector_load %arg8[%get3A_1680] {strides = array<i32>} : memref<8192xi32, #tpu.memory_space<vmem>>, vector<16xi32>,
      %get3A_1682 = arith.constant 6192 : index
      %get3A_1683 = tpu.vector_load %arg8[%get3A_1682] {strides = array<i32>} : memref<8192xi32, #tpu.memory_space<vmem>>, vector<16xi32>,
      %get3A_1684 = arith.constant 6208 : index
      %get3A_1685 = tpu.vector_load %arg8[%get3A_1684] {strides = array<i32>} : memref<8192xi32, #tpu.memory_space<vmem>>, vector<16xi32>,
      %get3A_1686 = arith.constant 6224 : index
      %get3A_1687 = tpu.vector_load %arg8[%get3A_1686] {strides = array<i32>} : memref<8192xi32, #tpu.memory_space<vmem>>, vector<16xi32>,
      %get3A_1688 = arith.constant 6240 : index
      %get3A_1689 = tpu.vector_load %arg8[%get3A_1688] {strides = array<i32>} : memref<8192xi32, #tpu.memory_space<vmem>>, vector<16xi32>,
      %get3A_1690 = arith.constant 6256 : index
      %get3A_1691 = tpu.vector_load %arg8[%get3A_1690] {strides = array<i32>} : memref<8192xi32, #tpu.memory_space<vmem>>, vector<16xi32>,
      %get3A_1692 = arith.constant 6272 : index
      %get3A_1693 = tpu.vector_load %arg8[%get3A_1692] {strides = array<i32>} : memref<8192xi32, #tpu.memory_space<vmem>>, vector<16xi32>,
      %get3A_1694 = arith.constant 6288 : index
      %get3A_1695 = tpu.vector_load %arg8[%get3A_1694] {strides = array<i32>} : memref<8192xi32, #tpu.memory_space<vmem>>, vector<16xi32>,
      %get3A_1696 = arith.constant 6304 : index
      %get3A_1697 = tpu.vector_load %arg8[%get3A_1696] {strides = array<i32>} : memref<8192xi32, #tpu.memory_space<vmem>>, vector<16xi32>,
      %get3A_1698 = arith.constant 6320 : index
      %get3A_1699 = tpu.vector_load %arg8[%get3A_1698] {strides = array<i32>} : memref<8192xi32, #tpu.memory_space<vmem>>, vector<16xi32>,
      %get3A_1700 = arith.constant 6336 : index
      %get3A_1701 = tpu.vector_load %arg8[%get3A_1700] {strides = array<i32>} : memref<8192xi32, #tpu.memory_space<vmem>>, vector<16xi32>,
      %get3A_1702 = arith.constant 6352 : index
      %get3A_1703 = tpu.vector_load %arg8[%get3A_1702] {strides = array<i32>} : memref<8192xi32, #tpu.memory_space<vmem>>, vector<16xi32>,
      %get3A_1704 = arith.constant 6368 : index
      %get3A_1705 = tpu.vector_load %arg8[%get3A_1704] {strides = array<i32>} : memref<8192xi32, #tpu.memory_space<vmem>>, vector<16xi32>,
      %get3A_1706 = arith.constant 6384 : index
      %get3A_1707 = tpu.vector_load %arg8[%get3A_1706] {strides = array<i32>} : memref<8192xi32, #tpu.memory_space<vmem>>, vector<16xi32>,
      %add3A_1708 = arith.addi %get3A_1677, %get3A_1679 : vector<16xi32>
      %add3A_1709 = arith.addi %get3A_1681, %get3A_1683 : vector<16xi32>
      %add3A_1710 = arith.addi %get3A_1685, %get3A_1687 : vector<16xi32>
      %add3A_1711 = arith.addi %get3A_1689, %get3A_1691 : vector<16xi32>
      %add3A_1712 = arith.addi %get3A_1693, %get3A_1695 : vector<16xi32>
      %add3A_1713 = arith.addi %get3A_1697, %get3A_1699 : vector<16xi32>
      %add3A_1714 = arith.addi %get3A_1701, %get3A_1703 : vector<16xi32>
      %add3A_1715 = arith.addi %get3A_1705, %get3A_1707 : vector<16xi32>
      %add3A_1716 = arith.addi %add3A_1708, %add3A_1709 : vector<16xi32>
      %add3A_1717 = arith.addi %add3A_1710, %add3A_1711 : vector<16xi32>
      %add3A_1718 = arith.addi %add3A_1712, %add3A_1713 : vector<16xi32>
      %add3A_1719 = arith.addi %add3A_1714, %add3A_1715 : vector<16xi32>
      %add3A_1720 = arith.addi %add3A_1716, %add3A_1717 : vector<16xi32>
      %add3A_1721 = arith.addi %add3A_1718, %add3A_1719 : vector<16xi32>
      %add3A_1722 = arith.addi %add3A_1720, %add3A_1721 : vector<16xi32>
      %mul3A_1723 = arith.constant 16 : i32
      %mul3A_1724 = vector.broadcast %mul3A_1723 : i32 to vector<16xi32>
      %mul3A_1725 = arith.muli %iota3A, %mul3A_1724 : vector<16xi32>
      %add3A_1726 = arith.constant 8 : i32
      %add3A_1727 = vector.broadcast %add3A_1726 : i32 to vector<16xi32>
      %add3A_1728 = arith.addi %mul3A_1725, %add3A_1727 : vector<16xi32>
      tpu.vector_store_idx %arg10[%add3A_1728], %add3A_1722 : memref<256xi32, #tpu.memory_space<vmem>>[vector<16xi32>], vector<16xi32>,
      %get3A_1729 = arith.constant 6400 : index
      %get3A_1730 = tpu.vector_load %arg8[%get3A_1729] {strides = array<i32>} : memref<8192xi32, #tpu.memory_space<vmem>>, vector<16xi32>,
      %get3A_1731 = arith.constant 6416 : index
      %get3A_1732 = tpu.vector_load %arg8[%get3A_1731] {strides = array<i32>} : memref<8192xi32, #tpu.memory_space<vmem>>, vector<16xi32>,
      %get3A_1733 = arith.constant 6432 : index
      %get3A_1734 = tpu.vector_load %arg8[%get3A_1733] {strides = array<i32>} : memref<8192xi32, #tpu.memory_space<vmem>>, vector<16xi32>,
      %get3A_1735 = arith.constant 6448 : index
      %get3A_1736 = tpu.vector_load %arg8[%get3A_1735] {strides = array<i32>} : memref<8192xi32, #tpu.memory_space<vmem>>, vector<16xi32>,
      %get3A_1737 = arith.constant 6464 : index
      %get3A_1738 = tpu.vector_load %arg8[%get3A_1737] {strides = array<i32>} : memref<8192xi32, #tpu.memory_space<vmem>>, vector<16xi32>,
      %get3A_1739 = arith.constant 6480 : index
      %get3A_1740 = tpu.vector_load %arg8[%get3A_1739] {strides = array<i32>} : memref<8192xi32, #tpu.memory_space<vmem>>, vector<16xi32>,
      %get3A_1741 = arith.constant 6496 : index
      %get3A_1742 = tpu.vector_load %arg8[%get3A_1741] {strides = array<i32>} : memref<8192xi32, #tpu.memory_space<vmem>>, vector<16xi32>,
      %get3A_1743 = arith.constant 6512 : index
      %get3A_1744 = tpu.vector_load %arg8[%get3A_1743] {strides = array<i32>} : memref<8192xi32, #tpu.memory_space<vmem>>, vector<16xi32>,
      %get3A_1745 = arith.constant 6528 : index
      %get3A_1746 = tpu.vector_load %arg8[%get3A_1745] {strides = array<i32>} : memref<8192xi32, #tpu.memory_space<vmem>>, vector<16xi32>,
      %get3A_1747 = arith.constant 6544 : index
      %get3A_1748 = tpu.vector_load %arg8[%get3A_1747] {strides = array<i32>} : memref<8192xi32, #tpu.memory_space<vmem>>, vector<16xi32>,
      %get3A_1749 = arith.constant 6560 : index
      %get3A_1750 = tpu.vector_load %arg8[%get3A_1749] {strides = array<i32>} : memref<8192xi32, #tpu.memory_space<vmem>>, vector<16xi32>,
      %get3A_1751 = arith.constant 6576 : index
      %get3A_1752 = tpu.vector_load %arg8[%get3A_1751] {strides = array<i32>} : memref<8192xi32, #tpu.memory_space<vmem>>, vector<16xi32>,
      %get3A_1753 = arith.constant 6592 : index
      %get3A_1754 = tpu.vector_load %arg8[%get3A_1753] {strides = array<i32>} : memref<8192xi32, #tpu.memory_space<vmem>>, vector<16xi32>,
      %get3A_1755 = arith.constant 6608 : index
      %get3A_1756 = tpu.vector_load %arg8[%get3A_1755] {strides = array<i32>} : memref<8192xi32, #tpu.memory_space<vmem>>, vector<16xi32>,
      %get3A_1757 = arith.constant 6624 : index
      %get3A_1758 = tpu.vector_load %arg8[%get3A_1757] {strides = array<i32>} : memref<8192xi32, #tpu.memory_space<vmem>>, vector<16xi32>,
      %get3A_1759 = arith.constant 6640 : index
      %get3A_1760 = tpu.vector_load %arg8[%get3A_1759] {strides = array<i32>} : memref<8192xi32, #tpu.memory_space<vmem>>, vector<16xi32>,
      %add3A_1761 = arith.addi %get3A_1730, %get3A_1732 : vector<16xi32>
      %add3A_1762 = arith.addi %get3A_1734, %get3A_1736 : vector<16xi32>
      %add3A_1763 = arith.addi %get3A_1738, %get3A_1740 : vector<16xi32>
      %add3A_1764 = arith.addi %get3A_1742, %get3A_1744 : vector<16xi32>
      %add3A_1765 = arith.addi %get3A_1746, %get3A_1748 : vector<16xi32>
      %add3A_1766 = arith.addi %get3A_1750, %get3A_1752 : vector<16xi32>
      %add3A_1767 = arith.addi %get3A_1754, %get3A_1756 : vector<16xi32>
      %add3A_1768 = arith.addi %get3A_1758, %get3A_1760 : vector<16xi32>
      %add3A_1769 = arith.addi %add3A_1761, %add3A_1762 : vector<16xi32>
      %add3A_1770 = arith.addi %add3A_1763, %add3A_1764 : vector<16xi32>
      %add3A_1771 = arith.addi %add3A_1765, %add3A_1766 : vector<16xi32>
      %add3A_1772 = arith.addi %add3A_1767, %add3A_1768 : vector<16xi32>
      %add3A_1773 = arith.addi %add3A_1769, %add3A_1770 : vector<16xi32>
      %add3A_1774 = arith.addi %add3A_1771, %add3A_1772 : vector<16xi32>
      %add3A_1775 = arith.addi %add3A_1773, %add3A_1774 : vector<16xi32>
      %mul3A_1776 = arith.constant 16 : i32
      %mul3A_1777 = vector.broadcast %mul3A_1776 : i32 to vector<16xi32>
      %mul3A_1778 = arith.muli %iota3A, %mul3A_1777 : vector<16xi32>
      %add3A_1779 = arith.constant 9 : i32
      %add3A_1780 = vector.broadcast %add3A_1779 : i32 to vector<16xi32>
      %add3A_1781 = arith.addi %mul3A_1778, %add3A_1780 : vector<16xi32>
      tpu.vector_store_idx %arg10[%add3A_1781], %add3A_1775 : memref<256xi32, #tpu.memory_space<vmem>>[vector<16xi32>], vector<16xi32>,
      %get3A_1782 = arith.constant 6656 : index
      %get3A_1783 = tpu.vector_load %arg8[%get3A_1782] {strides = array<i32>} : memref<8192xi32, #tpu.memory_space<vmem>>, vector<16xi32>,
      %get3A_1784 = arith.constant 6672 : index
      %get3A_1785 = tpu.vector_load %arg8[%get3A_1784] {strides = array<i32>} : memref<8192xi32, #tpu.memory_space<vmem>>, vector<16xi32>,
      %get3A_1786 = arith.constant 6688 : index
      %get3A_1787 = tpu.vector_load %arg8[%get3A_1786] {strides = array<i32>} : memref<8192xi32, #tpu.memory_space<vmem>>, vector<16xi32>,
      %get3A_1788 = arith.constant 6704 : index
      %get3A_1789 = tpu.vector_load %arg8[%get3A_1788] {strides = array<i32>} : memref<8192xi32, #tpu.memory_space<vmem>>, vector<16xi32>,
      %get3A_1790 = arith.constant 6720 : index
      %get3A_1791 = tpu.vector_load %arg8[%get3A_1790] {strides = array<i32>} : memref<8192xi32, #tpu.memory_space<vmem>>, vector<16xi32>,
      %get3A_1792 = arith.constant 6736 : index
      %get3A_1793 = tpu.vector_load %arg8[%get3A_1792] {strides = array<i32>} : memref<8192xi32, #tpu.memory_space<vmem>>, vector<16xi32>,
      %get3A_1794 = arith.constant 6752 : index
      %get3A_1795 = tpu.vector_load %arg8[%get3A_1794] {strides = array<i32>} : memref<8192xi32, #tpu.memory_space<vmem>>, vector<16xi32>,
      %get3A_1796 = arith.constant 6768 : index
      %get3A_1797 = tpu.vector_load %arg8[%get3A_1796] {strides = array<i32>} : memref<8192xi32, #tpu.memory_space<vmem>>, vector<16xi32>,
      %get3A_1798 = arith.constant 6784 : index
      %get3A_1799 = tpu.vector_load %arg8[%get3A_1798] {strides = array<i32>} : memref<8192xi32, #tpu.memory_space<vmem>>, vector<16xi32>,
      %get3A_1800 = arith.constant 6800 : index
      %get3A_1801 = tpu.vector_load %arg8[%get3A_1800] {strides = array<i32>} : memref<8192xi32, #tpu.memory_space<vmem>>, vector<16xi32>,
      %get3A_1802 = arith.constant 6816 : index
      %get3A_1803 = tpu.vector_load %arg8[%get3A_1802] {strides = array<i32>} : memref<8192xi32, #tpu.memory_space<vmem>>, vector<16xi32>,
      %get3A_1804 = arith.constant 6832 : index
      %get3A_1805 = tpu.vector_load %arg8[%get3A_1804] {strides = array<i32>} : memref<8192xi32, #tpu.memory_space<vmem>>, vector<16xi32>,
      %get3A_1806 = arith.constant 6848 : index
      %get3A_1807 = tpu.vector_load %arg8[%get3A_1806] {strides = array<i32>} : memref<8192xi32, #tpu.memory_space<vmem>>, vector<16xi32>,
      %get3A_1808 = arith.constant 6864 : index
      %get3A_1809 = tpu.vector_load %arg8[%get3A_1808] {strides = array<i32>} : memref<8192xi32, #tpu.memory_space<vmem>>, vector<16xi32>,
      %get3A_1810 = arith.constant 6880 : index
      %get3A_1811 = tpu.vector_load %arg8[%get3A_1810] {strides = array<i32>} : memref<8192xi32, #tpu.memory_space<vmem>>, vector<16xi32>,
      %get3A_1812 = arith.constant 6896 : index
      %get3A_1813 = tpu.vector_load %arg8[%get3A_1812] {strides = array<i32>} : memref<8192xi32, #tpu.memory_space<vmem>>, vector<16xi32>,
      %add3A_1814 = arith.addi %get3A_1783, %get3A_1785 : vector<16xi32>
      %add3A_1815 = arith.addi %get3A_1787, %get3A_1789 : vector<16xi32>
      %add3A_1816 = arith.addi %get3A_1791, %get3A_1793 : vector<16xi32>
      %add3A_1817 = arith.addi %get3A_1795, %get3A_1797 : vector<16xi32>
      %add3A_1818 = arith.addi %get3A_1799, %get3A_1801 : vector<16xi32>
      %add3A_1819 = arith.addi %get3A_1803, %get3A_1805 : vector<16xi32>
      %add3A_1820 = arith.addi %get3A_1807, %get3A_1809 : vector<16xi32>
      %add3A_1821 = arith.addi %get3A_1811, %get3A_1813 : vector<16xi32>
      %add3A_1822 = arith.addi %add3A_1814, %add3A_1815 : vector<16xi32>
      %add3A_1823 = arith.addi %add3A_1816, %add3A_1817 : vector<16xi32>
      %add3A_1824 = arith.addi %add3A_1818, %add3A_1819 : vector<16xi32>
      %add3A_1825 = arith.addi %add3A_1820, %add3A_1821 : vector<16xi32>
      %add3A_1826 = arith.addi %add3A_1822, %add3A_1823 : vector<16xi32>
      %add3A_1827 = arith.addi %add3A_1824, %add3A_1825 : vector<16xi32>
      %add3A_1828 = arith.addi %add3A_1826, %add3A_1827 : vector<16xi32>
      %mul3A_1829 = arith.constant 16 : i32
      %mul3A_1830 = vector.broadcast %mul3A_1829 : i32 to vector<16xi32>
      %mul3A_1831 = arith.muli %iota3A, %mul3A_1830 : vector<16xi32>
      %add3A_1832 = arith.constant 10 : i32
      %add3A_1833 = vector.broadcast %add3A_1832 : i32 to vector<16xi32>
      %add3A_1834 = arith.addi %mul3A_1831, %add3A_1833 : vector<16xi32>
      tpu.vector_store_idx %arg10[%add3A_1834], %add3A_1828 : memref<256xi32, #tpu.memory_space<vmem>>[vector<16xi32>], vector<16xi32>,
      %get3A_1835 = arith.constant 6912 : index
      %get3A_1836 = tpu.vector_load %arg8[%get3A_1835] {strides = array<i32>} : memref<8192xi32, #tpu.memory_space<vmem>>, vector<16xi32>,
      %get3A_1837 = arith.constant 6928 : index
      %get3A_1838 = tpu.vector_load %arg8[%get3A_1837] {strides = array<i32>} : memref<8192xi32, #tpu.memory_space<vmem>>, vector<16xi32>,
      %get3A_1839 = arith.constant 6944 : index
      %get3A_1840 = tpu.vector_load %arg8[%get3A_1839] {strides = array<i32>} : memref<8192xi32, #tpu.memory_space<vmem>>, vector<16xi32>,
      %get3A_1841 = arith.constant 6960 : index
      %get3A_1842 = tpu.vector_load %arg8[%get3A_1841] {strides = array<i32>} : memref<8192xi32, #tpu.memory_space<vmem>>, vector<16xi32>,
      %get3A_1843 = arith.constant 6976 : index
      %get3A_1844 = tpu.vector_load %arg8[%get3A_1843] {strides = array<i32>} : memref<8192xi32, #tpu.memory_space<vmem>>, vector<16xi32>,
      %get3A_1845 = arith.constant 6992 : index
      %get3A_1846 = tpu.vector_load %arg8[%get3A_1845] {strides = array<i32>} : memref<8192xi32, #tpu.memory_space<vmem>>, vector<16xi32>,
      %get3A_1847 = arith.constant 7008 : index
      %get3A_1848 = tpu.vector_load %arg8[%get3A_1847] {strides = array<i32>} : memref<8192xi32, #tpu.memory_space<vmem>>, vector<16xi32>,
      %get3A_1849 = arith.constant 7024 : index
      %get3A_1850 = tpu.vector_load %arg8[%get3A_1849] {strides = array<i32>} : memref<8192xi32, #tpu.memory_space<vmem>>, vector<16xi32>,
      %get3A_1851 = arith.constant 7040 : index
      %get3A_1852 = tpu.vector_load %arg8[%get3A_1851] {strides = array<i32>} : memref<8192xi32, #tpu.memory_space<vmem>>, vector<16xi32>,
      %get3A_1853 = arith.constant 7056 : index
      %get3A_1854 = tpu.vector_load %arg8[%get3A_1853] {strides = array<i32>} : memref<8192xi32, #tpu.memory_space<vmem>>, vector<16xi32>,
      %get3A_1855 = arith.constant 7072 : index
      %get3A_1856 = tpu.vector_load %arg8[%get3A_1855] {strides = array<i32>} : memref<8192xi32, #tpu.memory_space<vmem>>, vector<16xi32>,
      %get3A_1857 = arith.constant 7088 : index
      %get3A_1858 = tpu.vector_load %arg8[%get3A_1857] {strides = array<i32>} : memref<8192xi32, #tpu.memory_space<vmem>>, vector<16xi32>,
      %get3A_1859 = arith.constant 7104 : index
      %get3A_1860 = tpu.vector_load %arg8[%get3A_1859] {strides = array<i32>} : memref<8192xi32, #tpu.memory_space<vmem>>, vector<16xi32>,
      %get3A_1861 = arith.constant 7120 : index
      %get3A_1862 = tpu.vector_load %arg8[%get3A_1861] {strides = array<i32>} : memref<8192xi32, #tpu.memory_space<vmem>>, vector<16xi32>,
      %get3A_1863 = arith.constant 7136 : index
      %get3A_1864 = tpu.vector_load %arg8[%get3A_1863] {strides = array<i32>} : memref<8192xi32, #tpu.memory_space<vmem>>, vector<16xi32>,
      %get3A_1865 = arith.constant 7152 : index
      %get3A_1866 = tpu.vector_load %arg8[%get3A_1865] {strides = array<i32>} : memref<8192xi32, #tpu.memory_space<vmem>>, vector<16xi32>,
      %add3A_1867 = arith.addi %get3A_1836, %get3A_1838 : vector<16xi32>
      %add3A_1868 = arith.addi %get3A_1840, %get3A_1842 : vector<16xi32>
      %add3A_1869 = arith.addi %get3A_1844, %get3A_1846 : vector<16xi32>
      %add3A_1870 = arith.addi %get3A_1848, %get3A_1850 : vector<16xi32>
      %add3A_1871 = arith.addi %get3A_1852, %get3A_1854 : vector<16xi32>
      %add3A_1872 = arith.addi %get3A_1856, %get3A_1858 : vector<16xi32>
      %add3A_1873 = arith.addi %get3A_1860, %get3A_1862 : vector<16xi32>
      %add3A_1874 = arith.addi %get3A_1864, %get3A_1866 : vector<16xi32>
      %add3A_1875 = arith.addi %add3A_1867, %add3A_1868 : vector<16xi32>
      %add3A_1876 = arith.addi %add3A_1869, %add3A_1870 : vector<16xi32>
      %add3A_1877 = arith.addi %add3A_1871, %add3A_1872 : vector<16xi32>
      %add3A_1878 = arith.addi %add3A_1873, %add3A_1874 : vector<16xi32>
      %add3A_1879 = arith.addi %add3A_1875, %add3A_1876 : vector<16xi32>
      %add3A_1880 = arith.addi %add3A_1877, %add3A_1878 : vector<16xi32>
      %add3A_1881 = arith.addi %add3A_1879, %add3A_1880 : vector<16xi32>
      %mul3A_1882 = arith.constant 16 : i32
      %mul3A_1883 = vector.broadcast %mul3A_1882 : i32 to vector<16xi32>
      %mul3A_1884 = arith.muli %iota3A, %mul3A_1883 : vector<16xi32>
      %add3A_1885 = arith.constant 11 : i32
      %add3A_1886 = vector.broadcast %add3A_1885 : i32 to vector<16xi32>
      %add3A_1887 = arith.addi %mul3A_1884, %add3A_1886 : vector<16xi32>
      tpu.vector_store_idx %arg10[%add3A_1887], %add3A_1881 : memref<256xi32, #tpu.memory_space<vmem>>[vector<16xi32>], vector<16xi32>,
      %get3A_1888 = arith.constant 7168 : index
      %get3A_1889 = tpu.vector_load %arg8[%get3A_1888] {strides = array<i32>} : memref<8192xi32, #tpu.memory_space<vmem>>, vector<16xi32>,
      %get3A_1890 = arith.constant 7184 : index
      %get3A_1891 = tpu.vector_load %arg8[%get3A_1890] {strides = array<i32>} : memref<8192xi32, #tpu.memory_space<vmem>>, vector<16xi32>,
      %get3A_1892 = arith.constant 7200 : index
      %get3A_1893 = tpu.vector_load %arg8[%get3A_1892] {strides = array<i32>} : memref<8192xi32, #tpu.memory_space<vmem>>, vector<16xi32>,
      %get3A_1894 = arith.constant 7216 : index
      %get3A_1895 = tpu.vector_load %arg8[%get3A_1894] {strides = array<i32>} : memref<8192xi32, #tpu.memory_space<vmem>>, vector<16xi32>,
      %get3A_1896 = arith.constant 7232 : index
      %get3A_1897 = tpu.vector_load %arg8[%get3A_1896] {strides = array<i32>} : memref<8192xi32, #tpu.memory_space<vmem>>, vector<16xi32>,
      %get3A_1898 = arith.constant 7248 : index
      %get3A_1899 = tpu.vector_load %arg8[%get3A_1898] {strides = array<i32>} : memref<8192xi32, #tpu.memory_space<vmem>>, vector<16xi32>,
      %get3A_1900 = arith.constant 7264 : index
      %get3A_1901 = tpu.vector_load %arg8[%get3A_1900] {strides = array<i32>} : memref<8192xi32, #tpu.memory_space<vmem>>, vector<16xi32>,
      %get3A_1902 = arith.constant 7280 : index
      %get3A_1903 = tpu.vector_load %arg8[%get3A_1902] {strides = array<i32>} : memref<8192xi32, #tpu.memory_space<vmem>>, vector<16xi32>,
      %get3A_1904 = arith.constant 7296 : index
      %get3A_1905 = tpu.vector_load %arg8[%get3A_1904] {strides = array<i32>} : memref<8192xi32, #tpu.memory_space<vmem>>, vector<16xi32>,
      %get3A_1906 = arith.constant 7312 : index
      %get3A_1907 = tpu.vector_load %arg8[%get3A_1906] {strides = array<i32>} : memref<8192xi32, #tpu.memory_space<vmem>>, vector<16xi32>,
      %get3A_1908 = arith.constant 7328 : index
      %get3A_1909 = tpu.vector_load %arg8[%get3A_1908] {strides = array<i32>} : memref<8192xi32, #tpu.memory_space<vmem>>, vector<16xi32>,
      %get3A_1910 = arith.constant 7344 : index
      %get3A_1911 = tpu.vector_load %arg8[%get3A_1910] {strides = array<i32>} : memref<8192xi32, #tpu.memory_space<vmem>>, vector<16xi32>,
      %get3A_1912 = arith.constant 7360 : index
      %get3A_1913 = tpu.vector_load %arg8[%get3A_1912] {strides = array<i32>} : memref<8192xi32, #tpu.memory_space<vmem>>, vector<16xi32>,
      %get3A_1914 = arith.constant 7376 : index
      %get3A_1915 = tpu.vector_load %arg8[%get3A_1914] {strides = array<i32>} : memref<8192xi32, #tpu.memory_space<vmem>>, vector<16xi32>,
      %get3A_1916 = arith.constant 7392 : index
      %get3A_1917 = tpu.vector_load %arg8[%get3A_1916] {strides = array<i32>} : memref<8192xi32, #tpu.memory_space<vmem>>, vector<16xi32>,
      %get3A_1918 = arith.constant 7408 : index
      %get3A_1919 = tpu.vector_load %arg8[%get3A_1918] {strides = array<i32>} : memref<8192xi32, #tpu.memory_space<vmem>>, vector<16xi32>,
      %add3A_1920 = arith.addi %get3A_1889, %get3A_1891 : vector<16xi32>
      %add3A_1921 = arith.addi %get3A_1893, %get3A_1895 : vector<16xi32>
      %add3A_1922 = arith.addi %get3A_1897, %get3A_1899 : vector<16xi32>
      %add3A_1923 = arith.addi %get3A_1901, %get3A_1903 : vector<16xi32>
      %add3A_1924 = arith.addi %get3A_1905, %get3A_1907 : vector<16xi32>
      %add3A_1925 = arith.addi %get3A_1909, %get3A_1911 : vector<16xi32>
      %add3A_1926 = arith.addi %get3A_1913, %get3A_1915 : vector<16xi32>
      %add3A_1927 = arith.addi %get3A_1917, %get3A_1919 : vector<16xi32>
      %add3A_1928 = arith.addi %add3A_1920, %add3A_1921 : vector<16xi32>
      %add3A_1929 = arith.addi %add3A_1922, %add3A_1923 : vector<16xi32>
      %add3A_1930 = arith.addi %add3A_1924, %add3A_1925 : vector<16xi32>
      %add3A_1931 = arith.addi %add3A_1926, %add3A_1927 : vector<16xi32>
      %add3A_1932 = arith.addi %add3A_1928, %add3A_1929 : vector<16xi32>
      %add3A_1933 = arith.addi %add3A_1930, %add3A_1931 : vector<16xi32>
      %add3A_1934 = arith.addi %add3A_1932, %add3A_1933 : vector<16xi32>
      %mul3A_1935 = arith.constant 16 : i32
      %mul3A_1936 = vector.broadcast %mul3A_1935 : i32 to vector<16xi32>
      %mul3A_1937 = arith.muli %iota3A, %mul3A_1936 : vector<16xi32>
      %add3A_1938 = arith.constant 12 : i32
      %add3A_1939 = vector.broadcast %add3A_1938 : i32 to vector<16xi32>
      %add3A_1940 = arith.addi %mul3A_1937, %add3A_1939 : vector<16xi32>
      tpu.vector_store_idx %arg10[%add3A_1940], %add3A_1934 : memref<256xi32, #tpu.memory_space<vmem>>[vector<16xi32>], vector<16xi32>,
      %get3A_1941 = arith.constant 7424 : index
      %get3A_1942 = tpu.vector_load %arg8[%get3A_1941] {strides = array<i32>} : memref<8192xi32, #tpu.memory_space<vmem>>, vector<16xi32>,
      %get3A_1943 = arith.constant 7440 : index
      %get3A_1944 = tpu.vector_load %arg8[%get3A_1943] {strides = array<i32>} : memref<8192xi32, #tpu.memory_space<vmem>>, vector<16xi32>,
      %get3A_1945 = arith.constant 7456 : index
      %get3A_1946 = tpu.vector_load %arg8[%get3A_1945] {strides = array<i32>} : memref<8192xi32, #tpu.memory_space<vmem>>, vector<16xi32>,
      %get3A_1947 = arith.constant 7472 : index
      %get3A_1948 = tpu.vector_load %arg8[%get3A_1947] {strides = array<i32>} : memref<8192xi32, #tpu.memory_space<vmem>>, vector<16xi32>,
      %get3A_1949 = arith.constant 7488 : index
      %get3A_1950 = tpu.vector_load %arg8[%get3A_1949] {strides = array<i32>} : memref<8192xi32, #tpu.memory_space<vmem>>, vector<16xi32>,
      %get3A_1951 = arith.constant 7504 : index
      %get3A_1952 = tpu.vector_load %arg8[%get3A_1951] {strides = array<i32>} : memref<8192xi32, #tpu.memory_space<vmem>>, vector<16xi32>,
      %get3A_1953 = arith.constant 7520 : index
      %get3A_1954 = tpu.vector_load %arg8[%get3A_1953] {strides = array<i32>} : memref<8192xi32, #tpu.memory_space<vmem>>, vector<16xi32>,
      %get3A_1955 = arith.constant 7536 : index
      %get3A_1956 = tpu.vector_load %arg8[%get3A_1955] {strides = array<i32>} : memref<8192xi32, #tpu.memory_space<vmem>>, vector<16xi32>,
      %get3A_1957 = arith.constant 7552 : index
      %get3A_1958 = tpu.vector_load %arg8[%get3A_1957] {strides = array<i32>} : memref<8192xi32, #tpu.memory_space<vmem>>, vector<16xi32>,
      %get3A_1959 = arith.constant 7568 : index
      %get3A_1960 = tpu.vector_load %arg8[%get3A_1959] {strides = array<i32>} : memref<8192xi32, #tpu.memory_space<vmem>>, vector<16xi32>,
      %get3A_1961 = arith.constant 7584 : index
      %get3A_1962 = tpu.vector_load %arg8[%get3A_1961] {strides = array<i32>} : memref<8192xi32, #tpu.memory_space<vmem>>, vector<16xi32>,
      %get3A_1963 = arith.constant 7600 : index
      %get3A_1964 = tpu.vector_load %arg8[%get3A_1963] {strides = array<i32>} : memref<8192xi32, #tpu.memory_space<vmem>>, vector<16xi32>,
      %get3A_1965 = arith.constant 7616 : index
      %get3A_1966 = tpu.vector_load %arg8[%get3A_1965] {strides = array<i32>} : memref<8192xi32, #tpu.memory_space<vmem>>, vector<16xi32>,
      %get3A_1967 = arith.constant 7632 : index
      %get3A_1968 = tpu.vector_load %arg8[%get3A_1967] {strides = array<i32>} : memref<8192xi32, #tpu.memory_space<vmem>>, vector<16xi32>,
      %get3A_1969 = arith.constant 7648 : index
      %get3A_1970 = tpu.vector_load %arg8[%get3A_1969] {strides = array<i32>} : memref<8192xi32, #tpu.memory_space<vmem>>, vector<16xi32>,
      %get3A_1971 = arith.constant 7664 : index
      %get3A_1972 = tpu.vector_load %arg8[%get3A_1971] {strides = array<i32>} : memref<8192xi32, #tpu.memory_space<vmem>>, vector<16xi32>,
      %add3A_1973 = arith.addi %get3A_1942, %get3A_1944 : vector<16xi32>
      %add3A_1974 = arith.addi %get3A_1946, %get3A_1948 : vector<16xi32>
      %add3A_1975 = arith.addi %get3A_1950, %get3A_1952 : vector<16xi32>
      %add3A_1976 = arith.addi %get3A_1954, %get3A_1956 : vector<16xi32>
      %add3A_1977 = arith.addi %get3A_1958, %get3A_1960 : vector<16xi32>
      %add3A_1978 = arith.addi %get3A_1962, %get3A_1964 : vector<16xi32>
      %add3A_1979 = arith.addi %get3A_1966, %get3A_1968 : vector<16xi32>
      %add3A_1980 = arith.addi %get3A_1970, %get3A_1972 : vector<16xi32>
      %add3A_1981 = arith.addi %add3A_1973, %add3A_1974 : vector<16xi32>
      %add3A_1982 = arith.addi %add3A_1975, %add3A_1976 : vector<16xi32>
      %add3A_1983 = arith.addi %add3A_1977, %add3A_1978 : vector<16xi32>
      %add3A_1984 = arith.addi %add3A_1979, %add3A_1980 : vector<16xi32>
      %add3A_1985 = arith.addi %add3A_1981, %add3A_1982 : vector<16xi32>
      %add3A_1986 = arith.addi %add3A_1983, %add3A_1984 : vector<16xi32>
      %add3A_1987 = arith.addi %add3A_1985, %add3A_1986 : vector<16xi32>
      %mul3A_1988 = arith.constant 16 : i32
      %mul3A_1989 = vector.broadcast %mul3A_1988 : i32 to vector<16xi32>
      %mul3A_1990 = arith.muli %iota3A, %mul3A_1989 : vector<16xi32>
      %add3A_1991 = arith.constant 13 : i32
      %add3A_1992 = vector.broadcast %add3A_1991 : i32 to vector<16xi32>
      %add3A_1993 = arith.addi %mul3A_1990, %add3A_1992 : vector<16xi32>
      tpu.vector_store_idx %arg10[%add3A_1993], %add3A_1987 : memref<256xi32, #tpu.memory_space<vmem>>[vector<16xi32>], vector<16xi32>,
      %get3A_1994 = arith.constant 7680 : index
      %get3A_1995 = tpu.vector_load %arg8[%get3A_1994] {strides = array<i32>} : memref<8192xi32, #tpu.memory_space<vmem>>, vector<16xi32>,
      %get3A_1996 = arith.constant 7696 : index
      %get3A_1997 = tpu.vector_load %arg8[%get3A_1996] {strides = array<i32>} : memref<8192xi32, #tpu.memory_space<vmem>>, vector<16xi32>,
      %get3A_1998 = arith.constant 7712 : index
      %get3A_1999 = tpu.vector_load %arg8[%get3A_1998] {strides = array<i32>} : memref<8192xi32, #tpu.memory_space<vmem>>, vector<16xi32>,
      %get3A_2000 = arith.constant 7728 : index
      %get3A_2001 = tpu.vector_load %arg8[%get3A_2000] {strides = array<i32>} : memref<8192xi32, #tpu.memory_space<vmem>>, vector<16xi32>,
      %get3A_2002 = arith.constant 7744 : index
      %get3A_2003 = tpu.vector_load %arg8[%get3A_2002] {strides = array<i32>} : memref<8192xi32, #tpu.memory_space<vmem>>, vector<16xi32>,
      %get3A_2004 = arith.constant 7760 : index
      %get3A_2005 = tpu.vector_load %arg8[%get3A_2004] {strides = array<i32>} : memref<8192xi32, #tpu.memory_space<vmem>>, vector<16xi32>,
      %get3A_2006 = arith.constant 7776 : index
      %get3A_2007 = tpu.vector_load %arg8[%get3A_2006] {strides = array<i32>} : memref<8192xi32, #tpu.memory_space<vmem>>, vector<16xi32>,
      %get3A_2008 = arith.constant 7792 : index
      %get3A_2009 = tpu.vector_load %arg8[%get3A_2008] {strides = array<i32>} : memref<8192xi32, #tpu.memory_space<vmem>>, vector<16xi32>,
      %get3A_2010 = arith.constant 7808 : index
      %get3A_2011 = tpu.vector_load %arg8[%get3A_2010] {strides = array<i32>} : memref<8192xi32, #tpu.memory_space<vmem>>, vector<16xi32>,
      %get3A_2012 = arith.constant 7824 : index
      %get3A_2013 = tpu.vector_load %arg8[%get3A_2012] {strides = array<i32>} : memref<8192xi32, #tpu.memory_space<vmem>>, vector<16xi32>,
      %get3A_2014 = arith.constant 7840 : index
      %get3A_2015 = tpu.vector_load %arg8[%get3A_2014] {strides = array<i32>} : memref<8192xi32, #tpu.memory_space<vmem>>, vector<16xi32>,
      %get3A_2016 = arith.constant 7856 : index
      %get3A_2017 = tpu.vector_load %arg8[%get3A_2016] {strides = array<i32>} : memref<8192xi32, #tpu.memory_space<vmem>>, vector<16xi32>,
      %get3A_2018 = arith.constant 7872 : index
      %get3A_2019 = tpu.vector_load %arg8[%get3A_2018] {strides = array<i32>} : memref<8192xi32, #tpu.memory_space<vmem>>, vector<16xi32>,
      %get3A_2020 = arith.constant 7888 : index
      %get3A_2021 = tpu.vector_load %arg8[%get3A_2020] {strides = array<i32>} : memref<8192xi32, #tpu.memory_space<vmem>>, vector<16xi32>,
      %get3A_2022 = arith.constant 7904 : index
      %get3A_2023 = tpu.vector_load %arg8[%get3A_2022] {strides = array<i32>} : memref<8192xi32, #tpu.memory_space<vmem>>, vector<16xi32>,
      %get3A_2024 = arith.constant 7920 : index
      %get3A_2025 = tpu.vector_load %arg8[%get3A_2024] {strides = array<i32>} : memref<8192xi32, #tpu.memory_space<vmem>>, vector<16xi32>,
      %add3A_2026 = arith.addi %get3A_1995, %get3A_1997 : vector<16xi32>
      %add3A_2027 = arith.addi %get3A_1999, %get3A_2001 : vector<16xi32>
      %add3A_2028 = arith.addi %get3A_2003, %get3A_2005 : vector<16xi32>
      %add3A_2029 = arith.addi %get3A_2007, %get3A_2009 : vector<16xi32>
      %add3A_2030 = arith.addi %get3A_2011, %get3A_2013 : vector<16xi32>
      %add3A_2031 = arith.addi %get3A_2015, %get3A_2017 : vector<16xi32>
      %add3A_2032 = arith.addi %get3A_2019, %get3A_2021 : vector<16xi32>
      %add3A_2033 = arith.addi %get3A_2023, %get3A_2025 : vector<16xi32>
      %add3A_2034 = arith.addi %add3A_2026, %add3A_2027 : vector<16xi32>
      %add3A_2035 = arith.addi %add3A_2028, %add3A_2029 : vector<16xi32>
      %add3A_2036 = arith.addi %add3A_2030, %add3A_2031 : vector<16xi32>
      %add3A_2037 = arith.addi %add3A_2032, %add3A_2033 : vector<16xi32>
      %add3A_2038 = arith.addi %add3A_2034, %add3A_2035 : vector<16xi32>
      %add3A_2039 = arith.addi %add3A_2036, %add3A_2037 : vector<16xi32>
      %add3A_2040 = arith.addi %add3A_2038, %add3A_2039 : vector<16xi32>
      %mul3A_2041 = arith.constant 16 : i32
      %mul3A_2042 = vector.broadcast %mul3A_2041 : i32 to vector<16xi32>
      %mul3A_2043 = arith.muli %iota3A, %mul3A_2042 : vector<16xi32>
      %add3A_2044 = arith.constant 14 : i32
      %add3A_2045 = vector.broadcast %add3A_2044 : i32 to vector<16xi32>
      %add3A_2046 = arith.addi %mul3A_2043, %add3A_2045 : vector<16xi32>
      tpu.vector_store_idx %arg10[%add3A_2046], %add3A_2040 : memref<256xi32, #tpu.memory_space<vmem>>[vector<16xi32>], vector<16xi32>,
      %get3A_2047 = arith.constant 7936 : index
      %get3A_2048 = tpu.vector_load %arg8[%get3A_2047] {strides = array<i32>} : memref<8192xi32, #tpu.memory_space<vmem>>, vector<16xi32>,
      %get3A_2049 = arith.constant 7952 : index
      %get3A_2050 = tpu.vector_load %arg8[%get3A_2049] {strides = array<i32>} : memref<8192xi32, #tpu.memory_space<vmem>>, vector<16xi32>,
      %get3A_2051 = arith.constant 7968 : index
      %get3A_2052 = tpu.vector_load %arg8[%get3A_2051] {strides = array<i32>} : memref<8192xi32, #tpu.memory_space<vmem>>, vector<16xi32>,
      %get3A_2053 = arith.constant 7984 : index
      %get3A_2054 = tpu.vector_load %arg8[%get3A_2053] {strides = array<i32>} : memref<8192xi32, #tpu.memory_space<vmem>>, vector<16xi32>,
      %get3A_2055 = arith.constant 8000 : index
      %get3A_2056 = tpu.vector_load %arg8[%get3A_2055] {strides = array<i32>} : memref<8192xi32, #tpu.memory_space<vmem>>, vector<16xi32>,
      %get3A_2057 = arith.constant 8016 : index
      %get3A_2058 = tpu.vector_load %arg8[%get3A_2057] {strides = array<i32>} : memref<8192xi32, #tpu.memory_space<vmem>>, vector<16xi32>,
      %get3A_2059 = arith.constant 8032 : index
      %get3A_2060 = tpu.vector_load %arg8[%get3A_2059] {strides = array<i32>} : memref<8192xi32, #tpu.memory_space<vmem>>, vector<16xi32>,
      %get3A_2061 = arith.constant 8048 : index
      %get3A_2062 = tpu.vector_load %arg8[%get3A_2061] {strides = array<i32>} : memref<8192xi32, #tpu.memory_space<vmem>>, vector<16xi32>,
      %get3A_2063 = arith.constant 8064 : index
      %get3A_2064 = tpu.vector_load %arg8[%get3A_2063] {strides = array<i32>} : memref<8192xi32, #tpu.memory_space<vmem>>, vector<16xi32>,
      %get3A_2065 = arith.constant 8080 : index
      %get3A_2066 = tpu.vector_load %arg8[%get3A_2065] {strides = array<i32>} : memref<8192xi32, #tpu.memory_space<vmem>>, vector<16xi32>,
      %get3A_2067 = arith.constant 8096 : index
      %get3A_2068 = tpu.vector_load %arg8[%get3A_2067] {strides = array<i32>} : memref<8192xi32, #tpu.memory_space<vmem>>, vector<16xi32>,
      %get3A_2069 = arith.constant 8112 : index
      %get3A_2070 = tpu.vector_load %arg8[%get3A_2069] {strides = array<i32>} : memref<8192xi32, #tpu.memory_space<vmem>>, vector<16xi32>,
      %get3A_2071 = arith.constant 8128 : index
      %get3A_2072 = tpu.vector_load %arg8[%get3A_2071] {strides = array<i32>} : memref<8192xi32, #tpu.memory_space<vmem>>, vector<16xi32>,
      %get3A_2073 = arith.constant 8144 : index
      %get3A_2074 = tpu.vector_load %arg8[%get3A_2073] {strides = array<i32>} : memref<8192xi32, #tpu.memory_space<vmem>>, vector<16xi32>,
      %get3A_2075 = arith.constant 8160 : index
      %get3A_2076 = tpu.vector_load %arg8[%get3A_2075] {strides = array<i32>} : memref<8192xi32, #tpu.memory_space<vmem>>, vector<16xi32>,
      %get3A_2077 = arith.constant 8176 : index
      %get3A_2078 = tpu.vector_load %arg8[%get3A_2077] {strides = array<i32>} : memref<8192xi32, #tpu.memory_space<vmem>>, vector<16xi32>,
      %add3A_2079 = arith.addi %get3A_2048, %get3A_2050 : vector<16xi32>
      %add3A_2080 = arith.addi %get3A_2052, %get3A_2054 : vector<16xi32>
      %add3A_2081 = arith.addi %get3A_2056, %get3A_2058 : vector<16xi32>
      %add3A_2082 = arith.addi %get3A_2060, %get3A_2062 : vector<16xi32>
      %add3A_2083 = arith.addi %get3A_2064, %get3A_2066 : vector<16xi32>
      %add3A_2084 = arith.addi %get3A_2068, %get3A_2070 : vector<16xi32>
      %add3A_2085 = arith.addi %get3A_2072, %get3A_2074 : vector<16xi32>
      %add3A_2086 = arith.addi %get3A_2076, %get3A_2078 : vector<16xi32>
      %add3A_2087 = arith.addi %add3A_2079, %add3A_2080 : vector<16xi32>
      %add3A_2088 = arith.addi %add3A_2081, %add3A_2082 : vector<16xi32>
      %add3A_2089 = arith.addi %add3A_2083, %add3A_2084 : vector<16xi32>
      %add3A_2090 = arith.addi %add3A_2085, %add3A_2086 : vector<16xi32>
      %add3A_2091 = arith.addi %add3A_2087, %add3A_2088 : vector<16xi32>
      %add3A_2092 = arith.addi %add3A_2089, %add3A_2090 : vector<16xi32>
      %add3A_2093 = arith.addi %add3A_2091, %add3A_2092 : vector<16xi32>
      %mul3A_2094 = arith.constant 16 : i32
      %mul3A_2095 = vector.broadcast %mul3A_2094 : i32 to vector<16xi32>
      %mul3A_2096 = arith.muli %iota3A, %mul3A_2095 : vector<16xi32>
      %add3A_2097 = arith.constant 15 : i32
      %add3A_2098 = vector.broadcast %add3A_2097 : i32 to vector<16xi32>
      %add3A_2099 = arith.addi %mul3A_2096, %add3A_2098 : vector<16xi32>
      tpu.vector_store_idx %arg10[%add3A_2099], %add3A_2093 : memref<256xi32, #tpu.memory_space<vmem>>[vector<16xi32>], vector<16xi32>,
      %get3A_2100 = arith.constant 0 : index
      %get3A_2101 = tpu.vector_load %arg10[%get3A_2100] {strides = array<i32>} : memref<256xi32, #tpu.memory_space<vmem>>, vector<16xi32>,
      %get3A_2102 = arith.constant 16 : index
      %get3A_2103 = tpu.vector_load %arg10[%get3A_2102] {strides = array<i32>} : memref<256xi32, #tpu.memory_space<vmem>>, vector<16xi32>,
      %get3A_2104 = arith.constant 32 : index
      %get3A_2105 = tpu.vector_load %arg10[%get3A_2104] {strides = array<i32>} : memref<256xi32, #tpu.memory_space<vmem>>, vector<16xi32>,
      %get3A_2106 = arith.constant 48 : index
      %get3A_2107 = tpu.vector_load %arg10[%get3A_2106] {strides = array<i32>} : memref<256xi32, #tpu.memory_space<vmem>>, vector<16xi32>,
      %get3A_2108 = arith.constant 64 : index
      %get3A_2109 = tpu.vector_load %arg10[%get3A_2108] {strides = array<i32>} : memref<256xi32, #tpu.memory_space<vmem>>, vector<16xi32>,
      %get3A_2110 = arith.constant 80 : index
      %get3A_2111 = tpu.vector_load %arg10[%get3A_2110] {strides = array<i32>} : memref<256xi32, #tpu.memory_space<vmem>>, vector<16xi32>,
      %get3A_2112 = arith.constant 96 : index
      %get3A_2113 = tpu.vector_load %arg10[%get3A_2112] {strides = array<i32>} : memref<256xi32, #tpu.memory_space<vmem>>, vector<16xi32>,
      %get3A_2114 = arith.constant 112 : index
      %get3A_2115 = tpu.vector_load %arg10[%get3A_2114] {strides = array<i32>} : memref<256xi32, #tpu.memory_space<vmem>>, vector<16xi32>,
      %get3A_2116 = arith.constant 128 : index
      %get3A_2117 = tpu.vector_load %arg10[%get3A_2116] {strides = array<i32>} : memref<256xi32, #tpu.memory_space<vmem>>, vector<16xi32>,
      %get3A_2118 = arith.constant 144 : index
      %get3A_2119 = tpu.vector_load %arg10[%get3A_2118] {strides = array<i32>} : memref<256xi32, #tpu.memory_space<vmem>>, vector<16xi32>,
      %get3A_2120 = arith.constant 160 : index
      %get3A_2121 = tpu.vector_load %arg10[%get3A_2120] {strides = array<i32>} : memref<256xi32, #tpu.memory_space<vmem>>, vector<16xi32>,
      %get3A_2122 = arith.constant 176 : index
      %get3A_2123 = tpu.vector_load %arg10[%get3A_2122] {strides = array<i32>} : memref<256xi32, #tpu.memory_space<vmem>>, vector<16xi32>,
      %get3A_2124 = arith.constant 192 : index
      %get3A_2125 = tpu.vector_load %arg10[%get3A_2124] {strides = array<i32>} : memref<256xi32, #tpu.memory_space<vmem>>, vector<16xi32>,
      %get3A_2126 = arith.constant 208 : index
      %get3A_2127 = tpu.vector_load %arg10[%get3A_2126] {strides = array<i32>} : memref<256xi32, #tpu.memory_space<vmem>>, vector<16xi32>,
      %get3A_2128 = arith.constant 224 : index
      %get3A_2129 = tpu.vector_load %arg10[%get3A_2128] {strides = array<i32>} : memref<256xi32, #tpu.memory_space<vmem>>, vector<16xi32>,
      %get3A_2130 = arith.constant 240 : index
      %get3A_2131 = tpu.vector_load %arg10[%get3A_2130] {strides = array<i32>} : memref<256xi32, #tpu.memory_space<vmem>>, vector<16xi32>,
      %add3A_2132 = arith.addi %get3A_2101, %get3A_2103 : vector<16xi32>
      %add3A_2133 = arith.addi %get3A_2105, %get3A_2107 : vector<16xi32>
      %add3A_2134 = arith.addi %get3A_2109, %get3A_2111 : vector<16xi32>
      %add3A_2135 = arith.addi %get3A_2113, %get3A_2115 : vector<16xi32>
      %add3A_2136 = arith.addi %get3A_2117, %get3A_2119 : vector<16xi32>
      %add3A_2137 = arith.addi %get3A_2121, %get3A_2123 : vector<16xi32>
      %add3A_2138 = arith.addi %get3A_2125, %get3A_2127 : vector<16xi32>
      %add3A_2139 = arith.addi %get3A_2129, %get3A_2131 : vector<16xi32>
      %add3A_2140 = arith.addi %add3A_2132, %add3A_2133 : vector<16xi32>
      %add3A_2141 = arith.addi %add3A_2134, %add3A_2135 : vector<16xi32>
      %add3A_2142 = arith.addi %add3A_2136, %add3A_2137 : vector<16xi32>
      %add3A_2143 = arith.addi %add3A_2138, %add3A_2139 : vector<16xi32>
      %add3A_2144 = arith.addi %add3A_2140, %add3A_2141 : vector<16xi32>
      %add3A_2145 = arith.addi %add3A_2142, %add3A_2143 : vector<16xi32>
      %add3A_2146 = arith.addi %add3A_2144, %add3A_2145 : vector<16xi32>
      %rev3A_2147 = arith.constant 15 : i32
      %rev3A_2148 = vector.broadcast %rev3A_2147 : i32 to vector<16xi32>
      %rev3A_2149 = tpu.iota {dimensions = array<i32: 0>} : vector<16xi32>
      %rev3A_2150 = arith.subi %rev3A_2148, %rev3A_2149 : vector<16xi32>
      %rev3A_2151 = tpu.dynamic_gather %add3A_2146[%rev3A_2150] in [0] : vector<16xi32>, vector<16xi32> -> vector<16xi32>
      %broadcast_in_dim3A_2152 = arith.constant true
      %broadcast_in_dim3A_2153 = vector.broadcast %broadcast_in_dim3A_2152 : i1 to vector<16xi1>
      %masked_cumsum3A_2154 = tpu.scan <sum>, %rev3A_2151 masked %broadcast_in_dim3A_2153 : vector<16xi32>, vector<16xi1> -> vector<16xi32>
      %ge3A_2155 = arith.cmpi sge, %masked_cumsum3A_2154, %scan3A_52 : vector<16xi32>
      %all_reduce_population_count3A_2156 = tpu.all_reduce %ge3A_2155 {dim = 0 : i64, kind = #tpu.reduction_kind<sum>} : vector<16xi1> -> vector<16xi32>
      %sub3A_2157 = arith.constant 1 : i32
      %sub3A_2158 = vector.broadcast %sub3A_2157 : i32 to vector<16xi32>
      %sub3A_2159 = arith.subi %all_reduce_population_count3A_2156, %sub3A_2158 : vector<16xi32>
      %sub3A_2160 = arith.constant 16 : i32
      %sub3A_2161 = vector.broadcast %sub3A_2160 : i32 to vector<16xi32>
      %sub3A_2162 = arith.subi %sub3A_2161, %all_reduce_population_count3A_2156 : vector<16xi32>
      %sub3A_2163 = arith.constant 1 : i32
      %sub3A_2164 = vector.broadcast %sub3A_2163 : i32 to vector<16xi32>
      %sub3A_2165 = arith.subi %sub3A_2162, %sub3A_2164 : vector<16xi32>
      %max3A_2166 = arith.constant 0 : i32
      %max3A_2167 = vector.broadcast %max3A_2166 : i32 to vector<16xi32>
      %max3A_2168 = arith.maxsi %sub3A_2165, %max3A_2167 : vector<16xi32>
      %lt3A_2169 = arith.constant 0 : i32
      %lt3A_2170 = vector.broadcast %lt3A_2169 : i32 to vector<16xi32>
      %lt3A_2171 = arith.cmpi slt, %max3A_2168, %lt3A_2170 : vector<16xi32>
      %add3A_2172 = arith.constant 16 : i32
      %add3A_2173 = vector.broadcast %add3A_2172 : i32 to vector<16xi32>
      %add3A_2174 = arith.addi %max3A_2168, %add3A_2173 : vector<16xi32>
      %select_n3A_2175 = arith.select %lt3A_2171, %add3A_2174, %max3A_2168 : vector<16xi1>, vector<16xi32>
      %broadcast_in_dim3A_2176 = vector.shape_cast %select_n3A_2175 : vector<16xi32> to vector<16x1xi32>
      %gather3A_2177 = vector.shape_cast %broadcast_in_dim3A_2176 : vector<16x1xi32> to vector<16xi32>
      %gather3A_2178 = tpu.dynamic_gather %masked_cumsum3A_2154[%gather3A_2177] in [0] : vector<16xi32>, vector<16xi32> -> vector<16xi32>
      %eq3A_2179 = arith.constant 0 : i32
      %eq3A_2180 = vector.broadcast %eq3A_2179 : i32 to vector<16xi32>
      %eq3A_2181 = arith.cmpi eq, %sub3A_2162, %eq3A_2180 : vector<16xi32>
      %select_n3A_2182 = arith.select %eq3A_2181, %broadcast_in_dim3A_14, %gather3A_2178 : vector<16xi1>, vector<16xi32>
      %reduce_max3A_2183 = arith.constant true
      %reduce_max3A_2184 = vector.broadcast %reduce_max3A_2183 : i1 to vector<16xi1>
      %reduce_max3A_2185 = arith.constant -2147483648 : i32
      %reduce_max3A_2186 = vector.broadcast %reduce_max3A_2185 : i32 to vector<16xi32>
      %reduce_max3A_2187 = arith.xori %sub3A_2159, %reduce_max3A_2186 : vector<16xi32>
      %reduce_max3A_2188 = tpu.scan <max>, %reduce_max3A_2187 masked %reduce_max3A_2184 : vector<16xi32>, vector<16xi1> -> vector<16xi32>
      %reduce_max3A_2189 = arith.xori %reduce_max3A_2188, %reduce_max3A_2186 : vector<16xi32>
      %reduce_max3A_2190 = vector.extract %reduce_max3A_2189[15] : i32 from vector<16xi32>
      %mul3A_2191 = arith.constant 256 : i32
      %mul3A_2192 = arith.muli %reduce_max3A_2190, %mul3A_2191 : i32
      %add3A_2193 = arith.constant 4096 : i32
      %add3A_2194 = arith.addi %add3A_2193, %mul3A_2192 : i32
      %add3A_2195 = arith.constant 0 : i32
      %add3A_2196 = arith.addi %add3A_2194, %add3A_2195 : i32
      %get3A_2197 = arith.index_cast %add3A_2196 : i32 to index
      %get3A_2198 = tpu.vector_load %arg8[%get3A_2197] {strides = array<i32>} : memref<8192xi32, #tpu.memory_space<vmem>>, vector<16xi32>,
      %mul3A_2199 = arith.constant 16 : i32
      %mul3A_2200 = vector.broadcast %mul3A_2199 : i32 to vector<16xi32>
      %mul3A_2201 = arith.muli %iota3A, %mul3A_2200 : vector<16xi32>
      %add3A_2202 = arith.constant 0 : i32
      %add3A_2203 = vector.broadcast %add3A_2202 : i32 to vector<16xi32>
      %add3A_2204 = arith.addi %mul3A_2201, %add3A_2203 : vector<16xi32>
      tpu.vector_store_idx %arg10[%add3A_2204], %get3A_2198 : memref<256xi32, #tpu.memory_space<vmem>>[vector<16xi32>], vector<16xi32>,
      %add3A_2205 = arith.constant 16 : i32
      %add3A_2206 = arith.addi %add3A_2194, %add3A_2205 : i32
      %get3A_2207 = arith.index_cast %add3A_2206 : i32 to index
      %get3A_2208 = tpu.vector_load %arg8[%get3A_2207] {strides = array<i32>} : memref<8192xi32, #tpu.memory_space<vmem>>, vector<16xi32>,
      %mul3A_2209 = arith.constant 16 : i32
      %mul3A_2210 = vector.broadcast %mul3A_2209 : i32 to vector<16xi32>
      %mul3A_2211 = arith.muli %iota3A, %mul3A_2210 : vector<16xi32>
      %add3A_2212 = arith.constant 1 : i32
      %add3A_2213 = vector.broadcast %add3A_2212 : i32 to vector<16xi32>
      %add3A_2214 = arith.addi %mul3A_2211, %add3A_2213 : vector<16xi32>
      tpu.vector_store_idx %arg10[%add3A_2214], %get3A_2208 : memref<256xi32, #tpu.memory_space<vmem>>[vector<16xi32>], vector<16xi32>,
      %add3A_2215 = arith.constant 32 : i32
      %add3A_2216 = arith.addi %add3A_2194, %add3A_2215 : i32
      %get3A_2217 = arith.index_cast %add3A_2216 : i32 to index
      %get3A_2218 = tpu.vector_load %arg8[%get3A_2217] {strides = array<i32>} : memref<8192xi32, #tpu.memory_space<vmem>>, vector<16xi32>,
      %mul3A_2219 = arith.constant 16 : i32
      %mul3A_2220 = vector.broadcast %mul3A_2219 : i32 to vector<16xi32>
      %mul3A_2221 = arith.muli %iota3A, %mul3A_2220 : vector<16xi32>
      %add3A_2222 = arith.constant 2 : i32
      %add3A_2223 = vector.broadcast %add3A_2222 : i32 to vector<16xi32>
      %add3A_2224 = arith.addi %mul3A_2221, %add3A_2223 : vector<16xi32>
      tpu.vector_store_idx %arg10[%add3A_2224], %get3A_2218 : memref<256xi32, #tpu.memory_space<vmem>>[vector<16xi32>], vector<16xi32>,
      %add3A_2225 = arith.constant 48 : i32
      %add3A_2226 = arith.addi %add3A_2194, %add3A_2225 : i32
      %get3A_2227 = arith.index_cast %add3A_2226 : i32 to index
      %get3A_2228 = tpu.vector_load %arg8[%get3A_2227] {strides = array<i32>} : memref<8192xi32, #tpu.memory_space<vmem>>, vector<16xi32>,
      %mul3A_2229 = arith.constant 16 : i32
      %mul3A_2230 = vector.broadcast %mul3A_2229 : i32 to vector<16xi32>
      %mul3A_2231 = arith.muli %iota3A, %mul3A_2230 : vector<16xi32>
      %add3A_2232 = arith.constant 3 : i32
      %add3A_2233 = vector.broadcast %add3A_2232 : i32 to vector<16xi32>
      %add3A_2234 = arith.addi %mul3A_2231, %add3A_2233 : vector<16xi32>
      tpu.vector_store_idx %arg10[%add3A_2234], %get3A_2228 : memref<256xi32, #tpu.memory_space<vmem>>[vector<16xi32>], vector<16xi32>,
      %add3A_2235 = arith.constant 64 : i32
      %add3A_2236 = arith.addi %add3A_2194, %add3A_2235 : i32
      %get3A_2237 = arith.index_cast %add3A_2236 : i32 to index
      %get3A_2238 = tpu.vector_load %arg8[%get3A_2237] {strides = array<i32>} : memref<8192xi32, #tpu.memory_space<vmem>>, vector<16xi32>,
      %mul3A_2239 = arith.constant 16 : i32
      %mul3A_2240 = vector.broadcast %mul3A_2239 : i32 to vector<16xi32>
      %mul3A_2241 = arith.muli %iota3A, %mul3A_2240 : vector<16xi32>
      %add3A_2242 = arith.constant 4 : i32
      %add3A_2243 = vector.broadcast %add3A_2242 : i32 to vector<16xi32>
      %add3A_2244 = arith.addi %mul3A_2241, %add3A_2243 : vector<16xi32>
      tpu.vector_store_idx %arg10[%add3A_2244], %get3A_2238 : memref<256xi32, #tpu.memory_space<vmem>>[vector<16xi32>], vector<16xi32>,
      %add3A_2245 = arith.constant 80 : i32
      %add3A_2246 = arith.addi %add3A_2194, %add3A_2245 : i32
      %get3A_2247 = arith.index_cast %add3A_2246 : i32 to index
      %get3A_2248 = tpu.vector_load %arg8[%get3A_2247] {strides = array<i32>} : memref<8192xi32, #tpu.memory_space<vmem>>, vector<16xi32>,
      %mul3A_2249 = arith.constant 16 : i32
      %mul3A_2250 = vector.broadcast %mul3A_2249 : i32 to vector<16xi32>
      %mul3A_2251 = arith.muli %iota3A, %mul3A_2250 : vector<16xi32>
      %add3A_2252 = arith.constant 5 : i32
      %add3A_2253 = vector.broadcast %add3A_2252 : i32 to vector<16xi32>
      %add3A_2254 = arith.addi %mul3A_2251, %add3A_2253 : vector<16xi32>
      tpu.vector_store_idx %arg10[%add3A_2254], %get3A_2248 : memref<256xi32, #tpu.memory_space<vmem>>[vector<16xi32>], vector<16xi32>,
      %add3A_2255 = arith.constant 96 : i32
      %add3A_2256 = arith.addi %add3A_2194, %add3A_2255 : i32
      %get3A_2257 = arith.index_cast %add3A_2256 : i32 to index
      %get3A_2258 = tpu.vector_load %arg8[%get3A_2257] {strides = array<i32>} : memref<8192xi32, #tpu.memory_space<vmem>>, vector<16xi32>,
      %mul3A_2259 = arith.constant 16 : i32
      %mul3A_2260 = vector.broadcast %mul3A_2259 : i32 to vector<16xi32>
      %mul3A_2261 = arith.muli %iota3A, %mul3A_2260 : vector<16xi32>
      %add3A_2262 = arith.constant 6 : i32
      %add3A_2263 = vector.broadcast %add3A_2262 : i32 to vector<16xi32>
      %add3A_2264 = arith.addi %mul3A_2261, %add3A_2263 : vector<16xi32>
      tpu.vector_store_idx %arg10[%add3A_2264], %get3A_2258 : memref<256xi32, #tpu.memory_space<vmem>>[vector<16xi32>], vector<16xi32>,
      %add3A_2265 = arith.constant 112 : i32
      %add3A_2266 = arith.addi %add3A_2194, %add3A_2265 : i32
      %get3A_2267 = arith.index_cast %add3A_2266 : i32 to index
      %get3A_2268 = tpu.vector_load %arg8[%get3A_2267] {strides = array<i32>} : memref<8192xi32, #tpu.memory_space<vmem>>, vector<16xi32>,
      %mul3A_2269 = arith.constant 16 : i32
      %mul3A_2270 = vector.broadcast %mul3A_2269 : i32 to vector<16xi32>
      %mul3A_2271 = arith.muli %iota3A, %mul3A_2270 : vector<16xi32>
      %add3A_2272 = arith.constant 7 : i32
      %add3A_2273 = vector.broadcast %add3A_2272 : i32 to vector<16xi32>
      %add3A_2274 = arith.addi %mul3A_2271, %add3A_2273 : vector<16xi32>
      tpu.vector_store_idx %arg10[%add3A_2274], %get3A_2268 : memref<256xi32, #tpu.memory_space<vmem>>[vector<16xi32>], vector<16xi32>,
      %add3A_2275 = arith.constant 128 : i32
      %add3A_2276 = arith.addi %add3A_2194, %add3A_2275 : i32
      %get3A_2277 = arith.index_cast %add3A_2276 : i32 to index
      %get3A_2278 = tpu.vector_load %arg8[%get3A_2277] {strides = array<i32>} : memref<8192xi32, #tpu.memory_space<vmem>>, vector<16xi32>,
      %mul3A_2279 = arith.constant 16 : i32
      %mul3A_2280 = vector.broadcast %mul3A_2279 : i32 to vector<16xi32>
      %mul3A_2281 = arith.muli %iota3A, %mul3A_2280 : vector<16xi32>
      %add3A_2282 = arith.constant 8 : i32
      %add3A_2283 = vector.broadcast %add3A_2282 : i32 to vector<16xi32>
      %add3A_2284 = arith.addi %mul3A_2281, %add3A_2283 : vector<16xi32>
      tpu.vector_store_idx %arg10[%add3A_2284], %get3A_2278 : memref<256xi32, #tpu.memory_space<vmem>>[vector<16xi32>], vector<16xi32>,
      %add3A_2285 = arith.constant 144 : i32
      %add3A_2286 = arith.addi %add3A_2194, %add3A_2285 : i32
      %get3A_2287 = arith.index_cast %add3A_2286 : i32 to index
      %get3A_2288 = tpu.vector_load %arg8[%get3A_2287] {strides = array<i32>} : memref<8192xi32, #tpu.memory_space<vmem>>, vector<16xi32>,
      %mul3A_2289 = arith.constant 16 : i32
      %mul3A_2290 = vector.broadcast %mul3A_2289 : i32 to vector<16xi32>
      %mul3A_2291 = arith.muli %iota3A, %mul3A_2290 : vector<16xi32>
      %add3A_2292 = arith.constant 9 : i32
      %add3A_2293 = vector.broadcast %add3A_2292 : i32 to vector<16xi32>
      %add3A_2294 = arith.addi %mul3A_2291, %add3A_2293 : vector<16xi32>
      tpu.vector_store_idx %arg10[%add3A_2294], %get3A_2288 : memref<256xi32, #tpu.memory_space<vmem>>[vector<16xi32>], vector<16xi32>,
      %add3A_2295 = arith.constant 160 : i32
      %add3A_2296 = arith.addi %add3A_2194, %add3A_2295 : i32
      %get3A_2297 = arith.index_cast %add3A_2296 : i32 to index
      %get3A_2298 = tpu.vector_load %arg8[%get3A_2297] {strides = array<i32>} : memref<8192xi32, #tpu.memory_space<vmem>>, vector<16xi32>,
      %mul3A_2299 = arith.constant 16 : i32
      %mul3A_2300 = vector.broadcast %mul3A_2299 : i32 to vector<16xi32>
      %mul3A_2301 = arith.muli %iota3A, %mul3A_2300 : vector<16xi32>
      %add3A_2302 = arith.constant 10 : i32
      %add3A_2303 = vector.broadcast %add3A_2302 : i32 to vector<16xi32>
      %add3A_2304 = arith.addi %mul3A_2301, %add3A_2303 : vector<16xi32>
      tpu.vector_store_idx %arg10[%add3A_2304], %get3A_2298 : memref<256xi32, #tpu.memory_space<vmem>>[vector<16xi32>], vector<16xi32>,
      %add3A_2305 = arith.constant 176 : i32
      %add3A_2306 = arith.addi %add3A_2194, %add3A_2305 : i32
      %get3A_2307 = arith.index_cast %add3A_2306 : i32 to index
      %get3A_2308 = tpu.vector_load %arg8[%get3A_2307] {strides = array<i32>} : memref<8192xi32, #tpu.memory_space<vmem>>, vector<16xi32>,
      %mul3A_2309 = arith.constant 16 : i32
      %mul3A_2310 = vector.broadcast %mul3A_2309 : i32 to vector<16xi32>
      %mul3A_2311 = arith.muli %iota3A, %mul3A_2310 : vector<16xi32>
      %add3A_2312 = arith.constant 11 : i32
      %add3A_2313 = vector.broadcast %add3A_2312 : i32 to vector<16xi32>
      %add3A_2314 = arith.addi %mul3A_2311, %add3A_2313 : vector<16xi32>
      tpu.vector_store_idx %arg10[%add3A_2314], %get3A_2308 : memref<256xi32, #tpu.memory_space<vmem>>[vector<16xi32>], vector<16xi32>,
      %add3A_2315 = arith.constant 192 : i32
      %add3A_2316 = arith.addi %add3A_2194, %add3A_2315 : i32
      %get3A_2317 = arith.index_cast %add3A_2316 : i32 to index
      %get3A_2318 = tpu.vector_load %arg8[%get3A_2317] {strides = array<i32>} : memref<8192xi32, #tpu.memory_space<vmem>>, vector<16xi32>,
      %mul3A_2319 = arith.constant 16 : i32
      %mul3A_2320 = vector.broadcast %mul3A_2319 : i32 to vector<16xi32>
      %mul3A_2321 = arith.muli %iota3A, %mul3A_2320 : vector<16xi32>
      %add3A_2322 = arith.constant 12 : i32
      %add3A_2323 = vector.broadcast %add3A_2322 : i32 to vector<16xi32>
      %add3A_2324 = arith.addi %mul3A_2321, %add3A_2323 : vector<16xi32>
      tpu.vector_store_idx %arg10[%add3A_2324], %get3A_2318 : memref<256xi32, #tpu.memory_space<vmem>>[vector<16xi32>], vector<16xi32>,
      %add3A_2325 = arith.constant 208 : i32
      %add3A_2326 = arith.addi %add3A_2194, %add3A_2325 : i32
      %get3A_2327 = arith.index_cast %add3A_2326 : i32 to index
      %get3A_2328 = tpu.vector_load %arg8[%get3A_2327] {strides = array<i32>} : memref<8192xi32, #tpu.memory_space<vmem>>, vector<16xi32>,
      %mul3A_2329 = arith.constant 16 : i32
      %mul3A_2330 = vector.broadcast %mul3A_2329 : i32 to vector<16xi32>
      %mul3A_2331 = arith.muli %iota3A, %mul3A_2330 : vector<16xi32>
      %add3A_2332 = arith.constant 13 : i32
      %add3A_2333 = vector.broadcast %add3A_2332 : i32 to vector<16xi32>
      %add3A_2334 = arith.addi %mul3A_2331, %add3A_2333 : vector<16xi32>
      tpu.vector_store_idx %arg10[%add3A_2334], %get3A_2328 : memref<256xi32, #tpu.memory_space<vmem>>[vector<16xi32>], vector<16xi32>,
      %add3A_2335 = arith.constant 224 : i32
      %add3A_2336 = arith.addi %add3A_2194, %add3A_2335 : i32
      %get3A_2337 = arith.index_cast %add3A_2336 : i32 to index
      %get3A_2338 = tpu.vector_load %arg8[%get3A_2337] {strides = array<i32>} : memref<8192xi32, #tpu.memory_space<vmem>>, vector<16xi32>,
      %mul3A_2339 = arith.constant 16 : i32
      %mul3A_2340 = vector.broadcast %mul3A_2339 : i32 to vector<16xi32>
      %mul3A_2341 = arith.muli %iota3A, %mul3A_2340 : vector<16xi32>
      %add3A_2342 = arith.constant 14 : i32
      %add3A_2343 = vector.broadcast %add3A_2342 : i32 to vector<16xi32>
      %add3A_2344 = arith.addi %mul3A_2341, %add3A_2343 : vector<16xi32>
      tpu.vector_store_idx %arg10[%add3A_2344], %get3A_2338 : memref<256xi32, #tpu.memory_space<vmem>>[vector<16xi32>], vector<16xi32>,
      %add3A_2345 = arith.constant 240 : i32
      %add3A_2346 = arith.addi %add3A_2194, %add3A_2345 : i32
      %get3A_2347 = arith.index_cast %add3A_2346 : i32 to index
      %get3A_2348 = tpu.vector_load %arg8[%get3A_2347] {strides = array<i32>} : memref<8192xi32, #tpu.memory_space<vmem>>, vector<16xi32>,
      %mul3A_2349 = arith.constant 16 : i32
      %mul3A_2350 = vector.broadcast %mul3A_2349 : i32 to vector<16xi32>
      %mul3A_2351 = arith.muli %iota3A, %mul3A_2350 : vector<16xi32>
      %add3A_2352 = arith.constant 15 : i32
      %add3A_2353 = vector.broadcast %add3A_2352 : i32 to vector<16xi32>
      %add3A_2354 = arith.addi %mul3A_2351, %add3A_2353 : vector<16xi32>
      tpu.vector_store_idx %arg10[%add3A_2354], %get3A_2348 : memref<256xi32, #tpu.memory_space<vmem>>[vector<16xi32>], vector<16xi32>,
      %get3A_2355 = arith.constant 0 : index
      %get3A_2356 = tpu.vector_load %arg10[%get3A_2355] {strides = array<i32>} : memref<256xi32, #tpu.memory_space<vmem>>, vector<16xi32>,
      %get3A_2357 = arith.constant 16 : index
      %get3A_2358 = tpu.vector_load %arg10[%get3A_2357] {strides = array<i32>} : memref<256xi32, #tpu.memory_space<vmem>>, vector<16xi32>,
      %get3A_2359 = arith.constant 32 : index
      %get3A_2360 = tpu.vector_load %arg10[%get3A_2359] {strides = array<i32>} : memref<256xi32, #tpu.memory_space<vmem>>, vector<16xi32>,
      %get3A_2361 = arith.constant 48 : index
      %get3A_2362 = tpu.vector_load %arg10[%get3A_2361] {strides = array<i32>} : memref<256xi32, #tpu.memory_space<vmem>>, vector<16xi32>,
      %get3A_2363 = arith.constant 64 : index
      %get3A_2364 = tpu.vector_load %arg10[%get3A_2363] {strides = array<i32>} : memref<256xi32, #tpu.memory_space<vmem>>, vector<16xi32>,
      %get3A_2365 = arith.constant 80 : index
      %get3A_2366 = tpu.vector_load %arg10[%get3A_2365] {strides = array<i32>} : memref<256xi32, #tpu.memory_space<vmem>>, vector<16xi32>,
      %get3A_2367 = arith.constant 96 : index
      %get3A_2368 = tpu.vector_load %arg10[%get3A_2367] {strides = array<i32>} : memref<256xi32, #tpu.memory_space<vmem>>, vector<16xi32>,
      %get3A_2369 = arith.constant 112 : index
      %get3A_2370 = tpu.vector_load %arg10[%get3A_2369] {strides = array<i32>} : memref<256xi32, #tpu.memory_space<vmem>>, vector<16xi32>,
      %get3A_2371 = arith.constant 128 : index
      %get3A_2372 = tpu.vector_load %arg10[%get3A_2371] {strides = array<i32>} : memref<256xi32, #tpu.memory_space<vmem>>, vector<16xi32>,
      %get3A_2373 = arith.constant 144 : index
      %get3A_2374 = tpu.vector_load %arg10[%get3A_2373] {strides = array<i32>} : memref<256xi32, #tpu.memory_space<vmem>>, vector<16xi32>,
      %get3A_2375 = arith.constant 160 : index
      %get3A_2376 = tpu.vector_load %arg10[%get3A_2375] {strides = array<i32>} : memref<256xi32, #tpu.memory_space<vmem>>, vector<16xi32>,
      %get3A_2377 = arith.constant 176 : index
      %get3A_2378 = tpu.vector_load %arg10[%get3A_2377] {strides = array<i32>} : memref<256xi32, #tpu.memory_space<vmem>>, vector<16xi32>,
      %get3A_2379 = arith.constant 192 : index
      %get3A_2380 = tpu.vector_load %arg10[%get3A_2379] {strides = array<i32>} : memref<256xi32, #tpu.memory_space<vmem>>, vector<16xi32>,
      %get3A_2381 = arith.constant 208 : index
      %get3A_2382 = tpu.vector_load %arg10[%get3A_2381] {strides = array<i32>} : memref<256xi32, #tpu.memory_space<vmem>>, vector<16xi32>,
      %get3A_2383 = arith.constant 224 : index
      %get3A_2384 = tpu.vector_load %arg10[%get3A_2383] {strides = array<i32>} : memref<256xi32, #tpu.memory_space<vmem>>, vector<16xi32>,
      %get3A_2385 = arith.constant 240 : index
      %get3A_2386 = tpu.vector_load %arg10[%get3A_2385] {strides = array<i32>} : memref<256xi32, #tpu.memory_space<vmem>>, vector<16xi32>,
      %add3A_2387 = arith.addi %get3A_2356, %get3A_2358 : vector<16xi32>
      %add3A_2388 = arith.addi %get3A_2360, %get3A_2362 : vector<16xi32>
      %add3A_2389 = arith.addi %get3A_2364, %get3A_2366 : vector<16xi32>
      %add3A_2390 = arith.addi %get3A_2368, %get3A_2370 : vector<16xi32>
      %add3A_2391 = arith.addi %get3A_2372, %get3A_2374 : vector<16xi32>
      %add3A_2392 = arith.addi %get3A_2376, %get3A_2378 : vector<16xi32>
      %add3A_2393 = arith.addi %get3A_2380, %get3A_2382 : vector<16xi32>
      %add3A_2394 = arith.addi %get3A_2384, %get3A_2386 : vector<16xi32>
      %add3A_2395 = arith.addi %add3A_2387, %add3A_2388 : vector<16xi32>
      %add3A_2396 = arith.addi %add3A_2389, %add3A_2390 : vector<16xi32>
      %add3A_2397 = arith.addi %add3A_2391, %add3A_2392 : vector<16xi32>
      %add3A_2398 = arith.addi %add3A_2393, %add3A_2394 : vector<16xi32>
      %add3A_2399 = arith.addi %add3A_2395, %add3A_2396 : vector<16xi32>
      %add3A_2400 = arith.addi %add3A_2397, %add3A_2398 : vector<16xi32>
      %add3A_2401 = arith.addi %add3A_2399, %add3A_2400 : vector<16xi32>
      %sub3A_2402 = arith.subi %scan3A_52, %select_n3A_2182 : vector<16xi32>
      %rev3A_2403 = arith.constant 15 : i32
      %rev3A_2404 = vector.broadcast %rev3A_2403 : i32 to vector<16xi32>
      %rev3A_2405 = tpu.iota {dimensions = array<i32: 0>} : vector<16xi32>
      %rev3A_2406 = arith.subi %rev3A_2404, %rev3A_2405 : vector<16xi32>
      %rev3A_2407 = tpu.dynamic_gather %add3A_2401[%rev3A_2406] in [0] : vector<16xi32>, vector<16xi32> -> vector<16xi32>
      %broadcast_in_dim3A_2408 = arith.constant true
      %broadcast_in_dim3A_2409 = vector.broadcast %broadcast_in_dim3A_2408 : i1 to vector<16xi1>
      %masked_cumsum3A_2410 = tpu.scan <sum>, %rev3A_2407 masked %broadcast_in_dim3A_2409 : vector<16xi32>, vector<16xi1> -> vector<16xi32>
      %ge3A_2411 = arith.cmpi sge, %masked_cumsum3A_2410, %sub3A_2402 : vector<16xi32>
      %all_reduce_population_count3A_2412 = tpu.all_reduce %ge3A_2411 {dim = 0 : i64, kind = #tpu.reduction_kind<sum>} : vector<16xi1> -> vector<16xi32>
      %sub3A_2413 = arith.constant 1 : i32
      %sub3A_2414 = vector.broadcast %sub3A_2413 : i32 to vector<16xi32>
      %sub3A_2415 = arith.subi %all_reduce_population_count3A_2412, %sub3A_2414 : vector<16xi32>
      %sub3A_2416 = arith.constant 16 : i32
      %sub3A_2417 = vector.broadcast %sub3A_2416 : i32 to vector<16xi32>
      %sub3A_2418 = arith.subi %sub3A_2417, %all_reduce_population_count3A_2412 : vector<16xi32>
      %sub3A_2419 = arith.constant 1 : i32
      %sub3A_2420 = vector.broadcast %sub3A_2419 : i32 to vector<16xi32>
      %sub3A_2421 = arith.subi %sub3A_2418, %sub3A_2420 : vector<16xi32>
      %max3A_2422 = arith.constant 0 : i32
      %max3A_2423 = vector.broadcast %max3A_2422 : i32 to vector<16xi32>
      %max3A_2424 = arith.maxsi %sub3A_2421, %max3A_2423 : vector<16xi32>
      %lt3A_2425 = arith.constant 0 : i32
      %lt3A_2426 = vector.broadcast %lt3A_2425 : i32 to vector<16xi32>
      %lt3A_2427 = arith.cmpi slt, %max3A_2424, %lt3A_2426 : vector<16xi32>
      %add3A_2428 = arith.constant 16 : i32
      %add3A_2429 = vector.broadcast %add3A_2428 : i32 to vector<16xi32>
      %add3A_2430 = arith.addi %max3A_2424, %add3A_2429 : vector<16xi32>
      %select_n3A_2431 = arith.select %lt3A_2427, %add3A_2430, %max3A_2424 : vector<16xi1>, vector<16xi32>
      %broadcast_in_dim3A_2432 = vector.shape_cast %select_n3A_2431 : vector<16xi32> to vector<16x1xi32>
      %gather3A_2433 = vector.shape_cast %broadcast_in_dim3A_2432 : vector<16x1xi32> to vector<16xi32>
      %gather3A_2434 = tpu.dynamic_gather %masked_cumsum3A_2410[%gather3A_2433] in [0] : vector<16xi32>, vector<16xi32> -> vector<16xi32>
      %eq3A_2435 = arith.constant 0 : i32
      %eq3A_2436 = vector.broadcast %eq3A_2435 : i32 to vector<16xi32>
      %eq3A_2437 = arith.cmpi eq, %sub3A_2418, %eq3A_2436 : vector<16xi32>
      %select_n3A_2438 = arith.select %eq3A_2437, %broadcast_in_dim3A_14, %gather3A_2434 : vector<16xi1>, vector<16xi32>
      %mul3A_2439 = arith.constant 16 : i32
      %mul3A_2440 = vector.broadcast %mul3A_2439 : i32 to vector<16xi32>
      %mul3A_2441 = arith.muli %sub3A_2159, %mul3A_2440 : vector<16xi32>
      %add3A_2442 = arith.addi %mul3A_2441, %sub3A_2415 : vector<16xi32>
      %add3A_2443 = arith.addi %select_n3A_2182, %select_n3A_2438 : vector<16xi32>
      %eq3A_2444 = arith.constant 0 : i32
      %eq3A_2445 = arith.cmpi eq, %scan3A_48, %eq3A_2444 : i32
      %jit3A = arith.constant 128 : i32
      %jit3A_2446 = arith.constant 0 : i32
      %select_n3A_2447 = arith.select %eq3A_2445, %jit3A, %jit3A_2446 : i32
      %xor3A = vector.broadcast %select_n3A_2447 : i32 to vector<16xi32>
      %xor3A_2448 = arith.xori %add3A_1250, %xor3A : vector<16xi32>
      %shift_left3A = arith.shli %xor3A_2448, %mul3A_59 : vector<16xi32>
      %or3A = arith.ori %scan3A_49, %shift_left3A : vector<16xi32>
      %xor3A_2449 = vector.broadcast %select_n3A_2447 : i32 to vector<16xi32>
      %xor3A_2450 = arith.xori %add3A_2442, %xor3A_2449 : vector<16xi32>
      %shift_left3A_2451 = arith.shli %xor3A_2450, %mul3A_59 : vector<16xi32>
      %or3A_2452 = arith.ori %scan3A_51, %shift_left3A_2451 : vector<16xi32>
      %sub3A_2453 = arith.subi %scan3A_50, %add3A_1251 : vector<16xi32>
      %sub3A_2454 = arith.subi %scan3A_52, %add3A_2443 : vector<16xi32>
      scf.yield %or3A, %sub3A_2453, %or3A_2452, %sub3A_2454 : vector<16xi32>, vector<16xi32>, vector<16xi32>, vector<16xi32>
    }
    %scan3A_25 = arith.constant 4 : i32
    %parallel_loop3A = arith.constant 0 : i32
    %parallel_loop3A_26 = arith.constant 512 : i32
    %parallel_loop3A_27 = arith.constant 1 : i32
    scf.for %parallel_loop3A_48 = %parallel_loop3A to %parallel_loop3A_26 step %parallel_loop3A_27  : i32 {
      %parallel_loop3A_49 = arith.constant 16 : i32
      %parallel_loop3A_50 = arith.muli %parallel_loop3A_48, %parallel_loop3A_49 : i32
      %parallel_loop3A_51 = arith.index_cast %parallel_loop3A_50 : i32 to index
      %parallel_loop3A_52 = tpu.vector_load %arg6[%parallel_loop3A_51] {strides = array<i32>} : memref<8192xi32, #tpu.memory_space<vmem>>, vector<16xi32>,
      %parallel_loop3A_53 = arith.cmpi sge, %parallel_loop3A_52, %scan3A_24#0 : vector<16xi32>
      %parallel_loop3A_54 = arith.select %parallel_loop3A_53, %broadcast_in_dim3A_16, %broadcast_in_dim3A_18 : vector<16xi1>, vector<16xf32>
      %parallel_loop3A_55 = arith.constant 16 : i32
      %parallel_loop3A_56 = arith.muli %parallel_loop3A_48, %parallel_loop3A_55 : i32
      %parallel_loop3A_57 = arith.constant 0 : i32
      %parallel_loop3A_58 = arith.index_cast %parallel_loop3A_57 : i32 to index
      %parallel_loop3A_59 = arith.index_cast %parallel_loop3A_56 : i32 to index
      %parallel_loop3A_60 = tpu.vector_load %arg4[%parallel_loop3A_58, %parallel_loop3A_59] {strides = array<i32>} : memref<1x8192xf32, #tpu.memory_space<vmem>>, vector<16xf32>,
      tpu.vector_store %arg4[%parallel_loop3A_58, %parallel_loop3A_59], %parallel_loop3A_54 {strides = array<i32>} : memref<1x8192xf32, #tpu.memory_space<vmem>>, vector<16xf32>,
    } {sc.loop_unroll_factor = 8 : i64, sc.parallel_access}
    %dma_start3A_28 = arith.constant 0 : i32
    %dma_start3A_29 = tpu.memref_slice %arg3[%mul3A_2, %dma_start3A_28] : memref<64x8192xf32, #tpu.memory_space<hbm>> -> memref<1x8192xf32, #tpu.memory_space<hbm>>
    %dma_start3A_30 = arith.constant 0 : i32
    %dma_start3A_31 = tpu.memref_slice %arg3[%mul3A_2, %dma_start3A_30] : memref<64x8192xf32, #tpu.memory_space<hbm>> -> memref<1x8192xf32, #tpu.memory_space<hbm>>
    tpu.enqueue_dma source(%arg4 : memref<1x8192xf32, #tpu.memory_space<vmem>>) target(%dma_start3A_31 : memref<1x8192xf32, #tpu.memory_space<hbm>>) target_semaphore(%arg11 : memref<!tpu.dma_semaphore, #tpu.memory_space<semaphore_mem>>)
    %parallel_loop3A_32 = arith.constant 0 : i32
    %parallel_loop3A_33 = arith.constant 512 : i32
    %parallel_loop3A_34 = arith.constant 1 : i32
    scf.for %parallel_loop3A_48 = %parallel_loop3A_32 to %parallel_loop3A_33 step %parallel_loop3A_34  : i32 {
      %parallel_loop3A_49 = arith.constant 16 : i32
      %parallel_loop3A_50 = arith.muli %parallel_loop3A_48, %parallel_loop3A_49 : i32
      %parallel_loop3A_51 = arith.index_cast %parallel_loop3A_50 : i32 to index
      %parallel_loop3A_52 = tpu.vector_load %arg7[%parallel_loop3A_51] {strides = array<i32>} : memref<8192xi32, #tpu.memory_space<vmem>>, vector<16xi32>,
      %parallel_loop3A_53 = arith.cmpi sge, %parallel_loop3A_52, %scan3A_24#2 : vector<16xi32>
      %parallel_loop3A_54 = arith.select %parallel_loop3A_53, %broadcast_in_dim3A_16, %broadcast_in_dim3A_18 : vector<16xi1>, vector<16xf32>
      %parallel_loop3A_55 = arith.constant 16 : i32
      %parallel_loop3A_56 = arith.muli %parallel_loop3A_48, %parallel_loop3A_55 : i32
      %parallel_loop3A_57 = arith.constant 0 : i32
      %parallel_loop3A_58 = arith.index_cast %parallel_loop3A_57 : i32 to index
      %parallel_loop3A_59 = arith.index_cast %parallel_loop3A_56 : i32 to index
      %parallel_loop3A_60 = tpu.vector_load %arg5[%parallel_loop3A_58, %parallel_loop3A_59] {strides = array<i32>} : memref<1x8192xf32, #tpu.memory_space<vmem>>, vector<16xf32>,
      tpu.vector_store %arg5[%parallel_loop3A_58, %parallel_loop3A_59], %parallel_loop3A_54 {strides = array<i32>} : memref<1x8192xf32, #tpu.memory_space<vmem>>, vector<16xf32>,
    } {sc.loop_unroll_factor = 8 : i64, sc.parallel_access}
    %add3A_35 = arith.constant 1 : i32
    %add3A_36 = arith.addi %mul3A_2, %add3A_35 : i32
    %dma_start3A_37 = arith.constant 0 : i32
    %dma_start3A_38 = tpu.memref_slice %arg3[%add3A_36, %dma_start3A_37] : memref<64x8192xf32, #tpu.memory_space<hbm>> -> memref<1x8192xf32, #tpu.memory_space<hbm>>
    %dma_start3A_39 = arith.constant 0 : i32
    %dma_start3A_40 = tpu.memref_slice %arg3[%add3A_36, %dma_start3A_39] : memref<64x8192xf32, #tpu.memory_space<hbm>> -> memref<1x8192xf32, #tpu.memory_space<hbm>>
    tpu.enqueue_dma source(%arg5 : memref<1x8192xf32, #tpu.memory_space<vmem>>) target(%dma_start3A_40 : memref<1x8192xf32, #tpu.memory_space<hbm>>) target_semaphore(%arg12 : memref<!tpu.dma_semaphore, #tpu.memory_space<semaphore_mem>>)
    %dma_wait3A = arith.constant 0 : i32
    %dma_wait3A_41 = tpu.memref_slice %arg3[%mul3A_2, %dma_wait3A] : memref<64x8192xf32, #tpu.memory_space<hbm>> -> memref<1x8192xf32, #tpu.memory_space<hbm>>
    %dma_wait3A_42 = arith.constant 0 : i32
    %dma_wait3A_43 = tpu.memref_slice %arg3[%mul3A_2, %dma_wait3A_42] : memref<64x8192xf32, #tpu.memory_space<hbm>> -> memref<1x8192xf32, #tpu.memory_space<hbm>>
    tpu.wait_dma2 semaphore(%arg11 : memref<!tpu.dma_semaphore, #tpu.memory_space<semaphore_mem>>) src(%arg4 : memref<1x8192xf32, #tpu.memory_space<vmem>>) dst(%dma_wait3A_43 : memref<1x8192xf32, #tpu.memory_space<hbm>>)
    %dma_wait3A_44 = arith.constant 0 : i32
    %dma_wait3A_45 = tpu.memref_slice %arg3[%add3A_36, %dma_wait3A_44] : memref<64x8192xf32, #tpu.memory_space<hbm>> -> memref<1x8192xf32, #tpu.memory_space<hbm>>
    %dma_wait3A_46 = arith.constant 0 : i32
    %dma_wait3A_47 = tpu.memref_slice %arg3[%add3A_36, %dma_wait3A_46] : memref<64x8192xf32, #tpu.memory_space<hbm>> -> memref<1x8192xf32, #tpu.memory_space<hbm>>
    tpu.wait_dma2 semaphore(%arg12 : memref<!tpu.dma_semaphore, #tpu.memory_space<semaphore_mem>>) src(%arg5 : memref<1x8192xf32, #tpu.memory_space<vmem>>) dst(%dma_wait3A_47 : memref<1x8192xf32, #tpu.memory_space<hbm>>)
    return
  }
}

</mosaic_0001>

<sc_bundles>
// kernel: kernel.3.cloned.1.call-start
scs
__scs_entry_jumppad:
0x0: {  	(pc) =	sbr.rel $0x88, $3  }
0x1: {  	(tag) =	ssettag $0x0;
	lr =	simm.s32 $0x1  }
0x2: {  	[smem:$0x3FA0] =	sst lr;
	_ =	strace $0xD0000000  }
0x3: {  	_ = 	snop  }
0x4: {  	_ = 	snop  }
0x5: {  	_ = 	snop  }
0x6: {  	_ = 	snop  }
0x7: {  	_ = 	snop  }
__scs_overlays_trampoline_lowered:
0x8: {  	[smem:$0x3FAF] =	sst s0  }
0x9: {  	[smem:$0x3FB0] =	sst s1  }
0xa: {  	[smem:$0x3FB1] =	sst s2  }
0xb: {  	[smem:$0x3FB2] =	sst s3  }
0xc: {  	[smem:$0x3FB3] =	sst s4  }
0xd: {  	[smem:$0x3FB4] =	sst s5  }
0xe: {  	[smem:$0x3FB5] =	sst s6  }
0xf: {  	[smem:$0x3FB6] =	sst s7  }
0x10: {  	[smem:$0x3FB7] =	sst s8  }
0x11: {  	[smem:$0x3FB8] =	sst s9;
	s0 =	simm.s32 @!p0 $0x0  }
0x12: {  	s1 =	sld [smem:$0x3F9E];
	s0 =	simm.s32 @p0 $0x1  }
0x13: {  	[smem:$0x3FB9] =	sst s0;
	s0 =	simm.s32 @!p1 $0x0  }
0x14: {  	s2 =	sld [smem:$0x3F9D];
	s0 =	simm.s32 @p1 $0x1  }
0x15: {  	[smem:$0x3FBA] =	sst s0;
	s0 =	simm.s32 @!p2 $0x0  }
0x16: {  	s3 =	sld [smem:$0x3FDB];
	s0 =	simm.s32 @p2 $0x1  }
0x17: {  	s4 =	simm.s32 $0x1BF5;
	[smem:$0x3FBC] =	sst s0  }
0x18: {  	s0 =	sld [smem:$0x3F9F];
	_ =	swait.ge [sflag:s4], $0x0  }
0x19: {  	s7 =	sld [smem:$0x3FA0]  }
0x1a: {  	s8 =	sadd.s32 $0xFFFFE003, lr  }
0x1b: {  	s9 =	sadd.s32 $0xFFFFFEF7, lr;
	s5 =	simm.s32 $0xFFFFFFFF;
	p2 =	slt.u32 s8, $0xFFFFF086  }
0x1c: {  	p1 =	slt.u32 s9, $0xF7A;
	s5 =	simm.s32 @!p2 $0x0  }
0x1d: {  	s5 =	simm.s32 @p1 $0x1;
	p0 =	seq.s32 s7, s2  }
0x1e: {  	s7 =	smul.u32 @!p0 $0xF7A, s2;
	p2 =	seq.s32 @!p0 s5, $0x0  }
0x1f: {  	s9 =	smul.u32 $0xF7A, s1;
	s8 =	simm.s32 @!p0 $0x1BF5;
	p2 =	por !p2, p0  }
0x20: {  	[sflag:s8] =	ssyncset.s32 @!p0 $0xFFFFF086;
	s6 =	sadd.s32 @!p0 s3, s7;
	s7 =	simm.s32 @!p0 $0x108  }
0x21: {  	s3 =	sadd.s32 s3, s9;
	s6 =	sadd.s32 @!p0 $0x88, s6;
	s7 =	simm.s32 @p2 $0x1082  }
0x22: {  	[simem:s7], [sflag:s8] =	dma.local @!p0 [hbm:s6], $0xF7A  }
0x23: {  	s9 =	sor.u32 $0xD0000000, s2;
	s6 =	simm.s32 $0x108;
	_ =	swait.ge @!p0 [sflag:s8], $0x0  }
0x24: {  	s3 =	sadd.s32 $0x88, s3;
	s6 =	simm.s32 @!p1 $0x1082;
	[sflag:s4] =	ssyncset.s32 $0xFFFFF086  }
0x25: {  	[simem:s6], [sflag:s4] =	dma.local [hbm:s3], $0xF7A  }
0x26: {  	[smem:$0x3FA0] =	sst s1;
	(tag) =	ssettag s2;
	_ =	strace s9  }
0x27: {  	s1 =	sld [smem:$0x3FB0]  }
0x28: {  	s2 =	sld [smem:$0x3FB1]  }
0x29: {  	s4 =	sld [smem:$0x3FB3]  }
0x2a: {  	p0 =	seq.s32 s5, $0x0;
	s5 =	sld [smem:$0x3FB4]  }
0x2b: {  	s6 =	sld [smem:$0x3FB5]  }
0x2c: {  	s7 =	sld [smem:$0x3FB6]  }
0x2d: {  	s3 =	simm.s32 $0x108;
	s8 =	sld [smem:$0x3FB7]  }
0x2e: {  	s3 =	simm.s32 @!p0 $0x1082;
	s9 =	sld [smem:$0x3FB8]  }
0x2f: {  	lr =	sadd.s32 s0, s3;
	s0 =	sld [smem:$0x3FAF]  }
0x30: {  	s3 =	sld [smem:$0x3FB2]  }
0x31: {  	[smem:$0x3FBB] =	sst s10  }
0x32: {  	s10 =	sld [smem:$0x3FB9];
	_ =	sdelay $0x3  }
0x33: {  	p0 =	seq.s32 s10, $0x1;
	s10 =	sld [smem:$0x3FBB];
	_ =	sdelay $0x3  }
0x34: {  	[smem:$0x3FBB] =	sst s10  }
0x35: {  	s10 =	sld [smem:$0x3FBA];
	_ =	sdelay $0x3  }
0x36: {  	p1 =	seq.s32 s10, $0x1;
	s10 =	sld [smem:$0x3FBB];
	_ =	sdelay $0x3  }
0x37: {  	[smem:$0x3FBB] =	sst s10  }
0x38: {  	s10 =	sld [smem:$0x3FBC]  }
0x39: {  	_ = 	snop;
	(pc) =	sbr.ind lr, $3  }
0x3a: {  	_ = 	snop  }
0x3b: {  	_ = 	snop  }
0x3c: {  	p2 =	seq.s32 s10, $0x1;
	s10 =	sld [smem:$0x3FBB]  }
0x3d: {  	_ =	shalt  }
0x3e: {  	_ =	shalt  }
0x3f: {  	_ =	shalt  }
0x40: {  	_ =	shalt  }
0x41: {  	_ =	shalt  }
0x42: {  	_ =	shalt  }
0x43: {  	_ =	shalt  }
0x44: {  	_ =	shalt  }
0x45: {  	_ =	shalt  }
0x46: {  	_ =	shalt  }
0x47: {  	_ =	shalt  }
0x48: {  	_ =	shalt  }
0x49: {  	_ =	shalt  }
0x4a: {  	_ =	shalt  }
0x4b: {  	_ =	shalt  }
0x4c: {  	_ =	shalt  }
0x4d: {  	_ =	shalt  }
0x4e: {  	_ =	shalt  }
0x4f: {  	_ =	shalt  }
0x50: {  	_ =	shalt  }
0x51: {  	_ =	shalt  }
0x52: {  	_ =	shalt  }
0x53: {  	_ =	shalt  }
0x54: {  	_ =	shalt  }
0x55: {  	_ =	shalt  }
0x56: {  	_ =	shalt  }
0x57: {  	_ =	shalt  }
0x58: {  	_ =	shalt  }
0x59: {  	_ =	shalt  }
0x5a: {  	_ =	shalt  }
0x5b: {  	_ =	shalt  }
0x5c: {  	_ =	shalt  }
0x5d: {  	_ =	shalt  }
0x5e: {  	_ =	shalt  }
0x5f: {  	_ =	shalt  }
0x60: {  	_ =	shalt  }
0x61: {  	_ =	shalt  }
0x62: {  	_ =	shalt  }
0x63: {  	_ =	shalt  }
0x64: {  	_ =	shalt  }
0x65: {  	_ =	shalt  }
0x66: {  	_ =	shalt  }
0x67: {  	_ =	shalt  }
0x68: {  	_ =	shalt  }
0x69: {  	_ =	shalt  }
0x6a: {  	_ =	shalt  }
0x6b: {  	_ =	shalt  }
0x6c: {  	_ =	shalt  }
0x6d: {  	_ =	shalt  }
0x6e: {  	_ =	shalt  }
0x6f: {  	_ =	shalt  }
0x70: {  	_ =	shalt  }
0x71: {  	_ =	shalt  }
0x72: {  	_ =	shalt  }
0x73: {  	_ =	shalt  }
0x74: {  	_ =	shalt  }
0x75: {  	_ =	shalt  }
0x76: {  	_ =	shalt  }
0x77: {  	_ =	shalt  }
0x78: {  	_ =	shalt  }
0x79: {  	_ =	shalt  }
0x7a: {  	_ =	shalt  }
0x7b: {  	_ =	shalt  }
0x7c: {  	_ =	shalt  }
0x7d: {  	_ =	shalt  }
0x7e: {  	_ =	shalt  }
0x7f: {  	_ =	shalt  }
0x80: {  	_ =	shalt  }
0x81: {  	_ =	shalt  }
0x82: {  	_ =	shalt  }
0x83: {  	_ =	shalt  }
0x84: {  	_ =	shalt  }
0x85: {  	_ =	shalt  }
0x86: {  	_ =	shalt  }
0x87: {  	_ =	shalt  }
.Lfunc_end0:
.L_simem_size_0:
called_computation_lowered:
.L_overlay_start_0:
0x88: {  	s2 =	sld [smem:$0x3FD9]  }
0x89: {  	s3 =	sld [smem:$0x3FFE];
	_ =	sdelay $0x1  }
0x8a: {  	s1 =	srdreg.scid  }
0x8b: {  	s0 =	sand.u32 $0x1, s1  }
0x8c: {  	s18 =	sshll.u32 s0, $0xA;
	s2 =	sadd.s32 s3, s2  }
0x8d: {  	s2 =	sadd.s32 s2, s18  }
0x8e: {  	[smem:$0x3FC7] =	sst s2  }
0x8f: {  	_ = 	snop  }
0x90: {  	s2 =	sld [smem:$0x3FC9]  }
0x91: {  	s19 =	sld [smem:$0x3FD0];
	(tm) =	ssettm $0x1  }
0x92: {  	s4 =	sld [smem:$0x3FFB];
	_ =	sdelay $0x3  }
0x93: {  	_ =	strace s4  }
0x94: {  	s4 =	sld [smem:$0x3FFC];
	_ =	sdelay $0x3  }
0x95: {  	_ =	strace s4  }
0x96: {  	s4 =	sld [smem:$0x3FFD];
	_ =	sdelay $0x3  }
0x97: {  	_ =	strace s4  }
0x98: {  	_ =	strace $0x8FFFFFFF  }
0x99: {  	s20 =	sld [smem:$0x3FDB];
	_ =	sdelay $0x1  }
0x9a: {  	s5 =	simm.s32 $_scs_section_size  }
0x9b: {  	s6 =	simm.s32 $_size__tile_overlayer_lowered;
	s7 =	simm.s32 $_tile_overlayer_lowered  }
0x9c: {  	s23 =	simm.s32 $0x1BFF;
	s22 =	sshll.u32 s7, $0x1;
	s4 =	sadd.s32 s5, s20  }
0x9d: {  	s8 =	simm.s32 $0x0;
	s21 =	sshll.u32 s6, $0x1;
	s6 =	sadd.s32 s22, s4  }
0x9e: {  	[timem:s8], [sflag:s23] =	dma.local [hbm:s6], s21  }
0x9f: {  	_ =	swait.ge [sflag:s23], s21  }
0xa0: {  	s5 =	ssub.s32 $0x0, s21;
	[sflag:s23] =	ssyncset.done $0x0  }
0xa1: {  	[sflag:s23] =	ssyncadd.s32 s5;
	_ =	sdelay $0x1  }
0xa2: {  	s24 =	simm.s32 $0x1B8B  }
0xa3: {  	_ =	swait.ge [sflag:s24], $0x1  }
0xa4: {  	[sflag:s24] =	ssyncset.done $0x0  }
0xa5: {  	s25 =	simm.s32 $0x1B8E;
	[sflag:s24] =	ssyncadd.s32 $0xFFFFFFFF  }
0xa6: {  	s26 =	simm.s32 $execute0_lowered;
	[smem:$0x3FD2] =	sst s25  }
0xa7: {  	s5 =	sshll.u32 s26, $0x1;
	_ =	strace $0x80000046;
	[dreg:$0x1] =	wrdreg $0xFFFFFFFF  }
0xa8: {  	s28 =	simm.s32 $_size_execute0_lowered;
	s4 =	sadd.s32 s4, s5;
	[dreg:$0x0] =	wrdreg $0x0  }
0xa9: {  	s5 =	sshll.u32 s28, $0x1;
	[dreg:$0x2] =	wrdreg s4  }
0xaa: {  	[dreg:$0x3] =	wrdreg s5  }
0xab: {  	[dreg:$0x4] =	wrdreg $0xC0  }
0xac: {  	_ =	task [dreg:s8], $0x5FFFF  }
0xad: {  	[dreg:$0x1] =	wrdreg $0xFFFFFFFF  }
0xae: {  	[dreg:$0x0] =	wrdreg $0x60  }
0xaf: {  	[dreg:$0x2] =	wrdreg s2  }
0xb0: {  	[dreg:$0x3] =	wrdreg s19  }
0xb1: {  	[dreg:$0x4] =	wrdreg $0x9  }
0xb2: {  	_ =	task.clear_ibuf [dreg:s8], $0x5FFFF;
	_ =	strace $0x90000046  }
0xb3: {  	s29 =	simm.s32 $0x9;
	_ =	strace $0x80000048  }
0xb4: {  	_ =	swait.ge [sflag:s29], $0x1  }
0xb5: {  	[sflag:s29] =	ssyncadd.s32 $0xFFFFFFFF  }
0xb6: {  	_ =	strace $0x90000048  }
0xb7: {  	_ =	sfence  }
0xb8: {  	s30 =	sld [smem:$0x0];
	_ =	sdelay $0x2  }
0xb9: {  	s31 =	sshll.u32 s1, $0xD;
	s1 =	sshrl.u32 s1, $0x2  }
0xba: {  	s3 =	sand.u32 $0x4000, s31;
	s1 =	sadd.s32 s1, s30  }
0xbb: {  	s0 =	sor.u32 s3, s0;
	s1 =	sshll.u32 s1, $0x11  }
0xbc: {  	s0 =	sor.u32 s1, s0  }
0xbd: {  	s0 =	sadd.s32 $0x8F2B, s0  }
0xbe: {  	[sflag:s0] =	ssyncadd.remote.s32 $0x1  }
0xbf: {  	_ =	sfence.sel $0xFFFF  }
0xc0: {  	[dreg:$0x0] =	wrdreg $0xFFFFFFFF;
	(pc) =	sbr.abs _section_cstart, $3  }
0xc1: {  	[dreg:$0x1] =	wrdreg $0xFFFFFFFF  }
0xc2: {  	_ =	task.clear_ibuf [dreg:s8], $0x2FFFF;
	_ =	strace $0x9FFFFFFF  }
0xc3: {  	(tm) =	ssettm $0x7FFFFFFF  }
tec
execute0_lowered:
.L_overlay_start_1:
0x0: {  	(tag) =	ssettag $0x1  }
0x1: {  	s4 =	rddreg [dreg:$0x0]  }
0x2: {  	s6 =	rddreg [dreg:$0x1]  }
0x3: {  	s2 =	srdreg.scid;
	s1 =	stileid.u32  }
0x4: {  	s0 =	rddreg [dreg:$0x2];
	s9 =	simm.s32 $0x400;
	s10 =	simm.s32 $0x2000  }
0x5: {  	v0 =	vlaneseq.u32;
	s11 =	simm.s32 $0x1;
	s12 =	simm.s32 $0x8000;
	s13 =	simm.s32 $0x2  }
0x6: {  	v1 =	vimm.s32 $0x0;
	s14 =	simm.s32 $0xA000;
	s15 =	simm.s32 $0xA100;
	s16 =	simm.s32 $0x0;
	v2 =	vmul.u32 $0x10, v0  }
0x7: {  	v4 =	vimm.s32 $0x1;
	v22 =	vimm.f32 $1.000000000e+00;
	s3 =	sand.u32 $0x1, s2;
	s29 =	sshll.u32 s1, $0x6;
	s7 =	sshll.u32 s1, $0xC;
	v3 =	vor.u32 $0x800, v0  }
0x8: {  	s2 =	simm.s32 $0x0;
	v5 =	vor.u32 $0x1800, v0;
	v21 =	vmul.u32 $0xFFFFFFFF, v0;
	s5 =	sshll.u32 s3, $0x5;
	s8 =	sand.u32 $0x40, s29;
	v6 =	vor.u32 $0x1, v2  }
0x9: {  	s7 =	sand.u32 $0xE000, s7;
	[smem:$0x7FF] =	sst s2;
	s3 =	ssub.s32 $0x2, s3;
	v7 =	vor.u32 $0x2, v2;
	v8 =	vor.u32 $0x3, v2;
	v9 =	vor.u32 $0x4, v2  }
0xa: {  	s5 =	sor.u32 s5, s8;
	_ =	strace $0x80000047;
	s30 =	sshrl.u32 s3, $0x1;
	v10 =	vor.u32 $0x5, v2;
	v11 =	vor.u32 $0x6, v2;
	v12 =	vor.u32 $0x7, v2  }
0xb: {  	v13 =	vor.u32 $0x8, v2;
	v14 =	vor.u32 $0x9, v2;
	s8 =	simm.s32 $0x80;
	v15 =	vor.u32 $0xA, v2;
	s5 =	sor.u32 s7, s5;
	s7 =	ssub.s32 s3, s30  }
0xc: {  	v16 =	vor.u32 $0xB, v2;
	v17 =	vor.u32 $0xC, v2;
	v18 =	vor.u32 $0xD, v2;
	s31 =	sor.u32 $0x10, s5;
	s3 =	sadd.s32 s4, s5;
	s5 =	sadd.s32 s6, s5  }
0xd: {  	v19 =	vor.u32 $0xE, v2;
	v20 =	vor.u32 $0xF, v2;
	v21 =	vadd.s32 $0xF, v21;
	s7 =	smax.u32 s7, $0x1;
	s4 =	sadd.s32 s4, s31;
	s6 =	sadd.s32 s6, s31  }
.LBB2_1:
.Ltmp0:
0xe: {  	(pc) =	sbr.rel .LBB2_2-.Ltmp0, $4  }
0xf: {  	_ = 	snop  }
0x10: {  	[tilespmem:s2], [sflag:$0x1] =	stream.strided.gather [hbm4b:s3+s8], $0x2000, s9, s8, $0x38;
	[tilespmem:$0xA200] =	vst v63  }
0x11: {  	v25 =	vimm.s32 $0x100;
	s17 =	simm.s32 $0x0  }
0x12: {  	v23 =	vimm.s32 $0x0;
	v26 =	vimm.s32 $0x100;
	v24 =	vimm.s32 $0x0;
	[tilespmem:s10], [sflag:$0x2] =	stream.strided.gather [hbm4b:s4+s8], $0x2000, s9, s8, $0x38;
	[tilespmem:$0xA200] =	vst v63  }
.LBB2_15:
0x13: {  	v28 =	vld [tilespmem:$0x8000]  }
0x14: {  	v29 =	vld [tilespmem:$0x8010]  }
0x15: {  	v30 =	vld [tilespmem:$0x8020]  }
0x16: {  	v31 =	vld [tilespmem:$0x8030]  }
0x17: {  	v32 =	vld [tilespmem:$0x8040]  }
0x18: {  	v33 =	vld [tilespmem:$0x8050]  }
0x19: {  	v34 =	vld [tilespmem:$0x8060];
	v28 =	vadd.s32 v28, v29  }
0x1a: {  	v56 =	vld [tilespmem:$0x8070];
	v28 =	vadd.s32 v30, v28  }
0x1b: {  	v57 =	vld [tilespmem:$0x8080];
	v28 =	vadd.s32 v31, v28  }
0x1c: {  	v58 =	vld [tilespmem:$0x8090];
	v28 =	vadd.s32 v32, v28  }
0x1d: {  	v59 =	vld [tilespmem:$0x80A0];
	v28 =	vadd.s32 v33, v28  }
0x1e: {  	v60 =	vld [tilespmem:$0x80B0];
	v28 =	vadd.s32 v34, v28  }
0x1f: {  	v61 =	vld [tilespmem:$0x80C0];
	v28 =	vadd.s32 v56, v28  }
0x20: {  	v62 =	vld [tilespmem:$0x80D0];
	v28 =	vadd.s32 v57, v28  }
0x21: {  	v63 =	vld [tilespmem:$0x80E0];
	v28 =	vadd.s32 v58, v28  }
0x22: {  	v35 =	vld [tilespmem:$0x80F0];
	v28 =	vadd.s32 v59, v28  }
0x23: {  	v28 =	vadd.s32 v60, v28  }
0x24: {  	v28 =	vadd.s32 v61, v28  }
0x25: {  	v28 =	vadd.s32 v62, v28  }
0x26: {  	v28 =	vadd.s32 v63, v28  }
0x27: {  	v28 =	vadd.s32 v35, v28  }
0x28: {  	[tilespmem:v2+s14+$0x0] =	vst.idx.msk $0xffff, v28  }
0x29: {  	v28 =	vld [tilespmem:$0x8100]  }
0x2a: {  	v36 =	vld [tilespmem:$0x8110]  }
0x2b: {  	v37 =	vld [tilespmem:$0x8120]  }
0x2c: {  	v38 =	vld [tilespmem:$0x8130]  }
0x2d: {  	v39 =	vld [tilespmem:$0x8140]  }
0x2e: {  	v40 =	vld [tilespmem:$0x8150]  }
0x2f: {  	v41 =	vld [tilespmem:$0x8160];
	v28 =	vadd.s32 v28, v36  }
0x30: {  	v42 =	vld [tilespmem:$0x8170];
	v28 =	vadd.s32 v37, v28  }
0x31: {  	v43 =	vld [tilespmem:$0x8180];
	v28 =	vadd.s32 v38, v28  }
0x32: {  	v44 =	vld [tilespmem:$0x8190];
	v28 =	vadd.s32 v39, v28  }
0x33: {  	v45 =	vld [tilespmem:$0x81A0];
	v28 =	vadd.s32 v40, v28  }
0x34: {  	v46 =	vld [tilespmem:$0x81B0];
	v28 =	vadd.s32 v41, v28  }
0x35: {  	v47 =	vld [tilespmem:$0x81C0];
	v28 =	vadd.s32 v42, v28  }
0x36: {  	v48 =	vld [tilespmem:$0x81D0];
	v28 =	vadd.s32 v43, v28  }
0x37: {  	v49 =	vld [tilespmem:$0x81E0];
	v28 =	vadd.s32 v44, v28  }
0x38: {  	v50 =	vld [tilespmem:$0x81F0];
	v28 =	vadd.s32 v45, v28  }
0x39: {  	v28 =	vadd.s32 v46, v28  }
0x3a: {  	v28 =	vadd.s32 v47, v28  }
0x3b: {  	v28 =	vadd.s32 v48, v28  }
0x3c: {  	v28 =	vadd.s32 v49, v28  }
0x3d: {  	v28 =	vadd.s32 v50, v28  }
0x3e: {  	[tilespmem:v6+s14+$0x0] =	vst.idx.msk $0xffff, v28  }
0x3f: {  	v28 =	vld [tilespmem:$0x8200]  }
0x40: {  	v51 =	vld [tilespmem:$0x8210]  }
0x41: {  	v52 =	vld [tilespmem:$0x8220]  }
0x42: {  	v53 =	vld [tilespmem:$0x8230]  }
0x43: {  	v54 =	vld [tilespmem:$0x8240]  }
0x44: {  	v55 =	vld [tilespmem:$0x8250]  }
0x45: {  	v56 =	vld [tilespmem:$0x8260];
	v28 =	vadd.s32 v28, v51  }
0x46: {  	v57 =	vld [tilespmem:$0x8270];
	v28 =	vadd.s32 v52, v28  }
0x47: {  	v58 =	vld [tilespmem:$0x8280];
	v28 =	vadd.s32 v53, v28  }
0x48: {  	v59 =	vld [tilespmem:$0x8290];
	v28 =	vadd.s32 v54, v28  }
0x49: {  	v60 =	vld [tilespmem:$0x82A0];
	v28 =	vadd.s32 v55, v28  }
0x4a: {  	v61 =	vld [tilespmem:$0x82B0];
	v28 =	vadd.s32 v56, v28  }
0x4b: {  	v62 =	vld [tilespmem:$0x82C0];
	v28 =	vadd.s32 v57, v28  }
0x4c: {  	v63 =	vld [tilespmem:$0x82D0];
	v28 =	vadd.s32 v58, v28  }
0x4d: {  	v35 =	vld [tilespmem:$0x82E0];
	v28 =	vadd.s32 v59, v28  }
0x4e: {  	v36 =	vld [tilespmem:$0x82F0];
	v28 =	vadd.s32 v60, v28  }
0x4f: {  	v28 =	vadd.s32 v61, v28  }
0x50: {  	v28 =	vadd.s32 v62, v28  }
0x51: {  	v28 =	vadd.s32 v63, v28  }
0x52: {  	v28 =	vadd.s32 v35, v28  }
0x53: {  	v28 =	vadd.s32 v36, v28  }
0x54: {  	[tilespmem:v7+s14+$0x0] =	vst.idx.msk $0xffff, v28  }
0x55: {  	v28 =	vld [tilespmem:$0x8300]  }
0x56: {  	v37 =	vld [tilespmem:$0x8310]  }
0x57: {  	v38 =	vld [tilespmem:$0x8320]  }
0x58: {  	v39 =	vld [tilespmem:$0x8330]  }
0x59: {  	v40 =	vld [tilespmem:$0x8340]  }
0x5a: {  	v41 =	vld [tilespmem:$0x8350]  }
0x5b: {  	v42 =	vld [tilespmem:$0x8360];
	v28 =	vadd.s32 v28, v37  }
0x5c: {  	v43 =	vld [tilespmem:$0x8370];
	v28 =	vadd.s32 v38, v28  }
0x5d: {  	v44 =	vld [tilespmem:$0x8380];
	v28 =	vadd.s32 v39, v28  }
0x5e: {  	v45 =	vld [tilespmem:$0x8390];
	v28 =	vadd.s32 v40, v28  }
0x5f: {  	v46 =	vld [tilespmem:$0x83A0];
	v28 =	vadd.s32 v41, v28  }
0x60: {  	v47 =	vld [tilespmem:$0x83B0];
	v28 =	vadd.s32 v42, v28  }
0x61: {  	v48 =	vld [tilespmem:$0x83C0];
	v28 =	vadd.s32 v43, v28  }
0x62: {  	v49 =	vld [tilespmem:$0x83D0];
	v28 =	vadd.s32 v44, v28  }
0x63: {  	v50 =	vld [tilespmem:$0x83E0];
	v28 =	vadd.s32 v45, v28  }
0x64: {  	v51 =	vld [tilespmem:$0x83F0];
	v28 =	vadd.s32 v46, v28  }
0x65: {  	v28 =	vadd.s32 v47, v28  }
0x66: {  	v28 =	vadd.s32 v48, v28  }
0x67: {  	v28 =	vadd.s32 v49, v28  }
0x68: {  	v28 =	vadd.s32 v50, v28  }
0x69: {  	v28 =	vadd.s32 v51, v28  }
0x6a: {  	[tilespmem:v8+s14+$0x0] =	vst.idx.msk $0xffff, v28  }
0x6b: {  	v28 =	vld [tilespmem:$0x8400]  }
0x6c: {  	v52 =	vld [tilespmem:$0x8410]  }
0x6d: {  	v53 =	vld [tilespmem:$0x8420]  }
0x6e: {  	v54 =	vld [tilespmem:$0x8430]  }
0x6f: {  	v55 =	vld [tilespmem:$0x8440]  }
0x70: {  	v56 =	vld [tilespmem:$0x8450]  }
0x71: {  	v57 =	vld [tilespmem:$0x8460];
	v28 =	vadd.s32 v28, v52  }
0x72: {  	v58 =	vld [tilespmem:$0x8470];
	v28 =	vadd.s32 v53, v28  }
0x73: {  	v59 =	vld [tilespmem:$0x8480];
	v28 =	vadd.s32 v54, v28  }
0x74: {  	v60 =	vld [tilespmem:$0x8490];
	v28 =	vadd.s32 v55, v28  }
0x75: {  	v61 =	vld [tilespmem:$0x84A0];
	v28 =	vadd.s32 v56, v28  }
0x76: {  	v62 =	vld [tilespmem:$0x84B0];
	v28 =	vadd.s32 v57, v28  }
0x77: {  	v63 =	vld [tilespmem:$0x84C0];
	v28 =	vadd.s32 v58, v28  }
0x78: {  	v35 =	vld [tilespmem:$0x84D0];
	v28 =	vadd.s32 v59, v28  }
0x79: {  	v36 =	vld [tilespmem:$0x84E0];
	v28 =	vadd.s32 v60, v28  }
0x7a: {  	v37 =	vld [tilespmem:$0x84F0];
	v28 =	vadd.s32 v61, v28  }
0x7b: {  	v28 =	vadd.s32 v62, v28  }
0x7c: {  	v28 =	vadd.s32 v63, v28  }
0x7d: {  	v28 =	vadd.s32 v35, v28  }
0x7e: {  	v28 =	vadd.s32 v36, v28  }
0x7f: {  	v28 =	vadd.s32 v37, v28  }
0x80: {  	[tilespmem:v9+s14+$0x0] =	vst.idx.msk $0xffff, v28  }
0x81: {  	v28 =	vld [tilespmem:$0x8500]  }
0x82: {  	v38 =	vld [tilespmem:$0x8510]  }
0x83: {  	v39 =	vld [tilespmem:$0x8520]  }
0x84: {  	v40 =	vld [tilespmem:$0x8530]  }
0x85: {  	v41 =	vld [tilespmem:$0x8540]  }
0x86: {  	v42 =	vld [tilespmem:$0x8550]  }
0x87: {  	v43 =	vld [tilespmem:$0x8560];
	v28 =	vadd.s32 v28, v38  }
0x88: {  	v44 =	vld [tilespmem:$0x8570];
	v28 =	vadd.s32 v39, v28  }
0x89: {  	v45 =	vld [tilespmem:$0x8580];
	v28 =	vadd.s32 v40, v28  }
0x8a: {  	v46 =	vld [tilespmem:$0x8590];
	v28 =	vadd.s32 v41, v28  }
0x8b: {  	v47 =	vld [tilespmem:$0x85A0];
	v28 =	vadd.s32 v42, v28  }
0x8c: {  	v48 =	vld [tilespmem:$0x85B0];
	v28 =	vadd.s32 v43, v28  }
0x8d: {  	v49 =	vld [tilespmem:$0x85C0];
	v28 =	vadd.s32 v44, v28  }
0x8e: {  	v50 =	vld [tilespmem:$0x85D0];
	v28 =	vadd.s32 v45, v28  }
0x8f: {  	v51 =	vld [tilespmem:$0x85E0];
	v28 =	vadd.s32 v46, v28  }
0x90: {  	v52 =	vld [tilespmem:$0x85F0];
	v28 =	vadd.s32 v47, v28  }
0x91: {  	v28 =	vadd.s32 v48, v28  }
0x92: {  	v28 =	vadd.s32 v49, v28  }
0x93: {  	v28 =	vadd.s32 v50, v28  }
0x94: {  	v28 =	vadd.s32 v51, v28  }
0x95: {  	v28 =	vadd.s32 v52, v28  }
0x96: {  	[tilespmem:v10+s14+$0x0] =	vst.idx.msk $0xffff, v28  }
0x97: {  	v28 =	vld [tilespmem:$0x8600]  }
0x98: {  	v53 =	vld [tilespmem:$0x8610]  }
0x99: {  	v54 =	vld [tilespmem:$0x8620]  }
0x9a: {  	v55 =	vld [tilespmem:$0x8630]  }
0x9b: {  	v56 =	vld [tilespmem:$0x8640]  }
0x9c: {  	v57 =	vld [tilespmem:$0x8650]  }
0x9d: {  	v58 =	vld [tilespmem:$0x8660];
	v28 =	vadd.s32 v28, v53  }
0x9e: {  	v59 =	vld [tilespmem:$0x8670];
	v28 =	vadd.s32 v54, v28  }
0x9f: {  	v60 =	vld [tilespmem:$0x8680];
	v28 =	vadd.s32 v55, v28  }
0xa0: {  	v61 =	vld [tilespmem:$0x8690];
	v28 =	vadd.s32 v56, v28  }
0xa1: {  	v62 =	vld [tilespmem:$0x86A0];
	v28 =	vadd.s32 v57, v28  }
0xa2: {  	v63 =	vld [tilespmem:$0x86B0];
	v28 =	vadd.s32 v58, v28  }
0xa3: {  	v36 =	vld [tilespmem:$0x86C0];
	v28 =	vadd.s32 v59, v28  }
0xa4: {  	v37 =	vld [tilespmem:$0x86D0];
	v28 =	vadd.s32 v60, v28  }
0xa5: {  	v38 =	vld [tilespmem:$0x86E0];
	v28 =	vadd.s32 v61, v28  }
0xa6: {  	v39 =	vld [tilespmem:$0x86F0];
	v28 =	vadd.s32 v62, v28  }
0xa7: {  	v28 =	vadd.s32 v63, v28  }
0xa8: {  	v28 =	vadd.s32 v36, v28  }
0xa9: {  	v28 =	vadd.s32 v37, v28  }
0xaa: {  	v28 =	vadd.s32 v38, v28  }
0xab: {  	v28 =	vadd.s32 v39, v28  }
0xac: {  	[tilespmem:v11+s14+$0x0] =	vst.idx.msk $0xffff, v28  }
0xad: {  	v28 =	vld [tilespmem:$0x8700]  }
0xae: {  	v40 =	vld [tilespmem:$0x8710]  }
0xaf: {  	v41 =	vld [tilespmem:$0x8720]  }
0xb0: {  	v42 =	vld [tilespmem:$0x8730]  }
0xb1: {  	v43 =	vld [tilespmem:$0x8740]  }
0xb2: {  	v44 =	vld [tilespmem:$0x8750]  }
0xb3: {  	v45 =	vld [tilespmem:$0x8760];
	v28 =	vadd.s32 v28, v40  }
0xb4: {  	v46 =	vld [tilespmem:$0x8770];
	v28 =	vadd.s32 v41, v28  }
0xb5: {  	v47 =	vld [tilespmem:$0x8780];
	v28 =	vadd.s32 v42, v28  }
0xb6: {  	v48 =	vld [tilespmem:$0x8790];
	v28 =	vadd.s32 v43, v28  }
0xb7: {  	v49 =	vld [tilespmem:$0x87A0];
	v28 =	vadd.s32 v44, v28  }
0xb8: {  	v50 =	vld [tilespmem:$0x87B0];
	v28 =	vadd.s32 v45, v28  }
0xb9: {  	v51 =	vld [tilespmem:$0x87C0];
	v28 =	vadd.s32 v46, v28  }
0xba: {  	v52 =	vld [tilespmem:$0x87D0];
	v28 =	vadd.s32 v47, v28  }
0xbb: {  	v53 =	vld [tilespmem:$0x87E0];
	v28 =	vadd.s32 v48, v28  }
0xbc: {  	v54 =	vld [tilespmem:$0x87F0];
	v28 =	vadd.s32 v49, v28  }
0xbd: {  	v28 =	vadd.s32 v50, v28  }
0xbe: {  	v28 =	vadd.s32 v51, v28  }
0xbf: {  	v28 =	vadd.s32 v52, v28  }
0xc0: {  	v28 =	vadd.s32 v53, v28  }
0xc1: {  	v28 =	vadd.s32 v54, v28  }
0xc2: {  	[tilespmem:v12+s14+$0x0] =	vst.idx.msk $0xffff, v28  }
0xc3: {  	v28 =	vld [tilespmem:$0x8800]  }
0xc4: {  	v55 =	vld [tilespmem:$0x8810]  }
0xc5: {  	v56 =	vld [tilespmem:$0x8820]  }
0xc6: {  	v57 =	vld [tilespmem:$0x8830]  }
0xc7: {  	v58 =	vld [tilespmem:$0x8840]  }
0xc8: {  	v59 =	vld [tilespmem:$0x8850]  }
0xc9: {  	v60 =	vld [tilespmem:$0x8860];
	v28 =	vadd.s32 v28, v55  }
0xca: {  	v61 =	vld [tilespmem:$0x8870];
	v28 =	vadd.s32 v56, v28  }
0xcb: {  	v62 =	vld [tilespmem:$0x8880];
	v28 =	vadd.s32 v57, v28  }
0xcc: {  	v63 =	vld [tilespmem:$0x8890];
	v28 =	vadd.s32 v58, v28  }
0xcd: {  	v36 =	vld [tilespmem:$0x88A0];
	v28 =	vadd.s32 v59, v28  }
0xce: {  	v37 =	vld [tilespmem:$0x88B0];
	v28 =	vadd.s32 v60, v28  }
0xcf: {  	v38 =	vld [tilespmem:$0x88C0];
	v28 =	vadd.s32 v61, v28  }
0xd0: {  	v39 =	vld [tilespmem:$0x88D0];
	v28 =	vadd.s32 v62, v28  }
0xd1: {  	v40 =	vld [tilespmem:$0x88E0];
	v28 =	vadd.s32 v63, v28  }
0xd2: {  	v41 =	vld [tilespmem:$0x88F0];
	v28 =	vadd.s32 v36, v28  }
0xd3: {  	v28 =	vadd.s32 v37, v28  }
0xd4: {  	v28 =	vadd.s32 v38, v28  }
0xd5: {  	v28 =	vadd.s32 v39, v28  }
0xd6: {  	v28 =	vadd.s32 v40, v28  }
0xd7: {  	v28 =	vadd.s32 v41, v28  }
0xd8: {  	[tilespmem:v13+s14+$0x0] =	vst.idx.msk $0xffff, v28  }
0xd9: {  	v28 =	vld [tilespmem:$0x8900]  }
0xda: {  	v42 =	vld [tilespmem:$0x8910]  }
0xdb: {  	v43 =	vld [tilespmem:$0x8920]  }
0xdc: {  	v44 =	vld [tilespmem:$0x8930]  }
0xdd: {  	v45 =	vld [tilespmem:$0x8940]  }
0xde: {  	v46 =	vld [tilespmem:$0x8950]  }
0xdf: {  	v47 =	vld [tilespmem:$0x8960];
	v28 =	vadd.s32 v28, v42  }
0xe0: {  	v48 =	vld [tilespmem:$0x8970];
	v28 =	vadd.s32 v43, v28  }
0xe1: {  	v49 =	vld [tilespmem:$0x8980];
	v28 =	vadd.s32 v44, v28  }
0xe2: {  	v50 =	vld [tilespmem:$0x8990];
	v28 =	vadd.s32 v45, v28  }
0xe3: {  	v51 =	vld [tilespmem:$0x89A0];
	v28 =	vadd.s32 v46, v28  }
0xe4: {  	v52 =	vld [tilespmem:$0x89B0];
	v28 =	vadd.s32 v47, v28  }
0xe5: {  	v53 =	vld [tilespmem:$0x89C0];
	v28 =	vadd.s32 v48, v28  }
0xe6: {  	v54 =	vld [tilespmem:$0x89D0];
	v28 =	vadd.s32 v49, v28  }
0xe7: {  	v55 =	vld [tilespmem:$0x89E0];
	v28 =	vadd.s32 v50, v28  }
0xe8: {  	v56 =	vld [tilespmem:$0x89F0];
	v28 =	vadd.s32 v51, v28  }
0xe9: {  	v28 =	vadd.s32 v52, v28  }
0xea: {  	v28 =	vadd.s32 v53, v28  }
0xeb: {  	v28 =	vadd.s32 v54, v28  }
0xec: {  	v28 =	vadd.s32 v55, v28  }
0xed: {  	v28 =	vadd.s32 v56, v28  }
0xee: {  	[tilespmem:v14+s14+$0x0] =	vst.idx.msk $0xffff, v28  }
0xef: {  	v28 =	vld [tilespmem:$0x8A00]  }
0xf0: {  	v57 =	vld [tilespmem:$0x8A10]  }
0xf1: {  	v58 =	vld [tilespmem:$0x8A20]  }
0xf2: {  	v59 =	vld [tilespmem:$0x8A30]  }
0xf3: {  	v60 =	vld [tilespmem:$0x8A40]  }
0xf4: {  	v61 =	vld [tilespmem:$0x8A50]  }
0xf5: {  	v62 =	vld [tilespmem:$0x8A60];
	v28 =	vadd.s32 v28, v57  }
0xf6: {  	v63 =	vld [tilespmem:$0x8A70];
	v28 =	vadd.s32 v58, v28  }
0xf7: {  	v36 =	vld [tilespmem:$0x8A80];
	v28 =	vadd.s32 v59, v28  }
0xf8: {  	v37 =	vld [tilespmem:$0x8A90];
	v28 =	vadd.s32 v60, v28  }
0xf9: {  	v38 =	vld [tilespmem:$0x8AA0];
	v28 =	vadd.s32 v61, v28  }
0xfa: {  	v39 =	vld [tilespmem:$0x8AB0];
	v28 =	vadd.s32 v62, v28  }
0xfb: {  	v40 =	vld [tilespmem:$0x8AC0];
	v28 =	vadd.s32 v63, v28  }
0xfc: {  	v41 =	vld [tilespmem:$0x8AD0];
	v28 =	vadd.s32 v36, v28  }
0xfd: {  	v42 =	vld [tilespmem:$0x8AE0];
	v28 =	vadd.s32 v37, v28  }
0xfe: {  	v43 =	vld [tilespmem:$0x8AF0];
	v28 =	vadd.s32 v38, v28  }
0xff: {  	v28 =	vadd.s32 v39, v28  }
0x100: {  	v28 =	vadd.s32 v40, v28  }
0x101: {  	v28 =	vadd.s32 v41, v28  }
0x102: {  	v28 =	vadd.s32 v42, v28  }
0x103: {  	v28 =	vadd.s32 v43, v28  }
0x104: {  	[tilespmem:v15+s14+$0x0] =	vst.idx.msk $0xffff, v28  }
0x105: {  	v28 =	vld [tilespmem:$0x8B00]  }
0x106: {  	v44 =	vld [tilespmem:$0x8B10]  }
0x107: {  	v45 =	vld [tilespmem:$0x8B20]  }
0x108: {  	v46 =	vld [tilespmem:$0x8B30]  }
0x109: {  	v47 =	vld [tilespmem:$0x8B40]  }
0x10a: {  	v48 =	vld [tilespmem:$0x8B50]  }
0x10b: {  	v49 =	vld [tilespmem:$0x8B60];
	v28 =	vadd.s32 v28, v44  }
0x10c: {  	v50 =	vld [tilespmem:$0x8B70];
	v28 =	vadd.s32 v45, v28  }
0x10d: {  	v51 =	vld [tilespmem:$0x8B80];
	v28 =	vadd.s32 v46, v28  }
0x10e: {  	v52 =	vld [tilespmem:$0x8B90];
	v28 =	vadd.s32 v47, v28  }
0x10f: {  	v53 =	vld [tilespmem:$0x8BA0];
	v28 =	vadd.s32 v48, v28  }
0x110: {  	v54 =	vld [tilespmem:$0x8BB0];
	v28 =	vadd.s32 v49, v28  }
0x111: {  	v55 =	vld [tilespmem:$0x8BC0];
	v28 =	vadd.s32 v50, v28  }
0x112: {  	v56 =	vld [tilespmem:$0x8BD0];
	v28 =	vadd.s32 v51, v28  }
0x113: {  	v57 =	vld [tilespmem:$0x8BE0];
	v28 =	vadd.s32 v52, v28  }
0x114: {  	v58 =	vld [tilespmem:$0x8BF0];
	v28 =	vadd.s32 v53, v28  }
0x115: {  	v28 =	vadd.s32 v54, v28  }
0x116: {  	v28 =	vadd.s32 v55, v28  }
0x117: {  	v28 =	vadd.s32 v56, v28  }
0x118: {  	v28 =	vadd.s32 v57, v28  }
0x119: {  	v28 =	vadd.s32 v58, v28  }
0x11a: {  	[tilespmem:v16+s14+$0x0] =	vst.idx.msk $0xffff, v28  }
0x11b: {  	v28 =	vld [tilespmem:$0x8C00]  }
0x11c: {  	v59 =	vld [tilespmem:$0x8C10]  }
0x11d: {  	v60 =	vld [tilespmem:$0x8C20]  }
0x11e: {  	v61 =	vld [tilespmem:$0x8C30]  }
0x11f: {  	v62 =	vld [tilespmem:$0x8C40]  }
0x120: {  	v63 =	vld [tilespmem:$0x8C50]  }
0x121: {  	v36 =	vld [tilespmem:$0x8C60];
	v28 =	vadd.s32 v28, v59  }
0x122: {  	v37 =	vld [tilespmem:$0x8C70];
	v28 =	vadd.s32 v60, v28  }
0x123: {  	v38 =	vld [tilespmem:$0x8C80];
	v28 =	vadd.s32 v61, v28  }
0x124: {  	v39 =	vld [tilespmem:$0x8C90];
	v28 =	vadd.s32 v62, v28  }
0x125: {  	v40 =	vld [tilespmem:$0x8CA0];
	v28 =	vadd.s32 v63, v28  }
0x126: {  	v41 =	vld [tilespmem:$0x8CB0];
	v28 =	vadd.s32 v36, v28  }
0x127: {  	v42 =	vld [tilespmem:$0x8CC0];
	v28 =	vadd.s32 v37, v28  }
0x128: {  	v43 =	vld [tilespmem:$0x8CD0];
	v28 =	vadd.s32 v38, v28  }
0x129: {  	v44 =	vld [tilespmem:$0x8CE0];
	v28 =	vadd.s32 v39, v28  }
0x12a: {  	v45 =	vld [tilespmem:$0x8CF0];
	v28 =	vadd.s32 v40, v28  }
0x12b: {  	v28 =	vadd.s32 v41, v28  }
0x12c: {  	v28 =	vadd.s32 v42, v28  }
0x12d: {  	v28 =	vadd.s32 v43, v28  }
0x12e: {  	v28 =	vadd.s32 v44, v28  }
0x12f: {  	v28 =	vadd.s32 v45, v28  }
0x130: {  	[tilespmem:v17+s14+$0x0] =	vst.idx.msk $0xffff, v28  }
0x131: {  	v28 =	vld [tilespmem:$0x8D00]  }
0x132: {  	v46 =	vld [tilespmem:$0x8D10]  }
0x133: {  	v47 =	vld [tilespmem:$0x8D20]  }
0x134: {  	v48 =	vld [tilespmem:$0x8D30]  }
0x135: {  	v49 =	vld [tilespmem:$0x8D40]  }
0x136: {  	v50 =	vld [tilespmem:$0x8D50]  }
0x137: {  	v51 =	vld [tilespmem:$0x8D60];
	v28 =	vadd.s32 v28, v46  }
0x138: {  	v52 =	vld [tilespmem:$0x8D70];
	v28 =	vadd.s32 v47, v28  }
0x139: {  	v53 =	vld [tilespmem:$0x8D80];
	v28 =	vadd.s32 v48, v28  }
0x13a: {  	v54 =	vld [tilespmem:$0x8D90];
	v28 =	vadd.s32 v49, v28  }
0x13b: {  	v55 =	vld [tilespmem:$0x8DA0];
	v28 =	vadd.s32 v50, v28  }
0x13c: {  	v56 =	vld [tilespmem:$0x8DB0];
	v28 =	vadd.s32 v51, v28  }
0x13d: {  	v57 =	vld [tilespmem:$0x8DC0];
	v28 =	vadd.s32 v52, v28  }
0x13e: {  	v58 =	vld [tilespmem:$0x8DD0];
	v28 =	vadd.s32 v53, v28  }
0x13f: {  	v59 =	vld [tilespmem:$0x8DE0];
	v28 =	vadd.s32 v54, v28  }
0x140: {  	v60 =	vld [tilespmem:$0x8DF0];
	v28 =	vadd.s32 v55, v28  }
0x141: {  	v28 =	vadd.s32 v56, v28  }
0x142: {  	v28 =	vadd.s32 v57, v28  }
0x143: {  	v28 =	vadd.s32 v58, v28  }
0x144: {  	v28 =	vadd.s32 v59, v28  }
0x145: {  	v28 =	vadd.s32 v60, v28  }
0x146: {  	[tilespmem:v18+s14+$0x0] =	vst.idx.msk $0xffff, v28  }
0x147: {  	v28 =	vld [tilespmem:$0x8E00]  }
0x148: {  	v61 =	vld [tilespmem:$0x8E10]  }
0x149: {  	v62 =	vld [tilespmem:$0x8E20]  }
0x14a: {  	v63 =	vld [tilespmem:$0x8E30]  }
0x14b: {  	v36 =	vld [tilespmem:$0x8E40]  }
0x14c: {  	v37 =	vld [tilespmem:$0x8E50]  }
0x14d: {  	v38 =	vld [tilespmem:$0x8E60];
	v28 =	vadd.s32 v28, v61  }
0x14e: {  	v39 =	vld [tilespmem:$0x8E70];
	v28 =	vadd.s32 v62, v28  }
0x14f: {  	v40 =	vld [tilespmem:$0x8E80];
	v28 =	vadd.s32 v63, v28  }
0x150: {  	v41 =	vld [tilespmem:$0x8E90];
	v28 =	vadd.s32 v36, v28  }
0x151: {  	v42 =	vld [tilespmem:$0x8EA0];
	v28 =	vadd.s32 v37, v28  }
0x152: {  	v43 =	vld [tilespmem:$0x8EB0];
	v28 =	vadd.s32 v38, v28  }
0x153: {  	v44 =	vld [tilespmem:$0x8EC0];
	v28 =	vadd.s32 v39, v28  }
0x154: {  	v45 =	vld [tilespmem:$0x8ED0];
	v28 =	vadd.s32 v40, v28  }
0x155: {  	v46 =	vld [tilespmem:$0x8EE0];
	v28 =	vadd.s32 v41, v28  }
0x156: {  	v47 =	vld [tilespmem:$0x8EF0];
	v28 =	vadd.s32 v42, v28  }
0x157: {  	v28 =	vadd.s32 v43, v28  }
0x158: {  	v28 =	vadd.s32 v44, v28  }
0x159: {  	v28 =	vadd.s32 v45, v28  }
0x15a: {  	v28 =	vadd.s32 v46, v28  }
0x15b: {  	v28 =	vadd.s32 v47, v28  }
0x15c: {  	[tilespmem:v19+s14+$0x0] =	vst.idx.msk $0xffff, v28  }
0x15d: {  	v28 =	vld [tilespmem:$0x8F00]  }
0x15e: {  	v48 =	vld [tilespmem:$0x8F10]  }
0x15f: {  	v49 =	vld [tilespmem:$0x8F20]  }
0x160: {  	v50 =	vld [tilespmem:$0x8F30]  }
0x161: {  	v51 =	vld [tilespmem:$0x8F40]  }
0x162: {  	v52 =	vld [tilespmem:$0x8F50]  }
0x163: {  	v53 =	vld [tilespmem:$0x8F60];
	v28 =	vadd.s32 v28, v48  }
0x164: {  	v54 =	vld [tilespmem:$0x8F70];
	v28 =	vadd.s32 v49, v28  }
0x165: {  	v55 =	vld [tilespmem:$0x8F80];
	v28 =	vadd.s32 v50, v28  }
0x166: {  	v56 =	vld [tilespmem:$0x8F90];
	v28 =	vadd.s32 v51, v28  }
0x167: {  	v57 =	vld [tilespmem:$0x8FA0];
	v28 =	vadd.s32 v52, v28  }
0x168: {  	v58 =	vld [tilespmem:$0x8FB0];
	v28 =	vadd.s32 v53, v28  }
0x169: {  	v59 =	vld [tilespmem:$0x8FC0];
	v28 =	vadd.s32 v54, v28  }
0x16a: {  	v60 =	vld [tilespmem:$0x8FD0];
	v28 =	vadd.s32 v55, v28  }
0x16b: {  	v61 =	vld [tilespmem:$0x8FE0];
	v28 =	vadd.s32 v56, v28  }
0x16c: {  	v62 =	vld [tilespmem:$0x8FF0];
	v28 =	vadd.s32 v57, v28  }
0x16d: {  	v28 =	vadd.s32 v58, v28  }
0x16e: {  	v28 =	vadd.s32 v59, v28  }
0x16f: {  	v28 =	vadd.s32 v60, v28  }
0x170: {  	v28 =	vadd.s32 v61, v28  }
0x171: {  	v28 =	vadd.s32 v62, v28  }
0x172: {  	[tilespmem:v20+s14+$0x0] =	vst.idx.msk $0xffff, v28  }
0x173: {  	v28 =	vld [tilespmem:$0xA000]  }
0x174: {  	v63 =	vld [tilespmem:$0xA010]  }
0x175: {  	v36 =	vld [tilespmem:$0xA020]  }
0x176: {  	v37 =	vld [tilespmem:$0xA030]  }
0x177: {  	v38 =	vld [tilespmem:$0xA040]  }
0x178: {  	v39 =	vld [tilespmem:$0xA050]  }
0x179: {  	v40 =	vld [tilespmem:$0xA060];
	v28 =	vadd.s32 v28, v63  }
0x17a: {  	v41 =	vld [tilespmem:$0xA070];
	v28 =	vadd.s32 v36, v28  }
0x17b: {  	v42 =	vld [tilespmem:$0xA080];
	v28 =	vadd.s32 v37, v28  }
0x17c: {  	v43 =	vld [tilespmem:$0xA090];
	v28 =	vadd.s32 v38, v28  }
0x17d: {  	v44 =	vld [tilespmem:$0xA0A0];
	v28 =	vadd.s32 v39, v28  }
0x17e: {  	v45 =	vld [tilespmem:$0xA0B0];
	v28 =	vadd.s32 v40, v28  }
0x17f: {  	v46 =	vld [tilespmem:$0xA0C0];
	v28 =	vadd.s32 v41, v28  }
0x180: {  	v47 =	vld [tilespmem:$0xA0D0];
	v28 =	vadd.s32 v42, v28  }
0x181: {  	v48 =	vld [tilespmem:$0xA0E0];
	v28 =	vadd.s32 v43, v28  }
0x182: {  	v49 =	vld [tilespmem:$0xA0F0];
	v28 =	vadd.s32 v44, v28  }
0x183: {  	v28 =	vadd.s32 v45, v28  }
0x184: {  	v28 =	vadd.s32 v46, v28  }
0x185: {  	v28 =	vadd.s32 v47, v28  }
0x186: {  	v28 =	vadd.s32 v48, v28  }
0x187: {  	v28 =	vadd.s32 v49, v28  }
0x188: {  	v28 =	vperm.xlane v28, v21;
	_ =	sdelay $0x1  }
0x189: {  	(xrf0) =	vadd.scan.msk.s32 $0xffff, v28;
	_ =	sdelay $0x5  }
0x18a: {  	v29, _, _ =	vpop (xrf0)  }
0x18b: {  	vm0 =	vge.s32 v29, v26  }
0x18c: {  	v28 =	vmpcnt.ones.xlane vm0;
	_ =	sdelay $0x1  }
0x18d: {  	v50 =	vadd.s32 $0x7FFFFFFF, v28  }
0x18e: {  	(xrf0) =	vmax.scan.msk.u32 $0xffff, v50;
	_ =	sdelay $0x5  }
0x18f: {  	v30, _, _ =	vpop (xrf0)  }
0x190: {  	(v2sf) =	vpush v30, $0xF;
	_ =	sdelay $0xe  }
0x191: {  	s19 =	spop (v2sf)  }
0x192: {  	s19 =	sshll.u32 s19, $0xA  }
0x193: {  	s19 =	sshra.s32 s19, $0x2  }
0x194: {  	v51 =	vld [tilespmem:s19+$0x8000];
	_ =	sdelay $0x4  }
0x195: {  	[tilespmem:v2+s14+$0x0] =	vst.idx.msk $0xffff, v51  }
0x196: {  	v30 =	vld [tilespmem:s19+$0x8010];
	_ =	sdelay $0x4  }
0x197: {  	[tilespmem:v6+s14+$0x0] =	vst.idx.msk $0xffff, v30  }
0x198: {  	v30 =	vld [tilespmem:s19+$0x8020];
	_ =	sdelay $0x4  }
0x199: {  	[tilespmem:v7+s14+$0x0] =	vst.idx.msk $0xffff, v30  }
0x19a: {  	v30 =	vld [tilespmem:s19+$0x8030];
	_ =	sdelay $0x4  }
0x19b: {  	[tilespmem:v8+s14+$0x0] =	vst.idx.msk $0xffff, v30  }
0x19c: {  	v30 =	vld [tilespmem:s19+$0x8040];
	_ =	sdelay $0x4  }
0x19d: {  	[tilespmem:v9+s14+$0x0] =	vst.idx.msk $0xffff, v30  }
0x19e: {  	v30 =	vld [tilespmem:s19+$0x8050];
	_ =	sdelay $0x4  }
0x19f: {  	[tilespmem:v10+s14+$0x0] =	vst.idx.msk $0xffff, v30  }
0x1a0: {  	v30 =	vld [tilespmem:s19+$0x8060];
	_ =	sdelay $0x4  }
0x1a1: {  	[tilespmem:v11+s14+$0x0] =	vst.idx.msk $0xffff, v30  }
0x1a2: {  	v30 =	vld [tilespmem:s19+$0x8070];
	_ =	sdelay $0x4  }
0x1a3: {  	[tilespmem:v12+s14+$0x0] =	vst.idx.msk $0xffff, v30  }
0x1a4: {  	v30 =	vld [tilespmem:s19+$0x8080];
	_ =	sdelay $0x4  }
0x1a5: {  	[tilespmem:v13+s14+$0x0] =	vst.idx.msk $0xffff, v30  }
0x1a6: {  	v30 =	vld [tilespmem:s19+$0x8090];
	_ =	sdelay $0x4  }
0x1a7: {  	[tilespmem:v14+s14+$0x0] =	vst.idx.msk $0xffff, v30  }
0x1a8: {  	v30 =	vld [tilespmem:s19+$0x80A0];
	_ =	sdelay $0x4  }
0x1a9: {  	[tilespmem:v15+s14+$0x0] =	vst.idx.msk $0xffff, v30  }
0x1aa: {  	v30 =	vld [tilespmem:s19+$0x80B0];
	_ =	sdelay $0x4  }
0x1ab: {  	[tilespmem:v16+s14+$0x0] =	vst.idx.msk $0xffff, v30  }
0x1ac: {  	v30 =	vld [tilespmem:s19+$0x80C0];
	_ =	sdelay $0x4  }
0x1ad: {  	[tilespmem:v17+s14+$0x0] =	vst.idx.msk $0xffff, v30  }
0x1ae: {  	v30 =	vld [tilespmem:s19+$0x80D0];
	_ =	sdelay $0x4  }
0x1af: {  	[tilespmem:v18+s14+$0x0] =	vst.idx.msk $0xffff, v30  }
0x1b0: {  	v30 =	vld [tilespmem:s19+$0x80E0];
	_ =	sdelay $0x4  }
0x1b1: {  	[tilespmem:v19+s14+$0x0] =	vst.idx.msk $0xffff, v30  }
0x1b2: {  	v30 =	vld [tilespmem:s19+$0x80F0];
	_ =	sdelay $0x4  }
0x1b3: {  	[tilespmem:v20+s14+$0x0] =	vst.idx.msk $0xffff, v30  }
0x1b4: {  	v38 =	vld [tilespmem:$0xA000]  }
0x1b5: {  	v40 =	vld [tilespmem:$0xA010]  }
0x1b6: {  	v39 =	vld [tilespmem:$0xA020]  }
0x1b7: {  	v37 =	vld [tilespmem:$0xA030]  }
0x1b8: {  	v36 =	vld [tilespmem:$0xA040]  }
0x1b9: {  	v35 =	vld [tilespmem:$0xA050]  }
0x1ba: {  	v34 =	vld [tilespmem:$0xA060]  }
0x1bb: {  	v33 =	vld [tilespmem:$0xA070]  }
0x1bc: {  	v32 =	vld [tilespmem:$0xA080]  }
0x1bd: {  	v31 =	vld [tilespmem:$0xA090]  }
0x1be: {  	v41 =	vld [tilespmem:$0x9000]  }
0x1bf: {  	v42 =	vld [tilespmem:$0x9010]  }
0x1c0: {  	v43 =	vld [tilespmem:$0x9020]  }
0x1c1: {  	v44 =	vld [tilespmem:$0x9030]  }
0x1c2: {  	v45 =	vld [tilespmem:$0x9040]  }
0x1c3: {  	v46 =	vld [tilespmem:$0x9050]  }
0x1c4: {  	v47 =	vld [tilespmem:$0x9060];
	v41 =	vadd.s32 v41, v42  }
0x1c5: {  	v52 =	vld [tilespmem:$0x9070];
	v41 =	vadd.s32 v43, v41  }
0x1c6: {  	v53 =	vld [tilespmem:$0x9080];
	v41 =	vadd.s32 v44, v41  }
0x1c7: {  	v54 =	vld [tilespmem:$0x9090];
	v41 =	vadd.s32 v45, v41  }
0x1c8: {  	v55 =	vld [tilespmem:$0x90A0];
	v41 =	vadd.s32 v46, v41  }
0x1c9: {  	v56 =	vld [tilespmem:$0x90B0];
	v41 =	vadd.s32 v47, v41  }
0x1ca: {  	v57 =	vld [tilespmem:$0x90C0];
	v41 =	vadd.s32 v52, v41  }
0x1cb: {  	v48 =	vld [tilespmem:$0x90D0];
	v41 =	vadd.s32 v53, v41  }
0x1cc: {  	v49 =	vld [tilespmem:$0x90E0];
	v41 =	vadd.s32 v54, v41  }
0x1cd: {  	v50 =	vld [tilespmem:$0x90F0];
	v41 =	vadd.s32 v55, v41  }
0x1ce: {  	v30 =	vld [tilespmem:$0xA0A0];
	v58 =	vadd.s32 v56, v41  }
0x1cf: {  	v42 =	vld [tilespmem:$0xA0D0];
	v59 =	vadd.s32 v57, v58  }
0x1d0: {  	v43 =	vld [tilespmem:$0xA0E0];
	v60 =	vadd.s32 v48, v59  }
0x1d1: {  	v44 =	vld [tilespmem:$0xA0F0];
	v61 =	vadd.s32 v49, v60  }
0x1d2: {  	v45 =	vld [tilespmem:$0xA0B0];
	v46 =	vadd.s32 v50, v61  }
0x1d3: {  	v41 =	vld [tilespmem:$0xA0C0];
	[tilespmem:v2+s15+$0x0] =	vst.idx.msk $0xffff, v46  }
0x1d4: {  	v46 =	vld [tilespmem:$0x9100]  }
0x1d5: {  	v62 =	vld [tilespmem:$0x9110]  }
0x1d6: {  	v63 =	vld [tilespmem:$0x9120]  }
0x1d7: {  	v54 =	vld [tilespmem:$0x9130]  }
0x1d8: {  	v55 =	vld [tilespmem:$0x9140]  }
0x1d9: {  	v51 =	vld [tilespmem:$0x9150]  }
0x1da: {  	v56 =	vld [tilespmem:$0x9160];
	v46 =	vadd.s32 v46, v62  }
0x1db: {  	v57 =	vld [tilespmem:$0x9170];
	v46 =	vadd.s32 v63, v46  }
0x1dc: {  	v58 =	vld [tilespmem:$0x9180];
	v46 =	vadd.s32 v54, v46  }
0x1dd: {  	v59 =	vld [tilespmem:$0x9190];
	v46 =	vadd.s32 v55, v46  }
0x1de: {  	v60 =	vld [tilespmem:$0x91A0];
	v46 =	vadd.s32 v51, v46  }
0x1df: {  	v61 =	vld [tilespmem:$0x91B0];
	v46 =	vadd.s32 v56, v46  }
0x1e0: {  	v62 =	vld [tilespmem:$0x91C0];
	v46 =	vadd.s32 v57, v46  }
0x1e1: {  	v63 =	vld [tilespmem:$0x91D0];
	v46 =	vadd.s32 v58, v46  }
0x1e2: {  	v54 =	vld [tilespmem:$0x91E0];
	v46 =	vadd.s32 v59, v46  }
0x1e3: {  	v55 =	vld [tilespmem:$0x91F0];
	v46 =	vadd.s32 v60, v46  }
0x1e4: {  	v46 =	vadd.s32 v61, v46  }
0x1e5: {  	v46 =	vadd.s32 v62, v46  }
0x1e6: {  	v46 =	vadd.s32 v63, v46  }
0x1e7: {  	v46 =	vadd.s32 v54, v46  }
0x1e8: {  	v46 =	vadd.s32 v55, v46  }
0x1e9: {  	[tilespmem:v6+s15+$0x0] =	vst.idx.msk $0xffff, v46  }
0x1ea: {  	v46 =	vld [tilespmem:$0x9200]  }
0x1eb: {  	v56 =	vld [tilespmem:$0x9210]  }
0x1ec: {  	v57 =	vld [tilespmem:$0x9220]  }
0x1ed: {  	v58 =	vld [tilespmem:$0x9230]  }
0x1ee: {  	v59 =	vld [tilespmem:$0x9240]  }
0x1ef: {  	v60 =	vld [tilespmem:$0x9250]  }
0x1f0: {  	v61 =	vld [tilespmem:$0x9260];
	v46 =	vadd.s32 v46, v56  }
0x1f1: {  	v62 =	vld [tilespmem:$0x9270];
	v46 =	vadd.s32 v57, v46  }
0x1f2: {  	v63 =	vld [tilespmem:$0x9280];
	v46 =	vadd.s32 v58, v46  }
0x1f3: {  	v54 =	vld [tilespmem:$0x9290];
	v46 =	vadd.s32 v59, v46  }
0x1f4: {  	v55 =	vld [tilespmem:$0x92A0];
	v46 =	vadd.s32 v60, v46  }
0x1f5: {  	v56 =	vld [tilespmem:$0x92B0];
	v46 =	vadd.s32 v61, v46  }
0x1f6: {  	v57 =	vld [tilespmem:$0x92C0];
	v46 =	vadd.s32 v62, v46  }
0x1f7: {  	v58 =	vld [tilespmem:$0x92D0];
	v46 =	vadd.s32 v63, v46  }
0x1f8: {  	v59 =	vld [tilespmem:$0x92E0];
	v46 =	vadd.s32 v54, v46  }
0x1f9: {  	v60 =	vld [tilespmem:$0x92F0];
	v46 =	vadd.s32 v55, v46  }
0x1fa: {  	v46 =	vadd.s32 v56, v46  }
0x1fb: {  	v46 =	vadd.s32 v57, v46  }
0x1fc: {  	v46 =	vadd.s32 v58, v46  }
0x1fd: {  	v46 =	vadd.s32 v59, v46  }
0x1fe: {  	v46 =	vadd.s32 v60, v46  }
0x1ff: {  	[tilespmem:v7+s15+$0x0] =	vst.idx.msk $0xffff, v46  }
0x200: {  	v46 =	vld [tilespmem:$0x9300]  }
0x201: {  	v61 =	vld [tilespmem:$0x9310]  }
0x202: {  	v62 =	vld [tilespmem:$0x9320]  }
0x203: {  	v63 =	vld [tilespmem:$0x9330]  }
0x204: {  	v54 =	vld [tilespmem:$0x9340]  }
0x205: {  	v55 =	vld [tilespmem:$0x9350]  }
0x206: {  	v56 =	vld [tilespmem:$0x9360];
	v46 =	vadd.s32 v46, v61  }
0x207: {  	v57 =	vld [tilespmem:$0x9370];
	v46 =	vadd.s32 v62, v46  }
0x208: {  	v58 =	vld [tilespmem:$0x9380];
	v46 =	vadd.s32 v63, v46  }
0x209: {  	v59 =	vld [tilespmem:$0x9390];
	v46 =	vadd.s32 v54, v46  }
0x20a: {  	v60 =	vld [tilespmem:$0x93A0];
	v46 =	vadd.s32 v55, v46  }
0x20b: {  	v61 =	vld [tilespmem:$0x93B0];
	v46 =	vadd.s32 v56, v46  }
0x20c: {  	v62 =	vld [tilespmem:$0x93C0];
	v46 =	vadd.s32 v57, v46  }
0x20d: {  	v63 =	vld [tilespmem:$0x93D0];
	v46 =	vadd.s32 v58, v46  }
0x20e: {  	v54 =	vld [tilespmem:$0x93E0];
	v46 =	vadd.s32 v59, v46  }
0x20f: {  	v55 =	vld [tilespmem:$0x93F0];
	v46 =	vadd.s32 v60, v46  }
0x210: {  	v46 =	vadd.s32 v61, v46  }
0x211: {  	v46 =	vadd.s32 v62, v46  }
0x212: {  	v46 =	vadd.s32 v63, v46  }
0x213: {  	v46 =	vadd.s32 v54, v46  }
0x214: {  	v46 =	vadd.s32 v55, v46  }
0x215: {  	[tilespmem:v8+s15+$0x0] =	vst.idx.msk $0xffff, v46  }
0x216: {  	v46 =	vld [tilespmem:$0x9400]  }
0x217: {  	v56 =	vld [tilespmem:$0x9410]  }
0x218: {  	v57 =	vld [tilespmem:$0x9420]  }
0x219: {  	v58 =	vld [tilespmem:$0x9430]  }
0x21a: {  	v59 =	vld [tilespmem:$0x9440]  }
0x21b: {  	v60 =	vld [tilespmem:$0x9450]  }
0x21c: {  	v61 =	vld [tilespmem:$0x9460];
	v46 =	vadd.s32 v46, v56  }
0x21d: {  	v62 =	vld [tilespmem:$0x9470];
	v46 =	vadd.s32 v57, v46  }
0x21e: {  	v63 =	vld [tilespmem:$0x9480];
	v46 =	vadd.s32 v58, v46  }
0x21f: {  	v54 =	vld [tilespmem:$0x9490];
	v46 =	vadd.s32 v59, v46  }
0x220: {  	v55 =	vld [tilespmem:$0x94A0];
	v46 =	vadd.s32 v60, v46  }
0x221: {  	v56 =	vld [tilespmem:$0x94B0];
	v46 =	vadd.s32 v61, v46  }
0x222: {  	v57 =	vld [tilespmem:$0x94C0];
	v46 =	vadd.s32 v62, v46  }
0x223: {  	v58 =	vld [tilespmem:$0x94D0];
	v46 =	vadd.s32 v63, v46  }
0x224: {  	v59 =	vld [tilespmem:$0x94E0];
	v46 =	vadd.s32 v54, v46  }
0x225: {  	v60 =	vld [tilespmem:$0x94F0];
	v46 =	vadd.s32 v55, v46  }
0x226: {  	v46 =	vadd.s32 v56, v46  }
0x227: {  	v46 =	vadd.s32 v57, v46  }
0x228: {  	v46 =	vadd.s32 v58, v46  }
0x229: {  	v46 =	vadd.s32 v59, v46  }
0x22a: {  	v46 =	vadd.s32 v60, v46  }
0x22b: {  	[tilespmem:v9+s15+$0x0] =	vst.idx.msk $0xffff, v46  }
0x22c: {  	v46 =	vld [tilespmem:$0x9500]  }
0x22d: {  	v61 =	vld [tilespmem:$0x9510]  }
0x22e: {  	v62 =	vld [tilespmem:$0x9520]  }
0x22f: {  	v63 =	vld [tilespmem:$0x9530]  }
0x230: {  	v54 =	vld [tilespmem:$0x9540]  }
0x231: {  	v55 =	vld [tilespmem:$0x9550]  }
0x232: {  	v56 =	vld [tilespmem:$0x9560];
	v46 =	vadd.s32 v46, v61  }
0x233: {  	v57 =	vld [tilespmem:$0x9570];
	v46 =	vadd.s32 v62, v46  }
0x234: {  	v58 =	vld [tilespmem:$0x9580];
	v46 =	vadd.s32 v63, v46  }
0x235: {  	v59 =	vld [tilespmem:$0x9590];
	v46 =	vadd.s32 v54, v46  }
0x236: {  	v60 =	vld [tilespmem:$0x95A0];
	v46 =	vadd.s32 v55, v46  }
0x237: {  	v61 =	vld [tilespmem:$0x95B0];
	v46 =	vadd.s32 v56, v46  }
0x238: {  	v62 =	vld [tilespmem:$0x95C0];
	v46 =	vadd.s32 v57, v46  }
0x239: {  	v63 =	vld [tilespmem:$0x95D0];
	v46 =	vadd.s32 v58, v46  }
0x23a: {  	v54 =	vld [tilespmem:$0x95E0];
	v46 =	vadd.s32 v59, v46  }
0x23b: {  	v55 =	vld [tilespmem:$0x95F0];
	v46 =	vadd.s32 v60, v46  }
0x23c: {  	v46 =	vadd.s32 v61, v46  }
0x23d: {  	v46 =	vadd.s32 v62, v46  }
0x23e: {  	v46 =	vadd.s32 v63, v46  }
0x23f: {  	v46 =	vadd.s32 v54, v46  }
0x240: {  	v46 =	vadd.s32 v55, v46  }
0x241: {  	[tilespmem:v10+s15+$0x0] =	vst.idx.msk $0xffff, v46  }
0x242: {  	v46 =	vld [tilespmem:$0x9600]  }
0x243: {  	v56 =	vld [tilespmem:$0x9610]  }
0x244: {  	v57 =	vld [tilespmem:$0x9620]  }
0x245: {  	v58 =	vld [tilespmem:$0x9630]  }
0x246: {  	v59 =	vld [tilespmem:$0x9640]  }
0x247: {  	v60 =	vld [tilespmem:$0x9650]  }
0x248: {  	v61 =	vld [tilespmem:$0x9660];
	v46 =	vadd.s32 v46, v56  }
0x249: {  	v62 =	vld [tilespmem:$0x9670];
	v46 =	vadd.s32 v57, v46  }
0x24a: {  	v63 =	vld [tilespmem:$0x9680];
	v46 =	vadd.s32 v58, v46  }
0x24b: {  	v54 =	vld [tilespmem:$0x9690];
	v46 =	vadd.s32 v59, v46  }
0x24c: {  	v55 =	vld [tilespmem:$0x96A0];
	v46 =	vadd.s32 v60, v46  }
0x24d: {  	v56 =	vld [tilespmem:$0x96B0];
	v46 =	vadd.s32 v61, v46  }
0x24e: {  	v57 =	vld [tilespmem:$0x96C0];
	v46 =	vadd.s32 v62, v46  }
0x24f: {  	v58 =	vld [tilespmem:$0x96D0];
	v46 =	vadd.s32 v63, v46  }
0x250: {  	v59 =	vld [tilespmem:$0x96E0];
	v46 =	vadd.s32 v54, v46  }
0x251: {  	v60 =	vld [tilespmem:$0x96F0];
	v46 =	vadd.s32 v55, v46  }
0x252: {  	v46 =	vadd.s32 v56, v46  }
0x253: {  	v46 =	vadd.s32 v57, v46  }
0x254: {  	v46 =	vadd.s32 v58, v46  }
0x255: {  	v46 =	vadd.s32 v59, v46  }
0x256: {  	v46 =	vadd.s32 v60, v46  }
0x257: {  	[tilespmem:v11+s15+$0x0] =	vst.idx.msk $0xffff, v46  }
0x258: {  	v46 =	vld [tilespmem:$0x9700]  }
0x259: {  	v61 =	vld [tilespmem:$0x9710]  }
0x25a: {  	v62 =	vld [tilespmem:$0x9720]  }
0x25b: {  	v63 =	vld [tilespmem:$0x9730]  }
0x25c: {  	v54 =	vld [tilespmem:$0x9740]  }
0x25d: {  	v55 =	vld [tilespmem:$0x9750]  }
0x25e: {  	v56 =	vld [tilespmem:$0x9760];
	v46 =	vadd.s32 v46, v61  }
0x25f: {  	v57 =	vld [tilespmem:$0x9770];
	v46 =	vadd.s32 v62, v46  }
0x260: {  	v58 =	vld [tilespmem:$0x9780];
	v46 =	vadd.s32 v63, v46  }
0x261: {  	v59 =	vld [tilespmem:$0x9790];
	v46 =	vadd.s32 v54, v46  }
0x262: {  	v60 =	vld [tilespmem:$0x97A0];
	v46 =	vadd.s32 v55, v46  }
0x263: {  	v61 =	vld [tilespmem:$0x97B0];
	v46 =	vadd.s32 v56, v46  }
0x264: {  	v62 =	vld [tilespmem:$0x97C0];
	v46 =	vadd.s32 v57, v46  }
0x265: {  	v63 =	vld [tilespmem:$0x97D0];
	v46 =	vadd.s32 v58, v46  }
0x266: {  	v54 =	vld [tilespmem:$0x97E0];
	v46 =	vadd.s32 v59, v46  }
0x267: {  	v55 =	vld [tilespmem:$0x97F0];
	v46 =	vadd.s32 v60, v46  }
0x268: {  	v46 =	vadd.s32 v61, v46  }
0x269: {  	v46 =	vadd.s32 v62, v46  }
0x26a: {  	v46 =	vadd.s32 v63, v46  }
0x26b: {  	v46 =	vadd.s32 v54, v46  }
0x26c: {  	v46 =	vadd.s32 v55, v46  }
0x26d: {  	[tilespmem:v12+s15+$0x0] =	vst.idx.msk $0xffff, v46  }
0x26e: {  	v46 =	vld [tilespmem:$0x9800]  }
0x26f: {  	v56 =	vld [tilespmem:$0x9810]  }
0x270: {  	v57 =	vld [tilespmem:$0x9820]  }
0x271: {  	v58 =	vld [tilespmem:$0x9830]  }
0x272: {  	v59 =	vld [tilespmem:$0x9840]  }
0x273: {  	v60 =	vld [tilespmem:$0x9850]  }
0x274: {  	v61 =	vld [tilespmem:$0x9860];
	v46 =	vadd.s32 v46, v56  }
0x275: {  	v62 =	vld [tilespmem:$0x9870];
	v46 =	vadd.s32 v57, v46  }
0x276: {  	v63 =	vld [tilespmem:$0x9880];
	v46 =	vadd.s32 v58, v46  }
0x277: {  	v54 =	vld [tilespmem:$0x9890];
	v46 =	vadd.s32 v59, v46  }
0x278: {  	v55 =	vld [tilespmem:$0x98A0];
	v46 =	vadd.s32 v60, v46  }
0x279: {  	v56 =	vld [tilespmem:$0x98B0];
	v46 =	vadd.s32 v61, v46  }
0x27a: {  	v57 =	vld [tilespmem:$0x98C0];
	v46 =	vadd.s32 v62, v46  }
0x27b: {  	v58 =	vld [tilespmem:$0x98D0];
	v46 =	vadd.s32 v63, v46  }
0x27c: {  	v59 =	vld [tilespmem:$0x98E0];
	v46 =	vadd.s32 v54, v46  }
0x27d: {  	v60 =	vld [tilespmem:$0x98F0];
	v46 =	vadd.s32 v55, v46  }
0x27e: {  	v46 =	vadd.s32 v56, v46  }
0x27f: {  	v46 =	vadd.s32 v57, v46  }
0x280: {  	v46 =	vadd.s32 v58, v46  }
0x281: {  	v46 =	vadd.s32 v59, v46  }
0x282: {  	v46 =	vadd.s32 v60, v46  }
0x283: {  	[tilespmem:v13+s15+$0x0] =	vst.idx.msk $0xffff, v46  }
0x284: {  	v46 =	vld [tilespmem:$0x9900]  }
0x285: {  	v61 =	vld [tilespmem:$0x9910]  }
0x286: {  	v62 =	vld [tilespmem:$0x9920]  }
0x287: {  	v63 =	vld [tilespmem:$0x9930]  }
0x288: {  	v54 =	vld [tilespmem:$0x9940]  }
0x289: {  	v55 =	vld [tilespmem:$0x9950]  }
0x28a: {  	v56 =	vld [tilespmem:$0x9960];
	v46 =	vadd.s32 v46, v61  }
0x28b: {  	v57 =	vld [tilespmem:$0x9970];
	v46 =	vadd.s32 v62, v46  }
0x28c: {  	v58 =	vld [tilespmem:$0x9980];
	v46 =	vadd.s32 v63, v46  }
0x28d: {  	v59 =	vld [tilespmem:$0x9990];
	v46 =	vadd.s32 v54, v46  }
0x28e: {  	v60 =	vld [tilespmem:$0x99A0];
	v46 =	vadd.s32 v55, v46  }
0x28f: {  	v61 =	vld [tilespmem:$0x99B0];
	v46 =	vadd.s32 v56, v46  }
0x290: {  	v62 =	vld [tilespmem:$0x99C0];
	v46 =	vadd.s32 v57, v46  }
0x291: {  	v63 =	vld [tilespmem:$0x99D0];
	v46 =	vadd.s32 v58, v46  }
0x292: {  	v54 =	vld [tilespmem:$0x99E0];
	v46 =	vadd.s32 v59, v46  }
0x293: {  	v55 =	vld [tilespmem:$0x99F0];
	v46 =	vadd.s32 v60, v46  }
0x294: {  	v46 =	vadd.s32 v61, v46  }
0x295: {  	v46 =	vadd.s32 v62, v46  }
0x296: {  	v46 =	vadd.s32 v63, v46  }
0x297: {  	v46 =	vadd.s32 v54, v46  }
0x298: {  	v46 =	vadd.s32 v55, v46  }
0x299: {  	[tilespmem:v14+s15+$0x0] =	vst.idx.msk $0xffff, v46  }
0x29a: {  	v46 =	vld [tilespmem:$0x9A00]  }
0x29b: {  	v56 =	vld [tilespmem:$0x9A10]  }
0x29c: {  	v57 =	vld [tilespmem:$0x9A20]  }
0x29d: {  	v58 =	vld [tilespmem:$0x9A30]  }
0x29e: {  	v59 =	vld [tilespmem:$0x9A40]  }
0x29f: {  	v60 =	vld [tilespmem:$0x9A50]  }
0x2a0: {  	v61 =	vld [tilespmem:$0x9A60];
	v46 =	vadd.s32 v46, v56  }
0x2a1: {  	v62 =	vld [tilespmem:$0x9A70];
	v46 =	vadd.s32 v57, v46  }
0x2a2: {  	v63 =	vld [tilespmem:$0x9A80];
	v46 =	vadd.s32 v58, v46  }
0x2a3: {  	v54 =	vld [tilespmem:$0x9A90];
	v46 =	vadd.s32 v59, v46  }
0x2a4: {  	v55 =	vld [tilespmem:$0x9AA0];
	v46 =	vadd.s32 v60, v46  }
0x2a5: {  	v56 =	vld [tilespmem:$0x9AB0];
	v46 =	vadd.s32 v61, v46  }
0x2a6: {  	v57 =	vld [tilespmem:$0x9AC0];
	v46 =	vadd.s32 v62, v46  }
0x2a7: {  	v58 =	vld [tilespmem:$0x9AD0];
	v46 =	vadd.s32 v63, v46  }
0x2a8: {  	v59 =	vld [tilespmem:$0x9AE0];
	v46 =	vadd.s32 v54, v46  }
0x2a9: {  	v60 =	vld [tilespmem:$0x9AF0];
	v46 =	vadd.s32 v55, v46  }
0x2aa: {  	v46 =	vadd.s32 v56, v46  }
0x2ab: {  	v46 =	vadd.s32 v57, v46  }
0x2ac: {  	v46 =	vadd.s32 v58, v46  }
0x2ad: {  	v46 =	vadd.s32 v59, v46  }
0x2ae: {  	v46 =	vadd.s32 v60, v46  }
0x2af: {  	[tilespmem:v15+s15+$0x0] =	vst.idx.msk $0xffff, v46  }
0x2b0: {  	v46 =	vld [tilespmem:$0x9B00]  }
0x2b1: {  	v61 =	vld [tilespmem:$0x9B10]  }
0x2b2: {  	v62 =	vld [tilespmem:$0x9B20]  }
0x2b3: {  	v63 =	vld [tilespmem:$0x9B30]  }
0x2b4: {  	v54 =	vld [tilespmem:$0x9B40]  }
0x2b5: {  	v55 =	vld [tilespmem:$0x9B50]  }
0x2b6: {  	v56 =	vld [tilespmem:$0x9B60];
	v46 =	vadd.s32 v46, v61  }
0x2b7: {  	v57 =	vld [tilespmem:$0x9B70];
	v46 =	vadd.s32 v62, v46  }
0x2b8: {  	v58 =	vld [tilespmem:$0x9B80];
	v46 =	vadd.s32 v63, v46  }
0x2b9: {  	v59 =	vld [tilespmem:$0x9B90];
	v46 =	vadd.s32 v54, v46  }
0x2ba: {  	v60 =	vld [tilespmem:$0x9BA0];
	v46 =	vadd.s32 v55, v46  }
0x2bb: {  	v61 =	vld [tilespmem:$0x9BB0];
	v46 =	vadd.s32 v56, v46  }
0x2bc: {  	v62 =	vld [tilespmem:$0x9BC0];
	v46 =	vadd.s32 v57, v46  }
0x2bd: {  	v63 =	vld [tilespmem:$0x9BD0];
	v46 =	vadd.s32 v58, v46  }
0x2be: {  	v54 =	vld [tilespmem:$0x9BE0];
	v46 =	vadd.s32 v59, v46  }
0x2bf: {  	v55 =	vld [tilespmem:$0x9BF0];
	v46 =	vadd.s32 v60, v46  }
0x2c0: {  	v46 =	vadd.s32 v61, v46  }
0x2c1: {  	v46 =	vadd.s32 v62, v46  }
0x2c2: {  	v46 =	vadd.s32 v63, v46  }
0x2c3: {  	v46 =	vadd.s32 v54, v46  }
0x2c4: {  	v46 =	vadd.s32 v55, v46  }
0x2c5: {  	[tilespmem:v16+s15+$0x0] =	vst.idx.msk $0xffff, v46  }
0x2c6: {  	v46 =	vld [tilespmem:$0x9C00]  }
0x2c7: {  	v56 =	vld [tilespmem:$0x9C10]  }
0x2c8: {  	v57 =	vld [tilespmem:$0x9C20]  }
0x2c9: {  	v58 =	vld [tilespmem:$0x9C30]  }
0x2ca: {  	v59 =	vld [tilespmem:$0x9C40]  }
0x2cb: {  	v60 =	vld [tilespmem:$0x9C50]  }
0x2cc: {  	v61 =	vld [tilespmem:$0x9C60];
	v46 =	vadd.s32 v46, v56  }
0x2cd: {  	v62 =	vld [tilespmem:$0x9C70];
	v46 =	vadd.s32 v57, v46  }
0x2ce: {  	v63 =	vld [tilespmem:$0x9C80];
	v46 =	vadd.s32 v58, v46  }
0x2cf: {  	v54 =	vld [tilespmem:$0x9C90];
	v46 =	vadd.s32 v59, v46  }
0x2d0: {  	v55 =	vld [tilespmem:$0x9CA0];
	v46 =	vadd.s32 v60, v46  }
0x2d1: {  	v56 =	vld [tilespmem:$0x9CB0];
	v46 =	vadd.s32 v61, v46  }
0x2d2: {  	v57 =	vld [tilespmem:$0x9CC0];
	v46 =	vadd.s32 v62, v46  }
0x2d3: {  	v58 =	vld [tilespmem:$0x9CD0];
	v46 =	vadd.s32 v63, v46  }
0x2d4: {  	v59 =	vld [tilespmem:$0x9CE0];
	v46 =	vadd.s32 v54, v46  }
0x2d5: {  	v60 =	vld [tilespmem:$0x9CF0];
	v46 =	vadd.s32 v55, v46  }
0x2d6: {  	v46 =	vadd.s32 v56, v46  }
0x2d7: {  	v46 =	vadd.s32 v57, v46  }
0x2d8: {  	v46 =	vadd.s32 v58, v46  }
0x2d9: {  	v46 =	vadd.s32 v59, v46  }
0x2da: {  	v46 =	vadd.s32 v60, v46  }
0x2db: {  	[tilespmem:v17+s15+$0x0] =	vst.idx.msk $0xffff, v46  }
0x2dc: {  	v46 =	vld [tilespmem:$0x9D00]  }
0x2dd: {  	v61 =	vld [tilespmem:$0x9D10]  }
0x2de: {  	v62 =	vld [tilespmem:$0x9D20]  }
0x2df: {  	v63 =	vld [tilespmem:$0x9D30]  }
0x2e0: {  	v54 =	vld [tilespmem:$0x9D40]  }
0x2e1: {  	v55 =	vld [tilespmem:$0x9D50]  }
0x2e2: {  	v56 =	vld [tilespmem:$0x9D60];
	v46 =	vadd.s32 v46, v61  }
0x2e3: {  	v57 =	vld [tilespmem:$0x9D70];
	v46 =	vadd.s32 v62, v46  }
0x2e4: {  	v58 =	vld [tilespmem:$0x9D80];
	v46 =	vadd.s32 v63, v46  }
0x2e5: {  	v59 =	vld [tilespmem:$0x9D90];
	v46 =	vadd.s32 v54, v46  }
0x2e6: {  	v60 =	vld [tilespmem:$0x9DA0];
	v46 =	vadd.s32 v55, v46  }
0x2e7: {  	v61 =	vld [tilespmem:$0x9DB0];
	v46 =	vadd.s32 v56, v46  }
0x2e8: {  	v62 =	vld [tilespmem:$0x9DC0];
	v46 =	vadd.s32 v57, v46  }
0x2e9: {  	v63 =	vld [tilespmem:$0x9DD0];
	v46 =	vadd.s32 v58, v46  }
0x2ea: {  	v54 =	vld [tilespmem:$0x9DE0];
	v46 =	vadd.s32 v59, v46  }
0x2eb: {  	v55 =	vld [tilespmem:$0x9DF0];
	v46 =	vadd.s32 v60, v46  }
0x2ec: {  	v46 =	vadd.s32 v61, v46  }
0x2ed: {  	v46 =	vadd.s32 v62, v46  }
0x2ee: {  	v46 =	vadd.s32 v63, v46  }
0x2ef: {  	v46 =	vadd.s32 v54, v46  }
0x2f0: {  	v46 =	vadd.s32 v55, v46  }
0x2f1: {  	[tilespmem:v18+s15+$0x0] =	vst.idx.msk $0xffff, v46  }
0x2f2: {  	v46 =	vld [tilespmem:$0x9E00]  }
0x2f3: {  	v56 =	vld [tilespmem:$0x9E10]  }
0x2f4: {  	v57 =	vld [tilespmem:$0x9E20]  }
0x2f5: {  	v58 =	vld [tilespmem:$0x9E30]  }
0x2f6: {  	v59 =	vld [tilespmem:$0x9E40]  }
0x2f7: {  	v60 =	vld [tilespmem:$0x9E50]  }
0x2f8: {  	v61 =	vld [tilespmem:$0x9E60];
	v46 =	vadd.s32 v46, v56  }
0x2f9: {  	v62 =	vld [tilespmem:$0x9E70];
	v46 =	vadd.s32 v57, v46  }
0x2fa: {  	v63 =	vld [tilespmem:$0x9E80];
	v46 =	vadd.s32 v58, v46  }
0x2fb: {  	v54 =	vld [tilespmem:$0x9E90];
	v46 =	vadd.s32 v59, v46  }
0x2fc: {  	v55 =	vld [tilespmem:$0x9EA0];
	v46 =	vadd.s32 v60, v46  }
0x2fd: {  	v56 =	vld [tilespmem:$0x9EB0];
	v46 =	vadd.s32 v61, v46  }
0x2fe: {  	v57 =	vld [tilespmem:$0x9EC0];
	v46 =	vadd.s32 v62, v46  }
0x2ff: {  	v58 =	vld [tilespmem:$0x9ED0];
	v46 =	vadd.s32 v63, v46  }
0x300: {  	v59 =	vld [tilespmem:$0x9EE0];
	v46 =	vadd.s32 v54, v46  }
0x301: {  	v60 =	vld [tilespmem:$0x9EF0];
	v46 =	vadd.s32 v55, v46  }
0x302: {  	v46 =	vadd.s32 v56, v46  }
0x303: {  	v46 =	vadd.s32 v57, v46  }
0x304: {  	v46 =	vadd.s32 v58, v46  }
0x305: {  	v46 =	vadd.s32 v59, v46  }
0x306: {  	v46 =	vadd.s32 v60, v46  }
0x307: {  	[tilespmem:v19+s15+$0x0] =	vst.idx.msk $0xffff, v46  }
0x308: {  	v46 =	vld [tilespmem:$0x9F00]  }
0x309: {  	v61 =	vld [tilespmem:$0x9F10]  }
0x30a: {  	v62 =	vld [tilespmem:$0x9F20]  }
0x30b: {  	v63 =	vld [tilespmem:$0x9F30]  }
0x30c: {  	v54 =	vld [tilespmem:$0x9F40]  }
0x30d: {  	v55 =	vld [tilespmem:$0x9F50]  }
0x30e: {  	v56 =	vld [tilespmem:$0x9F60];
	v46 =	vadd.s32 v46, v61  }
0x30f: {  	v57 =	vld [tilespmem:$0x9F70];
	v46 =	vadd.s32 v62, v46  }
0x310: {  	v58 =	vld [tilespmem:$0x9F80];
	v46 =	vadd.s32 v63, v46  }
0x311: {  	v59 =	vld [tilespmem:$0x9F90];
	v46 =	vadd.s32 v54, v46  }
0x312: {  	v60 =	vld [tilespmem:$0x9FA0];
	v46 =	vadd.s32 v55, v46  }
0x313: {  	v61 =	vld [tilespmem:$0x9FB0];
	v46 =	vadd.s32 v56, v46  }
0x314: {  	v62 =	vld [tilespmem:$0x9FC0];
	v46 =	vadd.s32 v57, v46  }
0x315: {  	v63 =	vld [tilespmem:$0x9FD0];
	v46 =	vadd.s32 v58, v46  }
0x316: {  	v54 =	vld [tilespmem:$0x9FE0];
	v46 =	vadd.s32 v59, v46  }
0x317: {  	v55 =	vld [tilespmem:$0x9FF0];
	v46 =	vadd.s32 v60, v46  }
0x318: {  	v46 =	vadd.s32 v61, v46  }
0x319: {  	v46 =	vadd.s32 v62, v46  }
0x31a: {  	v46 =	vadd.s32 v63, v46  }
0x31b: {  	v46 =	vadd.s32 v54, v46  }
0x31c: {  	v46 =	vadd.s32 v55, v46  }
0x31d: {  	[tilespmem:v20+s15+$0x0] =	vst.idx.msk $0xffff, v46  }
0x31e: {  	v46 =	vld [tilespmem:$0xA100]  }
0x31f: {  	v56 =	vld [tilespmem:$0xA110]  }
0x320: {  	v57 =	vld [tilespmem:$0xA120]  }
0x321: {  	v58 =	vld [tilespmem:$0xA130]  }
0x322: {  	v59 =	vld [tilespmem:$0xA140]  }
0x323: {  	v38 =	vadd.s32 v38, v40;
	v60 =	vld [tilespmem:$0xA150]  }
0x324: {  	v38 =	vadd.s32 v39, v38;
	v62 =	vld [tilespmem:$0xA160];
	v61 =	vadd.s32 v46, v56  }
0x325: {  	v37 =	vadd.s32 v37, v38;
	v47 =	vld [tilespmem:$0xA170];
	v63 =	vadd.s32 v57, v61  }
0x326: {  	v36 =	vadd.s32 v36, v37;
	v48 =	vld [tilespmem:$0xA180];
	v38 =	vadd.s32 v58, v63  }
0x327: {  	v35 =	vadd.s32 v35, v36;
	v51 =	vld [tilespmem:$0xA190];
	v38 =	vadd.s32 v59, v38  }
0x328: {  	v34 =	vadd.s32 v34, v35;
	v52 =	vld [tilespmem:$0xA1A0];
	v38 =	vadd.s32 v60, v38  }
0x329: {  	v33 =	vadd.s32 v33, v34;
	v53 =	vld [tilespmem:$0xA1B0];
	v38 =	vadd.s32 v62, v38  }
0x32a: {  	v32 =	vadd.s32 v32, v33;
	v54 =	vld [tilespmem:$0xA1C0];
	v38 =	vadd.s32 v47, v38  }
0x32b: {  	v31 =	vadd.s32 v31, v32;
	v55 =	vld [tilespmem:$0xA1D0];
	v37 =	vadd.s32 v48, v38  }
0x32c: {  	v30 =	vadd.s32 v30, v31;
	v56 =	vld [tilespmem:$0xA1E0];
	v36 =	vadd.s32 v51, v37  }
0x32d: {  	v30 =	vadd.s32 v45, v30;
	v57 =	vld [tilespmem:$0xA1F0];
	v35 =	vadd.s32 v52, v36  }
0x32e: {  	v30 =	vadd.s32 v41, v30;
	v34 =	vadd.s32 v53, v35  }
0x32f: {  	v30 =	vadd.s32 v42, v30;
	v33 =	vadd.s32 v54, v34  }
0x330: {  	v30 =	vadd.s32 v43, v30;
	v32 =	vadd.s32 v55, v33  }
0x331: {  	v30 =	vadd.s32 v44, v30;
	v31 =	vadd.s32 v56, v32  }
0x332: {  	v30 =	vperm.xlane v30, v21;
	v31 =	vadd.s32 v57, v31  }
0x333: {  	v31 =	vperm.xlane v31, v21  }
0x334: {  	(xrf0) =	vadd.scan.msk.s32 $0xffff, v30  }
0x335: {  	(xrf0) =	vadd.scan.msk.s32 $0xffff, v31;
	_ =	sdelay $0x4  }
0x336: {  	v30, _, _ =	vpop (xrf0)  }
0x337: {  	v31, _, _ =	vpop (xrf0)  }
0x338: {  	vm6 =	vge.s32 v31, v25  }
0x339: {  	v32 =	vmpcnt.ones.xlane vm6;
	_ =	sdelay $0x1  }
0x33a: {  	v58 =	vadd.s32 $0x7FFFFFFF, v32  }
0x33b: {  	(xrf0) =	vmax.scan.msk.u32 $0xffff, v58;
	_ =	sdelay $0x5  }
0x33c: {  	v33, _, _ =	vpop (xrf0)  }
0x33d: {  	(v2sf) =	vpush v33, $0xF;
	_ =	sdelay $0xe  }
0x33e: {  	s31 =	spop (v2sf)  }
0x33f: {  	s19 =	sshll.u32 s31, $0xA  }
0x340: {  	s19 =	sshra.s32 s19, $0x2  }
0x341: {  	v59 =	vld [tilespmem:s19+$0x9000];
	_ =	sdelay $0x4  }
0x342: {  	[tilespmem:v2+s15+$0x0] =	vst.idx.msk $0xffff, v59  }
0x343: {  	v33 =	vld [tilespmem:s19+$0x9010];
	_ =	sdelay $0x4  }
0x344: {  	[tilespmem:v6+s15+$0x0] =	vst.idx.msk $0xffff, v33  }
0x345: {  	v33 =	vld [tilespmem:s19+$0x9020];
	_ =	sdelay $0x4  }
0x346: {  	[tilespmem:v7+s15+$0x0] =	vst.idx.msk $0xffff, v33  }
0x347: {  	v33 =	vld [tilespmem:s19+$0x9030];
	_ =	sdelay $0x4  }
0x348: {  	[tilespmem:v8+s15+$0x0] =	vst.idx.msk $0xffff, v33  }
0x349: {  	v33 =	vld [tilespmem:s19+$0x9040];
	_ =	sdelay $0x4  }
0x34a: {  	[tilespmem:v9+s15+$0x0] =	vst.idx.msk $0xffff, v33  }
0x34b: {  	v33 =	vld [tilespmem:s19+$0x9050];
	_ =	sdelay $0x4  }
0x34c: {  	[tilespmem:v10+s15+$0x0] =	vst.idx.msk $0xffff, v33  }
0x34d: {  	v33 =	vld [tilespmem:s19+$0x9060];
	_ =	sdelay $0x4  }
0x34e: {  	[tilespmem:v11+s15+$0x0] =	vst.idx.msk $0xffff, v33  }
0x34f: {  	v33 =	vld [tilespmem:s19+$0x9070];
	_ =	sdelay $0x4  }
0x350: {  	[tilespmem:v12+s15+$0x0] =	vst.idx.msk $0xffff, v33  }
0x351: {  	v33 =	vld [tilespmem:s19+$0x9080];
	_ =	sdelay $0x4  }
0x352: {  	[tilespmem:v13+s15+$0x0] =	vst.idx.msk $0xffff, v33  }
0x353: {  	v33 =	vld [tilespmem:s19+$0x9090];
	_ =	sdelay $0x4  }
0x354: {  	[tilespmem:v14+s15+$0x0] =	vst.idx.msk $0xffff, v33  }
0x355: {  	v33 =	vld [tilespmem:s19+$0x90A0];
	_ =	sdelay $0x4  }
0x356: {  	[tilespmem:v15+s15+$0x0] =	vst.idx.msk $0xffff, v33  }
0x357: {  	v33 =	vld [tilespmem:s19+$0x90B0];
	_ =	sdelay $0x4  }
0x358: {  	[tilespmem:v16+s15+$0x0] =	vst.idx.msk $0xffff, v33  }
0x359: {  	v33 =	vld [tilespmem:s19+$0x90C0];
	_ =	sdelay $0x4  }
0x35a: {  	[tilespmem:v17+s15+$0x0] =	vst.idx.msk $0xffff, v33  }
0x35b: {  	v33 =	vld [tilespmem:s19+$0x90D0];
	_ =	sdelay $0x4  }
0x35c: {  	[tilespmem:v18+s15+$0x0] =	vst.idx.msk $0xffff, v33  }
0x35d: {  	v33 =	vld [tilespmem:s19+$0x90E0];
	_ =	sdelay $0x4  }
0x35e: {  	[tilespmem:v19+s15+$0x0] =	vst.idx.msk $0xffff, v33  }
0x35f: {  	v33 =	vld [tilespmem:s19+$0x90F0];
	_ =	sdelay $0x4  }
0x360: {  	[tilespmem:v20+s15+$0x0] =	vst.idx.msk $0xffff, v33  }
0x361: {  	v33 =	vld [tilespmem:$0xA100]  }
0x362: {  	v60 =	vld [tilespmem:$0xA110]  }
0x363: {  	v61 =	vld [tilespmem:$0xA120]  }
0x364: {  	v62 =	vld [tilespmem:$0xA130]  }
0x365: {  	v63 =	vld [tilespmem:$0xA140]  }
0x366: {  	v42 =	vld [tilespmem:$0xA150]  }
0x367: {  	v43 =	vld [tilespmem:$0xA160];
	v33 =	vadd.s32 v33, v60  }
0x368: {  	v44 =	vld [tilespmem:$0xA170];
	v33 =	vadd.s32 v61, v33  }
0x369: {  	v45 =	vld [tilespmem:$0xA180];
	v33 =	vadd.s32 v62, v33  }
0x36a: {  	v46 =	vld [tilespmem:$0xA190];
	v33 =	vadd.s32 v63, v33  }
0x36b: {  	v47 =	vld [tilespmem:$0xA1A0];
	v33 =	vadd.s32 v42, v33  }
0x36c: {  	v48 =	vld [tilespmem:$0xA1B0];
	v33 =	vadd.s32 v43, v33  }
0x36d: {  	v49 =	vld [tilespmem:$0xA1C0];
	v33 =	vadd.s32 v44, v33  }
0x36e: {  	v50 =	vld [tilespmem:$0xA1D0];
	v33 =	vadd.s32 v45, v33  }
0x36f: {  	v51 =	vld [tilespmem:$0xA1E0];
	v33 =	vadd.s32 v46, v33  }
0x370: {  	v52 =	vld [tilespmem:$0xA1F0];
	v33 =	vadd.s32 v47, v33  }
0x371: {  	v33 =	vadd.s32 v48, v33  }
0x372: {  	v33 =	vadd.s32 v49, v33  }
0x373: {  	v33 =	vadd.s32 v50, v33  }
0x374: {  	v33 =	vadd.s32 v51, v33  }
0x375: {  	v33 =	vadd.s32 v52, v33  }
0x376: {  	v33 =	vperm.xlane v33, v21  }
0x377: {  	v53 =	vsub.s32 $0xF, v28  }
0x378: {  	vm7 =	vgt.s32 v53, $0x0;
	v54 =	vsub.s32 $0xF, v32;
	(xrf0) =	vadd.scan.msk.s32 $0xffff, v33  }
0x379: {  	v34 =	vnsel vm7, $0x0, v53;
	vm9 =	vgt.s32 v54, $0x0  }
0x37a: {  	v29 =	vperm.xlane v29, v34;
	v34 =	vnsel vm9, $0x0, v54  }
0x37b: {  	vm8 =	veq.s32 v28, $0x10;
	v31 =	vperm.xlane v31, v34  }
0x37c: {  	v29 =	vsel vm8, $0x0, v29;
	vm11 =	veq.s32 v32, $0x10  }
0x37d: {  	v55 =	vsub.s32 v26, v29;
	v31 =	vsel vm11, $0x0, v31  }
0x37e: {  	vm10 =	vge.s32 v30, v55;
	v57 =	vsub.s32 v25, v31;
	v58, _, _ =	vpop (xrf0)  }
0x37f: {  	v33 =	vmpcnt.ones.xlane vm10;
	vm1 =	vge.s32 v58, v57  }
0x380: {  	v28 =	vshll.u32 v28, $0x4;
	v35 =	vmpcnt.ones.xlane vm1  }
0x381: {  	v32 =	vshll.u32 v32, $0x4;
	v56 =	vsub.s32 $0xF, v33;
	vm13 =	veq.s32 v33, $0x10  }
0x382: {  	v28 =	vadd.s32 v33, v28;
	vm12 =	vgt.s32 v56, $0x0;
	v59 =	vsub.s32 $0xF, v35  }
0x383: {  	s17 =	sadd.s32 $0x1, s17;
	v28 =	vadd.s32 $0xFFFFFFEF, v28;
	v34 =	vnsel vm12, $0x0, v56;
	vm14 =	vgt.s32 v59, $0x0  }
0x384: {  	p0 =	sne.s32 s17, $0x4;
	v28 =	vxor.u32 s18, v28;
	v30 =	vperm.xlane v30, v34;
	v60 =	vnsel vm14, $0x0, v59  }
.Ltmp1:
0x385: {  	v28 =	vshll.u32 v28, v27;
	v32 =	vadd.s32 v35, v32;
	v33 =	vperm.xlane v58, v60;
	(pc) =	sbr.rel @!p0 .LBB2_16-.Ltmp1, $4  }
0x386: {  	v24 =	vor.u32 v24, v28;
	vm15 =	veq.s32 v35, $0x10;
	v32 =	vadd.s32 $0xFFFFFFEF, v32  }
0x387: {  	v30 =	vsel vm13, $0x0, v30;
	v61 =	vxor.u32 s18, v32;
	v33 =	vsel vm15, $0x0, v33  }
0x388: {  	v62 =	vadd.s32 v30, v29;
	v27 =	vshll.u32 v61, v27;
	v63 =	vadd.s32 v33, v31  }
0x389: {  	v26 =	vsub.s32 v26, v62;
	v23 =	vor.u32 v23, v27;
	v25 =	vsub.s32 v25, v63  }
.LBB2_2:
0x38a: {  	s18 =	simm.s32 $0x8040  }
0x38b: {  	[tilespmem:s18+$0xFFFFFFC0] =	vst v1  }
0x38c: {  	[tilespmem:s18+$0x30] =	vst v1  }
0x38d: {  	[tilespmem:s18+$0x20] =	vst v1  }
0x38e: {  	[tilespmem:s18+$0x10] =	vst v1  }
0x38f: {  	[tilespmem:s18+$0x0] =	vst v1  }
0x390: {  	[tilespmem:s18+$0xFFFFFFF0] =	vst v1  }
0x391: {  	s19 =	simm.s32 $0x0;
	[tilespmem:s18+$0xFFFFFFE0] =	vst v1  }
.LBB2_3:
0x392: {  	s19 =	sadd.s32 $0x8, s19;
	[tilespmem:s18+$0xFFFFFFD0] =	vst v1;
	s18 =	sadd.s32 $0x80, s18  }
0x393: {  	[tilespmem:s18+$0xFFFFFFC0] =	vst v1;
	p0 =	slt.u32 s19, $0x1F8  }
0x394: {  	[tilespmem:s18+$0x30] =	vst v1  }
.Ltmp2:
0x395: {  	[tilespmem:s18+$0x20] =	vst v1;
	(pc) =	sbr.rel @p0 .LBB2_3-.Ltmp2, $4  }
0x396: {  	[tilespmem:s18+$0x10] =	vst v1  }
0x397: {  	[tilespmem:s18+$0x0] =	vst v1  }
0x398: {  	[tilespmem:s18+$0xFFFFFFF0] =	vst v1  }
0x399: {  	[tilespmem:s18+$0xFFFFFFE0] =	vst v1  }
0x39a: {  	p0 =	sne.s32 s17, $0x0  }
.Ltmp3:
0x39b: {  	_ = 	snop;
	(pc) =	sbr.rel @!p0 .LBB2_5-.Ltmp3, $4  }
0x39c: {  	_ = 	snop  }
0x39d: {  	s19 =	sshll.u32 s17, $0x3  }
0x39e: {  	s19 =	ssub.s32 $0x18, s19  }
0x39f: {  	[tilespmem:s18+$0xFFFFFFD0] =	vst v1;
	v27 =	vmov s19  }
0x3a0: {  	s19 =	simm.s32 $0x4040  }
0x3a1: {  	v30 =	vld [tilespmem:s19+$0xFFFFFFE0]  }
0x3a2: {  	v33 =	vld [tilespmem:s19+$0xFFFFFFC0]  }
0x3a3: {  	v31 =	vld [tilespmem:s19+$0x30]  }
0x3a4: {  	v34 =	vld [tilespmem:s19+$0x20]  }
0x3a5: {  	v35 =	vld [tilespmem:s19+$0xFFFFFFF0];
	_ =	sdelay $0x1  }
0x3a6: {  	v28 =	vadd.s32 $0x8, v27  }
0x3a7: {  	v29 =	vshra.s32 v24, v28;
	v32 =	vshra.s32 v30, v27  }
0x3a8: {  	v42 =	vld [tilespmem:s19+$0x0];
	v39 =	vshra.s32 v30, v28;
	v30 =	vshra.s32 v33, v27;
	v36 =	vshra.s32 v31, v27  }
0x3a9: {  	v38 =	vshra.s32 v34, v27;
	v33 =	vshra.s32 v33, v28;
	v40 =	vshra.s32 v35, v27  }
0x3aa: {  	v32 =	vshll.u32 v32, $0x4;
	v30 =	vshll.u32 v30, $0x4;
	vm2 =	veq.s32 v33, v29  }
0x3ab: {  	v63 =	vshll.u32 v40, $0x4;
	v37 =	vor.u32 v0, v32;
	v30 =	vor.u32 v0, v30  }
0x3ac: {  	v32 =	vshra.s32 v34, v28;
	v34 =	vand.u32 $0xFFF, v30;
	v30 =	vand.u32 $0xFFF, v37;
	v37 =	vld [tilespmem:s19+$0x10]  }
0x3ad: {  	v41 =	vshra.s32 v35, v28;
	v35 =	vshra.s32 v42, v27;
	v33 =	vor.u32 v0, v63  }
0x3ae: {  	s18 =	simm.s32 $0x0;
	vm0 =	veq.s32 v39, v29;
	v39 =	vld [tilespmem:s19+$0xFFFFFFD0];
	v40 =	vshra.s32 v42, v28;
	v33 =	vand.u32 $0xFFF, v33;
	s19 =	simm.s32 $0x40C0  }
.LBB2_11:
0x3af: {  	v42 =	vld [tilespmem:s19+$0xFFFFFFE0];
	s18 =	sadd.s32 $0x8, s18;
	vm3 =	veq.s32 v41, v29;
	vm1 =	veq.s32 v40, v29;
	v31 =	vshra.s32 v31, v28  }
0x3b0: {  	v38 =	vshll.u32 v38, $0x4;
	p0 =	slt.u32 s18, $0x1F8;
	vm5 =	veq.s32 v31, v29;
	v31 =	vshll.u32 v36, $0x4  }
0x3b1: {  	v36 =	vshra.s32 v37, v27;
	v38 =	vor.u32 v0, v38;
	v40 =	vld [tilespmem:s19+$0xFFFFFFF0];
	v31 =	vor.u32 v0, v31  }
0x3b2: {  	v41 =	vand.u32 $0xFFF, v38;
	[tilespmem:v34+s12+$0x0] =	vst.idx.add.s32.msk vm2, v4;
	v34 =	vshra.s32 v37, v28;
	v37 =	vand.u32 $0xFFF, v31  }
0x3b3: {  	vm2 =	veq.s32 v32, v29;
	v43 =	vld [tilespmem:s19+$0xFFFFFFC0];
	v38 =	vshra.s32 v39, v28;
	v39 =	vshra.s32 v39, v27  }
0x3b4: {  	vm4 =	veq.s32 v34, v29;
	v34 =	vshll.u32 v36, $0x4;
	v31 =	vld [tilespmem:s19+$0x30];
	v32 =	vshll.u32 v39, $0x4  }
0x3b5: {  	vm6 =	veq.s32 v38, v29;
	v34 =	vor.u32 v0, v34;
	v39 =	vld [tilespmem:s19+$0x20];
	v32 =	vor.u32 v0, v32  }
0x3b6: {  	v46 =	vand.u32 $0xFFF, v34;
	v44 =	vld [tilespmem:s19+$0x0];
	v45 =	vand.u32 $0xFFF, v32  }
0x3b7: {  	v47 =	vshra.s32 v42, v28;
	v34 =	vshll.u32 v35, $0x4;
	v32 =	vshra.s32 v42, v27;
	[tilespmem:v37+s12+$0x0] =	vst.idx.add.s32.msk vm5, v4  }
0x3b8: {  	v32 =	vshll.u32 v32, $0x4;
	v35 =	vshra.s32 v43, v27;
	[tilespmem:v33+s12+$0x0] =	vst.idx.add.s32.msk vm3, v4;
	v33 =	vor.u32 v0, v34  }
0x3b9: {  	v34 =	vshll.u32 v35, $0x4;
	v36 =	vshra.s32 v31, v27;
	[tilespmem:v30+s12+$0x0] =	vst.idx.add.s32.msk vm0, v4;
	v33 =	vand.u32 $0xFFF, v33  }
0x3ba: {  	v30 =	vor.u32 v0, v32;
	v37 =	vld [tilespmem:s19+$0x10];
	v32 =	vshra.s32 v39, v28;
	v38 =	vshra.s32 v39, v27  }
.Ltmp4:
0x3bb: {  	v35 =	vshra.s32 v43, v28;
	v34 =	vor.u32 v0, v34;
	[tilespmem:v45+s12+$0x0] =	vst.idx.add.s32.msk vm6, v4;
	(pc) =	sbr.rel @p0 .LBB2_11-.Ltmp4, $4  }
0x3bc: {  	v30 =	vand.u32 $0xFFF, v30;
	v39 =	vshra.s32 v40, v27;
	v34 =	vand.u32 $0xFFF, v34;
	[tilespmem:v41+s12+$0x0] =	vst.idx.add.s32.msk vm2, v4  }
0x3bd: {  	vm2 =	veq.s32 v35, v29;
	v41 =	vshra.s32 v40, v28;
	v35 =	vshll.u32 v39, $0x4;
	[tilespmem:v46+s12+$0x0] =	vst.idx.add.s32.msk vm4, v4  }
0x3be: {  	vm0 =	veq.s32 v47, v29;
	v35 =	vor.u32 v0, v35;
	[tilespmem:v33+s12+$0x0] =	vst.idx.add.s32.msk vm1, v4  }
0x3bf: {  	v40 =	vshra.s32 v44, v28;
	v33 =	vand.u32 $0xFFF, v35;
	v35 =	vshra.s32 v44, v27;
	v39 =	vld [tilespmem:s19+$0xFFFFFFD0];
	s19 =	sadd.s32 $0x80, s19  }
0x3c0: {  	_ = 	snop  }
0x3c1: {  	vm1 =	veq.s32 v41, v29;
	v31 =	vshra.s32 v31, v28  }
0x3c2: {  	v38 =	vshll.u32 v38, $0x4;
	v36 =	vshll.u32 v36, $0x4;
	v54 =	vshra.s32 v37, v28  }
0x3c3: {  	vm5 =	veq.s32 v32, v29;
	v58 =	vshll.u32 v35, $0x4;
	vm6 =	veq.s32 v40, v29  }
0x3c4: {  	vm3 =	veq.s32 v31, v29;
	v31 =	vshra.s32 v37, v27;
	v36 =	vor.u32 v0, v36  }
0x3c5: {  	[tilespmem:v34+s12+$0x0] =	vst.idx.add.s32.msk vm2, v4;
	v38 =	vor.u32 v0, v38;
	vm2 =	veq.s32 v54, v29;
	v36 =	vand.u32 $0xFFF, v36  }
0x3c6: {  	v38 =	vand.u32 $0xFFF, v38;
	v31 =	vshll.u32 v31, $0x4;
	v53 =	vshra.s32 v39, v27  }
0x3c7: {  	v31 =	vor.u32 v0, v31;
	v55 =	vshra.s32 v39, v28;
	v41 =	vshll.u32 v53, $0x4  }
0x3c8: {  	vm4 =	veq.s32 v55, v29;
	v29 =	vand.u32 $0xFFF, v31;
	v31 =	vor.u32 v0, v58  }
0x3c9: {  	[tilespmem:v30+s12+$0x0] =	vst.idx.add.s32.msk vm0, v4;
	v56 =	vor.u32 v0, v41;
	v31 =	vand.u32 $0xFFF, v31  }
0x3ca: {  	[tilespmem:v33+s12+$0x0] =	vst.idx.add.s32.msk vm1, v4;
	v57 =	vand.u32 $0xFFF, v56  }
0x3cb: {  	[tilespmem:v36+s12+$0x0] =	vst.idx.add.s32.msk vm3, v4  }
0x3cc: {  	[tilespmem:v38+s12+$0x0] =	vst.idx.add.s32.msk vm5, v4  }
0x3cd: {  	[tilespmem:v29+s12+$0x0] =	vst.idx.add.s32.msk vm2, v4  }
0x3ce: {  	[tilespmem:v31+s12+$0x0] =	vst.idx.add.s32.msk vm6, v4  }
0x3cf: {  	s19 =	simm.s32 $0x6040;
	[tilespmem:v57+s12+$0x0] =	vst.idx.add.s32.msk vm4, v4  }
0x3d0: {  	v31 =	vld [tilespmem:s19+$0xFFFFFFF0]  }
0x3d1: {  	v32 =	vld [tilespmem:s19+$0xFFFFFFC0]  }
0x3d2: {  	v33 =	vld [tilespmem:s19+$0xFFFFFFD0]  }
0x3d3: {  	v36 =	vld [tilespmem:s19+$0x20]  }
0x3d4: {  	v60 =	vld [tilespmem:s19+$0xFFFFFFE0];
	_ =	sdelay $0x1  }
0x3d5: {  	v30 =	vor.u32 $0x1000, v0;
	v29 =	vshra.s32 v23, v28;
	v35 =	vshra.s32 v31, v27  }
0x3d6: {  	v59 =	vshra.s32 v32, v28;
	v32 =	vshra.s32 v32, v27;
	v61 =	vshra.s32 v33, v28  }
0x3d7: {  	v43 =	vld [tilespmem:s19+$0x0];
	v33 =	vshra.s32 v33, v27;
	v39 =	vshra.s32 v31, v28;
	v31 =	vshra.s32 v36, v27  }
0x3d8: {  	v62 =	vshra.s32 v60, v27;
	v32 =	vshll.u32 v32, $0x4;
	v33 =	vshll.u32 v33, $0x4  }
0x3d9: {  	vm2 =	veq.s32 v59, v29;
	v40 =	vshll.u32 v31, $0x4;
	v32 =	vand.u32 $0xFF0, v32  }
0x3da: {  	v31 =	vshll.u32 v62, $0x4;
	v33 =	vand.u32 $0xFF0, v33;
	v37 =	vor.u32 v30, v32;
	v32 =	vld [tilespmem:s19+$0x30]  }
0x3db: {  	v63 =	vshra.s32 v36, v28;
	v34 =	vor.u32 v30, v33;
	v33 =	vld [tilespmem:s19+$0x10]  }
0x3dc: {  	v36 =	vshra.s32 v43, v28;
	v41 =	vshra.s32 v60, v28;
	v38 =	vshra.s32 v43, v27  }
0x3dd: {  	s18 =	simm.s32 $0x0;
	vm0 =	veq.s32 v61, v29;
	vm1 =	veq.s32 v63, v29;
	v42 =	vand.u32 $0xFF0, v31;
	s19 =	simm.s32 $0x60C0;
	v31 =	vmovc v30  }
.LBB2_13:
0x3de: {  	v43 =	vld [tilespmem:s19+$0xFFFFFFF0];
	s18 =	sadd.s32 $0x8, s18;
	vm4 =	veq.s32 v41, v29;
	v41 =	vor.u32 v31, v42;
	v35 =	vshll.u32 v35, $0x4  }
0x3df: {  	vm3 =	veq.s32 v39, v29;
	v39 =	vshra.s32 v32, v27;
	v42 =	vld [tilespmem:s19+$0xFFFFFFD0];
	p0 =	slt.u32 s18, $0x1F8;
	v35 =	vand.u32 $0xFF0, v35  }
0x3e0: {  	[tilespmem:v37+s12+$0x0] =	vst.idx.add.s32.msk vm2, v4;
	v44 =	vor.u32 v31, v35;
	v35 =	vshra.s32 v33, v28;
	v37 =	vshll.u32 v39, $0x4  }
0x3e1: {  	v40 =	vand.u32 $0xFF0, v40;
	v45 =	vshra.s32 v32, v28;
	v39 =	vld [tilespmem:s19+$0xFFFFFFC0];
	v37 =	vand.u32 $0xFF0, v37  }
0x3e2: {  	v40 =	vor.u32 v31, v40;
	v33 =	vshra.s32 v33, v27;
	v32 =	vld [tilespmem:s19+$0x30];
	v46 =	vor.u32 v31, v37  }
0x3e3: {  	vm2 =	veq.s32 v45, v29;
	vm6 =	veq.s32 v35, v29;
	[tilespmem:v34+s12+$0x0] =	vst.idx.add.s32.msk vm0, v4;
	v34 =	vshll.u32 v33, $0x4  }
0x3e4: {  	v37 =	vshll.u32 v38, $0x4;
	v33 =	vld [tilespmem:s19+$0x10];
	v34 =	vand.u32 $0xFF0, v34  }
0x3e5: {  	vm5 =	veq.s32 v36, v29;
	v35 =	vshra.s32 v43, v27;
	v38 =	vld [tilespmem:s19+$0x20];
	v36 =	vor.u32 v31, v34  }
0x3e6: {  	v37 =	vand.u32 $0xFF0, v37;
	v45 =	vshra.s32 v39, v28;
	v34 =	vshra.s32 v39, v27;
	[tilespmem:v41+s12+$0x0] =	vst.idx.add.s32.msk vm4, v4  }
0x3e7: {  	v47 =	vor.u32 v31, v37;
	v31 =	vmovc v30;
	v39 =	vshra.s32 v42, v28;
	v41 =	vshra.s32 v42, v27;
	v42 =	vld [tilespmem:s19+$0xFFFFFFE0]  }
0x3e8: {  	v34 =	vshll.u32 v34, $0x4;
	vm0 =	veq.s32 v39, v29;
	v37 =	vshll.u32 v41, $0x4;
	v48 =	vld [tilespmem:s19+$0x0]  }
0x3e9: {  	v39 =	vshra.s32 v43, v28;
	v34 =	vand.u32 $0xFF0, v34;
	v41 =	vand.u32 $0xFF0, v37;
	[tilespmem:v40+s12+$0x0] =	vst.idx.add.s32.msk vm1, v4  }
.Ltmp5:
0x3ea: {  	v37 =	vor.u32 v31, v34;
	v34 =	vor.u32 v31, v41;
	[tilespmem:v46+s12+$0x0] =	vst.idx.add.s32.msk vm2, v4;
	(pc) =	sbr.rel @p0 .LBB2_13-.Ltmp5, $4  }
0x3eb: {  	vm2 =	veq.s32 v45, v29;
	v40 =	vshra.s32 v38, v27;
	[tilespmem:v36+s12+$0x0] =	vst.idx.add.s32.msk vm6, v4  }
0x3ec: {  	v38 =	vshra.s32 v38, v28;
	v40 =	vshll.u32 v40, $0x4;
	v36 =	vshra.s32 v42, v27;
	[tilespmem:v44+s12+$0x0] =	vst.idx.add.s32.msk vm3, v4  }
0x3ed: {  	vm1 =	veq.s32 v38, v29;
	v43 =	vshll.u32 v36, $0x4;
	v36 =	vshra.s32 v48, v28;
	[tilespmem:v47+s12+$0x0] =	vst.idx.add.s32.msk vm5, v4  }
0x3ee: {  	s19 =	sadd.s32 $0x80, s19;
	v41 =	vshra.s32 v42, v28;
	v38 =	vshra.s32 v48, v27;
	v42 =	vand.u32 $0xFF0, v43  }
0x3ef: {  	vm3 =	veq.s32 v41, v29;
	v30 =	vor.u32 v31, v42  }
0x3f0: {  	v35 =	vshll.u32 v35, $0x4;
	vm4 =	veq.s32 v39, v29;
	v58 =	vshra.s32 v32, v27  }
0x3f1: {  	v59 =	vshra.s32 v32, v28;
	v28 =	vshra.s32 v33, v28;
	v40 =	vand.u32 $0xFF0, v40  }
0x3f2: {  	v60 =	vshra.s32 v33, v27;
	v63 =	vshll.u32 v38, $0x4;
	vm15 =	veq.s32 v36, v29  }
0x3f3: {  	v39 =	vshll.u32 v58, $0x4;
	v40 =	vor.u32 v31, v40;
	v33 =	vshll.u32 v60, $0x4  }
0x3f4: {  	vm5 =	veq.s32 v59, v29;
	vm6 =	veq.s32 v28, v29;
	v62 =	vand.u32 $0xFF0, v35  }
0x3f5: {  	v29 =	vand.u32 $0xFF0, v63;
	v28 =	vand.u32 $0xFF0, v33;
	v33 =	vor.u32 v31, v62  }
0x3f6: {  	[tilespmem:v37+s12+$0x0] =	vst.idx.add.s32.msk vm2, v4;
	v39 =	vand.u32 $0xFF0, v39;
	v29 =	vor.u32 v31, v29  }
0x3f7: {  	[tilespmem:v34+s12+$0x0] =	vst.idx.add.s32.msk vm0, v4;
	v61 =	vor.u32 v31, v39  }
0x3f8: {  	v28 =	vor.u32 v31, v28;
	[tilespmem:v30+s12+$0x0] =	vst.idx.add.s32.msk vm3, v4  }
.Ltmp6:
0x3f9: {  	[tilespmem:v40+s12+$0x0] =	vst.idx.add.s32.msk vm1, v4;
	(pc) =	sbr.rel .LBB2_15-.Ltmp6, $4  }
0x3fa: {  	[tilespmem:v33+s12+$0x0] =	vst.idx.add.s32.msk vm4, v4  }
0x3fb: {  	[tilespmem:v29+s12+$0x0] =	vst.idx.add.s32.msk vm15, v4  }
0x3fc: {  	[tilespmem:v61+s12+$0x0] =	vst.idx.add.s32.msk vm5, v4  }
0x3fd: {  	s18 =	simm.s32 $0x0;
	[tilespmem:v28+s12+$0x0] =	vst.idx.add.s32.msk vm6, v4  }
.LBB2_5:
0x3fe: {  	_ =	swait.ge [sflag:s11], $0x2000  }
0x3ff: {  	[sflag:s11] =	ssyncset.done $0x0  }
0x400: {  	s18 =	simm.s32 $0x40;
	[sflag:s11] =	ssyncadd.s32 $0xFFFFE000  }
0x401: {  	v28 =	vld [tilespmem:s18+$0x0]  }
0x402: {  	v29 =	vld [tilespmem:s18+$0xFFFFFFF0]  }
0x403: {  	v30 =	vld [tilespmem:s18+$0x30]  }
0x404: {  	v31 =	vld [tilespmem:s18+$0xFFFFFFC0]  }
0x405: {  	v32 =	vld [tilespmem:s18+$0x20]  }
0x406: {  	v33 =	vld [tilespmem:s18+$0xFFFFFFD0]  }
0x407: {  	v36 =	vld [tilespmem:s18+$0x10]  }
0x408: {  	s19 =	simm.s32 $0xC0;
	v39 =	vld [tilespmem:s18+$0xFFFFFFE0]  }
0x409: {  	v45 =	vld [tilespmem:s19+$0x0]  }
0x40a: {  	v47 =	vld [tilespmem:s19+$0x30]  }
0x40b: {  	v48 =	vld [tilespmem:s19+$0xFFFFFFF0];
	_ =	sdelay $0x1  }
0x40c: {  	v34 =	vshra.s32 v28, $0x1F;
	v35 =	vshra.s32 v29, $0x1F  }
0x40d: {  	v37 =	vshra.s32 v30, $0x1F;
	v52 =	vshra.s32 v31, $0x1F;
	v38 =	vshra.s32 v32, $0x1F  }
0x40e: {  	v54 =	vshra.s32 v33, $0x1F;
	v56 =	vshra.s32 v36, $0x1F;
	v58 =	vshra.s32 v39, $0x1F  }
0x40f: {  	v61 =	vshra.s32 v45, $0x1F;
	v50 =	vshra.s32 v47, $0x1F;
	v62 =	vshra.s32 v48, $0x1F  }
0x410: {  	v34 =	vand.u32 $0x7FFFFFFF, v34;
	v35 =	vand.u32 $0x7FFFFFFF, v35;
	v37 =	vand.u32 $0x7FFFFFFF, v37  }
0x411: {  	v53 =	vand.u32 $0x7FFFFFFF, v38;
	v55 =	vand.u32 $0x7FFFFFFF, v54;
	v63 =	vand.u32 $0x7FFFFFFF, v50  }
0x412: {  	v34 =	vxor.u32 v28, v34;
	v28 =	vxor.u32 v29, v35;
	v30 =	vxor.u32 v30, v37  }
0x413: {  	v35 =	vand.u32 $0x7FFFFFFF, v52;
	v32 =	vxor.u32 v32, v53;
	v37 =	vand.u32 $0x7FFFFFFF, v56  }
0x414: {  	v29 =	vshrl.u32 v34, $0x14;
	v31 =	vxor.u32 v31, v35;
	v57 =	vshrl.u32 v32, $0x14  }
0x415: {  	v41 =	vshrl.u32 v30, $0x14;
	v36 =	vxor.u32 v36, v37;
	v35 =	vxor.u32 v33, v55  }
0x416: {  	s18 =	simm.s32 $0x4040;
	v37 =	vshrl.u32 v28, $0x14;
	v40 =	vshrl.u32 v31, $0x14;
	v38 =	vand.u32 $0xFF0, v57  }
0x417: {  	[tilespmem:s18+$0x20] =	vst v32;
	v43 =	vand.u32 $0xFF0, v41;
	v44 =	vand.u32 $0xFF0, v29;
	v29 =	vshrl.u32 v36, $0x14  }
0x418: {  	v32 =	vld [tilespmem:s19+$0xFFFFFFC0];
	[tilespmem:s18+$0xFFFFFFC0] =	vst v31;
	v31 =	vshrl.u32 v35, $0x14;
	v40 =	vand.u32 $0xFF0, v40;
	v49 =	vxor.u32 v3, v43  }
0x419: {  	[tilespmem:s18+$0x0] =	vst v34;
	v29 =	vand.u32 $0xFF0, v29;
	v43 =	vld [tilespmem:s19+$0x20];
	v46 =	vxor.u32 v3, v40;
	v40 =	vand.u32 $0x7FFFFFFF, v58  }
0x41a: {  	[tilespmem:s18+$0x30] =	vst v30;
	v42 =	vxor.u32 v3, v38;
	v41 =	vxor.u32 v3, v29;
	v29 =	vld [tilespmem:s19+$0xFFFFFFD0];
	v59 =	vxor.u32 v39, v40  }
0x41b: {  	[tilespmem:s18+$0x10] =	vst v36;
	v36 =	vld [tilespmem:s19+$0x10];
	v31 =	vand.u32 $0xFF0, v31;
	v44 =	vxor.u32 v3, v44;
	v60 =	vshrl.u32 v59, $0x14  }
0x41c: {  	v38 =	vxor.u32 v3, v31;
	v31 =	vld [tilespmem:s19+$0xFFFFFFE0];
	v39 =	vand.u32 $0x7FFFFFFF, v61;
	[tilespmem:s18+$0xFFFFFFE0] =	vst v59;
	v34 =	vand.u32 $0xFF0, v60  }
0x41d: {  	s20 =	simm.s32 $0x8;
	v30 =	vand.u32 $0x7FFFFFFF, v62;
	v40 =	vxor.u32 v45, v39;
	v33 =	vxor.u32 v3, v34;
	[tilespmem:v49+s12+$0x0] =	vst.idx.add.s32.msk $0xffff, v4  }
0x41e: {  	s21 =	simm.s32 $0x40C0;
	s22 =	simm.s32 $0x140;
	s19 =	simm.s32 $0x40C0;
	v39 =	vshrl.u32 v40, $0x14;
	v34 =	vxor.u32 v48, v30;
	v30 =	vxor.u32 v47, v63;
	[tilespmem:v46+s12+$0x0] =	vst.idx.add.s32.msk $0xffff, v4  }
.LBB2_6:
0x41f: {  	s20 =	sadd.s32 $0x8, s20;
	v45 =	vshra.s32 v32, $0x1F;
	v46 =	vshra.s32 v29, $0x1F;
	v47 =	vshra.s32 v43, $0x1F;
	s21 =	sadd.s32 $0x80, s21;
	[tilespmem:v41+s12+$0x0] =	vst.idx.add.s32.msk $0xffff, v4  }
0x420: {  	v37 =	vand.u32 $0xFF0, v37;
	p0 =	slt.u32 s20, $0x1F8;
	v41 =	vand.u32 $0x7FFFFFFF, v45;
	v45 =	vand.u32 $0x7FFFFFFF, v47;
	[tilespmem:v42+s12+$0x0] =	vst.idx.add.s32.msk $0xffff, v4  }
0x421: {  	v42 =	vand.u32 $0x7FFFFFFF, v46;
	v47 =	vld [tilespmem:s22+$0x0];
	v41 =	vxor.u32 v32, v41;
	v32 =	vxor.u32 v43, v45;
	[tilespmem:s18+$0xFFFFFFD0] =	vst v35  }
0x422: {  	v35 =	vshra.s32 v36, $0x1F;
	v43 =	vxor.u32 v3, v37;
	v45 =	vld [tilespmem:s22+$0xFFFFFFF0];
	[tilespmem:s19+$0x20] =	vst v32;
	v32 =	vshrl.u32 v32, $0x14  }
0x423: {  	v48 =	vshrl.u32 v30, $0x14;
	v37 =	vshrl.u32 v41, $0x14;
	v46 =	vand.u32 $0xFF0, v32;
	[tilespmem:v44+s12+$0x0] =	vst.idx.add.s32.msk $0xffff, v4  }
0x424: {  	v35 =	vand.u32 $0x7FFFFFFF, v35;
	v37 =	vand.u32 $0xFF0, v37;
	v44 =	vand.u32 $0xFF0, v48;
	v32 =	vld [tilespmem:s22+$0xFFFFFFC0];
	[tilespmem:s19+$0xFFFFFFC0] =	vst v41  }
0x425: {  	v36 =	vxor.u32 v36, v35;
	v48 =	vxor.u32 v3, v37;
	v37 =	vshra.s32 v31, $0x1F;
	[tilespmem:v38+s12+$0x0] =	vst.idx.add.s32.msk $0xffff, v4  }
0x426: {  	v39 =	vand.u32 $0xFF0, v39;
	v38 =	vand.u32 $0x7FFFFFFF, v37;
	v49 =	vld [tilespmem:s22+$0x30];
	[tilespmem:s19+$0x0] =	vst v40;
	v40 =	vshrl.u32 v36, $0x14  }
0x427: {  	v35 =	vxor.u32 v29, v42;
	v37 =	vshrl.u32 v34, $0x14;
	v29 =	vld [tilespmem:s22+$0xFFFFFFD0];
	v40 =	vand.u32 $0xFF0, v40;
	[tilespmem:s18+$0xFFFFFFF0] =	vst v28;
	v28 =	vmovc v34;
	s18 =	smov.u32 s19;
	s19 =	smov.u32 s21  }
0x428: {  	v31 =	vxor.u32 v31, v38;
	v34 =	vshrl.u32 v35, $0x14;
	v41 =	vxor.u32 v3, v40;
	[tilespmem:v33+s12+$0x0] =	vst.idx.add.s32.msk $0xffff, v4  }
0x429: {  	v42 =	vxor.u32 v3, v46;
	v46 =	vxor.u32 v3, v44;
	v33 =	vshrl.u32 v31, $0x14;
	[tilespmem:v43+s12+$0x0] =	vst.idx.add.s32.msk $0xffff, v4  }
.Ltmp7:
0x42a: {  	v40 =	vshra.s32 v47, $0x1F;
	v34 =	vand.u32 $0xFF0, v34;
	v33 =	vand.u32 $0xFF0, v33;
	v43 =	vld [tilespmem:s22+$0x20];
	[tilespmem:s18+$0x10] =	vst v36;
	(pc) =	sbr.rel @p0 .LBB2_6-.Ltmp7, $4  }
0x42b: {  	v38 =	vxor.u32 v3, v34;
	v33 =	vxor.u32 v3, v33;
	v36 =	vld [tilespmem:s22+$0x10];
	v50 =	vshra.s32 v49, $0x1F;
	[tilespmem:s18+$0xFFFFFFE0] =	vst v31  }
0x42c: {  	v44 =	vxor.u32 v3, v39;
	v34 =	vshra.s32 v45, $0x1F;
	v40 =	vand.u32 $0x7FFFFFFF, v40;
	v31 =	vld [tilespmem:s22+$0xFFFFFFE0];
	[tilespmem:s18+$0x30] =	vst v30  }
0x42d: {  	v40 =	vxor.u32 v47, v40;
	v30 =	vand.u32 $0x7FFFFFFF, v34;
	v47 =	vand.u32 $0x7FFFFFFF, v50;
	[tilespmem:v48+s12+$0x0] =	vst.idx.add.s32.msk $0xffff, v4  }
0x42e: {  	v39 =	vshrl.u32 v40, $0x14;
	s22 =	sadd.s32 $0x80, s22;
	v34 =	vxor.u32 v45, v30;
	v30 =	vxor.u32 v49, v47;
	[tilespmem:v46+s12+$0x0] =	vst.idx.add.s32.msk $0xffff, v4  }
0x42f: {  	_ =	sdelay $0x3  }
0x430: {  	[tilespmem:v41+s12+$0x0] =	vst.idx.add.s32.msk $0xffff, v4  }
0x431: {  	[tilespmem:v42+s12+$0x0] =	vst.idx.add.s32.msk $0xffff, v4  }
0x432: {  	[tilespmem:s18+$0xFFFFFFD0] =	vst v35  }
0x433: {  	[tilespmem:v44+s12+$0x0] =	vst.idx.add.s32.msk $0xffff, v4  }
0x434: {  	v45 =	vshra.s32 v43, $0x1F;
	[tilespmem:s19+$0x0] =	vst v40  }
0x435: {  	v55 =	vshra.s32 v32, $0x1F;
	v37 =	vand.u32 $0xFF0, v37;
	v58 =	vshra.s32 v29, $0x1F;
	[tilespmem:s18+$0xFFFFFFF0] =	vst v28  }
0x436: {  	v60 =	vshrl.u32 v30, $0x14;
	[tilespmem:v33+s12+$0x0] =	vst.idx.add.s32.msk $0xffff, v4;
	v54 =	vand.u32 $0x7FFFFFFF, v45;
	v56 =	vand.u32 $0x7FFFFFFF, v55  }
0x437: {  	[tilespmem:s19+$0x30] =	vst v30;
	v37 =	vxor.u32 v3, v37;
	v35 =	vand.u32 $0x7FFFFFFF, v58;
	v57 =	vxor.u32 v32, v56  }
0x438: {  	v59 =	vshra.s32 v36, $0x1F;
	[tilespmem:v38+s12+$0x0] =	vst.idx.add.s32.msk $0xffff, v4;
	v38 =	vand.u32 $0xFF0, v60;
	v32 =	vshrl.u32 v57, $0x14  }
0x439: {  	[tilespmem:s19+$0xFFFFFFF0] =	vst v34;
	v45 =	vand.u32 $0xFF0, v39;
	v41 =	vxor.u32 v43, v54;
	v32 =	vand.u32 $0xFF0, v32  }
0x43a: {  	v42 =	vand.u32 $0x7FFFFFFF, v59;
	v62 =	vshra.s32 v31, $0x1F;
	[tilespmem:s19+$0x20] =	vst v41;
	v28 =	vxor.u32 v3, v32  }
0x43b: {  	v38 =	vxor.u32 v3, v38;
	v29 =	vxor.u32 v29, v35;
	v35 =	vxor.u32 v3, v45;
	[tilespmem:s19+$0xFFFFFFC0] =	vst v57  }
0x43c: {  	v41 =	vshrl.u32 v41, $0x14;
	v61 =	vxor.u32 v36, v42;
	v46 =	vshrl.u32 v29, $0x14;
	[tilespmem:s19+$0xFFFFFFD0] =	vst v29  }
0x43d: {  	v63 =	vshrl.u32 v61, $0x14;
	v42 =	vand.u32 $0xFF0, v41;
	[tilespmem:s19+$0x10] =	vst v61;
	v32 =	vand.u32 $0x7FFFFFFF, v62  }
0x43e: {  	v30 =	vand.u32 $0xFF0, v46;
	v44 =	vxor.u32 v3, v42;
	[tilespmem:v37+s12+$0x0] =	vst.idx.add.s32.msk $0xffff, v4;
	v31 =	vxor.u32 v31, v32  }
0x43f: {  	v40 =	vand.u32 $0xFF0, v63;
	v30 =	vxor.u32 v3, v30;
	[tilespmem:v28+s12+$0x0] =	vst.idx.add.s32.msk $0xffff, v4;
	v28 =	vshrl.u32 v31, $0x14  }
0x440: {  	v43 =	vxor.u32 v3, v40;
	[tilespmem:s19+$0xFFFFFFE0] =	vst v31;
	v31 =	vshrl.u32 v34, $0x14;
	v28 =	vand.u32 $0xFF0, v28  }
0x441: {  	[tilespmem:v38+s12+$0x0] =	vst.idx.add.s32.msk $0xffff, v4;
	v31 =	vand.u32 $0xFF0, v31;
	v28 =	vxor.u32 v3, v28  }
0x442: {  	[tilespmem:v35+s12+$0x0] =	vst.idx.add.s32.msk $0xffff, v4;
	v29 =	vxor.u32 v3, v31  }
0x443: {  	[tilespmem:v44+s12+$0x0] =	vst.idx.add.s32.msk $0xffff, v4  }
0x444: {  	[tilespmem:v30+s12+$0x0] =	vst.idx.add.s32.msk $0xffff, v4  }
0x445: {  	[tilespmem:v43+s12+$0x0] =	vst.idx.add.s32.msk $0xffff, v4  }
0x446: {  	[tilespmem:v28+s12+$0x0] =	vst.idx.add.s32.msk $0xffff, v4  }
0x447: {  	[tilespmem:v29+s12+$0x0] =	vst.idx.add.s32.msk $0xffff, v4  }
0x448: {  	_ =	swait.ge [sflag:s13], $0x2000  }
0x449: {  	[sflag:s13] =	ssyncset.done $0x0  }
0x44a: {  	s30 =	simm.s32 $0x2040;
	[sflag:s13] =	ssyncadd.s32 $0xFFFFE000  }
0x44b: {  	v28 =	vld [tilespmem:s30+$0x0]  }
0x44c: {  	v29 =	vld [tilespmem:s30+$0xFFFFFFF0]  }
0x44d: {  	v30 =	vld [tilespmem:s30+$0x30]  }
0x44e: {  	v31 =	vld [tilespmem:s30+$0xFFFFFFC0]  }
0x44f: {  	v47 =	vld [tilespmem:s30+$0x20]  }
0x450: {  	v33 =	vld [tilespmem:s30+$0xFFFFFFD0]  }
0x451: {  	v50 =	vld [tilespmem:s30+$0x10];
	_ =	sdelay $0x1  }
0x452: {  	v60 =	vld [tilespmem:s30+$0xFFFFFFE0]  }
0x453: {  	s31 =	simm.s32 $0x20C0;
	v48 =	vshra.s32 v28, $0x1F;
	v49 =	vshra.s32 v29, $0x1F  }
0x454: {  	v56 =	vld [tilespmem:s31+$0x0];
	v57 =	vshra.s32 v30, $0x1F;
	v58 =	vshra.s32 v31, $0x1F;
	v59 =	vshra.s32 v47, $0x1F  }
0x455: {  	v62 =	vshra.s32 v33, $0x1F;
	v51 =	vshra.s32 v50, $0x1F;
	v34 =	vand.u32 $0x7FFFFFFF, v48  }
0x456: {  	v35 =	vand.u32 $0x7FFFFFFF, v49;
	v37 =	vand.u32 $0x7FFFFFFF, v57;
	v61 =	vand.u32 $0x7FFFFFFF, v59  }
0x457: {  	v63 =	vand.u32 $0x7FFFFFFF, v62;
	v57 =	vshra.s32 v60, $0x1F;
	v34 =	vxor.u32 v28, v34  }
0x458: {  	v28 =	vxor.u32 v29, v35;
	v30 =	vxor.u32 v30, v37;
	v35 =	vand.u32 $0x7FFFFFFF, v58  }
0x459: {  	v32 =	vxor.u32 v47, v61;
	v37 =	vand.u32 $0x7FFFFFFF, v51;
	v61 =	vshra.s32 v56, $0x1F  }
0x45a: {  	v29 =	vshrl.u32 v34, $0x14;
	v31 =	vxor.u32 v31, v35;
	v52 =	vshrl.u32 v32, $0x14  }
0x45b: {  	v54 =	vshrl.u32 v30, $0x14;
	v36 =	vxor.u32 v50, v37;
	v35 =	vxor.u32 v33, v63  }
0x45c: {  	v37 =	vshrl.u32 v28, $0x14;
	v39 =	vand.u32 $0x7FFFFFFF, v61;
	v53 =	vshrl.u32 v31, $0x14  }
0x45d: {  	s18 =	simm.s32 $0x6040;
	v48 =	vld [tilespmem:s31+$0xFFFFFFF0];
	v38 =	vand.u32 $0xFF0, v52;
	v55 =	vand.u32 $0xFF0, v54;
	v58 =	vand.u32 $0xFF0, v29  }
0x45e: {  	v47 =	vld [tilespmem:s31+$0x30];
	v29 =	vshrl.u32 v36, $0x14;
	[tilespmem:s18+$0xFFFFFFC0] =	vst v31;
	v31 =	vshrl.u32 v35, $0x14;
	v40 =	vand.u32 $0xFF0, v53  }
0x45f: {  	v43 =	vld [tilespmem:s31+$0x20];
	[tilespmem:s18+$0x20] =	vst v32;
	v29 =	vand.u32 $0xFF0, v29;
	v42 =	vxor.u32 v5, v38;
	v49 =	vxor.u32 v5, v55  }
0x460: {  	v32 =	vld [tilespmem:s31+$0xFFFFFFC0];
	[tilespmem:s18+$0x0] =	vst v34;
	v31 =	vand.u32 $0xFF0, v31;
	v46 =	vxor.u32 v5, v40;
	v40 =	vand.u32 $0x7FFFFFFF, v57  }
0x461: {  	[tilespmem:s18+$0x30] =	vst v30;
	v44 =	vxor.u32 v5, v58;
	v41 =	vxor.u32 v5, v29;
	v29 =	vld [tilespmem:s31+$0xFFFFFFD0];
	v59 =	vxor.u32 v60, v40  }
0x462: {  	[tilespmem:s18+$0x10] =	vst v36;
	v36 =	vld [tilespmem:s31+$0x10];
	v38 =	vxor.u32 v5, v31;
	v62 =	vshra.s32 v48, $0x1F;
	v60 =	vshrl.u32 v59, $0x14  }
0x463: {  	v31 =	vld [tilespmem:s31+$0xFFFFFFE0];
	v50 =	vshra.s32 v47, $0x1F;
	v30 =	vand.u32 $0x7FFFFFFF, v62;
	[tilespmem:s18+$0xFFFFFFE0] =	vst v59;
	v34 =	vand.u32 $0xFF0, v60  }
0x464: {  	s20 =	simm.s32 $0x8;
	v40 =	vxor.u32 v56, v39;
	v63 =	vand.u32 $0x7FFFFFFF, v50;
	v33 =	vxor.u32 v5, v34;
	[tilespmem:v49+s12+$0x0] =	vst.idx.add.s32.msk $0xffff, v4  }
0x465: {  	s21 =	simm.s32 $0x60C0;
	s22 =	simm.s32 $0x2140;
	s19 =	simm.s32 $0x60C0;
	v39 =	vshrl.u32 v40, $0x14;
	v34 =	vxor.u32 v48, v30;
	v30 =	vxor.u32 v47, v63;
	[tilespmem:v46+s12+$0x0] =	vst.idx.add.s32.msk $0xffff, v4  }
.LBB2_8:
0x466: {  	s20 =	sadd.s32 $0x8, s20;
	v45 =	vshra.s32 v32, $0x1F;
	v46 =	vshra.s32 v29, $0x1F;
	v47 =	vshra.s32 v43, $0x1F;
	s21 =	sadd.s32 $0x80, s21;
	[tilespmem:v41+s12+$0x0] =	vst.idx.add.s32.msk $0xffff, v4  }
0x467: {  	v37 =	vand.u32 $0xFF0, v37;
	p0 =	slt.u32 s20, $0x1F8;
	v41 =	vand.u32 $0x7FFFFFFF, v45;
	v45 =	vand.u32 $0x7FFFFFFF, v47;
	[tilespmem:v42+s12+$0x0] =	vst.idx.add.s32.msk $0xffff, v4  }
0x468: {  	v42 =	vand.u32 $0x7FFFFFFF, v46;
	v47 =	vld [tilespmem:s22+$0x0];
	v41 =	vxor.u32 v32, v41;
	v32 =	vxor.u32 v43, v45;
	[tilespmem:s18+$0xFFFFFFD0] =	vst v35  }
0x469: {  	v35 =	vshra.s32 v36, $0x1F;
	v43 =	vxor.u32 v5, v37;
	v45 =	vld [tilespmem:s22+$0xFFFFFFF0];
	[tilespmem:s19+$0x20] =	vst v32;
	v32 =	vshrl.u32 v32, $0x14  }
0x46a: {  	v48 =	vshrl.u32 v30, $0x14;
	v37 =	vshrl.u32 v41, $0x14;
	v46 =	vand.u32 $0xFF0, v32;
	[tilespmem:v44+s12+$0x0] =	vst.idx.add.s32.msk $0xffff, v4  }
0x46b: {  	v35 =	vand.u32 $0x7FFFFFFF, v35;
	v37 =	vand.u32 $0xFF0, v37;
	v44 =	vand.u32 $0xFF0, v48;
	v32 =	vld [tilespmem:s22+$0xFFFFFFC0];
	[tilespmem:s19+$0xFFFFFFC0] =	vst v41  }
0x46c: {  	v36 =	vxor.u32 v36, v35;
	v48 =	vxor.u32 v5, v37;
	v37 =	vshra.s32 v31, $0x1F;
	[tilespmem:v38+s12+$0x0] =	vst.idx.add.s32.msk $0xffff, v4  }
0x46d: {  	v39 =	vand.u32 $0xFF0, v39;
	v38 =	vand.u32 $0x7FFFFFFF, v37;
	v49 =	vld [tilespmem:s22+$0x30];
	[tilespmem:s19+$0x0] =	vst v40;
	v40 =	vshrl.u32 v36, $0x14  }
0x46e: {  	v35 =	vxor.u32 v29, v42;
	v37 =	vshrl.u32 v34, $0x14;
	v29 =	vld [tilespmem:s22+$0xFFFFFFD0];
	v40 =	vand.u32 $0xFF0, v40;
	[tilespmem:s18+$0xFFFFFFF0] =	vst v28;
	v28 =	vmovc v34;
	s18 =	smov.u32 s19;
	s19 =	smov.u32 s21  }
0x46f: {  	v31 =	vxor.u32 v31, v38;
	v34 =	vshrl.u32 v35, $0x14;
	v41 =	vxor.u32 v5, v40;
	[tilespmem:v33+s12+$0x0] =	vst.idx.add.s32.msk $0xffff, v4  }
0x470: {  	v42 =	vxor.u32 v5, v46;
	v46 =	vxor.u32 v5, v44;
	v33 =	vshrl.u32 v31, $0x14;
	[tilespmem:v43+s12+$0x0] =	vst.idx.add.s32.msk $0xffff, v4  }
.Ltmp8:
0x471: {  	v40 =	vshra.s32 v47, $0x1F;
	v34 =	vand.u32 $0xFF0, v34;
	v33 =	vand.u32 $0xFF0, v33;
	v43 =	vld [tilespmem:s22+$0x20];
	[tilespmem:s18+$0x10] =	vst v36;
	(pc) =	sbr.rel @p0 .LBB2_8-.Ltmp8, $4  }
0x472: {  	v38 =	vxor.u32 v5, v34;
	v33 =	vxor.u32 v5, v33;
	v36 =	vld [tilespmem:s22+$0x10];
	v50 =	vshra.s32 v49, $0x1F;
	[tilespmem:s18+$0xFFFFFFE0] =	vst v31  }
0x473: {  	v44 =	vxor.u32 v5, v39;
	v34 =	vshra.s32 v45, $0x1F;
	v40 =	vand.u32 $0x7FFFFFFF, v40;
	v31 =	vld [tilespmem:s22+$0xFFFFFFE0];
	[tilespmem:s18+$0x30] =	vst v30  }
0x474: {  	v40 =	vxor.u32 v47, v40;
	v30 =	vand.u32 $0x7FFFFFFF, v34;
	v47 =	vand.u32 $0x7FFFFFFF, v50;
	[tilespmem:v48+s12+$0x0] =	vst.idx.add.s32.msk $0xffff, v4  }
0x475: {  	v39 =	vshrl.u32 v40, $0x14;
	s22 =	sadd.s32 $0x80, s22;
	v34 =	vxor.u32 v45, v30;
	v30 =	vxor.u32 v49, v47;
	[tilespmem:v46+s12+$0x0] =	vst.idx.add.s32.msk $0xffff, v4  }
0x476: {  	_ =	sdelay $0x3  }
0x477: {  	[tilespmem:v41+s12+$0x0] =	vst.idx.add.s32.msk $0xffff, v4  }
0x478: {  	[tilespmem:v42+s12+$0x0] =	vst.idx.add.s32.msk $0xffff, v4  }
0x479: {  	[tilespmem:s18+$0xFFFFFFD0] =	vst v35  }
0x47a: {  	[tilespmem:v44+s12+$0x0] =	vst.idx.add.s32.msk $0xffff, v4  }
0x47b: {  	v45 =	vshra.s32 v43, $0x1F;
	[tilespmem:s19+$0x0] =	vst v40  }
0x47c: {  	v46 =	vshra.s32 v32, $0x1F;
	v37 =	vand.u32 $0xFF0, v37;
	v49 =	vshra.s32 v29, $0x1F;
	[tilespmem:s18+$0xFFFFFFF0] =	vst v28  }
0x47d: {  	v51 =	vshrl.u32 v30, $0x14;
	[tilespmem:v33+s12+$0x0] =	vst.idx.add.s32.msk $0xffff, v4;
	v60 =	vand.u32 $0xFF0, v39;
	v45 =	vand.u32 $0x7FFFFFFF, v45  }
0x47e: {  	[tilespmem:s19+$0x30] =	vst v30;
	v47 =	vand.u32 $0x7FFFFFFF, v46;
	v37 =	vxor.u32 v5, v37;
	v35 =	vand.u32 $0x7FFFFFFF, v49  }
0x47f: {  	v50 =	vshra.s32 v36, $0x1F;
	[tilespmem:v38+s12+$0x0] =	vst.idx.add.s32.msk $0xffff, v4;
	v38 =	vand.u32 $0xFF0, v51;
	v48 =	vxor.u32 v32, v47  }
0x480: {  	[tilespmem:s19+$0xFFFFFFF0] =	vst v34;
	v41 =	vxor.u32 v43, v45;
	v42 =	vand.u32 $0x7FFFFFFF, v50;
	v32 =	vshrl.u32 v48, $0x14  }
0x481: {  	v53 =	vshra.s32 v31, $0x1F;
	v38 =	vxor.u32 v5, v38;
	[tilespmem:s19+$0x20] =	vst v41;
	v32 =	vand.u32 $0xFF0, v32  }
0x482: {  	v29 =	vxor.u32 v29, v35;
	v35 =	vxor.u32 v5, v60;
	[tilespmem:s19+$0xFFFFFFC0] =	vst v48;
	v28 =	vxor.u32 v5, v32  }
0x483: {  	v41 =	vshrl.u32 v41, $0x14;
	v52 =	vxor.u32 v36, v42;
	v61 =	vshrl.u32 v29, $0x14;
	[tilespmem:s19+$0xFFFFFFD0] =	vst v29  }
0x484: {  	v54 =	vshrl.u32 v52, $0x14;
	v56 =	vand.u32 $0xFF0, v41;
	[tilespmem:s19+$0x10] =	vst v52;
	v32 =	vand.u32 $0x7FFFFFFF, v53  }
0x485: {  	v62 =	vand.u32 $0xFF0, v61;
	v59 =	vxor.u32 v5, v56;
	[tilespmem:v37+s12+$0x0] =	vst.idx.add.s32.msk $0xffff, v4;
	v57 =	vxor.u32 v31, v32  }
0x486: {  	v63 =	vshrl.u32 v34, $0x14;
	v55 =	vand.u32 $0xFF0, v54;
	v30 =	vxor.u32 v5, v62;
	[tilespmem:s19+$0xFFFFFFE0] =	vst v57  }
0x487: {  	v58 =	vxor.u32 v5, v55;
	v31 =	vand.u32 $0xFF0, v63;
	[tilespmem:v28+s12+$0x0] =	vst.idx.add.s32.msk $0xffff, v4;
	v28 =	vshrl.u32 v57, $0x14  }
0x488: {  	[tilespmem:v38+s12+$0x0] =	vst.idx.add.s32.msk $0xffff, v4;
	v29 =	vxor.u32 v5, v31;
	v28 =	vand.u32 $0xFF0, v28  }
0x489: {  	[tilespmem:v35+s12+$0x0] =	vst.idx.add.s32.msk $0xffff, v4;
	v28 =	vxor.u32 v5, v28  }
.Ltmp9:
0x48a: {  	[tilespmem:v59+s12+$0x0] =	vst.idx.add.s32.msk $0xffff, v4;
	(pc) =	sbr.rel .LBB2_15-.Ltmp9, $4  }
0x48b: {  	[tilespmem:v30+s12+$0x0] =	vst.idx.add.s32.msk $0xffff, v4  }
0x48c: {  	[tilespmem:v58+s12+$0x0] =	vst.idx.add.s32.msk $0xffff, v4  }
0x48d: {  	[tilespmem:v29+s12+$0x0] =	vst.idx.add.s32.msk $0xffff, v4  }
0x48e: {  	s18 =	simm.s32 $0x80;
	[tilespmem:v28+s12+$0x0] =	vst.idx.add.s32.msk $0xffff, v4  }
.LBB2_16:
0x48f: {  	s19 =	simm.s32 $0x4040  }
0x490: {  	v27 =	vld [tilespmem:s19+$0x30]  }
0x491: {  	v29 =	vld [tilespmem:s19+$0xFFFFFFD0]  }
0x492: {  	v31 =	vld [tilespmem:s19+$0xFFFFFFE0]  }
0x493: {  	v28 =	vld [tilespmem:s19+$0xFFFFFFF0]  }
0x494: {  	v26 =	vld [tilespmem:s19+$0x0]  }
0x495: {  	v25 =	vld [tilespmem:s19+$0x10];
	vm0 =	vlt.s32 v27, v24  }
0x496: {  	s17 =	simm.s32 $0x40;
	vm1 =	vlt.s32 v29, v24;
	v27 =	vld [tilespmem:s19+$0x20];
	v32 =	vsel vm0, $0x0, v22  }
0x497: {  	s18 =	simm.s32 $0x0;
	v29 =	vld [tilespmem:s19+$0xFFFFFFC0];
	s19 =	simm.s32 $0x40C0;
	v30 =	vsel vm1, $0x0, v22;
	vm0 =	vlt.s32 v31, v24;
	[tilespmem:s17+$0x30] =	vst v32  }
.LBB2_17:
0x498: {  	v31 =	vld [tilespmem:s19+$0x30];
	s18 =	sadd.s32 $0x8, s18;
	[tilespmem:s17+$0xFFFFFFD0] =	vst v30;
	v30 =	vsel vm0, $0x0, v22;
	vm0 =	vlt.s32 v28, v24  }
0x499: {  	v32 =	vld [tilespmem:s19+$0xFFFFFFD0];
	p0 =	slt.u32 s18, $0x1F8;
	[tilespmem:s17+$0xFFFFFFE0] =	vst v30;
	v28 =	vsel vm0, $0x0, v22;
	vm0 =	vlt.s32 v26, v24  }
0x49a: {  	v33 =	vld [tilespmem:s19+$0xFFFFFFE0];
	[tilespmem:s17+$0xFFFFFFF0] =	vst v28;
	v26 =	vsel vm0, $0x0, v22;
	vm0 =	vlt.s32 v25, v24  }
.Ltmp10:
0x49b: {  	v28 =	vld [tilespmem:s19+$0xFFFFFFF0];
	[tilespmem:s17+$0x0] =	vst v26;
	v25 =	vsel vm0, $0x0, v22;
	vm0 =	vlt.s32 v27, v24;
	(pc) =	sbr.rel @p0 .LBB2_17-.Ltmp10, $4  }
0x49c: {  	v26 =	vld [tilespmem:s19+$0x0];
	vm1 =	vlt.s32 v29, v24;
	[tilespmem:s17+$0x10] =	vst v25;
	v27 =	vsel vm0, $0x0, v22  }
0x49d: {  	v25 =	vld [tilespmem:s19+$0x10];
	vm0 =	vlt.s32 v31, v24;
	v29 =	vsel vm1, $0x0, v22;
	[tilespmem:s17+$0x20] =	vst v27  }
0x49e: {  	vm1 =	vlt.s32 v32, v24;
	v27 =	vld [tilespmem:s19+$0x20];
	v31 =	vsel vm0, $0x0, v22;
	[tilespmem:s17+$0xFFFFFFC0] =	vst v29;
	s17 =	sadd.s32 $0x80, s17  }
0x49f: {  	v29 =	vld [tilespmem:s19+$0xFFFFFFC0];
	v30 =	vsel vm1, $0x0, v22;
	vm0 =	vlt.s32 v33, v24;
	[tilespmem:s17+$0x30] =	vst v31;
	s19 =	sadd.s32 $0x80, s19  }
0x4a0: {  	[tilespmem:s17+$0xFFFFFFD0] =	vst v30;
	v30 =	vsel vm0, $0x0, v22;
	vm0 =	vlt.s32 v28, v24  }
0x4a1: {  	[tilespmem:s17+$0xFFFFFFE0] =	vst v30;
	v28 =	vsel vm0, $0x0, v22;
	vm0 =	vlt.s32 v26, v24  }
0x4a2: {  	[tilespmem:s17+$0xFFFFFFF0] =	vst v28;
	v26 =	vsel vm0, $0x0, v22;
	vm0 =	vlt.s32 v25, v24  }
0x4a3: {  	[tilespmem:s17+$0x0] =	vst v26;
	v25 =	vsel vm0, $0x0, v22;
	vm0 =	vlt.s32 v27, v24  }
0x4a4: {  	vm1 =	vlt.s32 v29, v24;
	[tilespmem:s17+$0x10] =	vst v25;
	v24 =	vsel vm0, $0x0, v22  }
0x4a5: {  	v25 =	vsel vm1, $0x0, v22;
	[tilespmem:s17+$0x20] =	vst v24  }
0x4a6: {  	s19 =	simm.s32 $0x6040;
	[tilespmem:s17+$0xFFFFFFC0] =	vst v25  }
0x4a7: {  	[hbm4b:s5+s8] =	stream.strided.scatter [tilespmem:s2], [sflag:$0x1], $0x2000, s9, s8, $0x38;
	[tilespmem:$0xA200] =	vst v63  }
0x4a8: {  	v26 =	vld [tilespmem:s19+$0x30]  }
0x4a9: {  	v28 =	vld [tilespmem:s19+$0xFFFFFFD0]  }
0x4aa: {  	v30 =	vld [tilespmem:s19+$0xFFFFFFE0]  }
0x4ab: {  	v27 =	vld [tilespmem:s19+$0xFFFFFFF0]  }
0x4ac: {  	v25 =	vld [tilespmem:s19+$0x0]  }
0x4ad: {  	v24 =	vld [tilespmem:s19+$0x10];
	vm0 =	vlt.s32 v26, v23  }
0x4ae: {  	s17 =	simm.s32 $0x2040;
	vm1 =	vlt.s32 v28, v23;
	v26 =	vld [tilespmem:s19+$0x20];
	v31 =	vsel vm0, $0x0, v22  }
0x4af: {  	s18 =	simm.s32 $0x0;
	v28 =	vld [tilespmem:s19+$0xFFFFFFC0];
	s19 =	simm.s32 $0x60C0;
	v29 =	vsel vm1, $0x0, v22;
	vm0 =	vlt.s32 v30, v23;
	[tilespmem:s17+$0x30] =	vst v31  }
.LBB2_19:
0x4b0: {  	v30 =	vld [tilespmem:s19+$0x30];
	s18 =	sadd.s32 $0x8, s18;
	[tilespmem:s17+$0xFFFFFFD0] =	vst v29;
	v29 =	vsel vm0, $0x0, v22;
	vm0 =	vlt.s32 v27, v23  }
0x4b1: {  	v31 =	vld [tilespmem:s19+$0xFFFFFFD0];
	p0 =	slt.u32 s18, $0x1F8;
	[tilespmem:s17+$0xFFFFFFE0] =	vst v29;
	v27 =	vsel vm0, $0x0, v22;
	vm0 =	vlt.s32 v25, v23  }
0x4b2: {  	v32 =	vld [tilespmem:s19+$0xFFFFFFE0];
	[tilespmem:s17+$0xFFFFFFF0] =	vst v27;
	v25 =	vsel vm0, $0x0, v22;
	vm0 =	vlt.s32 v24, v23  }
.Ltmp11:
0x4b3: {  	v27 =	vld [tilespmem:s19+$0xFFFFFFF0];
	[tilespmem:s17+$0x0] =	vst v25;
	v24 =	vsel vm0, $0x0, v22;
	vm0 =	vlt.s32 v26, v23;
	(pc) =	sbr.rel @p0 .LBB2_19-.Ltmp11, $4  }
0x4b4: {  	v25 =	vld [tilespmem:s19+$0x0];
	vm1 =	vlt.s32 v28, v23;
	[tilespmem:s17+$0x10] =	vst v24;
	v26 =	vsel vm0, $0x0, v22  }
0x4b5: {  	v24 =	vld [tilespmem:s19+$0x10];
	vm0 =	vlt.s32 v30, v23;
	v28 =	vsel vm1, $0x0, v22;
	[tilespmem:s17+$0x20] =	vst v26  }
0x4b6: {  	vm1 =	vlt.s32 v31, v23;
	v26 =	vld [tilespmem:s19+$0x20];
	v30 =	vsel vm0, $0x0, v22;
	[tilespmem:s17+$0xFFFFFFC0] =	vst v28;
	s17 =	sadd.s32 $0x80, s17  }
0x4b7: {  	v28 =	vld [tilespmem:s19+$0xFFFFFFC0];
	v29 =	vsel vm1, $0x0, v22;
	vm0 =	vlt.s32 v32, v23;
	[tilespmem:s17+$0x30] =	vst v30;
	s19 =	sadd.s32 $0x80, s19  }
0x4b8: {  	[tilespmem:s17+$0xFFFFFFD0] =	vst v29;
	v62 =	vsel vm0, $0x0, v22;
	vm12 =	vlt.s32 v27, v23  }
0x4b9: {  	[tilespmem:s17+$0xFFFFFFE0] =	vst v62;
	v27 =	vsel vm12, $0x0, v22;
	vm13 =	vlt.s32 v25, v23  }
0x4ba: {  	[tilespmem:s17+$0xFFFFFFF0] =	vst v27;
	v25 =	vsel vm13, $0x0, v22;
	vm14 =	vlt.s32 v24, v23  }
0x4bb: {  	[tilespmem:s17+$0x0] =	vst v25;
	v24 =	vsel vm14, $0x0, v22;
	vm15 =	vlt.s32 v26, v23  }
0x4bc: {  	vm1 =	vlt.s32 v28, v23;
	[tilespmem:s17+$0x10] =	vst v24;
	v23 =	vsel vm15, $0x0, v22  }
0x4bd: {  	v63 =	vsel vm1, $0x0, v22;
	[tilespmem:s17+$0x20] =	vst v23  }
0x4be: {  	s16 =	sadd.s32 $0x1, s16;
	[tilespmem:s17+$0xFFFFFFC0] =	vst v63  }
0x4bf: {  	[hbm4b:s6+s8] =	stream.strided.scatter [tilespmem:s10], [sflag:$0x2], $0x2000, s9, s8, $0x38;
	[tilespmem:$0xA200] =	vst v63  }
0x4c0: {  	p0 =	sne.s32 s16, s7;
	_ =	swait.ge [sflag:s11], $0x2000  }
.Ltmp12:
0x4c1: {  	[sflag:s11] =	ssyncset.done $0x0;
	(pc) =	sbr.rel @p0 .LBB2_1-.Ltmp12, $4  }
0x4c2: {  	[sflag:s11] =	ssyncadd.s32 $0xFFFFE000  }
0x4c3: {  	_ =	swait.ge [sflag:s13], $0x2000  }
0x4c4: {  	[sflag:s13] =	ssyncset.done $0x0  }
0x4c5: {  	[sflag:s13] =	ssyncadd.s32 $0xFFFFE000  }
0x4c6: {  	_ =	sfence.sel $0x180000  }
0x4c7: {  	[bflag:$0x0] =	sbarrier.arrive $0xFFFF  }
0x4c8: {  	p0 =	sne.s32 s1, $0x0;
	_ =	strace $0x90000047  }
0x4c9: {  	s0 =	sadd.s32 @!p0 $0x100000, s0;
	[bflag:$0x2] =	sbarrier.arrive $0xFFFF  }
0x4ca: {  	[sflag:s0] =	ssyncadd.tile.s32 @!p0 $0x1;
	_ =	shalt  }
.Lfunc_end2:
_tile_overlayer_lowered:
.L_overlay_start_2:
0x4cb: {  	(tag) =	ssettag $0x2  }
0x4cc: {  	s0 =	rddreg [dreg:$0x0];
	s2 =	stileid.u32  }
0x4cd: {  	s1 =	rddreg [dreg:$0x1];
	p0 =	sne.s32 s2, $0x0  }
0x4ce: {  	s3 =	rddreg [dreg:$0x2];
	[bflag:$0x3] =	sbarrier.arrive $0xFFFF;
	s2 =	simm.s32 @!p0 $0x1C03  }
0x4cf: {  	[timem:s3], [sflag:s2] =	dma.local @!p0 [hbm:s0], s1  }
0x4d0: {  	s0 =	simm.s32 @!p0 $0x3  }
0x4d1: {  	_ =	swait.ge @!p0 [sflag:s0], s1  }
0x4d2: {  	s1 =	ssub.s32 @!p0 $0x0, s1;
	[sflag:s0] =	ssyncset.done @!p0 $0x0  }
0x4d3: {  	[sflag:s0] =	ssyncadd.s32 @!p0 s1  }
0x4d4: {  	[bflag:$0x3] =	sbarrier.arrive $0xFFFF  }
0x4d5: {  	_ =	shalt  }

</sc_bundles>
